<compile_context>
chip_gen: v7x
topology: tpu7x:2x2x1
jax: 0.10.2.dev20260603
libtpu: 0.0.44.dev20260713+nightly
codegen_flags: <defaults>
</compile_context>

<pallas_src>
import functools

import jax
import jax.numpy as jnp
from jax import lax
from jax.experimental import pallas as pl
from jax.experimental.pallas import tpu as pltpu
from jax.experimental.pallas import tpu_sc as plsc

NUM_ENTITIES = 1000000
NUM_RELATIONS = 1000
DIM = 64
BATCH = 16384

_info = plsc.get_sparse_core_info()
_NC, _NS, _L = _info.num_cores, _info.num_subcores, _info.num_lanes
_NW = _NC * _NS
_BPW = BATCH // _NW
_BLK = _L
_NBLK = _BPW // _BLK

_mesh = plsc.VectorSubcoreMesh(core_axis_name="c", subcore_axis_name="s")


@functools.partial(
    pl.kernel,
    mesh=_mesh,
    out_type=jax.ShapeDtypeStruct((BATCH // DIM, DIM), jnp.float32),
    scratch_types=[
        pltpu.VMEM((_BPW,), jnp.int32),
        pltpu.VMEM((_BPW,), jnp.int32),
        pltpu.VMEM((_BPW,), jnp.int32),
        pltpu.VMEM((2, _BLK * 8, DIM), jnp.float32),
        pltpu.VMEM((2, _BLK * 8, DIM), jnp.float32),
        pltpu.VMEM((2, _BLK * 8, DIM), jnp.float32),
        pltpu.VMEM((_BPW // DIM, DIM), jnp.float32),
        pltpu.SemaphoreType.DMA,
    ],
)
def _transe_sc(h_hbm, r_hbm, t_hbm, ent_hbm, rel_hbm, out_hbm,
               hidx, ridx, tidx, hblk, tblk, rblk, scores, sem):
    wid = lax.axis_index("s") * _NC + lax.axis_index("c")
    base = wid * _BPW

    pltpu.sync_copy(h_hbm.at[pl.ds(base, _BPW)], hidx)
    pltpu.sync_copy(r_hbm.at[pl.ds(base, _BPW)], ridx)
    pltpu.sync_copy(t_hbm.at[pl.ds(base, _BPW)], tidx)

    lane = lax.iota(jnp.int32, _L)

    def fire(b, q):
        hv = hidx[pl.ds(b * _BLK, _BLK)]
        tv = tidx[pl.ds(b * _BLK, _BLK)]
        rv = ridx[pl.ds(b * _BLK, _BLK)]
        for i in range(_BLK):
            hb = pl.multiple_of(lax.shift_right_logical(hv[i], 3) * 8, 8)
            tb = pl.multiple_of(lax.shift_right_logical(tv[i], 3) * 8, 8)
            rb = pl.multiple_of(lax.shift_right_logical(rv[i], 3) * 8, 8)
            dsl = pl.ds(i * 8, 8)
            pltpu.async_copy(ent_hbm.at[pl.ds(hb, 8)], hblk.at[q, dsl], sem)
            pltpu.async_copy(ent_hbm.at[pl.ds(tb, 8)], tblk.at[q, dsl], sem)
            pltpu.async_copy(rel_hbm.at[pl.ds(rb, 8)], rblk.at[q, dsl], sem)

    def drain(q):
        src = ent_hbm.at[pl.ds(0, _BLK * 8)]
        pltpu.make_async_copy(src, hblk.at[q], sem).wait()
        pltpu.make_async_copy(src, tblk.at[q], sem).wait()
        pltpu.make_async_copy(src, rblk.at[q], sem).wait()

    def process(b, q):
        hv = hidx[pl.ds(b * _BLK, _BLK)]
        tv = tidx[pl.ds(b * _BLK, _BLK)]
        rv = ridx[pl.ds(b * _BLK, _BLK)]
        tot = jnp.zeros((_L,), jnp.float32)
        for i in range(_BLK):
            hrow = i * 8 + (hv[i] & 7)
            trow = i * 8 + (tv[i] & 7)
            rrow = i * 8 + (rv[i] & 7)
            acc = jnp.zeros((_L,), jnp.float32)
            for c in range(DIM // _L):
                sl = pl.ds(c * _L, _L)
                d = hblk[q, hrow, sl] + rblk[q, rrow, sl] - tblk[q, trow, sl]
                acc = acc + d * d
            for k in (8, 4, 2, 1):
                acc = acc + acc.at[lane ^ k].get(mode="promise_in_bounds")
            tot = jnp.where(lane == i, acc, tot)
        xi = lax.bitcast_convert_type(tot, jnp.int32)
        yi = jnp.int32(0x5F3759DF) - lax.shift_right_logical(xi, 1)
        y = lax.bitcast_convert_type(yi, jnp.float32)
        for _ in range(3):
            y = y * (1.5 - 0.5 * tot * y * y)
        s = jnp.where(tot > 0.0, tot * y, 0.0)
        scores[lax.shift_right_logical(b, 2), pl.ds((b & 3) * _L, _L)] = s

    fire(0, 0)

    def pipe(b, carry):
        q = b & 1

        @pl.when(b + 1 < _NBLK)
        def _():
            fire(b + 1, q ^ 1)

        drain(q)
        process(b, q)
        return carry

    lax.fori_loop(0, _NBLK, pipe, 0)
    pltpu.sync_copy(scores, out_hbm.at[pl.ds(wid * 8, 8)])


def kernel(h, r, t, entity_embed, relation_embed):
    out2 = _transe_sc(h, r, t, entity_embed, relation_embed)
    return out2.reshape(BATCH)

# --- scband reference (transcript-rebuilt; emitter-appended) ---
"""Pipeline reference for scband-trans-e-79766132621333 (READ-ONLY COPY).

The authoritative reference and input builder live on the scoring server;
editing this copy changes nothing except your own understanding.
"""

import jax, jax.numpy as jnp
import numpy as np

NUM_ENTITIES = 1000000
NUM_RELATIONS = 1000
DIM = 64
BATCH = 16384


def setup_inputs(seed: int = 0) -> dict:
    key = jax.random.key(seed)
    k1, k2, k3, k4, k5 = jax.random.split(key, 5)
    h = jax.random.randint(k1, (BATCH,), 0, NUM_ENTITIES, dtype=jnp.int64 if jax.config.jax_enable_x64 else jnp.int32).astype(jnp.int32)
    r = jax.random.randint(k2, (BATCH,), 0, NUM_RELATIONS).astype(jnp.int32)
    t = jax.random.randint(k3, (BATCH,), 0, NUM_ENTITIES).astype(jnp.int32)
    # xavier_uniform: bound = sqrt(6/(fan_in+fan_out))
    bound_e = float(np.sqrt(6.0 / (NUM_ENTITIES + DIM)))
    bound_r = float(np.sqrt(6.0 / (NUM_RELATIONS + DIM)))
    entity_embed = jax.random.uniform(k4, (NUM_ENTITIES, DIM), minval=-bound_e, maxval=bound_e, dtype=jnp.float32)
    relation_embed = jax.random.uniform(k5, (NUM_RELATIONS, DIM), minval=-bound_r, maxval=bound_r, dtype=jnp.float32)
    return {"h": h, "r": r, "t": t, "entity_embed": entity_embed, "relation_embed": relation_embed}


def reference(h, r, t, entity_embed, relation_embed):
    h_emb = jnp.take(entity_embed, h, axis=0)
    r_emb = jnp.take(relation_embed, r, axis=0)
    t_emb = jnp.take(entity_embed, t, axis=0)
    diff = h_emb + r_emb - t_emb
    score = jnp.sqrt(jnp.sum(diff * diff, axis=1))
    return score

if __name__ == "__main__":
    import jax
    _d = setup_inputs()
    print(jax.jit(kernel)(*tuple(_d.values())))

</pallas_src>

<mosaic_0001>
#map = affine_map<(d0, d1) -> (0)>
#map1 = affine_map<(d0, d1) -> (0, 0)>
module attributes {stable_mosaic.version = 14 : i64} {
  func.func @_transe_sc(%arg0: i32, %arg1: i32, %arg2: memref<16384xi32, #tpu.memory_space<hbm>>, %arg3: memref<16384xi32, #tpu.memory_space<hbm>>, %arg4: memref<16384xi32, #tpu.memory_space<hbm>>, %arg5: memref<1000000x64xf32, #tpu.memory_space<hbm>>, %arg6: memref<1000x64xf32, #tpu.memory_space<hbm>>, %arg7: memref<256x64xf32, #tpu.memory_space<hbm>>, %arg8: memref<512xi32, #tpu.memory_space<vmem>>, %arg9: memref<512xi32, #tpu.memory_space<vmem>>, %arg10: memref<512xi32, #tpu.memory_space<vmem>>, %arg11: memref<2x128x64xf32, #tpu.memory_space<vmem>>, %arg12: memref<2x128x64xf32, #tpu.memory_space<vmem>>, %arg13: memref<2x128x64xf32, #tpu.memory_space<vmem>>, %arg14: memref<8x64xf32, #tpu.memory_space<vmem>>, %arg15: memref<!tpu.dma_semaphore, #tpu.memory_space<semaphore_mem>>) attributes {dimension_semantics = [#tpu.dimension_semantics<core_parallel>, #tpu.dimension_semantics<subcore_parallel>], iteration_bounds = array<i64: 2, 16>, scalar_prefetch = 0 : i64, scratch_operands = 8 : i64, tpu.core_type = #tpu.core_type<sc_vector_subcore>, window_params = [{transform_indices = #map}, {transform_indices = #map}, {transform_indices = #map}, {transform_indices = #map1}, {transform_indices = #map1}, {transform_indices = #map1}]} {
    %mul3A = arith.constant 2 : i32
    %mul3A_0 = arith.muli %arg1, %mul3A : i32
    %add3A = arith.addi %mul3A_0, %arg0 : i32
    %mul3A_1 = arith.constant 512 : i32
    %mul3A_2 = arith.muli %add3A, %mul3A_1 : i32
    "tpu.region"() ({
      %run_scoped3A = tpu.sem_alloc : memref<!tpu.dma_semaphore, #tpu.memory_space<semaphore_mem>>
      %dma_start3A_973 = tpu.memref_slice %arg2[%mul3A_2] : memref<16384xi32, #tpu.memory_space<hbm>> -> memref<512xi32, #tpu.memory_space<hbm>>
      %dma_start3A_974 = tpu.memref_slice %arg2[%mul3A_2] : memref<16384xi32, #tpu.memory_space<hbm>> -> memref<512xi32, #tpu.memory_space<hbm>>
      tpu.enqueue_dma source(%dma_start3A_974 : memref<512xi32, #tpu.memory_space<hbm>>) target(%arg8 : memref<512xi32, #tpu.memory_space<vmem>>) target_semaphore(%run_scoped3A : memref<!tpu.dma_semaphore, #tpu.memory_space<semaphore_mem>>)
      %dma_wait3A = tpu.memref_slice %arg2[%mul3A_2] : memref<16384xi32, #tpu.memory_space<hbm>> -> memref<512xi32, #tpu.memory_space<hbm>>
      %dma_wait3A_975 = tpu.memref_slice %arg2[%mul3A_2] : memref<16384xi32, #tpu.memory_space<hbm>> -> memref<512xi32, #tpu.memory_space<hbm>>
      tpu.wait_dma2 semaphore(%run_scoped3A : memref<!tpu.dma_semaphore, #tpu.memory_space<semaphore_mem>>) src(%dma_wait3A_975 : memref<512xi32, #tpu.memory_space<hbm>>) dst(%arg8 : memref<512xi32, #tpu.memory_space<vmem>>)
      tpu.yield
    }) : () -> ()
    "tpu.region"() ({
      %run_scoped3A = tpu.sem_alloc : memref<!tpu.dma_semaphore, #tpu.memory_space<semaphore_mem>>
      %dma_start3A_973 = tpu.memref_slice %arg3[%mul3A_2] : memref<16384xi32, #tpu.memory_space<hbm>> -> memref<512xi32, #tpu.memory_space<hbm>>
      %dma_start3A_974 = tpu.memref_slice %arg3[%mul3A_2] : memref<16384xi32, #tpu.memory_space<hbm>> -> memref<512xi32, #tpu.memory_space<hbm>>
      tpu.enqueue_dma source(%dma_start3A_974 : memref<512xi32, #tpu.memory_space<hbm>>) target(%arg9 : memref<512xi32, #tpu.memory_space<vmem>>) target_semaphore(%run_scoped3A : memref<!tpu.dma_semaphore, #tpu.memory_space<semaphore_mem>>)
      %dma_wait3A = tpu.memref_slice %arg3[%mul3A_2] : memref<16384xi32, #tpu.memory_space<hbm>> -> memref<512xi32, #tpu.memory_space<hbm>>
      %dma_wait3A_975 = tpu.memref_slice %arg3[%mul3A_2] : memref<16384xi32, #tpu.memory_space<hbm>> -> memref<512xi32, #tpu.memory_space<hbm>>
      tpu.wait_dma2 semaphore(%run_scoped3A : memref<!tpu.dma_semaphore, #tpu.memory_space<semaphore_mem>>) src(%dma_wait3A_975 : memref<512xi32, #tpu.memory_space<hbm>>) dst(%arg9 : memref<512xi32, #tpu.memory_space<vmem>>)
      tpu.yield
    }) : () -> ()
    "tpu.region"() ({
      %run_scoped3A = tpu.sem_alloc : memref<!tpu.dma_semaphore, #tpu.memory_space<semaphore_mem>>
      %dma_start3A_973 = tpu.memref_slice %arg4[%mul3A_2] : memref<16384xi32, #tpu.memory_space<hbm>> -> memref<512xi32, #tpu.memory_space<hbm>>
      %dma_start3A_974 = tpu.memref_slice %arg4[%mul3A_2] : memref<16384xi32, #tpu.memory_space<hbm>> -> memref<512xi32, #tpu.memory_space<hbm>>
      tpu.enqueue_dma source(%dma_start3A_974 : memref<512xi32, #tpu.memory_space<hbm>>) target(%arg10 : memref<512xi32, #tpu.memory_space<vmem>>) target_semaphore(%run_scoped3A : memref<!tpu.dma_semaphore, #tpu.memory_space<semaphore_mem>>)
      %dma_wait3A = tpu.memref_slice %arg4[%mul3A_2] : memref<16384xi32, #tpu.memory_space<hbm>> -> memref<512xi32, #tpu.memory_space<hbm>>
      %dma_wait3A_975 = tpu.memref_slice %arg4[%mul3A_2] : memref<16384xi32, #tpu.memory_space<hbm>> -> memref<512xi32, #tpu.memory_space<hbm>>
      tpu.wait_dma2 semaphore(%run_scoped3A : memref<!tpu.dma_semaphore, #tpu.memory_space<semaphore_mem>>) src(%dma_wait3A_975 : memref<512xi32, #tpu.memory_space<hbm>>) dst(%arg10 : memref<512xi32, #tpu.memory_space<vmem>>)
      tpu.yield
    }) : () -> ()
    %iota3A = tpu.iota {dimensions = array<i32: 0>} : vector<16xi32>
    %get3A = arith.constant 0 : index
    %get3A_3 = tpu.vector_load %arg8[%get3A] {strides = array<i32>} : memref<512xi32, #tpu.memory_space<vmem>>, vector<16xi32>,
    %get3A_4 = vector.shape_cast %get3A_3 : vector<16xi32> to vector<16xi32>
    %get3A_5 = arith.constant 0 : index
    %get3A_6 = tpu.vector_load %arg10[%get3A_5] {strides = array<i32>} : memref<512xi32, #tpu.memory_space<vmem>>, vector<16xi32>,
    %get3A_7 = vector.shape_cast %get3A_6 : vector<16xi32> to vector<16xi32>
    %get3A_8 = arith.constant 0 : index
    %get3A_9 = tpu.vector_load %arg9[%get3A_8] {strides = array<i32>} : memref<512xi32, #tpu.memory_space<vmem>>, vector<16xi32>,
    %get3A_10 = vector.shape_cast %get3A_9 : vector<16xi32> to vector<16xi32>
    %slice3A = vector.extract_strided_slice %get3A_4 {offsets = [0], sizes = [1], strides = [1]} : vector<16xi32> to vector<1xi32>
    %squeeze3A = vector.extract %slice3A[0] : i32 from vector<1xi32>
    %shift_right_logical3A = arith.constant 3 : i32
    %shift_right_logical3A_11 = arith.shrui %squeeze3A, %shift_right_logical3A : i32
    %mul3A_12 = arith.constant 8 : i32
    %mul3A_13 = arith.muli %shift_right_logical3A_11, %mul3A_12 : i32
    %multiple_of3A = tpu.assume_multiple %mul3A_13, 8 : i32
    %slice3A_14 = vector.extract_strided_slice %get3A_7 {offsets = [0], sizes = [1], strides = [1]} : vector<16xi32> to vector<1xi32>
    %squeeze3A_15 = vector.extract %slice3A_14[0] : i32 from vector<1xi32>
    %shift_right_logical3A_16 = arith.constant 3 : i32
    %shift_right_logical3A_17 = arith.shrui %squeeze3A_15, %shift_right_logical3A_16 : i32
    %mul3A_18 = arith.constant 8 : i32
    %mul3A_19 = arith.muli %shift_right_logical3A_17, %mul3A_18 : i32
    %multiple_of3A_20 = tpu.assume_multiple %mul3A_19, 8 : i32
    %slice3A_21 = vector.extract_strided_slice %get3A_10 {offsets = [0], sizes = [1], strides = [1]} : vector<16xi32> to vector<1xi32>
    %squeeze3A_22 = vector.extract %slice3A_21[0] : i32 from vector<1xi32>
    %shift_right_logical3A_23 = arith.constant 3 : i32
    %shift_right_logical3A_24 = arith.shrui %squeeze3A_22, %shift_right_logical3A_23 : i32
    %mul3A_25 = arith.constant 8 : i32
    %mul3A_26 = arith.muli %shift_right_logical3A_24, %mul3A_25 : i32
    %multiple_of3A_27 = tpu.assume_multiple %mul3A_26, 8 : i32
    %dma_start3A = arith.constant 0 : i32
    %dma_start3A_28 = arith.constant 0 : i32
    %dma_start3A_29 = arith.constant 0 : i32
    %dma_start3A_30 = tpu.memref_slice %arg11[%dma_start3A, %dma_start3A_28, %dma_start3A_29] : memref<2x128x64xf32, #tpu.memory_space<vmem>> -> memref<1x8x64xf32, #tpu.memory_space<vmem>>
    %dma_start3A_31 = tpu.memref_squeeze %dma_start3A_30 : memref<1x8x64xf32, #tpu.memory_space<vmem>> -> memref<8x64xf32, #tpu.memory_space<vmem>>
    %dma_start3A_32 = arith.constant 0 : i32
    %dma_start3A_33 = tpu.memref_slice %arg5[%multiple_of3A, %dma_start3A_32] : memref<1000000x64xf32, #tpu.memory_space<hbm>> -> memref<8x64xf32, #tpu.memory_space<hbm>>
    %dma_start3A_34 = arith.constant 0 : i32
    %dma_start3A_35 = arith.constant 0 : i32
    %dma_start3A_36 = tpu.memref_slice %arg11[%dma_start3A, %dma_start3A_34, %dma_start3A_35] : memref<2x128x64xf32, #tpu.memory_space<vmem>> -> memref<1x8x64xf32, #tpu.memory_space<vmem>>
    %dma_start3A_37 = tpu.memref_squeeze %dma_start3A_36 : memref<1x8x64xf32, #tpu.memory_space<vmem>> -> memref<8x64xf32, #tpu.memory_space<vmem>>
    %dma_start3A_38 = arith.constant 0 : i32
    %dma_start3A_39 = tpu.memref_slice %arg5[%multiple_of3A, %dma_start3A_38] : memref<1000000x64xf32, #tpu.memory_space<hbm>> -> memref<8x64xf32, #tpu.memory_space<hbm>>
    tpu.enqueue_dma source(%dma_start3A_39 : memref<8x64xf32, #tpu.memory_space<hbm>>) target(%dma_start3A_37 : memref<8x64xf32, #tpu.memory_space<vmem>>) target_semaphore(%arg15 : memref<!tpu.dma_semaphore, #tpu.memory_space<semaphore_mem>>)
    %dma_start3A_40 = arith.constant 0 : i32
    %dma_start3A_41 = arith.constant 0 : i32
    %dma_start3A_42 = arith.constant 0 : i32
    %dma_start3A_43 = tpu.memref_slice %arg12[%dma_start3A_40, %dma_start3A_41, %dma_start3A_42] : memref<2x128x64xf32, #tpu.memory_space<vmem>> -> memref<1x8x64xf32, #tpu.memory_space<vmem>>
    %dma_start3A_44 = tpu.memref_squeeze %dma_start3A_43 : memref<1x8x64xf32, #tpu.memory_space<vmem>> -> memref<8x64xf32, #tpu.memory_space<vmem>>
    %dma_start3A_45 = arith.constant 0 : i32
    %dma_start3A_46 = tpu.memref_slice %arg5[%multiple_of3A_20, %dma_start3A_45] : memref<1000000x64xf32, #tpu.memory_space<hbm>> -> memref<8x64xf32, #tpu.memory_space<hbm>>
    %dma_start3A_47 = arith.constant 0 : i32
    %dma_start3A_48 = arith.constant 0 : i32
    %dma_start3A_49 = tpu.memref_slice %arg12[%dma_start3A_40, %dma_start3A_47, %dma_start3A_48] : memref<2x128x64xf32, #tpu.memory_space<vmem>> -> memref<1x8x64xf32, #tpu.memory_space<vmem>>
    %dma_start3A_50 = tpu.memref_squeeze %dma_start3A_49 : memref<1x8x64xf32, #tpu.memory_space<vmem>> -> memref<8x64xf32, #tpu.memory_space<vmem>>
    %dma_start3A_51 = arith.constant 0 : i32
    %dma_start3A_52 = tpu.memref_slice %arg5[%multiple_of3A_20, %dma_start3A_51] : memref<1000000x64xf32, #tpu.memory_space<hbm>> -> memref<8x64xf32, #tpu.memory_space<hbm>>
    tpu.enqueue_dma source(%dma_start3A_52 : memref<8x64xf32, #tpu.memory_space<hbm>>) target(%dma_start3A_50 : memref<8x64xf32, #tpu.memory_space<vmem>>) target_semaphore(%arg15 : memref<!tpu.dma_semaphore, #tpu.memory_space<semaphore_mem>>)
    %dma_start3A_53 = arith.constant 0 : i32
    %dma_start3A_54 = arith.constant 0 : i32
    %dma_start3A_55 = arith.constant 0 : i32
    %dma_start3A_56 = tpu.memref_slice %arg13[%dma_start3A_53, %dma_start3A_54, %dma_start3A_55] : memref<2x128x64xf32, #tpu.memory_space<vmem>> -> memref<1x8x64xf32, #tpu.memory_space<vmem>>
    %dma_start3A_57 = tpu.memref_squeeze %dma_start3A_56 : memref<1x8x64xf32, #tpu.memory_space<vmem>> -> memref<8x64xf32, #tpu.memory_space<vmem>>
    %dma_start3A_58 = arith.constant 0 : i32
    %dma_start3A_59 = tpu.memref_slice %arg6[%multiple_of3A_27, %dma_start3A_58] : memref<1000x64xf32, #tpu.memory_space<hbm>> -> memref<8x64xf32, #tpu.memory_space<hbm>>
    %dma_start3A_60 = arith.constant 0 : i32
    %dma_start3A_61 = arith.constant 0 : i32
    %dma_start3A_62 = tpu.memref_slice %arg13[%dma_start3A_53, %dma_start3A_60, %dma_start3A_61] : memref<2x128x64xf32, #tpu.memory_space<vmem>> -> memref<1x8x64xf32, #tpu.memory_space<vmem>>
    %dma_start3A_63 = tpu.memref_squeeze %dma_start3A_62 : memref<1x8x64xf32, #tpu.memory_space<vmem>> -> memref<8x64xf32, #tpu.memory_space<vmem>>
    %dma_start3A_64 = arith.constant 0 : i32
    %dma_start3A_65 = tpu.memref_slice %arg6[%multiple_of3A_27, %dma_start3A_64] : memref<1000x64xf32, #tpu.memory_space<hbm>> -> memref<8x64xf32, #tpu.memory_space<hbm>>
    tpu.enqueue_dma source(%dma_start3A_65 : memref<8x64xf32, #tpu.memory_space<hbm>>) target(%dma_start3A_63 : memref<8x64xf32, #tpu.memory_space<vmem>>) target_semaphore(%arg15 : memref<!tpu.dma_semaphore, #tpu.memory_space<semaphore_mem>>)
    %slice3A_66 = vector.extract_strided_slice %get3A_4 {offsets = [1], sizes = [1], strides = [1]} : vector<16xi32> to vector<1xi32>
    %squeeze3A_67 = vector.extract %slice3A_66[0] : i32 from vector<1xi32>
    %shift_right_logical3A_68 = arith.constant 3 : i32
    %shift_right_logical3A_69 = arith.shrui %squeeze3A_67, %shift_right_logical3A_68 : i32
    %mul3A_70 = arith.constant 8 : i32
    %mul3A_71 = arith.muli %shift_right_logical3A_69, %mul3A_70 : i32
    %multiple_of3A_72 = tpu.assume_multiple %mul3A_71, 8 : i32
    %slice3A_73 = vector.extract_strided_slice %get3A_7 {offsets = [1], sizes = [1], strides = [1]} : vector<16xi32> to vector<1xi32>
    %squeeze3A_74 = vector.extract %slice3A_73[0] : i32 from vector<1xi32>
    %shift_right_logical3A_75 = arith.constant 3 : i32
    %shift_right_logical3A_76 = arith.shrui %squeeze3A_74, %shift_right_logical3A_75 : i32
    %mul3A_77 = arith.constant 8 : i32
    %mul3A_78 = arith.muli %shift_right_logical3A_76, %mul3A_77 : i32
    %multiple_of3A_79 = tpu.assume_multiple %mul3A_78, 8 : i32
    %slice3A_80 = vector.extract_strided_slice %get3A_10 {offsets = [1], sizes = [1], strides = [1]} : vector<16xi32> to vector<1xi32>
    %squeeze3A_81 = vector.extract %slice3A_80[0] : i32 from vector<1xi32>
    %shift_right_logical3A_82 = arith.constant 3 : i32
    %shift_right_logical3A_83 = arith.shrui %squeeze3A_81, %shift_right_logical3A_82 : i32
    %mul3A_84 = arith.constant 8 : i32
    %mul3A_85 = arith.muli %shift_right_logical3A_83, %mul3A_84 : i32
    %multiple_of3A_86 = tpu.assume_multiple %mul3A_85, 8 : i32
    %dma_start3A_87 = arith.constant 0 : i32
    %dma_start3A_88 = arith.constant 8 : i32
    %dma_start3A_89 = arith.constant 0 : i32
    %dma_start3A_90 = tpu.memref_slice %arg11[%dma_start3A_87, %dma_start3A_88, %dma_start3A_89] : memref<2x128x64xf32, #tpu.memory_space<vmem>> -> memref<1x8x64xf32, #tpu.memory_space<vmem>>
    %dma_start3A_91 = tpu.memref_squeeze %dma_start3A_90 : memref<1x8x64xf32, #tpu.memory_space<vmem>> -> memref<8x64xf32, #tpu.memory_space<vmem>>
    %dma_start3A_92 = arith.constant 0 : i32
    %dma_start3A_93 = tpu.memref_slice %arg5[%multiple_of3A_72, %dma_start3A_92] : memref<1000000x64xf32, #tpu.memory_space<hbm>> -> memref<8x64xf32, #tpu.memory_space<hbm>>
    %dma_start3A_94 = arith.constant 8 : i32
    %dma_start3A_95 = arith.constant 0 : i32
    %dma_start3A_96 = tpu.memref_slice %arg11[%dma_start3A_87, %dma_start3A_94, %dma_start3A_95] : memref<2x128x64xf32, #tpu.memory_space<vmem>> -> memref<1x8x64xf32, #tpu.memory_space<vmem>>
    %dma_start3A_97 = tpu.memref_squeeze %dma_start3A_96 : memref<1x8x64xf32, #tpu.memory_space<vmem>> -> memref<8x64xf32, #tpu.memory_space<vmem>>
    %dma_start3A_98 = arith.constant 0 : i32
    %dma_start3A_99 = tpu.memref_slice %arg5[%multiple_of3A_72, %dma_start3A_98] : memref<1000000x64xf32, #tpu.memory_space<hbm>> -> memref<8x64xf32, #tpu.memory_space<hbm>>
    tpu.enqueue_dma source(%dma_start3A_99 : memref<8x64xf32, #tpu.memory_space<hbm>>) target(%dma_start3A_97 : memref<8x64xf32, #tpu.memory_space<vmem>>) target_semaphore(%arg15 : memref<!tpu.dma_semaphore, #tpu.memory_space<semaphore_mem>>)
    %dma_start3A_100 = arith.constant 0 : i32
    %dma_start3A_101 = arith.constant 8 : i32
    %dma_start3A_102 = arith.constant 0 : i32
    %dma_start3A_103 = tpu.memref_slice %arg12[%dma_start3A_100, %dma_start3A_101, %dma_start3A_102] : memref<2x128x64xf32, #tpu.memory_space<vmem>> -> memref<1x8x64xf32, #tpu.memory_space<vmem>>
    %dma_start3A_104 = tpu.memref_squeeze %dma_start3A_103 : memref<1x8x64xf32, #tpu.memory_space<vmem>> -> memref<8x64xf32, #tpu.memory_space<vmem>>
    %dma_start3A_105 = arith.constant 0 : i32
    %dma_start3A_106 = tpu.memref_slice %arg5[%multiple_of3A_79, %dma_start3A_105] : memref<1000000x64xf32, #tpu.memory_space<hbm>> -> memref<8x64xf32, #tpu.memory_space<hbm>>
    %dma_start3A_107 = arith.constant 8 : i32
    %dma_start3A_108 = arith.constant 0 : i32
    %dma_start3A_109 = tpu.memref_slice %arg12[%dma_start3A_100, %dma_start3A_107, %dma_start3A_108] : memref<2x128x64xf32, #tpu.memory_space<vmem>> -> memref<1x8x64xf32, #tpu.memory_space<vmem>>
    %dma_start3A_110 = tpu.memref_squeeze %dma_start3A_109 : memref<1x8x64xf32, #tpu.memory_space<vmem>> -> memref<8x64xf32, #tpu.memory_space<vmem>>
    %dma_start3A_111 = arith.constant 0 : i32
    %dma_start3A_112 = tpu.memref_slice %arg5[%multiple_of3A_79, %dma_start3A_111] : memref<1000000x64xf32, #tpu.memory_space<hbm>> -> memref<8x64xf32, #tpu.memory_space<hbm>>
    tpu.enqueue_dma source(%dma_start3A_112 : memref<8x64xf32, #tpu.memory_space<hbm>>) target(%dma_start3A_110 : memref<8x64xf32, #tpu.memory_space<vmem>>) target_semaphore(%arg15 : memref<!tpu.dma_semaphore, #tpu.memory_space<semaphore_mem>>)
    %dma_start3A_113 = arith.constant 0 : i32
    %dma_start3A_114 = arith.constant 8 : i32
    %dma_start3A_115 = arith.constant 0 : i32
    %dma_start3A_116 = tpu.memref_slice %arg13[%dma_start3A_113, %dma_start3A_114, %dma_start3A_115] : memref<2x128x64xf32, #tpu.memory_space<vmem>> -> memref<1x8x64xf32, #tpu.memory_space<vmem>>
    %dma_start3A_117 = tpu.memref_squeeze %dma_start3A_116 : memref<1x8x64xf32, #tpu.memory_space<vmem>> -> memref<8x64xf32, #tpu.memory_space<vmem>>
    %dma_start3A_118 = arith.constant 0 : i32
    %dma_start3A_119 = tpu.memref_slice %arg6[%multiple_of3A_86, %dma_start3A_118] : memref<1000x64xf32, #tpu.memory_space<hbm>> -> memref<8x64xf32, #tpu.memory_space<hbm>>
    %dma_start3A_120 = arith.constant 8 : i32
    %dma_start3A_121 = arith.constant 0 : i32
    %dma_start3A_122 = tpu.memref_slice %arg13[%dma_start3A_113, %dma_start3A_120, %dma_start3A_121] : memref<2x128x64xf32, #tpu.memory_space<vmem>> -> memref<1x8x64xf32, #tpu.memory_space<vmem>>
    %dma_start3A_123 = tpu.memref_squeeze %dma_start3A_122 : memref<1x8x64xf32, #tpu.memory_space<vmem>> -> memref<8x64xf32, #tpu.memory_space<vmem>>
    %dma_start3A_124 = arith.constant 0 : i32
    %dma_start3A_125 = tpu.memref_slice %arg6[%multiple_of3A_86, %dma_start3A_124] : memref<1000x64xf32, #tpu.memory_space<hbm>> -> memref<8x64xf32, #tpu.memory_space<hbm>>
    tpu.enqueue_dma source(%dma_start3A_125 : memref<8x64xf32, #tpu.memory_space<hbm>>) target(%dma_start3A_123 : memref<8x64xf32, #tpu.memory_space<vmem>>) target_semaphore(%arg15 : memref<!tpu.dma_semaphore, #tpu.memory_space<semaphore_mem>>)
    %slice3A_126 = vector.extract_strided_slice %get3A_4 {offsets = [2], sizes = [1], strides = [1]} : vector<16xi32> to vector<1xi32>
    %squeeze3A_127 = vector.extract %slice3A_126[0] : i32 from vector<1xi32>
    %shift_right_logical3A_128 = arith.constant 3 : i32
    %shift_right_logical3A_129 = arith.shrui %squeeze3A_127, %shift_right_logical3A_128 : i32
    %mul3A_130 = arith.constant 8 : i32
    %mul3A_131 = arith.muli %shift_right_logical3A_129, %mul3A_130 : i32
    %multiple_of3A_132 = tpu.assume_multiple %mul3A_131, 8 : i32
    %slice3A_133 = vector.extract_strided_slice %get3A_7 {offsets = [2], sizes = [1], strides = [1]} : vector<16xi32> to vector<1xi32>
    %squeeze3A_134 = vector.extract %slice3A_133[0] : i32 from vector<1xi32>
    %shift_right_logical3A_135 = arith.constant 3 : i32
    %shift_right_logical3A_136 = arith.shrui %squeeze3A_134, %shift_right_logical3A_135 : i32
    %mul3A_137 = arith.constant 8 : i32
    %mul3A_138 = arith.muli %shift_right_logical3A_136, %mul3A_137 : i32
    %multiple_of3A_139 = tpu.assume_multiple %mul3A_138, 8 : i32
    %slice3A_140 = vector.extract_strided_slice %get3A_10 {offsets = [2], sizes = [1], strides = [1]} : vector<16xi32> to vector<1xi32>
    %squeeze3A_141 = vector.extract %slice3A_140[0] : i32 from vector<1xi32>
    %shift_right_logical3A_142 = arith.constant 3 : i32
    %shift_right_logical3A_143 = arith.shrui %squeeze3A_141, %shift_right_logical3A_142 : i32
    %mul3A_144 = arith.constant 8 : i32
    %mul3A_145 = arith.muli %shift_right_logical3A_143, %mul3A_144 : i32
    %multiple_of3A_146 = tpu.assume_multiple %mul3A_145, 8 : i32
    %dma_start3A_147 = arith.constant 0 : i32
    %dma_start3A_148 = arith.constant 16 : i32
    %dma_start3A_149 = arith.constant 0 : i32
    %dma_start3A_150 = tpu.memref_slice %arg11[%dma_start3A_147, %dma_start3A_148, %dma_start3A_149] : memref<2x128x64xf32, #tpu.memory_space<vmem>> -> memref<1x8x64xf32, #tpu.memory_space<vmem>>
    %dma_start3A_151 = tpu.memref_squeeze %dma_start3A_150 : memref<1x8x64xf32, #tpu.memory_space<vmem>> -> memref<8x64xf32, #tpu.memory_space<vmem>>
    %dma_start3A_152 = arith.constant 0 : i32
    %dma_start3A_153 = tpu.memref_slice %arg5[%multiple_of3A_132, %dma_start3A_152] : memref<1000000x64xf32, #tpu.memory_space<hbm>> -> memref<8x64xf32, #tpu.memory_space<hbm>>
    %dma_start3A_154 = arith.constant 16 : i32
    %dma_start3A_155 = arith.constant 0 : i32
    %dma_start3A_156 = tpu.memref_slice %arg11[%dma_start3A_147, %dma_start3A_154, %dma_start3A_155] : memref<2x128x64xf32, #tpu.memory_space<vmem>> -> memref<1x8x64xf32, #tpu.memory_space<vmem>>
    %dma_start3A_157 = tpu.memref_squeeze %dma_start3A_156 : memref<1x8x64xf32, #tpu.memory_space<vmem>> -> memref<8x64xf32, #tpu.memory_space<vmem>>
    %dma_start3A_158 = arith.constant 0 : i32
    %dma_start3A_159 = tpu.memref_slice %arg5[%multiple_of3A_132, %dma_start3A_158] : memref<1000000x64xf32, #tpu.memory_space<hbm>> -> memref<8x64xf32, #tpu.memory_space<hbm>>
    tpu.enqueue_dma source(%dma_start3A_159 : memref<8x64xf32, #tpu.memory_space<hbm>>) target(%dma_start3A_157 : memref<8x64xf32, #tpu.memory_space<vmem>>) target_semaphore(%arg15 : memref<!tpu.dma_semaphore, #tpu.memory_space<semaphore_mem>>)
    %dma_start3A_160 = arith.constant 0 : i32
    %dma_start3A_161 = arith.constant 16 : i32
    %dma_start3A_162 = arith.constant 0 : i32
    %dma_start3A_163 = tpu.memref_slice %arg12[%dma_start3A_160, %dma_start3A_161, %dma_start3A_162] : memref<2x128x64xf32, #tpu.memory_space<vmem>> -> memref<1x8x64xf32, #tpu.memory_space<vmem>>
    %dma_start3A_164 = tpu.memref_squeeze %dma_start3A_163 : memref<1x8x64xf32, #tpu.memory_space<vmem>> -> memref<8x64xf32, #tpu.memory_space<vmem>>
    %dma_start3A_165 = arith.constant 0 : i32
    %dma_start3A_166 = tpu.memref_slice %arg5[%multiple_of3A_139, %dma_start3A_165] : memref<1000000x64xf32, #tpu.memory_space<hbm>> -> memref<8x64xf32, #tpu.memory_space<hbm>>
    %dma_start3A_167 = arith.constant 16 : i32
    %dma_start3A_168 = arith.constant 0 : i32
    %dma_start3A_169 = tpu.memref_slice %arg12[%dma_start3A_160, %dma_start3A_167, %dma_start3A_168] : memref<2x128x64xf32, #tpu.memory_space<vmem>> -> memref<1x8x64xf32, #tpu.memory_space<vmem>>
    %dma_start3A_170 = tpu.memref_squeeze %dma_start3A_169 : memref<1x8x64xf32, #tpu.memory_space<vmem>> -> memref<8x64xf32, #tpu.memory_space<vmem>>
    %dma_start3A_171 = arith.constant 0 : i32
    %dma_start3A_172 = tpu.memref_slice %arg5[%multiple_of3A_139, %dma_start3A_171] : memref<1000000x64xf32, #tpu.memory_space<hbm>> -> memref<8x64xf32, #tpu.memory_space<hbm>>
    tpu.enqueue_dma source(%dma_start3A_172 : memref<8x64xf32, #tpu.memory_space<hbm>>) target(%dma_start3A_170 : memref<8x64xf32, #tpu.memory_space<vmem>>) target_semaphore(%arg15 : memref<!tpu.dma_semaphore, #tpu.memory_space<semaphore_mem>>)
    %dma_start3A_173 = arith.constant 0 : i32
    %dma_start3A_174 = arith.constant 16 : i32
    %dma_start3A_175 = arith.constant 0 : i32
    %dma_start3A_176 = tpu.memref_slice %arg13[%dma_start3A_173, %dma_start3A_174, %dma_start3A_175] : memref<2x128x64xf32, #tpu.memory_space<vmem>> -> memref<1x8x64xf32, #tpu.memory_space<vmem>>
    %dma_start3A_177 = tpu.memref_squeeze %dma_start3A_176 : memref<1x8x64xf32, #tpu.memory_space<vmem>> -> memref<8x64xf32, #tpu.memory_space<vmem>>
    %dma_start3A_178 = arith.constant 0 : i32
    %dma_start3A_179 = tpu.memref_slice %arg6[%multiple_of3A_146, %dma_start3A_178] : memref<1000x64xf32, #tpu.memory_space<hbm>> -> memref<8x64xf32, #tpu.memory_space<hbm>>
    %dma_start3A_180 = arith.constant 16 : i32
    %dma_start3A_181 = arith.constant 0 : i32
    %dma_start3A_182 = tpu.memref_slice %arg13[%dma_start3A_173, %dma_start3A_180, %dma_start3A_181] : memref<2x128x64xf32, #tpu.memory_space<vmem>> -> memref<1x8x64xf32, #tpu.memory_space<vmem>>
    %dma_start3A_183 = tpu.memref_squeeze %dma_start3A_182 : memref<1x8x64xf32, #tpu.memory_space<vmem>> -> memref<8x64xf32, #tpu.memory_space<vmem>>
    %dma_start3A_184 = arith.constant 0 : i32
    %dma_start3A_185 = tpu.memref_slice %arg6[%multiple_of3A_146, %dma_start3A_184] : memref<1000x64xf32, #tpu.memory_space<hbm>> -> memref<8x64xf32, #tpu.memory_space<hbm>>
    tpu.enqueue_dma source(%dma_start3A_185 : memref<8x64xf32, #tpu.memory_space<hbm>>) target(%dma_start3A_183 : memref<8x64xf32, #tpu.memory_space<vmem>>) target_semaphore(%arg15 : memref<!tpu.dma_semaphore, #tpu.memory_space<semaphore_mem>>)
    %slice3A_186 = vector.extract_strided_slice %get3A_4 {offsets = [3], sizes = [1], strides = [1]} : vector<16xi32> to vector<1xi32>
    %squeeze3A_187 = vector.extract %slice3A_186[0] : i32 from vector<1xi32>
    %shift_right_logical3A_188 = arith.constant 3 : i32
    %shift_right_logical3A_189 = arith.shrui %squeeze3A_187, %shift_right_logical3A_188 : i32
    %mul3A_190 = arith.constant 8 : i32
    %mul3A_191 = arith.muli %shift_right_logical3A_189, %mul3A_190 : i32
    %multiple_of3A_192 = tpu.assume_multiple %mul3A_191, 8 : i32
    %slice3A_193 = vector.extract_strided_slice %get3A_7 {offsets = [3], sizes = [1], strides = [1]} : vector<16xi32> to vector<1xi32>
    %squeeze3A_194 = vector.extract %slice3A_193[0] : i32 from vector<1xi32>
    %shift_right_logical3A_195 = arith.constant 3 : i32
    %shift_right_logical3A_196 = arith.shrui %squeeze3A_194, %shift_right_logical3A_195 : i32
    %mul3A_197 = arith.constant 8 : i32
    %mul3A_198 = arith.muli %shift_right_logical3A_196, %mul3A_197 : i32
    %multiple_of3A_199 = tpu.assume_multiple %mul3A_198, 8 : i32
    %slice3A_200 = vector.extract_strided_slice %get3A_10 {offsets = [3], sizes = [1], strides = [1]} : vector<16xi32> to vector<1xi32>
    %squeeze3A_201 = vector.extract %slice3A_200[0] : i32 from vector<1xi32>
    %shift_right_logical3A_202 = arith.constant 3 : i32
    %shift_right_logical3A_203 = arith.shrui %squeeze3A_201, %shift_right_logical3A_202 : i32
    %mul3A_204 = arith.constant 8 : i32
    %mul3A_205 = arith.muli %shift_right_logical3A_203, %mul3A_204 : i32
    %multiple_of3A_206 = tpu.assume_multiple %mul3A_205, 8 : i32
    %dma_start3A_207 = arith.constant 0 : i32
    %dma_start3A_208 = arith.constant 24 : i32
    %dma_start3A_209 = arith.constant 0 : i32
    %dma_start3A_210 = tpu.memref_slice %arg11[%dma_start3A_207, %dma_start3A_208, %dma_start3A_209] : memref<2x128x64xf32, #tpu.memory_space<vmem>> -> memref<1x8x64xf32, #tpu.memory_space<vmem>>
    %dma_start3A_211 = tpu.memref_squeeze %dma_start3A_210 : memref<1x8x64xf32, #tpu.memory_space<vmem>> -> memref<8x64xf32, #tpu.memory_space<vmem>>
    %dma_start3A_212 = arith.constant 0 : i32
    %dma_start3A_213 = tpu.memref_slice %arg5[%multiple_of3A_192, %dma_start3A_212] : memref<1000000x64xf32, #tpu.memory_space<hbm>> -> memref<8x64xf32, #tpu.memory_space<hbm>>
    %dma_start3A_214 = arith.constant 24 : i32
    %dma_start3A_215 = arith.constant 0 : i32
    %dma_start3A_216 = tpu.memref_slice %arg11[%dma_start3A_207, %dma_start3A_214, %dma_start3A_215] : memref<2x128x64xf32, #tpu.memory_space<vmem>> -> memref<1x8x64xf32, #tpu.memory_space<vmem>>
    %dma_start3A_217 = tpu.memref_squeeze %dma_start3A_216 : memref<1x8x64xf32, #tpu.memory_space<vmem>> -> memref<8x64xf32, #tpu.memory_space<vmem>>
    %dma_start3A_218 = arith.constant 0 : i32
    %dma_start3A_219 = tpu.memref_slice %arg5[%multiple_of3A_192, %dma_start3A_218] : memref<1000000x64xf32, #tpu.memory_space<hbm>> -> memref<8x64xf32, #tpu.memory_space<hbm>>
    tpu.enqueue_dma source(%dma_start3A_219 : memref<8x64xf32, #tpu.memory_space<hbm>>) target(%dma_start3A_217 : memref<8x64xf32, #tpu.memory_space<vmem>>) target_semaphore(%arg15 : memref<!tpu.dma_semaphore, #tpu.memory_space<semaphore_mem>>)
    %dma_start3A_220 = arith.constant 0 : i32
    %dma_start3A_221 = arith.constant 24 : i32
    %dma_start3A_222 = arith.constant 0 : i32
    %dma_start3A_223 = tpu.memref_slice %arg12[%dma_start3A_220, %dma_start3A_221, %dma_start3A_222] : memref<2x128x64xf32, #tpu.memory_space<vmem>> -> memref<1x8x64xf32, #tpu.memory_space<vmem>>
    %dma_start3A_224 = tpu.memref_squeeze %dma_start3A_223 : memref<1x8x64xf32, #tpu.memory_space<vmem>> -> memref<8x64xf32, #tpu.memory_space<vmem>>
    %dma_start3A_225 = arith.constant 0 : i32
    %dma_start3A_226 = tpu.memref_slice %arg5[%multiple_of3A_199, %dma_start3A_225] : memref<1000000x64xf32, #tpu.memory_space<hbm>> -> memref<8x64xf32, #tpu.memory_space<hbm>>
    %dma_start3A_227 = arith.constant 24 : i32
    %dma_start3A_228 = arith.constant 0 : i32
    %dma_start3A_229 = tpu.memref_slice %arg12[%dma_start3A_220, %dma_start3A_227, %dma_start3A_228] : memref<2x128x64xf32, #tpu.memory_space<vmem>> -> memref<1x8x64xf32, #tpu.memory_space<vmem>>
    %dma_start3A_230 = tpu.memref_squeeze %dma_start3A_229 : memref<1x8x64xf32, #tpu.memory_space<vmem>> -> memref<8x64xf32, #tpu.memory_space<vmem>>
    %dma_start3A_231 = arith.constant 0 : i32
    %dma_start3A_232 = tpu.memref_slice %arg5[%multiple_of3A_199, %dma_start3A_231] : memref<1000000x64xf32, #tpu.memory_space<hbm>> -> memref<8x64xf32, #tpu.memory_space<hbm>>
    tpu.enqueue_dma source(%dma_start3A_232 : memref<8x64xf32, #tpu.memory_space<hbm>>) target(%dma_start3A_230 : memref<8x64xf32, #tpu.memory_space<vmem>>) target_semaphore(%arg15 : memref<!tpu.dma_semaphore, #tpu.memory_space<semaphore_mem>>)
    %dma_start3A_233 = arith.constant 0 : i32
    %dma_start3A_234 = arith.constant 24 : i32
    %dma_start3A_235 = arith.constant 0 : i32
    %dma_start3A_236 = tpu.memref_slice %arg13[%dma_start3A_233, %dma_start3A_234, %dma_start3A_235] : memref<2x128x64xf32, #tpu.memory_space<vmem>> -> memref<1x8x64xf32, #tpu.memory_space<vmem>>
    %dma_start3A_237 = tpu.memref_squeeze %dma_start3A_236 : memref<1x8x64xf32, #tpu.memory_space<vmem>> -> memref<8x64xf32, #tpu.memory_space<vmem>>
    %dma_start3A_238 = arith.constant 0 : i32
    %dma_start3A_239 = tpu.memref_slice %arg6[%multiple_of3A_206, %dma_start3A_238] : memref<1000x64xf32, #tpu.memory_space<hbm>> -> memref<8x64xf32, #tpu.memory_space<hbm>>
    %dma_start3A_240 = arith.constant 24 : i32
    %dma_start3A_241 = arith.constant 0 : i32
    %dma_start3A_242 = tpu.memref_slice %arg13[%dma_start3A_233, %dma_start3A_240, %dma_start3A_241] : memref<2x128x64xf32, #tpu.memory_space<vmem>> -> memref<1x8x64xf32, #tpu.memory_space<vmem>>
    %dma_start3A_243 = tpu.memref_squeeze %dma_start3A_242 : memref<1x8x64xf32, #tpu.memory_space<vmem>> -> memref<8x64xf32, #tpu.memory_space<vmem>>
    %dma_start3A_244 = arith.constant 0 : i32
    %dma_start3A_245 = tpu.memref_slice %arg6[%multiple_of3A_206, %dma_start3A_244] : memref<1000x64xf32, #tpu.memory_space<hbm>> -> memref<8x64xf32, #tpu.memory_space<hbm>>
    tpu.enqueue_dma source(%dma_start3A_245 : memref<8x64xf32, #tpu.memory_space<hbm>>) target(%dma_start3A_243 : memref<8x64xf32, #tpu.memory_space<vmem>>) target_semaphore(%arg15 : memref<!tpu.dma_semaphore, #tpu.memory_space<semaphore_mem>>)
    %slice3A_246 = vector.extract_strided_slice %get3A_4 {offsets = [4], sizes = [1], strides = [1]} : vector<16xi32> to vector<1xi32>
    %squeeze3A_247 = vector.extract %slice3A_246[0] : i32 from vector<1xi32>
    %shift_right_logical3A_248 = arith.constant 3 : i32
    %shift_right_logical3A_249 = arith.shrui %squeeze3A_247, %shift_right_logical3A_248 : i32
    %mul3A_250 = arith.constant 8 : i32
    %mul3A_251 = arith.muli %shift_right_logical3A_249, %mul3A_250 : i32
    %multiple_of3A_252 = tpu.assume_multiple %mul3A_251, 8 : i32
    %slice3A_253 = vector.extract_strided_slice %get3A_7 {offsets = [4], sizes = [1], strides = [1]} : vector<16xi32> to vector<1xi32>
    %squeeze3A_254 = vector.extract %slice3A_253[0] : i32 from vector<1xi32>
    %shift_right_logical3A_255 = arith.constant 3 : i32
    %shift_right_logical3A_256 = arith.shrui %squeeze3A_254, %shift_right_logical3A_255 : i32
    %mul3A_257 = arith.constant 8 : i32
    %mul3A_258 = arith.muli %shift_right_logical3A_256, %mul3A_257 : i32
    %multiple_of3A_259 = tpu.assume_multiple %mul3A_258, 8 : i32
    %slice3A_260 = vector.extract_strided_slice %get3A_10 {offsets = [4], sizes = [1], strides = [1]} : vector<16xi32> to vector<1xi32>
    %squeeze3A_261 = vector.extract %slice3A_260[0] : i32 from vector<1xi32>
    %shift_right_logical3A_262 = arith.constant 3 : i32
    %shift_right_logical3A_263 = arith.shrui %squeeze3A_261, %shift_right_logical3A_262 : i32
    %mul3A_264 = arith.constant 8 : i32
    %mul3A_265 = arith.muli %shift_right_logical3A_263, %mul3A_264 : i32
    %multiple_of3A_266 = tpu.assume_multiple %mul3A_265, 8 : i32
    %dma_start3A_267 = arith.constant 0 : i32
    %dma_start3A_268 = arith.constant 32 : i32
    %dma_start3A_269 = arith.constant 0 : i32
    %dma_start3A_270 = tpu.memref_slice %arg11[%dma_start3A_267, %dma_start3A_268, %dma_start3A_269] : memref<2x128x64xf32, #tpu.memory_space<vmem>> -> memref<1x8x64xf32, #tpu.memory_space<vmem>>
    %dma_start3A_271 = tpu.memref_squeeze %dma_start3A_270 : memref<1x8x64xf32, #tpu.memory_space<vmem>> -> memref<8x64xf32, #tpu.memory_space<vmem>>
    %dma_start3A_272 = arith.constant 0 : i32
    %dma_start3A_273 = tpu.memref_slice %arg5[%multiple_of3A_252, %dma_start3A_272] : memref<1000000x64xf32, #tpu.memory_space<hbm>> -> memref<8x64xf32, #tpu.memory_space<hbm>>
    %dma_start3A_274 = arith.constant 32 : i32
    %dma_start3A_275 = arith.constant 0 : i32
    %dma_start3A_276 = tpu.memref_slice %arg11[%dma_start3A_267, %dma_start3A_274, %dma_start3A_275] : memref<2x128x64xf32, #tpu.memory_space<vmem>> -> memref<1x8x64xf32, #tpu.memory_space<vmem>>
    %dma_start3A_277 = tpu.memref_squeeze %dma_start3A_276 : memref<1x8x64xf32, #tpu.memory_space<vmem>> -> memref<8x64xf32, #tpu.memory_space<vmem>>
    %dma_start3A_278 = arith.constant 0 : i32
    %dma_start3A_279 = tpu.memref_slice %arg5[%multiple_of3A_252, %dma_start3A_278] : memref<1000000x64xf32, #tpu.memory_space<hbm>> -> memref<8x64xf32, #tpu.memory_space<hbm>>
    tpu.enqueue_dma source(%dma_start3A_279 : memref<8x64xf32, #tpu.memory_space<hbm>>) target(%dma_start3A_277 : memref<8x64xf32, #tpu.memory_space<vmem>>) target_semaphore(%arg15 : memref<!tpu.dma_semaphore, #tpu.memory_space<semaphore_mem>>)
    %dma_start3A_280 = arith.constant 0 : i32
    %dma_start3A_281 = arith.constant 32 : i32
    %dma_start3A_282 = arith.constant 0 : i32
    %dma_start3A_283 = tpu.memref_slice %arg12[%dma_start3A_280, %dma_start3A_281, %dma_start3A_282] : memref<2x128x64xf32, #tpu.memory_space<vmem>> -> memref<1x8x64xf32, #tpu.memory_space<vmem>>
    %dma_start3A_284 = tpu.memref_squeeze %dma_start3A_283 : memref<1x8x64xf32, #tpu.memory_space<vmem>> -> memref<8x64xf32, #tpu.memory_space<vmem>>
    %dma_start3A_285 = arith.constant 0 : i32
    %dma_start3A_286 = tpu.memref_slice %arg5[%multiple_of3A_259, %dma_start3A_285] : memref<1000000x64xf32, #tpu.memory_space<hbm>> -> memref<8x64xf32, #tpu.memory_space<hbm>>
    %dma_start3A_287 = arith.constant 32 : i32
    %dma_start3A_288 = arith.constant 0 : i32
    %dma_start3A_289 = tpu.memref_slice %arg12[%dma_start3A_280, %dma_start3A_287, %dma_start3A_288] : memref<2x128x64xf32, #tpu.memory_space<vmem>> -> memref<1x8x64xf32, #tpu.memory_space<vmem>>
    %dma_start3A_290 = tpu.memref_squeeze %dma_start3A_289 : memref<1x8x64xf32, #tpu.memory_space<vmem>> -> memref<8x64xf32, #tpu.memory_space<vmem>>
    %dma_start3A_291 = arith.constant 0 : i32
    %dma_start3A_292 = tpu.memref_slice %arg5[%multiple_of3A_259, %dma_start3A_291] : memref<1000000x64xf32, #tpu.memory_space<hbm>> -> memref<8x64xf32, #tpu.memory_space<hbm>>
    tpu.enqueue_dma source(%dma_start3A_292 : memref<8x64xf32, #tpu.memory_space<hbm>>) target(%dma_start3A_290 : memref<8x64xf32, #tpu.memory_space<vmem>>) target_semaphore(%arg15 : memref<!tpu.dma_semaphore, #tpu.memory_space<semaphore_mem>>)
    %dma_start3A_293 = arith.constant 0 : i32
    %dma_start3A_294 = arith.constant 32 : i32
    %dma_start3A_295 = arith.constant 0 : i32
    %dma_start3A_296 = tpu.memref_slice %arg13[%dma_start3A_293, %dma_start3A_294, %dma_start3A_295] : memref<2x128x64xf32, #tpu.memory_space<vmem>> -> memref<1x8x64xf32, #tpu.memory_space<vmem>>
    %dma_start3A_297 = tpu.memref_squeeze %dma_start3A_296 : memref<1x8x64xf32, #tpu.memory_space<vmem>> -> memref<8x64xf32, #tpu.memory_space<vmem>>
    %dma_start3A_298 = arith.constant 0 : i32
    %dma_start3A_299 = tpu.memref_slice %arg6[%multiple_of3A_266, %dma_start3A_298] : memref<1000x64xf32, #tpu.memory_space<hbm>> -> memref<8x64xf32, #tpu.memory_space<hbm>>
    %dma_start3A_300 = arith.constant 32 : i32
    %dma_start3A_301 = arith.constant 0 : i32
    %dma_start3A_302 = tpu.memref_slice %arg13[%dma_start3A_293, %dma_start3A_300, %dma_start3A_301] : memref<2x128x64xf32, #tpu.memory_space<vmem>> -> memref<1x8x64xf32, #tpu.memory_space<vmem>>
    %dma_start3A_303 = tpu.memref_squeeze %dma_start3A_302 : memref<1x8x64xf32, #tpu.memory_space<vmem>> -> memref<8x64xf32, #tpu.memory_space<vmem>>
    %dma_start3A_304 = arith.constant 0 : i32
    %dma_start3A_305 = tpu.memref_slice %arg6[%multiple_of3A_266, %dma_start3A_304] : memref<1000x64xf32, #tpu.memory_space<hbm>> -> memref<8x64xf32, #tpu.memory_space<hbm>>
    tpu.enqueue_dma source(%dma_start3A_305 : memref<8x64xf32, #tpu.memory_space<hbm>>) target(%dma_start3A_303 : memref<8x64xf32, #tpu.memory_space<vmem>>) target_semaphore(%arg15 : memref<!tpu.dma_semaphore, #tpu.memory_space<semaphore_mem>>)
    %slice3A_306 = vector.extract_strided_slice %get3A_4 {offsets = [5], sizes = [1], strides = [1]} : vector<16xi32> to vector<1xi32>
    %squeeze3A_307 = vector.extract %slice3A_306[0] : i32 from vector<1xi32>
    %shift_right_logical3A_308 = arith.constant 3 : i32
    %shift_right_logical3A_309 = arith.shrui %squeeze3A_307, %shift_right_logical3A_308 : i32
    %mul3A_310 = arith.constant 8 : i32
    %mul3A_311 = arith.muli %shift_right_logical3A_309, %mul3A_310 : i32
    %multiple_of3A_312 = tpu.assume_multiple %mul3A_311, 8 : i32
    %slice3A_313 = vector.extract_strided_slice %get3A_7 {offsets = [5], sizes = [1], strides = [1]} : vector<16xi32> to vector<1xi32>
    %squeeze3A_314 = vector.extract %slice3A_313[0] : i32 from vector<1xi32>
    %shift_right_logical3A_315 = arith.constant 3 : i32
    %shift_right_logical3A_316 = arith.shrui %squeeze3A_314, %shift_right_logical3A_315 : i32
    %mul3A_317 = arith.constant 8 : i32
    %mul3A_318 = arith.muli %shift_right_logical3A_316, %mul3A_317 : i32
    %multiple_of3A_319 = tpu.assume_multiple %mul3A_318, 8 : i32
    %slice3A_320 = vector.extract_strided_slice %get3A_10 {offsets = [5], sizes = [1], strides = [1]} : vector<16xi32> to vector<1xi32>
    %squeeze3A_321 = vector.extract %slice3A_320[0] : i32 from vector<1xi32>
    %shift_right_logical3A_322 = arith.constant 3 : i32
    %shift_right_logical3A_323 = arith.shrui %squeeze3A_321, %shift_right_logical3A_322 : i32
    %mul3A_324 = arith.constant 8 : i32
    %mul3A_325 = arith.muli %shift_right_logical3A_323, %mul3A_324 : i32
    %multiple_of3A_326 = tpu.assume_multiple %mul3A_325, 8 : i32
    %dma_start3A_327 = arith.constant 0 : i32
    %dma_start3A_328 = arith.constant 40 : i32
    %dma_start3A_329 = arith.constant 0 : i32
    %dma_start3A_330 = tpu.memref_slice %arg11[%dma_start3A_327, %dma_start3A_328, %dma_start3A_329] : memref<2x128x64xf32, #tpu.memory_space<vmem>> -> memref<1x8x64xf32, #tpu.memory_space<vmem>>
    %dma_start3A_331 = tpu.memref_squeeze %dma_start3A_330 : memref<1x8x64xf32, #tpu.memory_space<vmem>> -> memref<8x64xf32, #tpu.memory_space<vmem>>
    %dma_start3A_332 = arith.constant 0 : i32
    %dma_start3A_333 = tpu.memref_slice %arg5[%multiple_of3A_312, %dma_start3A_332] : memref<1000000x64xf32, #tpu.memory_space<hbm>> -> memref<8x64xf32, #tpu.memory_space<hbm>>
    %dma_start3A_334 = arith.constant 40 : i32
    %dma_start3A_335 = arith.constant 0 : i32
    %dma_start3A_336 = tpu.memref_slice %arg11[%dma_start3A_327, %dma_start3A_334, %dma_start3A_335] : memref<2x128x64xf32, #tpu.memory_space<vmem>> -> memref<1x8x64xf32, #tpu.memory_space<vmem>>
    %dma_start3A_337 = tpu.memref_squeeze %dma_start3A_336 : memref<1x8x64xf32, #tpu.memory_space<vmem>> -> memref<8x64xf32, #tpu.memory_space<vmem>>
    %dma_start3A_338 = arith.constant 0 : i32
    %dma_start3A_339 = tpu.memref_slice %arg5[%multiple_of3A_312, %dma_start3A_338] : memref<1000000x64xf32, #tpu.memory_space<hbm>> -> memref<8x64xf32, #tpu.memory_space<hbm>>
    tpu.enqueue_dma source(%dma_start3A_339 : memref<8x64xf32, #tpu.memory_space<hbm>>) target(%dma_start3A_337 : memref<8x64xf32, #tpu.memory_space<vmem>>) target_semaphore(%arg15 : memref<!tpu.dma_semaphore, #tpu.memory_space<semaphore_mem>>)
    %dma_start3A_340 = arith.constant 0 : i32
    %dma_start3A_341 = arith.constant 40 : i32
    %dma_start3A_342 = arith.constant 0 : i32
    %dma_start3A_343 = tpu.memref_slice %arg12[%dma_start3A_340, %dma_start3A_341, %dma_start3A_342] : memref<2x128x64xf32, #tpu.memory_space<vmem>> -> memref<1x8x64xf32, #tpu.memory_space<vmem>>
    %dma_start3A_344 = tpu.memref_squeeze %dma_start3A_343 : memref<1x8x64xf32, #tpu.memory_space<vmem>> -> memref<8x64xf32, #tpu.memory_space<vmem>>
    %dma_start3A_345 = arith.constant 0 : i32
    %dma_start3A_346 = tpu.memref_slice %arg5[%multiple_of3A_319, %dma_start3A_345] : memref<1000000x64xf32, #tpu.memory_space<hbm>> -> memref<8x64xf32, #tpu.memory_space<hbm>>
    %dma_start3A_347 = arith.constant 40 : i32
    %dma_start3A_348 = arith.constant 0 : i32
    %dma_start3A_349 = tpu.memref_slice %arg12[%dma_start3A_340, %dma_start3A_347, %dma_start3A_348] : memref<2x128x64xf32, #tpu.memory_space<vmem>> -> memref<1x8x64xf32, #tpu.memory_space<vmem>>
    %dma_start3A_350 = tpu.memref_squeeze %dma_start3A_349 : memref<1x8x64xf32, #tpu.memory_space<vmem>> -> memref<8x64xf32, #tpu.memory_space<vmem>>
    %dma_start3A_351 = arith.constant 0 : i32
    %dma_start3A_352 = tpu.memref_slice %arg5[%multiple_of3A_319, %dma_start3A_351] : memref<1000000x64xf32, #tpu.memory_space<hbm>> -> memref<8x64xf32, #tpu.memory_space<hbm>>
    tpu.enqueue_dma source(%dma_start3A_352 : memref<8x64xf32, #tpu.memory_space<hbm>>) target(%dma_start3A_350 : memref<8x64xf32, #tpu.memory_space<vmem>>) target_semaphore(%arg15 : memref<!tpu.dma_semaphore, #tpu.memory_space<semaphore_mem>>)
    %dma_start3A_353 = arith.constant 0 : i32
    %dma_start3A_354 = arith.constant 40 : i32
    %dma_start3A_355 = arith.constant 0 : i32
    %dma_start3A_356 = tpu.memref_slice %arg13[%dma_start3A_353, %dma_start3A_354, %dma_start3A_355] : memref<2x128x64xf32, #tpu.memory_space<vmem>> -> memref<1x8x64xf32, #tpu.memory_space<vmem>>
    %dma_start3A_357 = tpu.memref_squeeze %dma_start3A_356 : memref<1x8x64xf32, #tpu.memory_space<vmem>> -> memref<8x64xf32, #tpu.memory_space<vmem>>
    %dma_start3A_358 = arith.constant 0 : i32
    %dma_start3A_359 = tpu.memref_slice %arg6[%multiple_of3A_326, %dma_start3A_358] : memref<1000x64xf32, #tpu.memory_space<hbm>> -> memref<8x64xf32, #tpu.memory_space<hbm>>
    %dma_start3A_360 = arith.constant 40 : i32
    %dma_start3A_361 = arith.constant 0 : i32
    %dma_start3A_362 = tpu.memref_slice %arg13[%dma_start3A_353, %dma_start3A_360, %dma_start3A_361] : memref<2x128x64xf32, #tpu.memory_space<vmem>> -> memref<1x8x64xf32, #tpu.memory_space<vmem>>
    %dma_start3A_363 = tpu.memref_squeeze %dma_start3A_362 : memref<1x8x64xf32, #tpu.memory_space<vmem>> -> memref<8x64xf32, #tpu.memory_space<vmem>>
    %dma_start3A_364 = arith.constant 0 : i32
    %dma_start3A_365 = tpu.memref_slice %arg6[%multiple_of3A_326, %dma_start3A_364] : memref<1000x64xf32, #tpu.memory_space<hbm>> -> memref<8x64xf32, #tpu.memory_space<hbm>>
    tpu.enqueue_dma source(%dma_start3A_365 : memref<8x64xf32, #tpu.memory_space<hbm>>) target(%dma_start3A_363 : memref<8x64xf32, #tpu.memory_space<vmem>>) target_semaphore(%arg15 : memref<!tpu.dma_semaphore, #tpu.memory_space<semaphore_mem>>)
    %slice3A_366 = vector.extract_strided_slice %get3A_4 {offsets = [6], sizes = [1], strides = [1]} : vector<16xi32> to vector<1xi32>
    %squeeze3A_367 = vector.extract %slice3A_366[0] : i32 from vector<1xi32>
    %shift_right_logical3A_368 = arith.constant 3 : i32
    %shift_right_logical3A_369 = arith.shrui %squeeze3A_367, %shift_right_logical3A_368 : i32
    %mul3A_370 = arith.constant 8 : i32
    %mul3A_371 = arith.muli %shift_right_logical3A_369, %mul3A_370 : i32
    %multiple_of3A_372 = tpu.assume_multiple %mul3A_371, 8 : i32
    %slice3A_373 = vector.extract_strided_slice %get3A_7 {offsets = [6], sizes = [1], strides = [1]} : vector<16xi32> to vector<1xi32>
    %squeeze3A_374 = vector.extract %slice3A_373[0] : i32 from vector<1xi32>
    %shift_right_logical3A_375 = arith.constant 3 : i32
    %shift_right_logical3A_376 = arith.shrui %squeeze3A_374, %shift_right_logical3A_375 : i32
    %mul3A_377 = arith.constant 8 : i32
    %mul3A_378 = arith.muli %shift_right_logical3A_376, %mul3A_377 : i32
    %multiple_of3A_379 = tpu.assume_multiple %mul3A_378, 8 : i32
    %slice3A_380 = vector.extract_strided_slice %get3A_10 {offsets = [6], sizes = [1], strides = [1]} : vector<16xi32> to vector<1xi32>
    %squeeze3A_381 = vector.extract %slice3A_380[0] : i32 from vector<1xi32>
    %shift_right_logical3A_382 = arith.constant 3 : i32
    %shift_right_logical3A_383 = arith.shrui %squeeze3A_381, %shift_right_logical3A_382 : i32
    %mul3A_384 = arith.constant 8 : i32
    %mul3A_385 = arith.muli %shift_right_logical3A_383, %mul3A_384 : i32
    %multiple_of3A_386 = tpu.assume_multiple %mul3A_385, 8 : i32
    %dma_start3A_387 = arith.constant 0 : i32
    %dma_start3A_388 = arith.constant 48 : i32
    %dma_start3A_389 = arith.constant 0 : i32
    %dma_start3A_390 = tpu.memref_slice %arg11[%dma_start3A_387, %dma_start3A_388, %dma_start3A_389] : memref<2x128x64xf32, #tpu.memory_space<vmem>> -> memref<1x8x64xf32, #tpu.memory_space<vmem>>
    %dma_start3A_391 = tpu.memref_squeeze %dma_start3A_390 : memref<1x8x64xf32, #tpu.memory_space<vmem>> -> memref<8x64xf32, #tpu.memory_space<vmem>>
    %dma_start3A_392 = arith.constant 0 : i32
    %dma_start3A_393 = tpu.memref_slice %arg5[%multiple_of3A_372, %dma_start3A_392] : memref<1000000x64xf32, #tpu.memory_space<hbm>> -> memref<8x64xf32, #tpu.memory_space<hbm>>
    %dma_start3A_394 = arith.constant 48 : i32
    %dma_start3A_395 = arith.constant 0 : i32
    %dma_start3A_396 = tpu.memref_slice %arg11[%dma_start3A_387, %dma_start3A_394, %dma_start3A_395] : memref<2x128x64xf32, #tpu.memory_space<vmem>> -> memref<1x8x64xf32, #tpu.memory_space<vmem>>
    %dma_start3A_397 = tpu.memref_squeeze %dma_start3A_396 : memref<1x8x64xf32, #tpu.memory_space<vmem>> -> memref<8x64xf32, #tpu.memory_space<vmem>>
    %dma_start3A_398 = arith.constant 0 : i32
    %dma_start3A_399 = tpu.memref_slice %arg5[%multiple_of3A_372, %dma_start3A_398] : memref<1000000x64xf32, #tpu.memory_space<hbm>> -> memref<8x64xf32, #tpu.memory_space<hbm>>
    tpu.enqueue_dma source(%dma_start3A_399 : memref<8x64xf32, #tpu.memory_space<hbm>>) target(%dma_start3A_397 : memref<8x64xf32, #tpu.memory_space<vmem>>) target_semaphore(%arg15 : memref<!tpu.dma_semaphore, #tpu.memory_space<semaphore_mem>>)
    %dma_start3A_400 = arith.constant 0 : i32
    %dma_start3A_401 = arith.constant 48 : i32
    %dma_start3A_402 = arith.constant 0 : i32
    %dma_start3A_403 = tpu.memref_slice %arg12[%dma_start3A_400, %dma_start3A_401, %dma_start3A_402] : memref<2x128x64xf32, #tpu.memory_space<vmem>> -> memref<1x8x64xf32, #tpu.memory_space<vmem>>
    %dma_start3A_404 = tpu.memref_squeeze %dma_start3A_403 : memref<1x8x64xf32, #tpu.memory_space<vmem>> -> memref<8x64xf32, #tpu.memory_space<vmem>>
    %dma_start3A_405 = arith.constant 0 : i32
    %dma_start3A_406 = tpu.memref_slice %arg5[%multiple_of3A_379, %dma_start3A_405] : memref<1000000x64xf32, #tpu.memory_space<hbm>> -> memref<8x64xf32, #tpu.memory_space<hbm>>
    %dma_start3A_407 = arith.constant 48 : i32
    %dma_start3A_408 = arith.constant 0 : i32
    %dma_start3A_409 = tpu.memref_slice %arg12[%dma_start3A_400, %dma_start3A_407, %dma_start3A_408] : memref<2x128x64xf32, #tpu.memory_space<vmem>> -> memref<1x8x64xf32, #tpu.memory_space<vmem>>
    %dma_start3A_410 = tpu.memref_squeeze %dma_start3A_409 : memref<1x8x64xf32, #tpu.memory_space<vmem>> -> memref<8x64xf32, #tpu.memory_space<vmem>>
    %dma_start3A_411 = arith.constant 0 : i32
    %dma_start3A_412 = tpu.memref_slice %arg5[%multiple_of3A_379, %dma_start3A_411] : memref<1000000x64xf32, #tpu.memory_space<hbm>> -> memref<8x64xf32, #tpu.memory_space<hbm>>
    tpu.enqueue_dma source(%dma_start3A_412 : memref<8x64xf32, #tpu.memory_space<hbm>>) target(%dma_start3A_410 : memref<8x64xf32, #tpu.memory_space<vmem>>) target_semaphore(%arg15 : memref<!tpu.dma_semaphore, #tpu.memory_space<semaphore_mem>>)
    %dma_start3A_413 = arith.constant 0 : i32
    %dma_start3A_414 = arith.constant 48 : i32
    %dma_start3A_415 = arith.constant 0 : i32
    %dma_start3A_416 = tpu.memref_slice %arg13[%dma_start3A_413, %dma_start3A_414, %dma_start3A_415] : memref<2x128x64xf32, #tpu.memory_space<vmem>> -> memref<1x8x64xf32, #tpu.memory_space<vmem>>
    %dma_start3A_417 = tpu.memref_squeeze %dma_start3A_416 : memref<1x8x64xf32, #tpu.memory_space<vmem>> -> memref<8x64xf32, #tpu.memory_space<vmem>>
    %dma_start3A_418 = arith.constant 0 : i32
    %dma_start3A_419 = tpu.memref_slice %arg6[%multiple_of3A_386, %dma_start3A_418] : memref<1000x64xf32, #tpu.memory_space<hbm>> -> memref<8x64xf32, #tpu.memory_space<hbm>>
    %dma_start3A_420 = arith.constant 48 : i32
    %dma_start3A_421 = arith.constant 0 : i32
    %dma_start3A_422 = tpu.memref_slice %arg13[%dma_start3A_413, %dma_start3A_420, %dma_start3A_421] : memref<2x128x64xf32, #tpu.memory_space<vmem>> -> memref<1x8x64xf32, #tpu.memory_space<vmem>>
    %dma_start3A_423 = tpu.memref_squeeze %dma_start3A_422 : memref<1x8x64xf32, #tpu.memory_space<vmem>> -> memref<8x64xf32, #tpu.memory_space<vmem>>
    %dma_start3A_424 = arith.constant 0 : i32
    %dma_start3A_425 = tpu.memref_slice %arg6[%multiple_of3A_386, %dma_start3A_424] : memref<1000x64xf32, #tpu.memory_space<hbm>> -> memref<8x64xf32, #tpu.memory_space<hbm>>
    tpu.enqueue_dma source(%dma_start3A_425 : memref<8x64xf32, #tpu.memory_space<hbm>>) target(%dma_start3A_423 : memref<8x64xf32, #tpu.memory_space<vmem>>) target_semaphore(%arg15 : memref<!tpu.dma_semaphore, #tpu.memory_space<semaphore_mem>>)
    %slice3A_426 = vector.extract_strided_slice %get3A_4 {offsets = [7], sizes = [1], strides = [1]} : vector<16xi32> to vector<1xi32>
    %squeeze3A_427 = vector.extract %slice3A_426[0] : i32 from vector<1xi32>
    %shift_right_logical3A_428 = arith.constant 3 : i32
    %shift_right_logical3A_429 = arith.shrui %squeeze3A_427, %shift_right_logical3A_428 : i32
    %mul3A_430 = arith.constant 8 : i32
    %mul3A_431 = arith.muli %shift_right_logical3A_429, %mul3A_430 : i32
    %multiple_of3A_432 = tpu.assume_multiple %mul3A_431, 8 : i32
    %slice3A_433 = vector.extract_strided_slice %get3A_7 {offsets = [7], sizes = [1], strides = [1]} : vector<16xi32> to vector<1xi32>
    %squeeze3A_434 = vector.extract %slice3A_433[0] : i32 from vector<1xi32>
    %shift_right_logical3A_435 = arith.constant 3 : i32
    %shift_right_logical3A_436 = arith.shrui %squeeze3A_434, %shift_right_logical3A_435 : i32
    %mul3A_437 = arith.constant 8 : i32
    %mul3A_438 = arith.muli %shift_right_logical3A_436, %mul3A_437 : i32
    %multiple_of3A_439 = tpu.assume_multiple %mul3A_438, 8 : i32
    %slice3A_440 = vector.extract_strided_slice %get3A_10 {offsets = [7], sizes = [1], strides = [1]} : vector<16xi32> to vector<1xi32>
    %squeeze3A_441 = vector.extract %slice3A_440[0] : i32 from vector<1xi32>
    %shift_right_logical3A_442 = arith.constant 3 : i32
    %shift_right_logical3A_443 = arith.shrui %squeeze3A_441, %shift_right_logical3A_442 : i32
    %mul3A_444 = arith.constant 8 : i32
    %mul3A_445 = arith.muli %shift_right_logical3A_443, %mul3A_444 : i32
    %multiple_of3A_446 = tpu.assume_multiple %mul3A_445, 8 : i32
    %dma_start3A_447 = arith.constant 0 : i32
    %dma_start3A_448 = arith.constant 56 : i32
    %dma_start3A_449 = arith.constant 0 : i32
    %dma_start3A_450 = tpu.memref_slice %arg11[%dma_start3A_447, %dma_start3A_448, %dma_start3A_449] : memref<2x128x64xf32, #tpu.memory_space<vmem>> -> memref<1x8x64xf32, #tpu.memory_space<vmem>>
    %dma_start3A_451 = tpu.memref_squeeze %dma_start3A_450 : memref<1x8x64xf32, #tpu.memory_space<vmem>> -> memref<8x64xf32, #tpu.memory_space<vmem>>
    %dma_start3A_452 = arith.constant 0 : i32
    %dma_start3A_453 = tpu.memref_slice %arg5[%multiple_of3A_432, %dma_start3A_452] : memref<1000000x64xf32, #tpu.memory_space<hbm>> -> memref<8x64xf32, #tpu.memory_space<hbm>>
    %dma_start3A_454 = arith.constant 56 : i32
    %dma_start3A_455 = arith.constant 0 : i32
    %dma_start3A_456 = tpu.memref_slice %arg11[%dma_start3A_447, %dma_start3A_454, %dma_start3A_455] : memref<2x128x64xf32, #tpu.memory_space<vmem>> -> memref<1x8x64xf32, #tpu.memory_space<vmem>>
    %dma_start3A_457 = tpu.memref_squeeze %dma_start3A_456 : memref<1x8x64xf32, #tpu.memory_space<vmem>> -> memref<8x64xf32, #tpu.memory_space<vmem>>
    %dma_start3A_458 = arith.constant 0 : i32
    %dma_start3A_459 = tpu.memref_slice %arg5[%multiple_of3A_432, %dma_start3A_458] : memref<1000000x64xf32, #tpu.memory_space<hbm>> -> memref<8x64xf32, #tpu.memory_space<hbm>>
    tpu.enqueue_dma source(%dma_start3A_459 : memref<8x64xf32, #tpu.memory_space<hbm>>) target(%dma_start3A_457 : memref<8x64xf32, #tpu.memory_space<vmem>>) target_semaphore(%arg15 : memref<!tpu.dma_semaphore, #tpu.memory_space<semaphore_mem>>)
    %dma_start3A_460 = arith.constant 0 : i32
    %dma_start3A_461 = arith.constant 56 : i32
    %dma_start3A_462 = arith.constant 0 : i32
    %dma_start3A_463 = tpu.memref_slice %arg12[%dma_start3A_460, %dma_start3A_461, %dma_start3A_462] : memref<2x128x64xf32, #tpu.memory_space<vmem>> -> memref<1x8x64xf32, #tpu.memory_space<vmem>>
    %dma_start3A_464 = tpu.memref_squeeze %dma_start3A_463 : memref<1x8x64xf32, #tpu.memory_space<vmem>> -> memref<8x64xf32, #tpu.memory_space<vmem>>
    %dma_start3A_465 = arith.constant 0 : i32
    %dma_start3A_466 = tpu.memref_slice %arg5[%multiple_of3A_439, %dma_start3A_465] : memref<1000000x64xf32, #tpu.memory_space<hbm>> -> memref<8x64xf32, #tpu.memory_space<hbm>>
    %dma_start3A_467 = arith.constant 56 : i32
    %dma_start3A_468 = arith.constant 0 : i32
    %dma_start3A_469 = tpu.memref_slice %arg12[%dma_start3A_460, %dma_start3A_467, %dma_start3A_468] : memref<2x128x64xf32, #tpu.memory_space<vmem>> -> memref<1x8x64xf32, #tpu.memory_space<vmem>>
    %dma_start3A_470 = tpu.memref_squeeze %dma_start3A_469 : memref<1x8x64xf32, #tpu.memory_space<vmem>> -> memref<8x64xf32, #tpu.memory_space<vmem>>
    %dma_start3A_471 = arith.constant 0 : i32
    %dma_start3A_472 = tpu.memref_slice %arg5[%multiple_of3A_439, %dma_start3A_471] : memref<1000000x64xf32, #tpu.memory_space<hbm>> -> memref<8x64xf32, #tpu.memory_space<hbm>>
    tpu.enqueue_dma source(%dma_start3A_472 : memref<8x64xf32, #tpu.memory_space<hbm>>) target(%dma_start3A_470 : memref<8x64xf32, #tpu.memory_space<vmem>>) target_semaphore(%arg15 : memref<!tpu.dma_semaphore, #tpu.memory_space<semaphore_mem>>)
    %dma_start3A_473 = arith.constant 0 : i32
    %dma_start3A_474 = arith.constant 56 : i32
    %dma_start3A_475 = arith.constant 0 : i32
    %dma_start3A_476 = tpu.memref_slice %arg13[%dma_start3A_473, %dma_start3A_474, %dma_start3A_475] : memref<2x128x64xf32, #tpu.memory_space<vmem>> -> memref<1x8x64xf32, #tpu.memory_space<vmem>>
    %dma_start3A_477 = tpu.memref_squeeze %dma_start3A_476 : memref<1x8x64xf32, #tpu.memory_space<vmem>> -> memref<8x64xf32, #tpu.memory_space<vmem>>
    %dma_start3A_478 = arith.constant 0 : i32
    %dma_start3A_479 = tpu.memref_slice %arg6[%multiple_of3A_446, %dma_start3A_478] : memref<1000x64xf32, #tpu.memory_space<hbm>> -> memref<8x64xf32, #tpu.memory_space<hbm>>
    %dma_start3A_480 = arith.constant 56 : i32
    %dma_start3A_481 = arith.constant 0 : i32
    %dma_start3A_482 = tpu.memref_slice %arg13[%dma_start3A_473, %dma_start3A_480, %dma_start3A_481] : memref<2x128x64xf32, #tpu.memory_space<vmem>> -> memref<1x8x64xf32, #tpu.memory_space<vmem>>
    %dma_start3A_483 = tpu.memref_squeeze %dma_start3A_482 : memref<1x8x64xf32, #tpu.memory_space<vmem>> -> memref<8x64xf32, #tpu.memory_space<vmem>>
    %dma_start3A_484 = arith.constant 0 : i32
    %dma_start3A_485 = tpu.memref_slice %arg6[%multiple_of3A_446, %dma_start3A_484] : memref<1000x64xf32, #tpu.memory_space<hbm>> -> memref<8x64xf32, #tpu.memory_space<hbm>>
    tpu.enqueue_dma source(%dma_start3A_485 : memref<8x64xf32, #tpu.memory_space<hbm>>) target(%dma_start3A_483 : memref<8x64xf32, #tpu.memory_space<vmem>>) target_semaphore(%arg15 : memref<!tpu.dma_semaphore, #tpu.memory_space<semaphore_mem>>)
    %slice3A_486 = vector.extract_strided_slice %get3A_4 {offsets = [8], sizes = [1], strides = [1]} : vector<16xi32> to vector<1xi32>
    %squeeze3A_487 = vector.extract %slice3A_486[0] : i32 from vector<1xi32>
    %shift_right_logical3A_488 = arith.constant 3 : i32
    %shift_right_logical3A_489 = arith.shrui %squeeze3A_487, %shift_right_logical3A_488 : i32
    %mul3A_490 = arith.constant 8 : i32
    %mul3A_491 = arith.muli %shift_right_logical3A_489, %mul3A_490 : i32
    %multiple_of3A_492 = tpu.assume_multiple %mul3A_491, 8 : i32
    %slice3A_493 = vector.extract_strided_slice %get3A_7 {offsets = [8], sizes = [1], strides = [1]} : vector<16xi32> to vector<1xi32>
    %squeeze3A_494 = vector.extract %slice3A_493[0] : i32 from vector<1xi32>
    %shift_right_logical3A_495 = arith.constant 3 : i32
    %shift_right_logical3A_496 = arith.shrui %squeeze3A_494, %shift_right_logical3A_495 : i32
    %mul3A_497 = arith.constant 8 : i32
    %mul3A_498 = arith.muli %shift_right_logical3A_496, %mul3A_497 : i32
    %multiple_of3A_499 = tpu.assume_multiple %mul3A_498, 8 : i32
    %slice3A_500 = vector.extract_strided_slice %get3A_10 {offsets = [8], sizes = [1], strides = [1]} : vector<16xi32> to vector<1xi32>
    %squeeze3A_501 = vector.extract %slice3A_500[0] : i32 from vector<1xi32>
    %shift_right_logical3A_502 = arith.constant 3 : i32
    %shift_right_logical3A_503 = arith.shrui %squeeze3A_501, %shift_right_logical3A_502 : i32
    %mul3A_504 = arith.constant 8 : i32
    %mul3A_505 = arith.muli %shift_right_logical3A_503, %mul3A_504 : i32
    %multiple_of3A_506 = tpu.assume_multiple %mul3A_505, 8 : i32
    %dma_start3A_507 = arith.constant 0 : i32
    %dma_start3A_508 = arith.constant 64 : i32
    %dma_start3A_509 = arith.constant 0 : i32
    %dma_start3A_510 = tpu.memref_slice %arg11[%dma_start3A_507, %dma_start3A_508, %dma_start3A_509] : memref<2x128x64xf32, #tpu.memory_space<vmem>> -> memref<1x8x64xf32, #tpu.memory_space<vmem>>
    %dma_start3A_511 = tpu.memref_squeeze %dma_start3A_510 : memref<1x8x64xf32, #tpu.memory_space<vmem>> -> memref<8x64xf32, #tpu.memory_space<vmem>>
    %dma_start3A_512 = arith.constant 0 : i32
    %dma_start3A_513 = tpu.memref_slice %arg5[%multiple_of3A_492, %dma_start3A_512] : memref<1000000x64xf32, #tpu.memory_space<hbm>> -> memref<8x64xf32, #tpu.memory_space<hbm>>
    %dma_start3A_514 = arith.constant 64 : i32
    %dma_start3A_515 = arith.constant 0 : i32
    %dma_start3A_516 = tpu.memref_slice %arg11[%dma_start3A_507, %dma_start3A_514, %dma_start3A_515] : memref<2x128x64xf32, #tpu.memory_space<vmem>> -> memref<1x8x64xf32, #tpu.memory_space<vmem>>
    %dma_start3A_517 = tpu.memref_squeeze %dma_start3A_516 : memref<1x8x64xf32, #tpu.memory_space<vmem>> -> memref<8x64xf32, #tpu.memory_space<vmem>>
    %dma_start3A_518 = arith.constant 0 : i32
    %dma_start3A_519 = tpu.memref_slice %arg5[%multiple_of3A_492, %dma_start3A_518] : memref<1000000x64xf32, #tpu.memory_space<hbm>> -> memref<8x64xf32, #tpu.memory_space<hbm>>
    tpu.enqueue_dma source(%dma_start3A_519 : memref<8x64xf32, #tpu.memory_space<hbm>>) target(%dma_start3A_517 : memref<8x64xf32, #tpu.memory_space<vmem>>) target_semaphore(%arg15 : memref<!tpu.dma_semaphore, #tpu.memory_space<semaphore_mem>>)
    %dma_start3A_520 = arith.constant 0 : i32
    %dma_start3A_521 = arith.constant 64 : i32
    %dma_start3A_522 = arith.constant 0 : i32
    %dma_start3A_523 = tpu.memref_slice %arg12[%dma_start3A_520, %dma_start3A_521, %dma_start3A_522] : memref<2x128x64xf32, #tpu.memory_space<vmem>> -> memref<1x8x64xf32, #tpu.memory_space<vmem>>
    %dma_start3A_524 = tpu.memref_squeeze %dma_start3A_523 : memref<1x8x64xf32, #tpu.memory_space<vmem>> -> memref<8x64xf32, #tpu.memory_space<vmem>>
    %dma_start3A_525 = arith.constant 0 : i32
    %dma_start3A_526 = tpu.memref_slice %arg5[%multiple_of3A_499, %dma_start3A_525] : memref<1000000x64xf32, #tpu.memory_space<hbm>> -> memref<8x64xf32, #tpu.memory_space<hbm>>
    %dma_start3A_527 = arith.constant 64 : i32
    %dma_start3A_528 = arith.constant 0 : i32
    %dma_start3A_529 = tpu.memref_slice %arg12[%dma_start3A_520, %dma_start3A_527, %dma_start3A_528] : memref<2x128x64xf32, #tpu.memory_space<vmem>> -> memref<1x8x64xf32, #tpu.memory_space<vmem>>
    %dma_start3A_530 = tpu.memref_squeeze %dma_start3A_529 : memref<1x8x64xf32, #tpu.memory_space<vmem>> -> memref<8x64xf32, #tpu.memory_space<vmem>>
    %dma_start3A_531 = arith.constant 0 : i32
    %dma_start3A_532 = tpu.memref_slice %arg5[%multiple_of3A_499, %dma_start3A_531] : memref<1000000x64xf32, #tpu.memory_space<hbm>> -> memref<8x64xf32, #tpu.memory_space<hbm>>
    tpu.enqueue_dma source(%dma_start3A_532 : memref<8x64xf32, #tpu.memory_space<hbm>>) target(%dma_start3A_530 : memref<8x64xf32, #tpu.memory_space<vmem>>) target_semaphore(%arg15 : memref<!tpu.dma_semaphore, #tpu.memory_space<semaphore_mem>>)
    %dma_start3A_533 = arith.constant 0 : i32
    %dma_start3A_534 = arith.constant 64 : i32
    %dma_start3A_535 = arith.constant 0 : i32
    %dma_start3A_536 = tpu.memref_slice %arg13[%dma_start3A_533, %dma_start3A_534, %dma_start3A_535] : memref<2x128x64xf32, #tpu.memory_space<vmem>> -> memref<1x8x64xf32, #tpu.memory_space<vmem>>
    %dma_start3A_537 = tpu.memref_squeeze %dma_start3A_536 : memref<1x8x64xf32, #tpu.memory_space<vmem>> -> memref<8x64xf32, #tpu.memory_space<vmem>>
    %dma_start3A_538 = arith.constant 0 : i32
    %dma_start3A_539 = tpu.memref_slice %arg6[%multiple_of3A_506, %dma_start3A_538] : memref<1000x64xf32, #tpu.memory_space<hbm>> -> memref<8x64xf32, #tpu.memory_space<hbm>>
    %dma_start3A_540 = arith.constant 64 : i32
    %dma_start3A_541 = arith.constant 0 : i32
    %dma_start3A_542 = tpu.memref_slice %arg13[%dma_start3A_533, %dma_start3A_540, %dma_start3A_541] : memref<2x128x64xf32, #tpu.memory_space<vmem>> -> memref<1x8x64xf32, #tpu.memory_space<vmem>>
    %dma_start3A_543 = tpu.memref_squeeze %dma_start3A_542 : memref<1x8x64xf32, #tpu.memory_space<vmem>> -> memref<8x64xf32, #tpu.memory_space<vmem>>
    %dma_start3A_544 = arith.constant 0 : i32
    %dma_start3A_545 = tpu.memref_slice %arg6[%multiple_of3A_506, %dma_start3A_544] : memref<1000x64xf32, #tpu.memory_space<hbm>> -> memref<8x64xf32, #tpu.memory_space<hbm>>
    tpu.enqueue_dma source(%dma_start3A_545 : memref<8x64xf32, #tpu.memory_space<hbm>>) target(%dma_start3A_543 : memref<8x64xf32, #tpu.memory_space<vmem>>) target_semaphore(%arg15 : memref<!tpu.dma_semaphore, #tpu.memory_space<semaphore_mem>>)
    %slice3A_546 = vector.extract_strided_slice %get3A_4 {offsets = [9], sizes = [1], strides = [1]} : vector<16xi32> to vector<1xi32>
    %squeeze3A_547 = vector.extract %slice3A_546[0] : i32 from vector<1xi32>
    %shift_right_logical3A_548 = arith.constant 3 : i32
    %shift_right_logical3A_549 = arith.shrui %squeeze3A_547, %shift_right_logical3A_548 : i32
    %mul3A_550 = arith.constant 8 : i32
    %mul3A_551 = arith.muli %shift_right_logical3A_549, %mul3A_550 : i32
    %multiple_of3A_552 = tpu.assume_multiple %mul3A_551, 8 : i32
    %slice3A_553 = vector.extract_strided_slice %get3A_7 {offsets = [9], sizes = [1], strides = [1]} : vector<16xi32> to vector<1xi32>
    %squeeze3A_554 = vector.extract %slice3A_553[0] : i32 from vector<1xi32>
    %shift_right_logical3A_555 = arith.constant 3 : i32
    %shift_right_logical3A_556 = arith.shrui %squeeze3A_554, %shift_right_logical3A_555 : i32
    %mul3A_557 = arith.constant 8 : i32
    %mul3A_558 = arith.muli %shift_right_logical3A_556, %mul3A_557 : i32
    %multiple_of3A_559 = tpu.assume_multiple %mul3A_558, 8 : i32
    %slice3A_560 = vector.extract_strided_slice %get3A_10 {offsets = [9], sizes = [1], strides = [1]} : vector<16xi32> to vector<1xi32>
    %squeeze3A_561 = vector.extract %slice3A_560[0] : i32 from vector<1xi32>
    %shift_right_logical3A_562 = arith.constant 3 : i32
    %shift_right_logical3A_563 = arith.shrui %squeeze3A_561, %shift_right_logical3A_562 : i32
    %mul3A_564 = arith.constant 8 : i32
    %mul3A_565 = arith.muli %shift_right_logical3A_563, %mul3A_564 : i32
    %multiple_of3A_566 = tpu.assume_multiple %mul3A_565, 8 : i32
    %dma_start3A_567 = arith.constant 0 : i32
    %dma_start3A_568 = arith.constant 72 : i32
    %dma_start3A_569 = arith.constant 0 : i32
    %dma_start3A_570 = tpu.memref_slice %arg11[%dma_start3A_567, %dma_start3A_568, %dma_start3A_569] : memref<2x128x64xf32, #tpu.memory_space<vmem>> -> memref<1x8x64xf32, #tpu.memory_space<vmem>>
    %dma_start3A_571 = tpu.memref_squeeze %dma_start3A_570 : memref<1x8x64xf32, #tpu.memory_space<vmem>> -> memref<8x64xf32, #tpu.memory_space<vmem>>
    %dma_start3A_572 = arith.constant 0 : i32
    %dma_start3A_573 = tpu.memref_slice %arg5[%multiple_of3A_552, %dma_start3A_572] : memref<1000000x64xf32, #tpu.memory_space<hbm>> -> memref<8x64xf32, #tpu.memory_space<hbm>>
    %dma_start3A_574 = arith.constant 72 : i32
    %dma_start3A_575 = arith.constant 0 : i32
    %dma_start3A_576 = tpu.memref_slice %arg11[%dma_start3A_567, %dma_start3A_574, %dma_start3A_575] : memref<2x128x64xf32, #tpu.memory_space<vmem>> -> memref<1x8x64xf32, #tpu.memory_space<vmem>>
    %dma_start3A_577 = tpu.memref_squeeze %dma_start3A_576 : memref<1x8x64xf32, #tpu.memory_space<vmem>> -> memref<8x64xf32, #tpu.memory_space<vmem>>
    %dma_start3A_578 = arith.constant 0 : i32
    %dma_start3A_579 = tpu.memref_slice %arg5[%multiple_of3A_552, %dma_start3A_578] : memref<1000000x64xf32, #tpu.memory_space<hbm>> -> memref<8x64xf32, #tpu.memory_space<hbm>>
    tpu.enqueue_dma source(%dma_start3A_579 : memref<8x64xf32, #tpu.memory_space<hbm>>) target(%dma_start3A_577 : memref<8x64xf32, #tpu.memory_space<vmem>>) target_semaphore(%arg15 : memref<!tpu.dma_semaphore, #tpu.memory_space<semaphore_mem>>)
    %dma_start3A_580 = arith.constant 0 : i32
    %dma_start3A_581 = arith.constant 72 : i32
    %dma_start3A_582 = arith.constant 0 : i32
    %dma_start3A_583 = tpu.memref_slice %arg12[%dma_start3A_580, %dma_start3A_581, %dma_start3A_582] : memref<2x128x64xf32, #tpu.memory_space<vmem>> -> memref<1x8x64xf32, #tpu.memory_space<vmem>>
    %dma_start3A_584 = tpu.memref_squeeze %dma_start3A_583 : memref<1x8x64xf32, #tpu.memory_space<vmem>> -> memref<8x64xf32, #tpu.memory_space<vmem>>
    %dma_start3A_585 = arith.constant 0 : i32
    %dma_start3A_586 = tpu.memref_slice %arg5[%multiple_of3A_559, %dma_start3A_585] : memref<1000000x64xf32, #tpu.memory_space<hbm>> -> memref<8x64xf32, #tpu.memory_space<hbm>>
    %dma_start3A_587 = arith.constant 72 : i32
    %dma_start3A_588 = arith.constant 0 : i32
    %dma_start3A_589 = tpu.memref_slice %arg12[%dma_start3A_580, %dma_start3A_587, %dma_start3A_588] : memref<2x128x64xf32, #tpu.memory_space<vmem>> -> memref<1x8x64xf32, #tpu.memory_space<vmem>>
    %dma_start3A_590 = tpu.memref_squeeze %dma_start3A_589 : memref<1x8x64xf32, #tpu.memory_space<vmem>> -> memref<8x64xf32, #tpu.memory_space<vmem>>
    %dma_start3A_591 = arith.constant 0 : i32
    %dma_start3A_592 = tpu.memref_slice %arg5[%multiple_of3A_559, %dma_start3A_591] : memref<1000000x64xf32, #tpu.memory_space<hbm>> -> memref<8x64xf32, #tpu.memory_space<hbm>>
    tpu.enqueue_dma source(%dma_start3A_592 : memref<8x64xf32, #tpu.memory_space<hbm>>) target(%dma_start3A_590 : memref<8x64xf32, #tpu.memory_space<vmem>>) target_semaphore(%arg15 : memref<!tpu.dma_semaphore, #tpu.memory_space<semaphore_mem>>)
    %dma_start3A_593 = arith.constant 0 : i32
    %dma_start3A_594 = arith.constant 72 : i32
    %dma_start3A_595 = arith.constant 0 : i32
    %dma_start3A_596 = tpu.memref_slice %arg13[%dma_start3A_593, %dma_start3A_594, %dma_start3A_595] : memref<2x128x64xf32, #tpu.memory_space<vmem>> -> memref<1x8x64xf32, #tpu.memory_space<vmem>>
    %dma_start3A_597 = tpu.memref_squeeze %dma_start3A_596 : memref<1x8x64xf32, #tpu.memory_space<vmem>> -> memref<8x64xf32, #tpu.memory_space<vmem>>
    %dma_start3A_598 = arith.constant 0 : i32
    %dma_start3A_599 = tpu.memref_slice %arg6[%multiple_of3A_566, %dma_start3A_598] : memref<1000x64xf32, #tpu.memory_space<hbm>> -> memref<8x64xf32, #tpu.memory_space<hbm>>
    %dma_start3A_600 = arith.constant 72 : i32
    %dma_start3A_601 = arith.constant 0 : i32
    %dma_start3A_602 = tpu.memref_slice %arg13[%dma_start3A_593, %dma_start3A_600, %dma_start3A_601] : memref<2x128x64xf32, #tpu.memory_space<vmem>> -> memref<1x8x64xf32, #tpu.memory_space<vmem>>
    %dma_start3A_603 = tpu.memref_squeeze %dma_start3A_602 : memref<1x8x64xf32, #tpu.memory_space<vmem>> -> memref<8x64xf32, #tpu.memory_space<vmem>>
    %dma_start3A_604 = arith.constant 0 : i32
    %dma_start3A_605 = tpu.memref_slice %arg6[%multiple_of3A_566, %dma_start3A_604] : memref<1000x64xf32, #tpu.memory_space<hbm>> -> memref<8x64xf32, #tpu.memory_space<hbm>>
    tpu.enqueue_dma source(%dma_start3A_605 : memref<8x64xf32, #tpu.memory_space<hbm>>) target(%dma_start3A_603 : memref<8x64xf32, #tpu.memory_space<vmem>>) target_semaphore(%arg15 : memref<!tpu.dma_semaphore, #tpu.memory_space<semaphore_mem>>)
    %slice3A_606 = vector.extract_strided_slice %get3A_4 {offsets = [10], sizes = [1], strides = [1]} : vector<16xi32> to vector<1xi32>
    %squeeze3A_607 = vector.extract %slice3A_606[0] : i32 from vector<1xi32>
    %shift_right_logical3A_608 = arith.constant 3 : i32
    %shift_right_logical3A_609 = arith.shrui %squeeze3A_607, %shift_right_logical3A_608 : i32
    %mul3A_610 = arith.constant 8 : i32
    %mul3A_611 = arith.muli %shift_right_logical3A_609, %mul3A_610 : i32
    %multiple_of3A_612 = tpu.assume_multiple %mul3A_611, 8 : i32
    %slice3A_613 = vector.extract_strided_slice %get3A_7 {offsets = [10], sizes = [1], strides = [1]} : vector<16xi32> to vector<1xi32>
    %squeeze3A_614 = vector.extract %slice3A_613[0] : i32 from vector<1xi32>
    %shift_right_logical3A_615 = arith.constant 3 : i32
    %shift_right_logical3A_616 = arith.shrui %squeeze3A_614, %shift_right_logical3A_615 : i32
    %mul3A_617 = arith.constant 8 : i32
    %mul3A_618 = arith.muli %shift_right_logical3A_616, %mul3A_617 : i32
    %multiple_of3A_619 = tpu.assume_multiple %mul3A_618, 8 : i32
    %slice3A_620 = vector.extract_strided_slice %get3A_10 {offsets = [10], sizes = [1], strides = [1]} : vector<16xi32> to vector<1xi32>
    %squeeze3A_621 = vector.extract %slice3A_620[0] : i32 from vector<1xi32>
    %shift_right_logical3A_622 = arith.constant 3 : i32
    %shift_right_logical3A_623 = arith.shrui %squeeze3A_621, %shift_right_logical3A_622 : i32
    %mul3A_624 = arith.constant 8 : i32
    %mul3A_625 = arith.muli %shift_right_logical3A_623, %mul3A_624 : i32
    %multiple_of3A_626 = tpu.assume_multiple %mul3A_625, 8 : i32
    %dma_start3A_627 = arith.constant 0 : i32
    %dma_start3A_628 = arith.constant 80 : i32
    %dma_start3A_629 = arith.constant 0 : i32
    %dma_start3A_630 = tpu.memref_slice %arg11[%dma_start3A_627, %dma_start3A_628, %dma_start3A_629] : memref<2x128x64xf32, #tpu.memory_space<vmem>> -> memref<1x8x64xf32, #tpu.memory_space<vmem>>
    %dma_start3A_631 = tpu.memref_squeeze %dma_start3A_630 : memref<1x8x64xf32, #tpu.memory_space<vmem>> -> memref<8x64xf32, #tpu.memory_space<vmem>>
    %dma_start3A_632 = arith.constant 0 : i32
    %dma_start3A_633 = tpu.memref_slice %arg5[%multiple_of3A_612, %dma_start3A_632] : memref<1000000x64xf32, #tpu.memory_space<hbm>> -> memref<8x64xf32, #tpu.memory_space<hbm>>
    %dma_start3A_634 = arith.constant 80 : i32
    %dma_start3A_635 = arith.constant 0 : i32
    %dma_start3A_636 = tpu.memref_slice %arg11[%dma_start3A_627, %dma_start3A_634, %dma_start3A_635] : memref<2x128x64xf32, #tpu.memory_space<vmem>> -> memref<1x8x64xf32, #tpu.memory_space<vmem>>
    %dma_start3A_637 = tpu.memref_squeeze %dma_start3A_636 : memref<1x8x64xf32, #tpu.memory_space<vmem>> -> memref<8x64xf32, #tpu.memory_space<vmem>>
    %dma_start3A_638 = arith.constant 0 : i32
    %dma_start3A_639 = tpu.memref_slice %arg5[%multiple_of3A_612, %dma_start3A_638] : memref<1000000x64xf32, #tpu.memory_space<hbm>> -> memref<8x64xf32, #tpu.memory_space<hbm>>
    tpu.enqueue_dma source(%dma_start3A_639 : memref<8x64xf32, #tpu.memory_space<hbm>>) target(%dma_start3A_637 : memref<8x64xf32, #tpu.memory_space<vmem>>) target_semaphore(%arg15 : memref<!tpu.dma_semaphore, #tpu.memory_space<semaphore_mem>>)
    %dma_start3A_640 = arith.constant 0 : i32
    %dma_start3A_641 = arith.constant 80 : i32
    %dma_start3A_642 = arith.constant 0 : i32
    %dma_start3A_643 = tpu.memref_slice %arg12[%dma_start3A_640, %dma_start3A_641, %dma_start3A_642] : memref<2x128x64xf32, #tpu.memory_space<vmem>> -> memref<1x8x64xf32, #tpu.memory_space<vmem>>
    %dma_start3A_644 = tpu.memref_squeeze %dma_start3A_643 : memref<1x8x64xf32, #tpu.memory_space<vmem>> -> memref<8x64xf32, #tpu.memory_space<vmem>>
    %dma_start3A_645 = arith.constant 0 : i32
    %dma_start3A_646 = tpu.memref_slice %arg5[%multiple_of3A_619, %dma_start3A_645] : memref<1000000x64xf32, #tpu.memory_space<hbm>> -> memref<8x64xf32, #tpu.memory_space<hbm>>
    %dma_start3A_647 = arith.constant 80 : i32
    %dma_start3A_648 = arith.constant 0 : i32
    %dma_start3A_649 = tpu.memref_slice %arg12[%dma_start3A_640, %dma_start3A_647, %dma_start3A_648] : memref<2x128x64xf32, #tpu.memory_space<vmem>> -> memref<1x8x64xf32, #tpu.memory_space<vmem>>
    %dma_start3A_650 = tpu.memref_squeeze %dma_start3A_649 : memref<1x8x64xf32, #tpu.memory_space<vmem>> -> memref<8x64xf32, #tpu.memory_space<vmem>>
    %dma_start3A_651 = arith.constant 0 : i32
    %dma_start3A_652 = tpu.memref_slice %arg5[%multiple_of3A_619, %dma_start3A_651] : memref<1000000x64xf32, #tpu.memory_space<hbm>> -> memref<8x64xf32, #tpu.memory_space<hbm>>
    tpu.enqueue_dma source(%dma_start3A_652 : memref<8x64xf32, #tpu.memory_space<hbm>>) target(%dma_start3A_650 : memref<8x64xf32, #tpu.memory_space<vmem>>) target_semaphore(%arg15 : memref<!tpu.dma_semaphore, #tpu.memory_space<semaphore_mem>>)
    %dma_start3A_653 = arith.constant 0 : i32
    %dma_start3A_654 = arith.constant 80 : i32
    %dma_start3A_655 = arith.constant 0 : i32
    %dma_start3A_656 = tpu.memref_slice %arg13[%dma_start3A_653, %dma_start3A_654, %dma_start3A_655] : memref<2x128x64xf32, #tpu.memory_space<vmem>> -> memref<1x8x64xf32, #tpu.memory_space<vmem>>
    %dma_start3A_657 = tpu.memref_squeeze %dma_start3A_656 : memref<1x8x64xf32, #tpu.memory_space<vmem>> -> memref<8x64xf32, #tpu.memory_space<vmem>>
    %dma_start3A_658 = arith.constant 0 : i32
    %dma_start3A_659 = tpu.memref_slice %arg6[%multiple_of3A_626, %dma_start3A_658] : memref<1000x64xf32, #tpu.memory_space<hbm>> -> memref<8x64xf32, #tpu.memory_space<hbm>>
    %dma_start3A_660 = arith.constant 80 : i32
    %dma_start3A_661 = arith.constant 0 : i32
    %dma_start3A_662 = tpu.memref_slice %arg13[%dma_start3A_653, %dma_start3A_660, %dma_start3A_661] : memref<2x128x64xf32, #tpu.memory_space<vmem>> -> memref<1x8x64xf32, #tpu.memory_space<vmem>>
    %dma_start3A_663 = tpu.memref_squeeze %dma_start3A_662 : memref<1x8x64xf32, #tpu.memory_space<vmem>> -> memref<8x64xf32, #tpu.memory_space<vmem>>
    %dma_start3A_664 = arith.constant 0 : i32
    %dma_start3A_665 = tpu.memref_slice %arg6[%multiple_of3A_626, %dma_start3A_664] : memref<1000x64xf32, #tpu.memory_space<hbm>> -> memref<8x64xf32, #tpu.memory_space<hbm>>
    tpu.enqueue_dma source(%dma_start3A_665 : memref<8x64xf32, #tpu.memory_space<hbm>>) target(%dma_start3A_663 : memref<8x64xf32, #tpu.memory_space<vmem>>) target_semaphore(%arg15 : memref<!tpu.dma_semaphore, #tpu.memory_space<semaphore_mem>>)
    %slice3A_666 = vector.extract_strided_slice %get3A_4 {offsets = [11], sizes = [1], strides = [1]} : vector<16xi32> to vector<1xi32>
    %squeeze3A_667 = vector.extract %slice3A_666[0] : i32 from vector<1xi32>
    %shift_right_logical3A_668 = arith.constant 3 : i32
    %shift_right_logical3A_669 = arith.shrui %squeeze3A_667, %shift_right_logical3A_668 : i32
    %mul3A_670 = arith.constant 8 : i32
    %mul3A_671 = arith.muli %shift_right_logical3A_669, %mul3A_670 : i32
    %multiple_of3A_672 = tpu.assume_multiple %mul3A_671, 8 : i32
    %slice3A_673 = vector.extract_strided_slice %get3A_7 {offsets = [11], sizes = [1], strides = [1]} : vector<16xi32> to vector<1xi32>
    %squeeze3A_674 = vector.extract %slice3A_673[0] : i32 from vector<1xi32>
    %shift_right_logical3A_675 = arith.constant 3 : i32
    %shift_right_logical3A_676 = arith.shrui %squeeze3A_674, %shift_right_logical3A_675 : i32
    %mul3A_677 = arith.constant 8 : i32
    %mul3A_678 = arith.muli %shift_right_logical3A_676, %mul3A_677 : i32
    %multiple_of3A_679 = tpu.assume_multiple %mul3A_678, 8 : i32
    %slice3A_680 = vector.extract_strided_slice %get3A_10 {offsets = [11], sizes = [1], strides = [1]} : vector<16xi32> to vector<1xi32>
    %squeeze3A_681 = vector.extract %slice3A_680[0] : i32 from vector<1xi32>
    %shift_right_logical3A_682 = arith.constant 3 : i32
    %shift_right_logical3A_683 = arith.shrui %squeeze3A_681, %shift_right_logical3A_682 : i32
    %mul3A_684 = arith.constant 8 : i32
    %mul3A_685 = arith.muli %shift_right_logical3A_683, %mul3A_684 : i32
    %multiple_of3A_686 = tpu.assume_multiple %mul3A_685, 8 : i32
    %dma_start3A_687 = arith.constant 0 : i32
    %dma_start3A_688 = arith.constant 88 : i32
    %dma_start3A_689 = arith.constant 0 : i32
    %dma_start3A_690 = tpu.memref_slice %arg11[%dma_start3A_687, %dma_start3A_688, %dma_start3A_689] : memref<2x128x64xf32, #tpu.memory_space<vmem>> -> memref<1x8x64xf32, #tpu.memory_space<vmem>>
    %dma_start3A_691 = tpu.memref_squeeze %dma_start3A_690 : memref<1x8x64xf32, #tpu.memory_space<vmem>> -> memref<8x64xf32, #tpu.memory_space<vmem>>
    %dma_start3A_692 = arith.constant 0 : i32
    %dma_start3A_693 = tpu.memref_slice %arg5[%multiple_of3A_672, %dma_start3A_692] : memref<1000000x64xf32, #tpu.memory_space<hbm>> -> memref<8x64xf32, #tpu.memory_space<hbm>>
    %dma_start3A_694 = arith.constant 88 : i32
    %dma_start3A_695 = arith.constant 0 : i32
    %dma_start3A_696 = tpu.memref_slice %arg11[%dma_start3A_687, %dma_start3A_694, %dma_start3A_695] : memref<2x128x64xf32, #tpu.memory_space<vmem>> -> memref<1x8x64xf32, #tpu.memory_space<vmem>>
    %dma_start3A_697 = tpu.memref_squeeze %dma_start3A_696 : memref<1x8x64xf32, #tpu.memory_space<vmem>> -> memref<8x64xf32, #tpu.memory_space<vmem>>
    %dma_start3A_698 = arith.constant 0 : i32
    %dma_start3A_699 = tpu.memref_slice %arg5[%multiple_of3A_672, %dma_start3A_698] : memref<1000000x64xf32, #tpu.memory_space<hbm>> -> memref<8x64xf32, #tpu.memory_space<hbm>>
    tpu.enqueue_dma source(%dma_start3A_699 : memref<8x64xf32, #tpu.memory_space<hbm>>) target(%dma_start3A_697 : memref<8x64xf32, #tpu.memory_space<vmem>>) target_semaphore(%arg15 : memref<!tpu.dma_semaphore, #tpu.memory_space<semaphore_mem>>)
    %dma_start3A_700 = arith.constant 0 : i32
    %dma_start3A_701 = arith.constant 88 : i32
    %dma_start3A_702 = arith.constant 0 : i32
    %dma_start3A_703 = tpu.memref_slice %arg12[%dma_start3A_700, %dma_start3A_701, %dma_start3A_702] : memref<2x128x64xf32, #tpu.memory_space<vmem>> -> memref<1x8x64xf32, #tpu.memory_space<vmem>>
    %dma_start3A_704 = tpu.memref_squeeze %dma_start3A_703 : memref<1x8x64xf32, #tpu.memory_space<vmem>> -> memref<8x64xf32, #tpu.memory_space<vmem>>
    %dma_start3A_705 = arith.constant 0 : i32
    %dma_start3A_706 = tpu.memref_slice %arg5[%multiple_of3A_679, %dma_start3A_705] : memref<1000000x64xf32, #tpu.memory_space<hbm>> -> memref<8x64xf32, #tpu.memory_space<hbm>>
    %dma_start3A_707 = arith.constant 88 : i32
    %dma_start3A_708 = arith.constant 0 : i32
    %dma_start3A_709 = tpu.memref_slice %arg12[%dma_start3A_700, %dma_start3A_707, %dma_start3A_708] : memref<2x128x64xf32, #tpu.memory_space<vmem>> -> memref<1x8x64xf32, #tpu.memory_space<vmem>>
    %dma_start3A_710 = tpu.memref_squeeze %dma_start3A_709 : memref<1x8x64xf32, #tpu.memory_space<vmem>> -> memref<8x64xf32, #tpu.memory_space<vmem>>
    %dma_start3A_711 = arith.constant 0 : i32
    %dma_start3A_712 = tpu.memref_slice %arg5[%multiple_of3A_679, %dma_start3A_711] : memref<1000000x64xf32, #tpu.memory_space<hbm>> -> memref<8x64xf32, #tpu.memory_space<hbm>>
    tpu.enqueue_dma source(%dma_start3A_712 : memref<8x64xf32, #tpu.memory_space<hbm>>) target(%dma_start3A_710 : memref<8x64xf32, #tpu.memory_space<vmem>>) target_semaphore(%arg15 : memref<!tpu.dma_semaphore, #tpu.memory_space<semaphore_mem>>)
    %dma_start3A_713 = arith.constant 0 : i32
    %dma_start3A_714 = arith.constant 88 : i32
    %dma_start3A_715 = arith.constant 0 : i32
    %dma_start3A_716 = tpu.memref_slice %arg13[%dma_start3A_713, %dma_start3A_714, %dma_start3A_715] : memref<2x128x64xf32, #tpu.memory_space<vmem>> -> memref<1x8x64xf32, #tpu.memory_space<vmem>>
    %dma_start3A_717 = tpu.memref_squeeze %dma_start3A_716 : memref<1x8x64xf32, #tpu.memory_space<vmem>> -> memref<8x64xf32, #tpu.memory_space<vmem>>
    %dma_start3A_718 = arith.constant 0 : i32
    %dma_start3A_719 = tpu.memref_slice %arg6[%multiple_of3A_686, %dma_start3A_718] : memref<1000x64xf32, #tpu.memory_space<hbm>> -> memref<8x64xf32, #tpu.memory_space<hbm>>
    %dma_start3A_720 = arith.constant 88 : i32
    %dma_start3A_721 = arith.constant 0 : i32
    %dma_start3A_722 = tpu.memref_slice %arg13[%dma_start3A_713, %dma_start3A_720, %dma_start3A_721] : memref<2x128x64xf32, #tpu.memory_space<vmem>> -> memref<1x8x64xf32, #tpu.memory_space<vmem>>
    %dma_start3A_723 = tpu.memref_squeeze %dma_start3A_722 : memref<1x8x64xf32, #tpu.memory_space<vmem>> -> memref<8x64xf32, #tpu.memory_space<vmem>>
    %dma_start3A_724 = arith.constant 0 : i32
    %dma_start3A_725 = tpu.memref_slice %arg6[%multiple_of3A_686, %dma_start3A_724] : memref<1000x64xf32, #tpu.memory_space<hbm>> -> memref<8x64xf32, #tpu.memory_space<hbm>>
    tpu.enqueue_dma source(%dma_start3A_725 : memref<8x64xf32, #tpu.memory_space<hbm>>) target(%dma_start3A_723 : memref<8x64xf32, #tpu.memory_space<vmem>>) target_semaphore(%arg15 : memref<!tpu.dma_semaphore, #tpu.memory_space<semaphore_mem>>)
    %slice3A_726 = vector.extract_strided_slice %get3A_4 {offsets = [12], sizes = [1], strides = [1]} : vector<16xi32> to vector<1xi32>
    %squeeze3A_727 = vector.extract %slice3A_726[0] : i32 from vector<1xi32>
    %shift_right_logical3A_728 = arith.constant 3 : i32
    %shift_right_logical3A_729 = arith.shrui %squeeze3A_727, %shift_right_logical3A_728 : i32
    %mul3A_730 = arith.constant 8 : i32
    %mul3A_731 = arith.muli %shift_right_logical3A_729, %mul3A_730 : i32
    %multiple_of3A_732 = tpu.assume_multiple %mul3A_731, 8 : i32
    %slice3A_733 = vector.extract_strided_slice %get3A_7 {offsets = [12], sizes = [1], strides = [1]} : vector<16xi32> to vector<1xi32>
    %squeeze3A_734 = vector.extract %slice3A_733[0] : i32 from vector<1xi32>
    %shift_right_logical3A_735 = arith.constant 3 : i32
    %shift_right_logical3A_736 = arith.shrui %squeeze3A_734, %shift_right_logical3A_735 : i32
    %mul3A_737 = arith.constant 8 : i32
    %mul3A_738 = arith.muli %shift_right_logical3A_736, %mul3A_737 : i32
    %multiple_of3A_739 = tpu.assume_multiple %mul3A_738, 8 : i32
    %slice3A_740 = vector.extract_strided_slice %get3A_10 {offsets = [12], sizes = [1], strides = [1]} : vector<16xi32> to vector<1xi32>
    %squeeze3A_741 = vector.extract %slice3A_740[0] : i32 from vector<1xi32>
    %shift_right_logical3A_742 = arith.constant 3 : i32
    %shift_right_logical3A_743 = arith.shrui %squeeze3A_741, %shift_right_logical3A_742 : i32
    %mul3A_744 = arith.constant 8 : i32
    %mul3A_745 = arith.muli %shift_right_logical3A_743, %mul3A_744 : i32
    %multiple_of3A_746 = tpu.assume_multiple %mul3A_745, 8 : i32
    %dma_start3A_747 = arith.constant 0 : i32
    %dma_start3A_748 = arith.constant 96 : i32
    %dma_start3A_749 = arith.constant 0 : i32
    %dma_start3A_750 = tpu.memref_slice %arg11[%dma_start3A_747, %dma_start3A_748, %dma_start3A_749] : memref<2x128x64xf32, #tpu.memory_space<vmem>> -> memref<1x8x64xf32, #tpu.memory_space<vmem>>
    %dma_start3A_751 = tpu.memref_squeeze %dma_start3A_750 : memref<1x8x64xf32, #tpu.memory_space<vmem>> -> memref<8x64xf32, #tpu.memory_space<vmem>>
    %dma_start3A_752 = arith.constant 0 : i32
    %dma_start3A_753 = tpu.memref_slice %arg5[%multiple_of3A_732, %dma_start3A_752] : memref<1000000x64xf32, #tpu.memory_space<hbm>> -> memref<8x64xf32, #tpu.memory_space<hbm>>
    %dma_start3A_754 = arith.constant 96 : i32
    %dma_start3A_755 = arith.constant 0 : i32
    %dma_start3A_756 = tpu.memref_slice %arg11[%dma_start3A_747, %dma_start3A_754, %dma_start3A_755] : memref<2x128x64xf32, #tpu.memory_space<vmem>> -> memref<1x8x64xf32, #tpu.memory_space<vmem>>
    %dma_start3A_757 = tpu.memref_squeeze %dma_start3A_756 : memref<1x8x64xf32, #tpu.memory_space<vmem>> -> memref<8x64xf32, #tpu.memory_space<vmem>>
    %dma_start3A_758 = arith.constant 0 : i32
    %dma_start3A_759 = tpu.memref_slice %arg5[%multiple_of3A_732, %dma_start3A_758] : memref<1000000x64xf32, #tpu.memory_space<hbm>> -> memref<8x64xf32, #tpu.memory_space<hbm>>
    tpu.enqueue_dma source(%dma_start3A_759 : memref<8x64xf32, #tpu.memory_space<hbm>>) target(%dma_start3A_757 : memref<8x64xf32, #tpu.memory_space<vmem>>) target_semaphore(%arg15 : memref<!tpu.dma_semaphore, #tpu.memory_space<semaphore_mem>>)
    %dma_start3A_760 = arith.constant 0 : i32
    %dma_start3A_761 = arith.constant 96 : i32
    %dma_start3A_762 = arith.constant 0 : i32
    %dma_start3A_763 = tpu.memref_slice %arg12[%dma_start3A_760, %dma_start3A_761, %dma_start3A_762] : memref<2x128x64xf32, #tpu.memory_space<vmem>> -> memref<1x8x64xf32, #tpu.memory_space<vmem>>
    %dma_start3A_764 = tpu.memref_squeeze %dma_start3A_763 : memref<1x8x64xf32, #tpu.memory_space<vmem>> -> memref<8x64xf32, #tpu.memory_space<vmem>>
    %dma_start3A_765 = arith.constant 0 : i32
    %dma_start3A_766 = tpu.memref_slice %arg5[%multiple_of3A_739, %dma_start3A_765] : memref<1000000x64xf32, #tpu.memory_space<hbm>> -> memref<8x64xf32, #tpu.memory_space<hbm>>
    %dma_start3A_767 = arith.constant 96 : i32
    %dma_start3A_768 = arith.constant 0 : i32
    %dma_start3A_769 = tpu.memref_slice %arg12[%dma_start3A_760, %dma_start3A_767, %dma_start3A_768] : memref<2x128x64xf32, #tpu.memory_space<vmem>> -> memref<1x8x64xf32, #tpu.memory_space<vmem>>
    %dma_start3A_770 = tpu.memref_squeeze %dma_start3A_769 : memref<1x8x64xf32, #tpu.memory_space<vmem>> -> memref<8x64xf32, #tpu.memory_space<vmem>>
    %dma_start3A_771 = arith.constant 0 : i32
    %dma_start3A_772 = tpu.memref_slice %arg5[%multiple_of3A_739, %dma_start3A_771] : memref<1000000x64xf32, #tpu.memory_space<hbm>> -> memref<8x64xf32, #tpu.memory_space<hbm>>
    tpu.enqueue_dma source(%dma_start3A_772 : memref<8x64xf32, #tpu.memory_space<hbm>>) target(%dma_start3A_770 : memref<8x64xf32, #tpu.memory_space<vmem>>) target_semaphore(%arg15 : memref<!tpu.dma_semaphore, #tpu.memory_space<semaphore_mem>>)
    %dma_start3A_773 = arith.constant 0 : i32
    %dma_start3A_774 = arith.constant 96 : i32
    %dma_start3A_775 = arith.constant 0 : i32
    %dma_start3A_776 = tpu.memref_slice %arg13[%dma_start3A_773, %dma_start3A_774, %dma_start3A_775] : memref<2x128x64xf32, #tpu.memory_space<vmem>> -> memref<1x8x64xf32, #tpu.memory_space<vmem>>
    %dma_start3A_777 = tpu.memref_squeeze %dma_start3A_776 : memref<1x8x64xf32, #tpu.memory_space<vmem>> -> memref<8x64xf32, #tpu.memory_space<vmem>>
    %dma_start3A_778 = arith.constant 0 : i32
    %dma_start3A_779 = tpu.memref_slice %arg6[%multiple_of3A_746, %dma_start3A_778] : memref<1000x64xf32, #tpu.memory_space<hbm>> -> memref<8x64xf32, #tpu.memory_space<hbm>>
    %dma_start3A_780 = arith.constant 96 : i32
    %dma_start3A_781 = arith.constant 0 : i32
    %dma_start3A_782 = tpu.memref_slice %arg13[%dma_start3A_773, %dma_start3A_780, %dma_start3A_781] : memref<2x128x64xf32, #tpu.memory_space<vmem>> -> memref<1x8x64xf32, #tpu.memory_space<vmem>>
    %dma_start3A_783 = tpu.memref_squeeze %dma_start3A_782 : memref<1x8x64xf32, #tpu.memory_space<vmem>> -> memref<8x64xf32, #tpu.memory_space<vmem>>
    %dma_start3A_784 = arith.constant 0 : i32
    %dma_start3A_785 = tpu.memref_slice %arg6[%multiple_of3A_746, %dma_start3A_784] : memref<1000x64xf32, #tpu.memory_space<hbm>> -> memref<8x64xf32, #tpu.memory_space<hbm>>
    tpu.enqueue_dma source(%dma_start3A_785 : memref<8x64xf32, #tpu.memory_space<hbm>>) target(%dma_start3A_783 : memref<8x64xf32, #tpu.memory_space<vmem>>) target_semaphore(%arg15 : memref<!tpu.dma_semaphore, #tpu.memory_space<semaphore_mem>>)
    %slice3A_786 = vector.extract_strided_slice %get3A_4 {offsets = [13], sizes = [1], strides = [1]} : vector<16xi32> to vector<1xi32>
    %squeeze3A_787 = vector.extract %slice3A_786[0] : i32 from vector<1xi32>
    %shift_right_logical3A_788 = arith.constant 3 : i32
    %shift_right_logical3A_789 = arith.shrui %squeeze3A_787, %shift_right_logical3A_788 : i32
    %mul3A_790 = arith.constant 8 : i32
    %mul3A_791 = arith.muli %shift_right_logical3A_789, %mul3A_790 : i32
    %multiple_of3A_792 = tpu.assume_multiple %mul3A_791, 8 : i32
    %slice3A_793 = vector.extract_strided_slice %get3A_7 {offsets = [13], sizes = [1], strides = [1]} : vector<16xi32> to vector<1xi32>
    %squeeze3A_794 = vector.extract %slice3A_793[0] : i32 from vector<1xi32>
    %shift_right_logical3A_795 = arith.constant 3 : i32
    %shift_right_logical3A_796 = arith.shrui %squeeze3A_794, %shift_right_logical3A_795 : i32
    %mul3A_797 = arith.constant 8 : i32
    %mul3A_798 = arith.muli %shift_right_logical3A_796, %mul3A_797 : i32
    %multiple_of3A_799 = tpu.assume_multiple %mul3A_798, 8 : i32
    %slice3A_800 = vector.extract_strided_slice %get3A_10 {offsets = [13], sizes = [1], strides = [1]} : vector<16xi32> to vector<1xi32>
    %squeeze3A_801 = vector.extract %slice3A_800[0] : i32 from vector<1xi32>
    %shift_right_logical3A_802 = arith.constant 3 : i32
    %shift_right_logical3A_803 = arith.shrui %squeeze3A_801, %shift_right_logical3A_802 : i32
    %mul3A_804 = arith.constant 8 : i32
    %mul3A_805 = arith.muli %shift_right_logical3A_803, %mul3A_804 : i32
    %multiple_of3A_806 = tpu.assume_multiple %mul3A_805, 8 : i32
    %dma_start3A_807 = arith.constant 0 : i32
    %dma_start3A_808 = arith.constant 104 : i32
    %dma_start3A_809 = arith.constant 0 : i32
    %dma_start3A_810 = tpu.memref_slice %arg11[%dma_start3A_807, %dma_start3A_808, %dma_start3A_809] : memref<2x128x64xf32, #tpu.memory_space<vmem>> -> memref<1x8x64xf32, #tpu.memory_space<vmem>>
    %dma_start3A_811 = tpu.memref_squeeze %dma_start3A_810 : memref<1x8x64xf32, #tpu.memory_space<vmem>> -> memref<8x64xf32, #tpu.memory_space<vmem>>
    %dma_start3A_812 = arith.constant 0 : i32
    %dma_start3A_813 = tpu.memref_slice %arg5[%multiple_of3A_792, %dma_start3A_812] : memref<1000000x64xf32, #tpu.memory_space<hbm>> -> memref<8x64xf32, #tpu.memory_space<hbm>>
    %dma_start3A_814 = arith.constant 104 : i32
    %dma_start3A_815 = arith.constant 0 : i32
    %dma_start3A_816 = tpu.memref_slice %arg11[%dma_start3A_807, %dma_start3A_814, %dma_start3A_815] : memref<2x128x64xf32, #tpu.memory_space<vmem>> -> memref<1x8x64xf32, #tpu.memory_space<vmem>>
    %dma_start3A_817 = tpu.memref_squeeze %dma_start3A_816 : memref<1x8x64xf32, #tpu.memory_space<vmem>> -> memref<8x64xf32, #tpu.memory_space<vmem>>
    %dma_start3A_818 = arith.constant 0 : i32
    %dma_start3A_819 = tpu.memref_slice %arg5[%multiple_of3A_792, %dma_start3A_818] : memref<1000000x64xf32, #tpu.memory_space<hbm>> -> memref<8x64xf32, #tpu.memory_space<hbm>>
    tpu.enqueue_dma source(%dma_start3A_819 : memref<8x64xf32, #tpu.memory_space<hbm>>) target(%dma_start3A_817 : memref<8x64xf32, #tpu.memory_space<vmem>>) target_semaphore(%arg15 : memref<!tpu.dma_semaphore, #tpu.memory_space<semaphore_mem>>)
    %dma_start3A_820 = arith.constant 0 : i32
    %dma_start3A_821 = arith.constant 104 : i32
    %dma_start3A_822 = arith.constant 0 : i32
    %dma_start3A_823 = tpu.memref_slice %arg12[%dma_start3A_820, %dma_start3A_821, %dma_start3A_822] : memref<2x128x64xf32, #tpu.memory_space<vmem>> -> memref<1x8x64xf32, #tpu.memory_space<vmem>>
    %dma_start3A_824 = tpu.memref_squeeze %dma_start3A_823 : memref<1x8x64xf32, #tpu.memory_space<vmem>> -> memref<8x64xf32, #tpu.memory_space<vmem>>
    %dma_start3A_825 = arith.constant 0 : i32
    %dma_start3A_826 = tpu.memref_slice %arg5[%multiple_of3A_799, %dma_start3A_825] : memref<1000000x64xf32, #tpu.memory_space<hbm>> -> memref<8x64xf32, #tpu.memory_space<hbm>>
    %dma_start3A_827 = arith.constant 104 : i32
    %dma_start3A_828 = arith.constant 0 : i32
    %dma_start3A_829 = tpu.memref_slice %arg12[%dma_start3A_820, %dma_start3A_827, %dma_start3A_828] : memref<2x128x64xf32, #tpu.memory_space<vmem>> -> memref<1x8x64xf32, #tpu.memory_space<vmem>>
    %dma_start3A_830 = tpu.memref_squeeze %dma_start3A_829 : memref<1x8x64xf32, #tpu.memory_space<vmem>> -> memref<8x64xf32, #tpu.memory_space<vmem>>
    %dma_start3A_831 = arith.constant 0 : i32
    %dma_start3A_832 = tpu.memref_slice %arg5[%multiple_of3A_799, %dma_start3A_831] : memref<1000000x64xf32, #tpu.memory_space<hbm>> -> memref<8x64xf32, #tpu.memory_space<hbm>>
    tpu.enqueue_dma source(%dma_start3A_832 : memref<8x64xf32, #tpu.memory_space<hbm>>) target(%dma_start3A_830 : memref<8x64xf32, #tpu.memory_space<vmem>>) target_semaphore(%arg15 : memref<!tpu.dma_semaphore, #tpu.memory_space<semaphore_mem>>)
    %dma_start3A_833 = arith.constant 0 : i32
    %dma_start3A_834 = arith.constant 104 : i32
    %dma_start3A_835 = arith.constant 0 : i32
    %dma_start3A_836 = tpu.memref_slice %arg13[%dma_start3A_833, %dma_start3A_834, %dma_start3A_835] : memref<2x128x64xf32, #tpu.memory_space<vmem>> -> memref<1x8x64xf32, #tpu.memory_space<vmem>>
    %dma_start3A_837 = tpu.memref_squeeze %dma_start3A_836 : memref<1x8x64xf32, #tpu.memory_space<vmem>> -> memref<8x64xf32, #tpu.memory_space<vmem>>
    %dma_start3A_838 = arith.constant 0 : i32
    %dma_start3A_839 = tpu.memref_slice %arg6[%multiple_of3A_806, %dma_start3A_838] : memref<1000x64xf32, #tpu.memory_space<hbm>> -> memref<8x64xf32, #tpu.memory_space<hbm>>
    %dma_start3A_840 = arith.constant 104 : i32
    %dma_start3A_841 = arith.constant 0 : i32
    %dma_start3A_842 = tpu.memref_slice %arg13[%dma_start3A_833, %dma_start3A_840, %dma_start3A_841] : memref<2x128x64xf32, #tpu.memory_space<vmem>> -> memref<1x8x64xf32, #tpu.memory_space<vmem>>
    %dma_start3A_843 = tpu.memref_squeeze %dma_start3A_842 : memref<1x8x64xf32, #tpu.memory_space<vmem>> -> memref<8x64xf32, #tpu.memory_space<vmem>>
    %dma_start3A_844 = arith.constant 0 : i32
    %dma_start3A_845 = tpu.memref_slice %arg6[%multiple_of3A_806, %dma_start3A_844] : memref<1000x64xf32, #tpu.memory_space<hbm>> -> memref<8x64xf32, #tpu.memory_space<hbm>>
    tpu.enqueue_dma source(%dma_start3A_845 : memref<8x64xf32, #tpu.memory_space<hbm>>) target(%dma_start3A_843 : memref<8x64xf32, #tpu.memory_space<vmem>>) target_semaphore(%arg15 : memref<!tpu.dma_semaphore, #tpu.memory_space<semaphore_mem>>)
    %slice3A_846 = vector.extract_strided_slice %get3A_4 {offsets = [14], sizes = [1], strides = [1]} : vector<16xi32> to vector<1xi32>
    %squeeze3A_847 = vector.extract %slice3A_846[0] : i32 from vector<1xi32>
    %shift_right_logical3A_848 = arith.constant 3 : i32
    %shift_right_logical3A_849 = arith.shrui %squeeze3A_847, %shift_right_logical3A_848 : i32
    %mul3A_850 = arith.constant 8 : i32
    %mul3A_851 = arith.muli %shift_right_logical3A_849, %mul3A_850 : i32
    %multiple_of3A_852 = tpu.assume_multiple %mul3A_851, 8 : i32
    %slice3A_853 = vector.extract_strided_slice %get3A_7 {offsets = [14], sizes = [1], strides = [1]} : vector<16xi32> to vector<1xi32>
    %squeeze3A_854 = vector.extract %slice3A_853[0] : i32 from vector<1xi32>
    %shift_right_logical3A_855 = arith.constant 3 : i32
    %shift_right_logical3A_856 = arith.shrui %squeeze3A_854, %shift_right_logical3A_855 : i32
    %mul3A_857 = arith.constant 8 : i32
    %mul3A_858 = arith.muli %shift_right_logical3A_856, %mul3A_857 : i32
    %multiple_of3A_859 = tpu.assume_multiple %mul3A_858, 8 : i32
    %slice3A_860 = vector.extract_strided_slice %get3A_10 {offsets = [14], sizes = [1], strides = [1]} : vector<16xi32> to vector<1xi32>
    %squeeze3A_861 = vector.extract %slice3A_860[0] : i32 from vector<1xi32>
    %shift_right_logical3A_862 = arith.constant 3 : i32
    %shift_right_logical3A_863 = arith.shrui %squeeze3A_861, %shift_right_logical3A_862 : i32
    %mul3A_864 = arith.constant 8 : i32
    %mul3A_865 = arith.muli %shift_right_logical3A_863, %mul3A_864 : i32
    %multiple_of3A_866 = tpu.assume_multiple %mul3A_865, 8 : i32
    %dma_start3A_867 = arith.constant 0 : i32
    %dma_start3A_868 = arith.constant 112 : i32
    %dma_start3A_869 = arith.constant 0 : i32
    %dma_start3A_870 = tpu.memref_slice %arg11[%dma_start3A_867, %dma_start3A_868, %dma_start3A_869] : memref<2x128x64xf32, #tpu.memory_space<vmem>> -> memref<1x8x64xf32, #tpu.memory_space<vmem>>
    %dma_start3A_871 = tpu.memref_squeeze %dma_start3A_870 : memref<1x8x64xf32, #tpu.memory_space<vmem>> -> memref<8x64xf32, #tpu.memory_space<vmem>>
    %dma_start3A_872 = arith.constant 0 : i32
    %dma_start3A_873 = tpu.memref_slice %arg5[%multiple_of3A_852, %dma_start3A_872] : memref<1000000x64xf32, #tpu.memory_space<hbm>> -> memref<8x64xf32, #tpu.memory_space<hbm>>
    %dma_start3A_874 = arith.constant 112 : i32
    %dma_start3A_875 = arith.constant 0 : i32
    %dma_start3A_876 = tpu.memref_slice %arg11[%dma_start3A_867, %dma_start3A_874, %dma_start3A_875] : memref<2x128x64xf32, #tpu.memory_space<vmem>> -> memref<1x8x64xf32, #tpu.memory_space<vmem>>
    %dma_start3A_877 = tpu.memref_squeeze %dma_start3A_876 : memref<1x8x64xf32, #tpu.memory_space<vmem>> -> memref<8x64xf32, #tpu.memory_space<vmem>>
    %dma_start3A_878 = arith.constant 0 : i32
    %dma_start3A_879 = tpu.memref_slice %arg5[%multiple_of3A_852, %dma_start3A_878] : memref<1000000x64xf32, #tpu.memory_space<hbm>> -> memref<8x64xf32, #tpu.memory_space<hbm>>
    tpu.enqueue_dma source(%dma_start3A_879 : memref<8x64xf32, #tpu.memory_space<hbm>>) target(%dma_start3A_877 : memref<8x64xf32, #tpu.memory_space<vmem>>) target_semaphore(%arg15 : memref<!tpu.dma_semaphore, #tpu.memory_space<semaphore_mem>>)
    %dma_start3A_880 = arith.constant 0 : i32
    %dma_start3A_881 = arith.constant 112 : i32
    %dma_start3A_882 = arith.constant 0 : i32
    %dma_start3A_883 = tpu.memref_slice %arg12[%dma_start3A_880, %dma_start3A_881, %dma_start3A_882] : memref<2x128x64xf32, #tpu.memory_space<vmem>> -> memref<1x8x64xf32, #tpu.memory_space<vmem>>
    %dma_start3A_884 = tpu.memref_squeeze %dma_start3A_883 : memref<1x8x64xf32, #tpu.memory_space<vmem>> -> memref<8x64xf32, #tpu.memory_space<vmem>>
    %dma_start3A_885 = arith.constant 0 : i32
    %dma_start3A_886 = tpu.memref_slice %arg5[%multiple_of3A_859, %dma_start3A_885] : memref<1000000x64xf32, #tpu.memory_space<hbm>> -> memref<8x64xf32, #tpu.memory_space<hbm>>
    %dma_start3A_887 = arith.constant 112 : i32
    %dma_start3A_888 = arith.constant 0 : i32
    %dma_start3A_889 = tpu.memref_slice %arg12[%dma_start3A_880, %dma_start3A_887, %dma_start3A_888] : memref<2x128x64xf32, #tpu.memory_space<vmem>> -> memref<1x8x64xf32, #tpu.memory_space<vmem>>
    %dma_start3A_890 = tpu.memref_squeeze %dma_start3A_889 : memref<1x8x64xf32, #tpu.memory_space<vmem>> -> memref<8x64xf32, #tpu.memory_space<vmem>>
    %dma_start3A_891 = arith.constant 0 : i32
    %dma_start3A_892 = tpu.memref_slice %arg5[%multiple_of3A_859, %dma_start3A_891] : memref<1000000x64xf32, #tpu.memory_space<hbm>> -> memref<8x64xf32, #tpu.memory_space<hbm>>
    tpu.enqueue_dma source(%dma_start3A_892 : memref<8x64xf32, #tpu.memory_space<hbm>>) target(%dma_start3A_890 : memref<8x64xf32, #tpu.memory_space<vmem>>) target_semaphore(%arg15 : memref<!tpu.dma_semaphore, #tpu.memory_space<semaphore_mem>>)
    %dma_start3A_893 = arith.constant 0 : i32
    %dma_start3A_894 = arith.constant 112 : i32
    %dma_start3A_895 = arith.constant 0 : i32
    %dma_start3A_896 = tpu.memref_slice %arg13[%dma_start3A_893, %dma_start3A_894, %dma_start3A_895] : memref<2x128x64xf32, #tpu.memory_space<vmem>> -> memref<1x8x64xf32, #tpu.memory_space<vmem>>
    %dma_start3A_897 = tpu.memref_squeeze %dma_start3A_896 : memref<1x8x64xf32, #tpu.memory_space<vmem>> -> memref<8x64xf32, #tpu.memory_space<vmem>>
    %dma_start3A_898 = arith.constant 0 : i32
    %dma_start3A_899 = tpu.memref_slice %arg6[%multiple_of3A_866, %dma_start3A_898] : memref<1000x64xf32, #tpu.memory_space<hbm>> -> memref<8x64xf32, #tpu.memory_space<hbm>>
    %dma_start3A_900 = arith.constant 112 : i32
    %dma_start3A_901 = arith.constant 0 : i32
    %dma_start3A_902 = tpu.memref_slice %arg13[%dma_start3A_893, %dma_start3A_900, %dma_start3A_901] : memref<2x128x64xf32, #tpu.memory_space<vmem>> -> memref<1x8x64xf32, #tpu.memory_space<vmem>>
    %dma_start3A_903 = tpu.memref_squeeze %dma_start3A_902 : memref<1x8x64xf32, #tpu.memory_space<vmem>> -> memref<8x64xf32, #tpu.memory_space<vmem>>
    %dma_start3A_904 = arith.constant 0 : i32
    %dma_start3A_905 = tpu.memref_slice %arg6[%multiple_of3A_866, %dma_start3A_904] : memref<1000x64xf32, #tpu.memory_space<hbm>> -> memref<8x64xf32, #tpu.memory_space<hbm>>
    tpu.enqueue_dma source(%dma_start3A_905 : memref<8x64xf32, #tpu.memory_space<hbm>>) target(%dma_start3A_903 : memref<8x64xf32, #tpu.memory_space<vmem>>) target_semaphore(%arg15 : memref<!tpu.dma_semaphore, #tpu.memory_space<semaphore_mem>>)
    %slice3A_906 = vector.extract_strided_slice %get3A_4 {offsets = [15], sizes = [1], strides = [1]} : vector<16xi32> to vector<1xi32>
    %squeeze3A_907 = vector.extract %slice3A_906[0] : i32 from vector<1xi32>
    %shift_right_logical3A_908 = arith.constant 3 : i32
    %shift_right_logical3A_909 = arith.shrui %squeeze3A_907, %shift_right_logical3A_908 : i32
    %mul3A_910 = arith.constant 8 : i32
    %mul3A_911 = arith.muli %shift_right_logical3A_909, %mul3A_910 : i32
    %multiple_of3A_912 = tpu.assume_multiple %mul3A_911, 8 : i32
    %slice3A_913 = vector.extract_strided_slice %get3A_7 {offsets = [15], sizes = [1], strides = [1]} : vector<16xi32> to vector<1xi32>
    %squeeze3A_914 = vector.extract %slice3A_913[0] : i32 from vector<1xi32>
    %shift_right_logical3A_915 = arith.constant 3 : i32
    %shift_right_logical3A_916 = arith.shrui %squeeze3A_914, %shift_right_logical3A_915 : i32
    %mul3A_917 = arith.constant 8 : i32
    %mul3A_918 = arith.muli %shift_right_logical3A_916, %mul3A_917 : i32
    %multiple_of3A_919 = tpu.assume_multiple %mul3A_918, 8 : i32
    %slice3A_920 = vector.extract_strided_slice %get3A_10 {offsets = [15], sizes = [1], strides = [1]} : vector<16xi32> to vector<1xi32>
    %squeeze3A_921 = vector.extract %slice3A_920[0] : i32 from vector<1xi32>
    %shift_right_logical3A_922 = arith.constant 3 : i32
    %shift_right_logical3A_923 = arith.shrui %squeeze3A_921, %shift_right_logical3A_922 : i32
    %mul3A_924 = arith.constant 8 : i32
    %mul3A_925 = arith.muli %shift_right_logical3A_923, %mul3A_924 : i32
    %multiple_of3A_926 = tpu.assume_multiple %mul3A_925, 8 : i32
    %dma_start3A_927 = arith.constant 0 : i32
    %dma_start3A_928 = arith.constant 120 : i32
    %dma_start3A_929 = arith.constant 0 : i32
    %dma_start3A_930 = tpu.memref_slice %arg11[%dma_start3A_927, %dma_start3A_928, %dma_start3A_929] : memref<2x128x64xf32, #tpu.memory_space<vmem>> -> memref<1x8x64xf32, #tpu.memory_space<vmem>>
    %dma_start3A_931 = tpu.memref_squeeze %dma_start3A_930 : memref<1x8x64xf32, #tpu.memory_space<vmem>> -> memref<8x64xf32, #tpu.memory_space<vmem>>
    %dma_start3A_932 = arith.constant 0 : i32
    %dma_start3A_933 = tpu.memref_slice %arg5[%multiple_of3A_912, %dma_start3A_932] : memref<1000000x64xf32, #tpu.memory_space<hbm>> -> memref<8x64xf32, #tpu.memory_space<hbm>>
    %dma_start3A_934 = arith.constant 120 : i32
    %dma_start3A_935 = arith.constant 0 : i32
    %dma_start3A_936 = tpu.memref_slice %arg11[%dma_start3A_927, %dma_start3A_934, %dma_start3A_935] : memref<2x128x64xf32, #tpu.memory_space<vmem>> -> memref<1x8x64xf32, #tpu.memory_space<vmem>>
    %dma_start3A_937 = tpu.memref_squeeze %dma_start3A_936 : memref<1x8x64xf32, #tpu.memory_space<vmem>> -> memref<8x64xf32, #tpu.memory_space<vmem>>
    %dma_start3A_938 = arith.constant 0 : i32
    %dma_start3A_939 = tpu.memref_slice %arg5[%multiple_of3A_912, %dma_start3A_938] : memref<1000000x64xf32, #tpu.memory_space<hbm>> -> memref<8x64xf32, #tpu.memory_space<hbm>>
    tpu.enqueue_dma source(%dma_start3A_939 : memref<8x64xf32, #tpu.memory_space<hbm>>) target(%dma_start3A_937 : memref<8x64xf32, #tpu.memory_space<vmem>>) target_semaphore(%arg15 : memref<!tpu.dma_semaphore, #tpu.memory_space<semaphore_mem>>)
    %dma_start3A_940 = arith.constant 0 : i32
    %dma_start3A_941 = arith.constant 120 : i32
    %dma_start3A_942 = arith.constant 0 : i32
    %dma_start3A_943 = tpu.memref_slice %arg12[%dma_start3A_940, %dma_start3A_941, %dma_start3A_942] : memref<2x128x64xf32, #tpu.memory_space<vmem>> -> memref<1x8x64xf32, #tpu.memory_space<vmem>>
    %dma_start3A_944 = tpu.memref_squeeze %dma_start3A_943 : memref<1x8x64xf32, #tpu.memory_space<vmem>> -> memref<8x64xf32, #tpu.memory_space<vmem>>
    %dma_start3A_945 = arith.constant 0 : i32
    %dma_start3A_946 = tpu.memref_slice %arg5[%multiple_of3A_919, %dma_start3A_945] : memref<1000000x64xf32, #tpu.memory_space<hbm>> -> memref<8x64xf32, #tpu.memory_space<hbm>>
    %dma_start3A_947 = arith.constant 120 : i32
    %dma_start3A_948 = arith.constant 0 : i32
    %dma_start3A_949 = tpu.memref_slice %arg12[%dma_start3A_940, %dma_start3A_947, %dma_start3A_948] : memref<2x128x64xf32, #tpu.memory_space<vmem>> -> memref<1x8x64xf32, #tpu.memory_space<vmem>>
    %dma_start3A_950 = tpu.memref_squeeze %dma_start3A_949 : memref<1x8x64xf32, #tpu.memory_space<vmem>> -> memref<8x64xf32, #tpu.memory_space<vmem>>
    %dma_start3A_951 = arith.constant 0 : i32
    %dma_start3A_952 = tpu.memref_slice %arg5[%multiple_of3A_919, %dma_start3A_951] : memref<1000000x64xf32, #tpu.memory_space<hbm>> -> memref<8x64xf32, #tpu.memory_space<hbm>>
    tpu.enqueue_dma source(%dma_start3A_952 : memref<8x64xf32, #tpu.memory_space<hbm>>) target(%dma_start3A_950 : memref<8x64xf32, #tpu.memory_space<vmem>>) target_semaphore(%arg15 : memref<!tpu.dma_semaphore, #tpu.memory_space<semaphore_mem>>)
    %dma_start3A_953 = arith.constant 0 : i32
    %dma_start3A_954 = arith.constant 120 : i32
    %dma_start3A_955 = arith.constant 0 : i32
    %dma_start3A_956 = tpu.memref_slice %arg13[%dma_start3A_953, %dma_start3A_954, %dma_start3A_955] : memref<2x128x64xf32, #tpu.memory_space<vmem>> -> memref<1x8x64xf32, #tpu.memory_space<vmem>>
    %dma_start3A_957 = tpu.memref_squeeze %dma_start3A_956 : memref<1x8x64xf32, #tpu.memory_space<vmem>> -> memref<8x64xf32, #tpu.memory_space<vmem>>
    %dma_start3A_958 = arith.constant 0 : i32
    %dma_start3A_959 = tpu.memref_slice %arg6[%multiple_of3A_926, %dma_start3A_958] : memref<1000x64xf32, #tpu.memory_space<hbm>> -> memref<8x64xf32, #tpu.memory_space<hbm>>
    %dma_start3A_960 = arith.constant 120 : i32
    %dma_start3A_961 = arith.constant 0 : i32
    %dma_start3A_962 = tpu.memref_slice %arg13[%dma_start3A_953, %dma_start3A_960, %dma_start3A_961] : memref<2x128x64xf32, #tpu.memory_space<vmem>> -> memref<1x8x64xf32, #tpu.memory_space<vmem>>
    %dma_start3A_963 = tpu.memref_squeeze %dma_start3A_962 : memref<1x8x64xf32, #tpu.memory_space<vmem>> -> memref<8x64xf32, #tpu.memory_space<vmem>>
    %dma_start3A_964 = arith.constant 0 : i32
    %dma_start3A_965 = tpu.memref_slice %arg6[%multiple_of3A_926, %dma_start3A_964] : memref<1000x64xf32, #tpu.memory_space<hbm>> -> memref<8x64xf32, #tpu.memory_space<hbm>>
    tpu.enqueue_dma source(%dma_start3A_965 : memref<8x64xf32, #tpu.memory_space<hbm>>) target(%dma_start3A_963 : memref<8x64xf32, #tpu.memory_space<vmem>>) target_semaphore(%arg15 : memref<!tpu.dma_semaphore, #tpu.memory_space<semaphore_mem>>)
    %scan3A = arith.constant 0 : i32
    %scan3A_966 = arith.constant 0 : i32
    %scan3A_967 = arith.constant 32 : i32
    %scan3A_968 = arith.addi %scan3A_966, %scan3A_967 : i32
    %scan3A_969 = arith.constant 1 : i32
    scf.for %scan3A_973 = %scan3A_966 to %scan3A_968 step %scan3A_969  : i32 {
      %and3A = arith.constant 1 : i32
      %and3A_974 = arith.andi %scan3A_973, %and3A : i32
      %add3A_975 = arith.constant 1 : i32
      %add3A_976 = arith.addi %scan3A_973, %add3A_975 : i32
      %lt3A = arith.constant 32 : i32
      %lt3A_977 = arith.cmpi slt, %add3A_976, %lt3A : i32
      %convert_element_type3A = arith.extui %lt3A_977 : i1 to i32
      %cond3A = arith.constant 0 : i32
      %cond3A_978 = arith.cmpi ne, %convert_element_type3A, %cond3A : i32
      scf.if %cond3A_978 {
        %add3A_3576 = arith.constant 1 : i32
        %add3A_3577 = arith.addi %scan3A_973, %add3A_3576 : i32
        %xor3A_3578 = arith.constant 1 : i32
        %xor3A_3579 = arith.xori %and3A_974, %xor3A_3578 : i32
        %mul3A_3580 = arith.constant 16 : i32
        %mul3A_3581 = arith.muli %add3A_3577, %mul3A_3580 : i32
        %get3A_3582 = arith.index_cast %mul3A_3581 : i32 to index
        %get3A_3583 = tpu.vector_load %arg8[%get3A_3582] {strides = array<i32>} : memref<512xi32, #tpu.memory_space<vmem>>, vector<16xi32>,
        %get3A_3584 = vector.shape_cast %get3A_3583 : vector<16xi32> to vector<16xi32>
        %mul3A_3585 = arith.constant 16 : i32
        %mul3A_3586 = arith.muli %add3A_3577, %mul3A_3585 : i32
        %get3A_3587 = arith.index_cast %mul3A_3586 : i32 to index
        %get3A_3588 = tpu.vector_load %arg10[%get3A_3587] {strides = array<i32>} : memref<512xi32, #tpu.memory_space<vmem>>, vector<16xi32>,
        %get3A_3589 = vector.shape_cast %get3A_3588 : vector<16xi32> to vector<16xi32>
        %mul3A_3590 = arith.constant 16 : i32
        %mul3A_3591 = arith.muli %add3A_3577, %mul3A_3590 : i32
        %get3A_3592 = arith.index_cast %mul3A_3591 : i32 to index
        %get3A_3593 = tpu.vector_load %arg9[%get3A_3592] {strides = array<i32>} : memref<512xi32, #tpu.memory_space<vmem>>, vector<16xi32>,
        %get3A_3594 = vector.shape_cast %get3A_3593 : vector<16xi32> to vector<16xi32>
        %slice3A_3595 = vector.extract_strided_slice %get3A_3584 {offsets = [0], sizes = [1], strides = [1]} : vector<16xi32> to vector<1xi32>
        %squeeze3A_3596 = vector.extract %slice3A_3595[0] : i32 from vector<1xi32>
        %shift_right_logical3A_3597 = arith.constant 3 : i32
        %shift_right_logical3A_3598 = arith.shrui %squeeze3A_3596, %shift_right_logical3A_3597 : i32
        %mul3A_3599 = arith.constant 8 : i32
        %mul3A_3600 = arith.muli %shift_right_logical3A_3598, %mul3A_3599 : i32
        %multiple_of3A_3601 = tpu.assume_multiple %mul3A_3600, 8 : i32
        %slice3A_3602 = vector.extract_strided_slice %get3A_3589 {offsets = [0], sizes = [1], strides = [1]} : vector<16xi32> to vector<1xi32>
        %squeeze3A_3603 = vector.extract %slice3A_3602[0] : i32 from vector<1xi32>
        %shift_right_logical3A_3604 = arith.constant 3 : i32
        %shift_right_logical3A_3605 = arith.shrui %squeeze3A_3603, %shift_right_logical3A_3604 : i32
        %mul3A_3606 = arith.constant 8 : i32
        %mul3A_3607 = arith.muli %shift_right_logical3A_3605, %mul3A_3606 : i32
        %multiple_of3A_3608 = tpu.assume_multiple %mul3A_3607, 8 : i32
        %slice3A_3609 = vector.extract_strided_slice %get3A_3594 {offsets = [0], sizes = [1], strides = [1]} : vector<16xi32> to vector<1xi32>
        %squeeze3A_3610 = vector.extract %slice3A_3609[0] : i32 from vector<1xi32>
        %shift_right_logical3A_3611 = arith.constant 3 : i32
        %shift_right_logical3A_3612 = arith.shrui %squeeze3A_3610, %shift_right_logical3A_3611 : i32
        %mul3A_3613 = arith.constant 8 : i32
        %mul3A_3614 = arith.muli %shift_right_logical3A_3612, %mul3A_3613 : i32
        %multiple_of3A_3615 = tpu.assume_multiple %mul3A_3614, 8 : i32
        %dma_start3A_3616 = arith.constant 0 : i32
        %dma_start3A_3617 = arith.constant 0 : i32
        %dma_start3A_3618 = tpu.memref_slice %arg11[%xor3A_3579, %dma_start3A_3616, %dma_start3A_3617] : memref<2x128x64xf32, #tpu.memory_space<vmem>> -> memref<1x8x64xf32, #tpu.memory_space<vmem>>
        %dma_start3A_3619 = tpu.memref_squeeze %dma_start3A_3618 : memref<1x8x64xf32, #tpu.memory_space<vmem>> -> memref<8x64xf32, #tpu.memory_space<vmem>>
        %dma_start3A_3620 = arith.constant 0 : i32
        %dma_start3A_3621 = tpu.memref_slice %arg5[%multiple_of3A_3601, %dma_start3A_3620] : memref<1000000x64xf32, #tpu.memory_space<hbm>> -> memref<8x64xf32, #tpu.memory_space<hbm>>
        %dma_start3A_3622 = arith.constant 0 : i32
        %dma_start3A_3623 = arith.constant 0 : i32
        %dma_start3A_3624 = tpu.memref_slice %arg11[%xor3A_3579, %dma_start3A_3622, %dma_start3A_3623] : memref<2x128x64xf32, #tpu.memory_space<vmem>> -> memref<1x8x64xf32, #tpu.memory_space<vmem>>
        %dma_start3A_3625 = tpu.memref_squeeze %dma_start3A_3624 : memref<1x8x64xf32, #tpu.memory_space<vmem>> -> memref<8x64xf32, #tpu.memory_space<vmem>>
        %dma_start3A_3626 = arith.constant 0 : i32
        %dma_start3A_3627 = tpu.memref_slice %arg5[%multiple_of3A_3601, %dma_start3A_3626] : memref<1000000x64xf32, #tpu.memory_space<hbm>> -> memref<8x64xf32, #tpu.memory_space<hbm>>
        tpu.enqueue_dma source(%dma_start3A_3627 : memref<8x64xf32, #tpu.memory_space<hbm>>) target(%dma_start3A_3625 : memref<8x64xf32, #tpu.memory_space<vmem>>) target_semaphore(%arg15 : memref<!tpu.dma_semaphore, #tpu.memory_space<semaphore_mem>>)
        %dma_start3A_3628 = arith.constant 0 : i32
        %dma_start3A_3629 = arith.constant 0 : i32
        %dma_start3A_3630 = tpu.memref_slice %arg12[%xor3A_3579, %dma_start3A_3628, %dma_start3A_3629] : memref<2x128x64xf32, #tpu.memory_space<vmem>> -> memref<1x8x64xf32, #tpu.memory_space<vmem>>
        %dma_start3A_3631 = tpu.memref_squeeze %dma_start3A_3630 : memref<1x8x64xf32, #tpu.memory_space<vmem>> -> memref<8x64xf32, #tpu.memory_space<vmem>>
        %dma_start3A_3632 = arith.constant 0 : i32
        %dma_start3A_3633 = tpu.memref_slice %arg5[%multiple_of3A_3608, %dma_start3A_3632] : memref<1000000x64xf32, #tpu.memory_space<hbm>> -> memref<8x64xf32, #tpu.memory_space<hbm>>
        %dma_start3A_3634 = arith.constant 0 : i32
        %dma_start3A_3635 = arith.constant 0 : i32
        %dma_start3A_3636 = tpu.memref_slice %arg12[%xor3A_3579, %dma_start3A_3634, %dma_start3A_3635] : memref<2x128x64xf32, #tpu.memory_space<vmem>> -> memref<1x8x64xf32, #tpu.memory_space<vmem>>
        %dma_start3A_3637 = tpu.memref_squeeze %dma_start3A_3636 : memref<1x8x64xf32, #tpu.memory_space<vmem>> -> memref<8x64xf32, #tpu.memory_space<vmem>>
        %dma_start3A_3638 = arith.constant 0 : i32
        %dma_start3A_3639 = tpu.memref_slice %arg5[%multiple_of3A_3608, %dma_start3A_3638] : memref<1000000x64xf32, #tpu.memory_space<hbm>> -> memref<8x64xf32, #tpu.memory_space<hbm>>
        tpu.enqueue_dma source(%dma_start3A_3639 : memref<8x64xf32, #tpu.memory_space<hbm>>) target(%dma_start3A_3637 : memref<8x64xf32, #tpu.memory_space<vmem>>) target_semaphore(%arg15 : memref<!tpu.dma_semaphore, #tpu.memory_space<semaphore_mem>>)
        %dma_start3A_3640 = arith.constant 0 : i32
        %dma_start3A_3641 = arith.constant 0 : i32
        %dma_start3A_3642 = tpu.memref_slice %arg13[%xor3A_3579, %dma_start3A_3640, %dma_start3A_3641] : memref<2x128x64xf32, #tpu.memory_space<vmem>> -> memref<1x8x64xf32, #tpu.memory_space<vmem>>
        %dma_start3A_3643 = tpu.memref_squeeze %dma_start3A_3642 : memref<1x8x64xf32, #tpu.memory_space<vmem>> -> memref<8x64xf32, #tpu.memory_space<vmem>>
        %dma_start3A_3644 = arith.constant 0 : i32
        %dma_start3A_3645 = tpu.memref_slice %arg6[%multiple_of3A_3615, %dma_start3A_3644] : memref<1000x64xf32, #tpu.memory_space<hbm>> -> memref<8x64xf32, #tpu.memory_space<hbm>>
        %dma_start3A_3646 = arith.constant 0 : i32
        %dma_start3A_3647 = arith.constant 0 : i32
        %dma_start3A_3648 = tpu.memref_slice %arg13[%xor3A_3579, %dma_start3A_3646, %dma_start3A_3647] : memref<2x128x64xf32, #tpu.memory_space<vmem>> -> memref<1x8x64xf32, #tpu.memory_space<vmem>>
        %dma_start3A_3649 = tpu.memref_squeeze %dma_start3A_3648 : memref<1x8x64xf32, #tpu.memory_space<vmem>> -> memref<8x64xf32, #tpu.memory_space<vmem>>
        %dma_start3A_3650 = arith.constant 0 : i32
        %dma_start3A_3651 = tpu.memref_slice %arg6[%multiple_of3A_3615, %dma_start3A_3650] : memref<1000x64xf32, #tpu.memory_space<hbm>> -> memref<8x64xf32, #tpu.memory_space<hbm>>
        tpu.enqueue_dma source(%dma_start3A_3651 : memref<8x64xf32, #tpu.memory_space<hbm>>) target(%dma_start3A_3649 : memref<8x64xf32, #tpu.memory_space<vmem>>) target_semaphore(%arg15 : memref<!tpu.dma_semaphore, #tpu.memory_space<semaphore_mem>>)
        %slice3A_3652 = vector.extract_strided_slice %get3A_3584 {offsets = [1], sizes = [1], strides = [1]} : vector<16xi32> to vector<1xi32>
        %squeeze3A_3653 = vector.extract %slice3A_3652[0] : i32 from vector<1xi32>
        %shift_right_logical3A_3654 = arith.constant 3 : i32
        %shift_right_logical3A_3655 = arith.shrui %squeeze3A_3653, %shift_right_logical3A_3654 : i32
        %mul3A_3656 = arith.constant 8 : i32
        %mul3A_3657 = arith.muli %shift_right_logical3A_3655, %mul3A_3656 : i32
        %multiple_of3A_3658 = tpu.assume_multiple %mul3A_3657, 8 : i32
        %slice3A_3659 = vector.extract_strided_slice %get3A_3589 {offsets = [1], sizes = [1], strides = [1]} : vector<16xi32> to vector<1xi32>
        %squeeze3A_3660 = vector.extract %slice3A_3659[0] : i32 from vector<1xi32>
        %shift_right_logical3A_3661 = arith.constant 3 : i32
        %shift_right_logical3A_3662 = arith.shrui %squeeze3A_3660, %shift_right_logical3A_3661 : i32
        %mul3A_3663 = arith.constant 8 : i32
        %mul3A_3664 = arith.muli %shift_right_logical3A_3662, %mul3A_3663 : i32
        %multiple_of3A_3665 = tpu.assume_multiple %mul3A_3664, 8 : i32
        %slice3A_3666 = vector.extract_strided_slice %get3A_3594 {offsets = [1], sizes = [1], strides = [1]} : vector<16xi32> to vector<1xi32>
        %squeeze3A_3667 = vector.extract %slice3A_3666[0] : i32 from vector<1xi32>
        %shift_right_logical3A_3668 = arith.constant 3 : i32
        %shift_right_logical3A_3669 = arith.shrui %squeeze3A_3667, %shift_right_logical3A_3668 : i32
        %mul3A_3670 = arith.constant 8 : i32
        %mul3A_3671 = arith.muli %shift_right_logical3A_3669, %mul3A_3670 : i32
        %multiple_of3A_3672 = tpu.assume_multiple %mul3A_3671, 8 : i32
        %dma_start3A_3673 = arith.constant 8 : i32
        %dma_start3A_3674 = arith.constant 0 : i32
        %dma_start3A_3675 = tpu.memref_slice %arg11[%xor3A_3579, %dma_start3A_3673, %dma_start3A_3674] : memref<2x128x64xf32, #tpu.memory_space<vmem>> -> memref<1x8x64xf32, #tpu.memory_space<vmem>>
        %dma_start3A_3676 = tpu.memref_squeeze %dma_start3A_3675 : memref<1x8x64xf32, #tpu.memory_space<vmem>> -> memref<8x64xf32, #tpu.memory_space<vmem>>
        %dma_start3A_3677 = arith.constant 0 : i32
        %dma_start3A_3678 = tpu.memref_slice %arg5[%multiple_of3A_3658, %dma_start3A_3677] : memref<1000000x64xf32, #tpu.memory_space<hbm>> -> memref<8x64xf32, #tpu.memory_space<hbm>>
        %dma_start3A_3679 = arith.constant 8 : i32
        %dma_start3A_3680 = arith.constant 0 : i32
        %dma_start3A_3681 = tpu.memref_slice %arg11[%xor3A_3579, %dma_start3A_3679, %dma_start3A_3680] : memref<2x128x64xf32, #tpu.memory_space<vmem>> -> memref<1x8x64xf32, #tpu.memory_space<vmem>>
        %dma_start3A_3682 = tpu.memref_squeeze %dma_start3A_3681 : memref<1x8x64xf32, #tpu.memory_space<vmem>> -> memref<8x64xf32, #tpu.memory_space<vmem>>
        %dma_start3A_3683 = arith.constant 0 : i32
        %dma_start3A_3684 = tpu.memref_slice %arg5[%multiple_of3A_3658, %dma_start3A_3683] : memref<1000000x64xf32, #tpu.memory_space<hbm>> -> memref<8x64xf32, #tpu.memory_space<hbm>>
        tpu.enqueue_dma source(%dma_start3A_3684 : memref<8x64xf32, #tpu.memory_space<hbm>>) target(%dma_start3A_3682 : memref<8x64xf32, #tpu.memory_space<vmem>>) target_semaphore(%arg15 : memref<!tpu.dma_semaphore, #tpu.memory_space<semaphore_mem>>)
        %dma_start3A_3685 = arith.constant 8 : i32
        %dma_start3A_3686 = arith.constant 0 : i32
        %dma_start3A_3687 = tpu.memref_slice %arg12[%xor3A_3579, %dma_start3A_3685, %dma_start3A_3686] : memref<2x128x64xf32, #tpu.memory_space<vmem>> -> memref<1x8x64xf32, #tpu.memory_space<vmem>>
        %dma_start3A_3688 = tpu.memref_squeeze %dma_start3A_3687 : memref<1x8x64xf32, #tpu.memory_space<vmem>> -> memref<8x64xf32, #tpu.memory_space<vmem>>
        %dma_start3A_3689 = arith.constant 0 : i32
        %dma_start3A_3690 = tpu.memref_slice %arg5[%multiple_of3A_3665, %dma_start3A_3689] : memref<1000000x64xf32, #tpu.memory_space<hbm>> -> memref<8x64xf32, #tpu.memory_space<hbm>>
        %dma_start3A_3691 = arith.constant 8 : i32
        %dma_start3A_3692 = arith.constant 0 : i32
        %dma_start3A_3693 = tpu.memref_slice %arg12[%xor3A_3579, %dma_start3A_3691, %dma_start3A_3692] : memref<2x128x64xf32, #tpu.memory_space<vmem>> -> memref<1x8x64xf32, #tpu.memory_space<vmem>>
        %dma_start3A_3694 = tpu.memref_squeeze %dma_start3A_3693 : memref<1x8x64xf32, #tpu.memory_space<vmem>> -> memref<8x64xf32, #tpu.memory_space<vmem>>
        %dma_start3A_3695 = arith.constant 0 : i32
        %dma_start3A_3696 = tpu.memref_slice %arg5[%multiple_of3A_3665, %dma_start3A_3695] : memref<1000000x64xf32, #tpu.memory_space<hbm>> -> memref<8x64xf32, #tpu.memory_space<hbm>>
        tpu.enqueue_dma source(%dma_start3A_3696 : memref<8x64xf32, #tpu.memory_space<hbm>>) target(%dma_start3A_3694 : memref<8x64xf32, #tpu.memory_space<vmem>>) target_semaphore(%arg15 : memref<!tpu.dma_semaphore, #tpu.memory_space<semaphore_mem>>)
        %dma_start3A_3697 = arith.constant 8 : i32
        %dma_start3A_3698 = arith.constant 0 : i32
        %dma_start3A_3699 = tpu.memref_slice %arg13[%xor3A_3579, %dma_start3A_3697, %dma_start3A_3698] : memref<2x128x64xf32, #tpu.memory_space<vmem>> -> memref<1x8x64xf32, #tpu.memory_space<vmem>>
        %dma_start3A_3700 = tpu.memref_squeeze %dma_start3A_3699 : memref<1x8x64xf32, #tpu.memory_space<vmem>> -> memref<8x64xf32, #tpu.memory_space<vmem>>
        %dma_start3A_3701 = arith.constant 0 : i32
        %dma_start3A_3702 = tpu.memref_slice %arg6[%multiple_of3A_3672, %dma_start3A_3701] : memref<1000x64xf32, #tpu.memory_space<hbm>> -> memref<8x64xf32, #tpu.memory_space<hbm>>
        %dma_start3A_3703 = arith.constant 8 : i32
        %dma_start3A_3704 = arith.constant 0 : i32
        %dma_start3A_3705 = tpu.memref_slice %arg13[%xor3A_3579, %dma_start3A_3703, %dma_start3A_3704] : memref<2x128x64xf32, #tpu.memory_space<vmem>> -> memref<1x8x64xf32, #tpu.memory_space<vmem>>
        %dma_start3A_3706 = tpu.memref_squeeze %dma_start3A_3705 : memref<1x8x64xf32, #tpu.memory_space<vmem>> -> memref<8x64xf32, #tpu.memory_space<vmem>>
        %dma_start3A_3707 = arith.constant 0 : i32
        %dma_start3A_3708 = tpu.memref_slice %arg6[%multiple_of3A_3672, %dma_start3A_3707] : memref<1000x64xf32, #tpu.memory_space<hbm>> -> memref<8x64xf32, #tpu.memory_space<hbm>>
        tpu.enqueue_dma source(%dma_start3A_3708 : memref<8x64xf32, #tpu.memory_space<hbm>>) target(%dma_start3A_3706 : memref<8x64xf32, #tpu.memory_space<vmem>>) target_semaphore(%arg15 : memref<!tpu.dma_semaphore, #tpu.memory_space<semaphore_mem>>)
        %slice3A_3709 = vector.extract_strided_slice %get3A_3584 {offsets = [2], sizes = [1], strides = [1]} : vector<16xi32> to vector<1xi32>
        %squeeze3A_3710 = vector.extract %slice3A_3709[0] : i32 from vector<1xi32>
        %shift_right_logical3A_3711 = arith.constant 3 : i32
        %shift_right_logical3A_3712 = arith.shrui %squeeze3A_3710, %shift_right_logical3A_3711 : i32
        %mul3A_3713 = arith.constant 8 : i32
        %mul3A_3714 = arith.muli %shift_right_logical3A_3712, %mul3A_3713 : i32
        %multiple_of3A_3715 = tpu.assume_multiple %mul3A_3714, 8 : i32
        %slice3A_3716 = vector.extract_strided_slice %get3A_3589 {offsets = [2], sizes = [1], strides = [1]} : vector<16xi32> to vector<1xi32>
        %squeeze3A_3717 = vector.extract %slice3A_3716[0] : i32 from vector<1xi32>
        %shift_right_logical3A_3718 = arith.constant 3 : i32
        %shift_right_logical3A_3719 = arith.shrui %squeeze3A_3717, %shift_right_logical3A_3718 : i32
        %mul3A_3720 = arith.constant 8 : i32
        %mul3A_3721 = arith.muli %shift_right_logical3A_3719, %mul3A_3720 : i32
        %multiple_of3A_3722 = tpu.assume_multiple %mul3A_3721, 8 : i32
        %slice3A_3723 = vector.extract_strided_slice %get3A_3594 {offsets = [2], sizes = [1], strides = [1]} : vector<16xi32> to vector<1xi32>
        %squeeze3A_3724 = vector.extract %slice3A_3723[0] : i32 from vector<1xi32>
        %shift_right_logical3A_3725 = arith.constant 3 : i32
        %shift_right_logical3A_3726 = arith.shrui %squeeze3A_3724, %shift_right_logical3A_3725 : i32
        %mul3A_3727 = arith.constant 8 : i32
        %mul3A_3728 = arith.muli %shift_right_logical3A_3726, %mul3A_3727 : i32
        %multiple_of3A_3729 = tpu.assume_multiple %mul3A_3728, 8 : i32
        %dma_start3A_3730 = arith.constant 16 : i32
        %dma_start3A_3731 = arith.constant 0 : i32
        %dma_start3A_3732 = tpu.memref_slice %arg11[%xor3A_3579, %dma_start3A_3730, %dma_start3A_3731] : memref<2x128x64xf32, #tpu.memory_space<vmem>> -> memref<1x8x64xf32, #tpu.memory_space<vmem>>
        %dma_start3A_3733 = tpu.memref_squeeze %dma_start3A_3732 : memref<1x8x64xf32, #tpu.memory_space<vmem>> -> memref<8x64xf32, #tpu.memory_space<vmem>>
        %dma_start3A_3734 = arith.constant 0 : i32
        %dma_start3A_3735 = tpu.memref_slice %arg5[%multiple_of3A_3715, %dma_start3A_3734] : memref<1000000x64xf32, #tpu.memory_space<hbm>> -> memref<8x64xf32, #tpu.memory_space<hbm>>
        %dma_start3A_3736 = arith.constant 16 : i32
        %dma_start3A_3737 = arith.constant 0 : i32
        %dma_start3A_3738 = tpu.memref_slice %arg11[%xor3A_3579, %dma_start3A_3736, %dma_start3A_3737] : memref<2x128x64xf32, #tpu.memory_space<vmem>> -> memref<1x8x64xf32, #tpu.memory_space<vmem>>
        %dma_start3A_3739 = tpu.memref_squeeze %dma_start3A_3738 : memref<1x8x64xf32, #tpu.memory_space<vmem>> -> memref<8x64xf32, #tpu.memory_space<vmem>>
        %dma_start3A_3740 = arith.constant 0 : i32
        %dma_start3A_3741 = tpu.memref_slice %arg5[%multiple_of3A_3715, %dma_start3A_3740] : memref<1000000x64xf32, #tpu.memory_space<hbm>> -> memref<8x64xf32, #tpu.memory_space<hbm>>
        tpu.enqueue_dma source(%dma_start3A_3741 : memref<8x64xf32, #tpu.memory_space<hbm>>) target(%dma_start3A_3739 : memref<8x64xf32, #tpu.memory_space<vmem>>) target_semaphore(%arg15 : memref<!tpu.dma_semaphore, #tpu.memory_space<semaphore_mem>>)
        %dma_start3A_3742 = arith.constant 16 : i32
        %dma_start3A_3743 = arith.constant 0 : i32
        %dma_start3A_3744 = tpu.memref_slice %arg12[%xor3A_3579, %dma_start3A_3742, %dma_start3A_3743] : memref<2x128x64xf32, #tpu.memory_space<vmem>> -> memref<1x8x64xf32, #tpu.memory_space<vmem>>
        %dma_start3A_3745 = tpu.memref_squeeze %dma_start3A_3744 : memref<1x8x64xf32, #tpu.memory_space<vmem>> -> memref<8x64xf32, #tpu.memory_space<vmem>>
        %dma_start3A_3746 = arith.constant 0 : i32
        %dma_start3A_3747 = tpu.memref_slice %arg5[%multiple_of3A_3722, %dma_start3A_3746] : memref<1000000x64xf32, #tpu.memory_space<hbm>> -> memref<8x64xf32, #tpu.memory_space<hbm>>
        %dma_start3A_3748 = arith.constant 16 : i32
        %dma_start3A_3749 = arith.constant 0 : i32
        %dma_start3A_3750 = tpu.memref_slice %arg12[%xor3A_3579, %dma_start3A_3748, %dma_start3A_3749] : memref<2x128x64xf32, #tpu.memory_space<vmem>> -> memref<1x8x64xf32, #tpu.memory_space<vmem>>
        %dma_start3A_3751 = tpu.memref_squeeze %dma_start3A_3750 : memref<1x8x64xf32, #tpu.memory_space<vmem>> -> memref<8x64xf32, #tpu.memory_space<vmem>>
        %dma_start3A_3752 = arith.constant 0 : i32
        %dma_start3A_3753 = tpu.memref_slice %arg5[%multiple_of3A_3722, %dma_start3A_3752] : memref<1000000x64xf32, #tpu.memory_space<hbm>> -> memref<8x64xf32, #tpu.memory_space<hbm>>
        tpu.enqueue_dma source(%dma_start3A_3753 : memref<8x64xf32, #tpu.memory_space<hbm>>) target(%dma_start3A_3751 : memref<8x64xf32, #tpu.memory_space<vmem>>) target_semaphore(%arg15 : memref<!tpu.dma_semaphore, #tpu.memory_space<semaphore_mem>>)
        %dma_start3A_3754 = arith.constant 16 : i32
        %dma_start3A_3755 = arith.constant 0 : i32
        %dma_start3A_3756 = tpu.memref_slice %arg13[%xor3A_3579, %dma_start3A_3754, %dma_start3A_3755] : memref<2x128x64xf32, #tpu.memory_space<vmem>> -> memref<1x8x64xf32, #tpu.memory_space<vmem>>
        %dma_start3A_3757 = tpu.memref_squeeze %dma_start3A_3756 : memref<1x8x64xf32, #tpu.memory_space<vmem>> -> memref<8x64xf32, #tpu.memory_space<vmem>>
        %dma_start3A_3758 = arith.constant 0 : i32
        %dma_start3A_3759 = tpu.memref_slice %arg6[%multiple_of3A_3729, %dma_start3A_3758] : memref<1000x64xf32, #tpu.memory_space<hbm>> -> memref<8x64xf32, #tpu.memory_space<hbm>>
        %dma_start3A_3760 = arith.constant 16 : i32
        %dma_start3A_3761 = arith.constant 0 : i32
        %dma_start3A_3762 = tpu.memref_slice %arg13[%xor3A_3579, %dma_start3A_3760, %dma_start3A_3761] : memref<2x128x64xf32, #tpu.memory_space<vmem>> -> memref<1x8x64xf32, #tpu.memory_space<vmem>>
        %dma_start3A_3763 = tpu.memref_squeeze %dma_start3A_3762 : memref<1x8x64xf32, #tpu.memory_space<vmem>> -> memref<8x64xf32, #tpu.memory_space<vmem>>
        %dma_start3A_3764 = arith.constant 0 : i32
        %dma_start3A_3765 = tpu.memref_slice %arg6[%multiple_of3A_3729, %dma_start3A_3764] : memref<1000x64xf32, #tpu.memory_space<hbm>> -> memref<8x64xf32, #tpu.memory_space<hbm>>
        tpu.enqueue_dma source(%dma_start3A_3765 : memref<8x64xf32, #tpu.memory_space<hbm>>) target(%dma_start3A_3763 : memref<8x64xf32, #tpu.memory_space<vmem>>) target_semaphore(%arg15 : memref<!tpu.dma_semaphore, #tpu.memory_space<semaphore_mem>>)
        %slice3A_3766 = vector.extract_strided_slice %get3A_3584 {offsets = [3], sizes = [1], strides = [1]} : vector<16xi32> to vector<1xi32>
        %squeeze3A_3767 = vector.extract %slice3A_3766[0] : i32 from vector<1xi32>
        %shift_right_logical3A_3768 = arith.constant 3 : i32
        %shift_right_logical3A_3769 = arith.shrui %squeeze3A_3767, %shift_right_logical3A_3768 : i32
        %mul3A_3770 = arith.constant 8 : i32
        %mul3A_3771 = arith.muli %shift_right_logical3A_3769, %mul3A_3770 : i32
        %multiple_of3A_3772 = tpu.assume_multiple %mul3A_3771, 8 : i32
        %slice3A_3773 = vector.extract_strided_slice %get3A_3589 {offsets = [3], sizes = [1], strides = [1]} : vector<16xi32> to vector<1xi32>
        %squeeze3A_3774 = vector.extract %slice3A_3773[0] : i32 from vector<1xi32>
        %shift_right_logical3A_3775 = arith.constant 3 : i32
        %shift_right_logical3A_3776 = arith.shrui %squeeze3A_3774, %shift_right_logical3A_3775 : i32
        %mul3A_3777 = arith.constant 8 : i32
        %mul3A_3778 = arith.muli %shift_right_logical3A_3776, %mul3A_3777 : i32
        %multiple_of3A_3779 = tpu.assume_multiple %mul3A_3778, 8 : i32
        %slice3A_3780 = vector.extract_strided_slice %get3A_3594 {offsets = [3], sizes = [1], strides = [1]} : vector<16xi32> to vector<1xi32>
        %squeeze3A_3781 = vector.extract %slice3A_3780[0] : i32 from vector<1xi32>
        %shift_right_logical3A_3782 = arith.constant 3 : i32
        %shift_right_logical3A_3783 = arith.shrui %squeeze3A_3781, %shift_right_logical3A_3782 : i32
        %mul3A_3784 = arith.constant 8 : i32
        %mul3A_3785 = arith.muli %shift_right_logical3A_3783, %mul3A_3784 : i32
        %multiple_of3A_3786 = tpu.assume_multiple %mul3A_3785, 8 : i32
        %dma_start3A_3787 = arith.constant 24 : i32
        %dma_start3A_3788 = arith.constant 0 : i32
        %dma_start3A_3789 = tpu.memref_slice %arg11[%xor3A_3579, %dma_start3A_3787, %dma_start3A_3788] : memref<2x128x64xf32, #tpu.memory_space<vmem>> -> memref<1x8x64xf32, #tpu.memory_space<vmem>>
        %dma_start3A_3790 = tpu.memref_squeeze %dma_start3A_3789 : memref<1x8x64xf32, #tpu.memory_space<vmem>> -> memref<8x64xf32, #tpu.memory_space<vmem>>
        %dma_start3A_3791 = arith.constant 0 : i32
        %dma_start3A_3792 = tpu.memref_slice %arg5[%multiple_of3A_3772, %dma_start3A_3791] : memref<1000000x64xf32, #tpu.memory_space<hbm>> -> memref<8x64xf32, #tpu.memory_space<hbm>>
        %dma_start3A_3793 = arith.constant 24 : i32
        %dma_start3A_3794 = arith.constant 0 : i32
        %dma_start3A_3795 = tpu.memref_slice %arg11[%xor3A_3579, %dma_start3A_3793, %dma_start3A_3794] : memref<2x128x64xf32, #tpu.memory_space<vmem>> -> memref<1x8x64xf32, #tpu.memory_space<vmem>>
        %dma_start3A_3796 = tpu.memref_squeeze %dma_start3A_3795 : memref<1x8x64xf32, #tpu.memory_space<vmem>> -> memref<8x64xf32, #tpu.memory_space<vmem>>
        %dma_start3A_3797 = arith.constant 0 : i32
        %dma_start3A_3798 = tpu.memref_slice %arg5[%multiple_of3A_3772, %dma_start3A_3797] : memref<1000000x64xf32, #tpu.memory_space<hbm>> -> memref<8x64xf32, #tpu.memory_space<hbm>>
        tpu.enqueue_dma source(%dma_start3A_3798 : memref<8x64xf32, #tpu.memory_space<hbm>>) target(%dma_start3A_3796 : memref<8x64xf32, #tpu.memory_space<vmem>>) target_semaphore(%arg15 : memref<!tpu.dma_semaphore, #tpu.memory_space<semaphore_mem>>)
        %dma_start3A_3799 = arith.constant 24 : i32
        %dma_start3A_3800 = arith.constant 0 : i32
        %dma_start3A_3801 = tpu.memref_slice %arg12[%xor3A_3579, %dma_start3A_3799, %dma_start3A_3800] : memref<2x128x64xf32, #tpu.memory_space<vmem>> -> memref<1x8x64xf32, #tpu.memory_space<vmem>>
        %dma_start3A_3802 = tpu.memref_squeeze %dma_start3A_3801 : memref<1x8x64xf32, #tpu.memory_space<vmem>> -> memref<8x64xf32, #tpu.memory_space<vmem>>
        %dma_start3A_3803 = arith.constant 0 : i32
        %dma_start3A_3804 = tpu.memref_slice %arg5[%multiple_of3A_3779, %dma_start3A_3803] : memref<1000000x64xf32, #tpu.memory_space<hbm>> -> memref<8x64xf32, #tpu.memory_space<hbm>>
        %dma_start3A_3805 = arith.constant 24 : i32
        %dma_start3A_3806 = arith.constant 0 : i32
        %dma_start3A_3807 = tpu.memref_slice %arg12[%xor3A_3579, %dma_start3A_3805, %dma_start3A_3806] : memref<2x128x64xf32, #tpu.memory_space<vmem>> -> memref<1x8x64xf32, #tpu.memory_space<vmem>>
        %dma_start3A_3808 = tpu.memref_squeeze %dma_start3A_3807 : memref<1x8x64xf32, #tpu.memory_space<vmem>> -> memref<8x64xf32, #tpu.memory_space<vmem>>
        %dma_start3A_3809 = arith.constant 0 : i32
        %dma_start3A_3810 = tpu.memref_slice %arg5[%multiple_of3A_3779, %dma_start3A_3809] : memref<1000000x64xf32, #tpu.memory_space<hbm>> -> memref<8x64xf32, #tpu.memory_space<hbm>>
        tpu.enqueue_dma source(%dma_start3A_3810 : memref<8x64xf32, #tpu.memory_space<hbm>>) target(%dma_start3A_3808 : memref<8x64xf32, #tpu.memory_space<vmem>>) target_semaphore(%arg15 : memref<!tpu.dma_semaphore, #tpu.memory_space<semaphore_mem>>)
        %dma_start3A_3811 = arith.constant 24 : i32
        %dma_start3A_3812 = arith.constant 0 : i32
        %dma_start3A_3813 = tpu.memref_slice %arg13[%xor3A_3579, %dma_start3A_3811, %dma_start3A_3812] : memref<2x128x64xf32, #tpu.memory_space<vmem>> -> memref<1x8x64xf32, #tpu.memory_space<vmem>>
        %dma_start3A_3814 = tpu.memref_squeeze %dma_start3A_3813 : memref<1x8x64xf32, #tpu.memory_space<vmem>> -> memref<8x64xf32, #tpu.memory_space<vmem>>
        %dma_start3A_3815 = arith.constant 0 : i32
        %dma_start3A_3816 = tpu.memref_slice %arg6[%multiple_of3A_3786, %dma_start3A_3815] : memref<1000x64xf32, #tpu.memory_space<hbm>> -> memref<8x64xf32, #tpu.memory_space<hbm>>
        %dma_start3A_3817 = arith.constant 24 : i32
        %dma_start3A_3818 = arith.constant 0 : i32
        %dma_start3A_3819 = tpu.memref_slice %arg13[%xor3A_3579, %dma_start3A_3817, %dma_start3A_3818] : memref<2x128x64xf32, #tpu.memory_space<vmem>> -> memref<1x8x64xf32, #tpu.memory_space<vmem>>
        %dma_start3A_3820 = tpu.memref_squeeze %dma_start3A_3819 : memref<1x8x64xf32, #tpu.memory_space<vmem>> -> memref<8x64xf32, #tpu.memory_space<vmem>>
        %dma_start3A_3821 = arith.constant 0 : i32
        %dma_start3A_3822 = tpu.memref_slice %arg6[%multiple_of3A_3786, %dma_start3A_3821] : memref<1000x64xf32, #tpu.memory_space<hbm>> -> memref<8x64xf32, #tpu.memory_space<hbm>>
        tpu.enqueue_dma source(%dma_start3A_3822 : memref<8x64xf32, #tpu.memory_space<hbm>>) target(%dma_start3A_3820 : memref<8x64xf32, #tpu.memory_space<vmem>>) target_semaphore(%arg15 : memref<!tpu.dma_semaphore, #tpu.memory_space<semaphore_mem>>)
        %slice3A_3823 = vector.extract_strided_slice %get3A_3584 {offsets = [4], sizes = [1], strides = [1]} : vector<16xi32> to vector<1xi32>
        %squeeze3A_3824 = vector.extract %slice3A_3823[0] : i32 from vector<1xi32>
        %shift_right_logical3A_3825 = arith.constant 3 : i32
        %shift_right_logical3A_3826 = arith.shrui %squeeze3A_3824, %shift_right_logical3A_3825 : i32
        %mul3A_3827 = arith.constant 8 : i32
        %mul3A_3828 = arith.muli %shift_right_logical3A_3826, %mul3A_3827 : i32
        %multiple_of3A_3829 = tpu.assume_multiple %mul3A_3828, 8 : i32
        %slice3A_3830 = vector.extract_strided_slice %get3A_3589 {offsets = [4], sizes = [1], strides = [1]} : vector<16xi32> to vector<1xi32>
        %squeeze3A_3831 = vector.extract %slice3A_3830[0] : i32 from vector<1xi32>
        %shift_right_logical3A_3832 = arith.constant 3 : i32
        %shift_right_logical3A_3833 = arith.shrui %squeeze3A_3831, %shift_right_logical3A_3832 : i32
        %mul3A_3834 = arith.constant 8 : i32
        %mul3A_3835 = arith.muli %shift_right_logical3A_3833, %mul3A_3834 : i32
        %multiple_of3A_3836 = tpu.assume_multiple %mul3A_3835, 8 : i32
        %slice3A_3837 = vector.extract_strided_slice %get3A_3594 {offsets = [4], sizes = [1], strides = [1]} : vector<16xi32> to vector<1xi32>
        %squeeze3A_3838 = vector.extract %slice3A_3837[0] : i32 from vector<1xi32>
        %shift_right_logical3A_3839 = arith.constant 3 : i32
        %shift_right_logical3A_3840 = arith.shrui %squeeze3A_3838, %shift_right_logical3A_3839 : i32
        %mul3A_3841 = arith.constant 8 : i32
        %mul3A_3842 = arith.muli %shift_right_logical3A_3840, %mul3A_3841 : i32
        %multiple_of3A_3843 = tpu.assume_multiple %mul3A_3842, 8 : i32
        %dma_start3A_3844 = arith.constant 32 : i32
        %dma_start3A_3845 = arith.constant 0 : i32
        %dma_start3A_3846 = tpu.memref_slice %arg11[%xor3A_3579, %dma_start3A_3844, %dma_start3A_3845] : memref<2x128x64xf32, #tpu.memory_space<vmem>> -> memref<1x8x64xf32, #tpu.memory_space<vmem>>
        %dma_start3A_3847 = tpu.memref_squeeze %dma_start3A_3846 : memref<1x8x64xf32, #tpu.memory_space<vmem>> -> memref<8x64xf32, #tpu.memory_space<vmem>>
        %dma_start3A_3848 = arith.constant 0 : i32
        %dma_start3A_3849 = tpu.memref_slice %arg5[%multiple_of3A_3829, %dma_start3A_3848] : memref<1000000x64xf32, #tpu.memory_space<hbm>> -> memref<8x64xf32, #tpu.memory_space<hbm>>
        %dma_start3A_3850 = arith.constant 32 : i32
        %dma_start3A_3851 = arith.constant 0 : i32
        %dma_start3A_3852 = tpu.memref_slice %arg11[%xor3A_3579, %dma_start3A_3850, %dma_start3A_3851] : memref<2x128x64xf32, #tpu.memory_space<vmem>> -> memref<1x8x64xf32, #tpu.memory_space<vmem>>
        %dma_start3A_3853 = tpu.memref_squeeze %dma_start3A_3852 : memref<1x8x64xf32, #tpu.memory_space<vmem>> -> memref<8x64xf32, #tpu.memory_space<vmem>>
        %dma_start3A_3854 = arith.constant 0 : i32
        %dma_start3A_3855 = tpu.memref_slice %arg5[%multiple_of3A_3829, %dma_start3A_3854] : memref<1000000x64xf32, #tpu.memory_space<hbm>> -> memref<8x64xf32, #tpu.memory_space<hbm>>
        tpu.enqueue_dma source(%dma_start3A_3855 : memref<8x64xf32, #tpu.memory_space<hbm>>) target(%dma_start3A_3853 : memref<8x64xf32, #tpu.memory_space<vmem>>) target_semaphore(%arg15 : memref<!tpu.dma_semaphore, #tpu.memory_space<semaphore_mem>>)
        %dma_start3A_3856 = arith.constant 32 : i32
        %dma_start3A_3857 = arith.constant 0 : i32
        %dma_start3A_3858 = tpu.memref_slice %arg12[%xor3A_3579, %dma_start3A_3856, %dma_start3A_3857] : memref<2x128x64xf32, #tpu.memory_space<vmem>> -> memref<1x8x64xf32, #tpu.memory_space<vmem>>
        %dma_start3A_3859 = tpu.memref_squeeze %dma_start3A_3858 : memref<1x8x64xf32, #tpu.memory_space<vmem>> -> memref<8x64xf32, #tpu.memory_space<vmem>>
        %dma_start3A_3860 = arith.constant 0 : i32
        %dma_start3A_3861 = tpu.memref_slice %arg5[%multiple_of3A_3836, %dma_start3A_3860] : memref<1000000x64xf32, #tpu.memory_space<hbm>> -> memref<8x64xf32, #tpu.memory_space<hbm>>
        %dma_start3A_3862 = arith.constant 32 : i32
        %dma_start3A_3863 = arith.constant 0 : i32
        %dma_start3A_3864 = tpu.memref_slice %arg12[%xor3A_3579, %dma_start3A_3862, %dma_start3A_3863] : memref<2x128x64xf32, #tpu.memory_space<vmem>> -> memref<1x8x64xf32, #tpu.memory_space<vmem>>
        %dma_start3A_3865 = tpu.memref_squeeze %dma_start3A_3864 : memref<1x8x64xf32, #tpu.memory_space<vmem>> -> memref<8x64xf32, #tpu.memory_space<vmem>>
        %dma_start3A_3866 = arith.constant 0 : i32
        %dma_start3A_3867 = tpu.memref_slice %arg5[%multiple_of3A_3836, %dma_start3A_3866] : memref<1000000x64xf32, #tpu.memory_space<hbm>> -> memref<8x64xf32, #tpu.memory_space<hbm>>
        tpu.enqueue_dma source(%dma_start3A_3867 : memref<8x64xf32, #tpu.memory_space<hbm>>) target(%dma_start3A_3865 : memref<8x64xf32, #tpu.memory_space<vmem>>) target_semaphore(%arg15 : memref<!tpu.dma_semaphore, #tpu.memory_space<semaphore_mem>>)
        %dma_start3A_3868 = arith.constant 32 : i32
        %dma_start3A_3869 = arith.constant 0 : i32
        %dma_start3A_3870 = tpu.memref_slice %arg13[%xor3A_3579, %dma_start3A_3868, %dma_start3A_3869] : memref<2x128x64xf32, #tpu.memory_space<vmem>> -> memref<1x8x64xf32, #tpu.memory_space<vmem>>
        %dma_start3A_3871 = tpu.memref_squeeze %dma_start3A_3870 : memref<1x8x64xf32, #tpu.memory_space<vmem>> -> memref<8x64xf32, #tpu.memory_space<vmem>>
        %dma_start3A_3872 = arith.constant 0 : i32
        %dma_start3A_3873 = tpu.memref_slice %arg6[%multiple_of3A_3843, %dma_start3A_3872] : memref<1000x64xf32, #tpu.memory_space<hbm>> -> memref<8x64xf32, #tpu.memory_space<hbm>>
        %dma_start3A_3874 = arith.constant 32 : i32
        %dma_start3A_3875 = arith.constant 0 : i32
        %dma_start3A_3876 = tpu.memref_slice %arg13[%xor3A_3579, %dma_start3A_3874, %dma_start3A_3875] : memref<2x128x64xf32, #tpu.memory_space<vmem>> -> memref<1x8x64xf32, #tpu.memory_space<vmem>>
        %dma_start3A_3877 = tpu.memref_squeeze %dma_start3A_3876 : memref<1x8x64xf32, #tpu.memory_space<vmem>> -> memref<8x64xf32, #tpu.memory_space<vmem>>
        %dma_start3A_3878 = arith.constant 0 : i32
        %dma_start3A_3879 = tpu.memref_slice %arg6[%multiple_of3A_3843, %dma_start3A_3878] : memref<1000x64xf32, #tpu.memory_space<hbm>> -> memref<8x64xf32, #tpu.memory_space<hbm>>
        tpu.enqueue_dma source(%dma_start3A_3879 : memref<8x64xf32, #tpu.memory_space<hbm>>) target(%dma_start3A_3877 : memref<8x64xf32, #tpu.memory_space<vmem>>) target_semaphore(%arg15 : memref<!tpu.dma_semaphore, #tpu.memory_space<semaphore_mem>>)
        %slice3A_3880 = vector.extract_strided_slice %get3A_3584 {offsets = [5], sizes = [1], strides = [1]} : vector<16xi32> to vector<1xi32>
        %squeeze3A_3881 = vector.extract %slice3A_3880[0] : i32 from vector<1xi32>
        %shift_right_logical3A_3882 = arith.constant 3 : i32
        %shift_right_logical3A_3883 = arith.shrui %squeeze3A_3881, %shift_right_logical3A_3882 : i32
        %mul3A_3884 = arith.constant 8 : i32
        %mul3A_3885 = arith.muli %shift_right_logical3A_3883, %mul3A_3884 : i32
        %multiple_of3A_3886 = tpu.assume_multiple %mul3A_3885, 8 : i32
        %slice3A_3887 = vector.extract_strided_slice %get3A_3589 {offsets = [5], sizes = [1], strides = [1]} : vector<16xi32> to vector<1xi32>
        %squeeze3A_3888 = vector.extract %slice3A_3887[0] : i32 from vector<1xi32>
        %shift_right_logical3A_3889 = arith.constant 3 : i32
        %shift_right_logical3A_3890 = arith.shrui %squeeze3A_3888, %shift_right_logical3A_3889 : i32
        %mul3A_3891 = arith.constant 8 : i32
        %mul3A_3892 = arith.muli %shift_right_logical3A_3890, %mul3A_3891 : i32
        %multiple_of3A_3893 = tpu.assume_multiple %mul3A_3892, 8 : i32
        %slice3A_3894 = vector.extract_strided_slice %get3A_3594 {offsets = [5], sizes = [1], strides = [1]} : vector<16xi32> to vector<1xi32>
        %squeeze3A_3895 = vector.extract %slice3A_3894[0] : i32 from vector<1xi32>
        %shift_right_logical3A_3896 = arith.constant 3 : i32
        %shift_right_logical3A_3897 = arith.shrui %squeeze3A_3895, %shift_right_logical3A_3896 : i32
        %mul3A_3898 = arith.constant 8 : i32
        %mul3A_3899 = arith.muli %shift_right_logical3A_3897, %mul3A_3898 : i32
        %multiple_of3A_3900 = tpu.assume_multiple %mul3A_3899, 8 : i32
        %dma_start3A_3901 = arith.constant 40 : i32
        %dma_start3A_3902 = arith.constant 0 : i32
        %dma_start3A_3903 = tpu.memref_slice %arg11[%xor3A_3579, %dma_start3A_3901, %dma_start3A_3902] : memref<2x128x64xf32, #tpu.memory_space<vmem>> -> memref<1x8x64xf32, #tpu.memory_space<vmem>>
        %dma_start3A_3904 = tpu.memref_squeeze %dma_start3A_3903 : memref<1x8x64xf32, #tpu.memory_space<vmem>> -> memref<8x64xf32, #tpu.memory_space<vmem>>
        %dma_start3A_3905 = arith.constant 0 : i32
        %dma_start3A_3906 = tpu.memref_slice %arg5[%multiple_of3A_3886, %dma_start3A_3905] : memref<1000000x64xf32, #tpu.memory_space<hbm>> -> memref<8x64xf32, #tpu.memory_space<hbm>>
        %dma_start3A_3907 = arith.constant 40 : i32
        %dma_start3A_3908 = arith.constant 0 : i32
        %dma_start3A_3909 = tpu.memref_slice %arg11[%xor3A_3579, %dma_start3A_3907, %dma_start3A_3908] : memref<2x128x64xf32, #tpu.memory_space<vmem>> -> memref<1x8x64xf32, #tpu.memory_space<vmem>>
        %dma_start3A_3910 = tpu.memref_squeeze %dma_start3A_3909 : memref<1x8x64xf32, #tpu.memory_space<vmem>> -> memref<8x64xf32, #tpu.memory_space<vmem>>
        %dma_start3A_3911 = arith.constant 0 : i32
        %dma_start3A_3912 = tpu.memref_slice %arg5[%multiple_of3A_3886, %dma_start3A_3911] : memref<1000000x64xf32, #tpu.memory_space<hbm>> -> memref<8x64xf32, #tpu.memory_space<hbm>>
        tpu.enqueue_dma source(%dma_start3A_3912 : memref<8x64xf32, #tpu.memory_space<hbm>>) target(%dma_start3A_3910 : memref<8x64xf32, #tpu.memory_space<vmem>>) target_semaphore(%arg15 : memref<!tpu.dma_semaphore, #tpu.memory_space<semaphore_mem>>)
        %dma_start3A_3913 = arith.constant 40 : i32
        %dma_start3A_3914 = arith.constant 0 : i32
        %dma_start3A_3915 = tpu.memref_slice %arg12[%xor3A_3579, %dma_start3A_3913, %dma_start3A_3914] : memref<2x128x64xf32, #tpu.memory_space<vmem>> -> memref<1x8x64xf32, #tpu.memory_space<vmem>>
        %dma_start3A_3916 = tpu.memref_squeeze %dma_start3A_3915 : memref<1x8x64xf32, #tpu.memory_space<vmem>> -> memref<8x64xf32, #tpu.memory_space<vmem>>
        %dma_start3A_3917 = arith.constant 0 : i32
        %dma_start3A_3918 = tpu.memref_slice %arg5[%multiple_of3A_3893, %dma_start3A_3917] : memref<1000000x64xf32, #tpu.memory_space<hbm>> -> memref<8x64xf32, #tpu.memory_space<hbm>>
        %dma_start3A_3919 = arith.constant 40 : i32
        %dma_start3A_3920 = arith.constant 0 : i32
        %dma_start3A_3921 = tpu.memref_slice %arg12[%xor3A_3579, %dma_start3A_3919, %dma_start3A_3920] : memref<2x128x64xf32, #tpu.memory_space<vmem>> -> memref<1x8x64xf32, #tpu.memory_space<vmem>>
        %dma_start3A_3922 = tpu.memref_squeeze %dma_start3A_3921 : memref<1x8x64xf32, #tpu.memory_space<vmem>> -> memref<8x64xf32, #tpu.memory_space<vmem>>
        %dma_start3A_3923 = arith.constant 0 : i32
        %dma_start3A_3924 = tpu.memref_slice %arg5[%multiple_of3A_3893, %dma_start3A_3923] : memref<1000000x64xf32, #tpu.memory_space<hbm>> -> memref<8x64xf32, #tpu.memory_space<hbm>>
        tpu.enqueue_dma source(%dma_start3A_3924 : memref<8x64xf32, #tpu.memory_space<hbm>>) target(%dma_start3A_3922 : memref<8x64xf32, #tpu.memory_space<vmem>>) target_semaphore(%arg15 : memref<!tpu.dma_semaphore, #tpu.memory_space<semaphore_mem>>)
        %dma_start3A_3925 = arith.constant 40 : i32
        %dma_start3A_3926 = arith.constant 0 : i32
        %dma_start3A_3927 = tpu.memref_slice %arg13[%xor3A_3579, %dma_start3A_3925, %dma_start3A_3926] : memref<2x128x64xf32, #tpu.memory_space<vmem>> -> memref<1x8x64xf32, #tpu.memory_space<vmem>>
        %dma_start3A_3928 = tpu.memref_squeeze %dma_start3A_3927 : memref<1x8x64xf32, #tpu.memory_space<vmem>> -> memref<8x64xf32, #tpu.memory_space<vmem>>
        %dma_start3A_3929 = arith.constant 0 : i32
        %dma_start3A_3930 = tpu.memref_slice %arg6[%multiple_of3A_3900, %dma_start3A_3929] : memref<1000x64xf32, #tpu.memory_space<hbm>> -> memref<8x64xf32, #tpu.memory_space<hbm>>
        %dma_start3A_3931 = arith.constant 40 : i32
        %dma_start3A_3932 = arith.constant 0 : i32
        %dma_start3A_3933 = tpu.memref_slice %arg13[%xor3A_3579, %dma_start3A_3931, %dma_start3A_3932] : memref<2x128x64xf32, #tpu.memory_space<vmem>> -> memref<1x8x64xf32, #tpu.memory_space<vmem>>
        %dma_start3A_3934 = tpu.memref_squeeze %dma_start3A_3933 : memref<1x8x64xf32, #tpu.memory_space<vmem>> -> memref<8x64xf32, #tpu.memory_space<vmem>>
        %dma_start3A_3935 = arith.constant 0 : i32
        %dma_start3A_3936 = tpu.memref_slice %arg6[%multiple_of3A_3900, %dma_start3A_3935] : memref<1000x64xf32, #tpu.memory_space<hbm>> -> memref<8x64xf32, #tpu.memory_space<hbm>>
        tpu.enqueue_dma source(%dma_start3A_3936 : memref<8x64xf32, #tpu.memory_space<hbm>>) target(%dma_start3A_3934 : memref<8x64xf32, #tpu.memory_space<vmem>>) target_semaphore(%arg15 : memref<!tpu.dma_semaphore, #tpu.memory_space<semaphore_mem>>)
        %slice3A_3937 = vector.extract_strided_slice %get3A_3584 {offsets = [6], sizes = [1], strides = [1]} : vector<16xi32> to vector<1xi32>
        %squeeze3A_3938 = vector.extract %slice3A_3937[0] : i32 from vector<1xi32>
        %shift_right_logical3A_3939 = arith.constant 3 : i32
        %shift_right_logical3A_3940 = arith.shrui %squeeze3A_3938, %shift_right_logical3A_3939 : i32
        %mul3A_3941 = arith.constant 8 : i32
        %mul3A_3942 = arith.muli %shift_right_logical3A_3940, %mul3A_3941 : i32
        %multiple_of3A_3943 = tpu.assume_multiple %mul3A_3942, 8 : i32
        %slice3A_3944 = vector.extract_strided_slice %get3A_3589 {offsets = [6], sizes = [1], strides = [1]} : vector<16xi32> to vector<1xi32>
        %squeeze3A_3945 = vector.extract %slice3A_3944[0] : i32 from vector<1xi32>
        %shift_right_logical3A_3946 = arith.constant 3 : i32
        %shift_right_logical3A_3947 = arith.shrui %squeeze3A_3945, %shift_right_logical3A_3946 : i32
        %mul3A_3948 = arith.constant 8 : i32
        %mul3A_3949 = arith.muli %shift_right_logical3A_3947, %mul3A_3948 : i32
        %multiple_of3A_3950 = tpu.assume_multiple %mul3A_3949, 8 : i32
        %slice3A_3951 = vector.extract_strided_slice %get3A_3594 {offsets = [6], sizes = [1], strides = [1]} : vector<16xi32> to vector<1xi32>
        %squeeze3A_3952 = vector.extract %slice3A_3951[0] : i32 from vector<1xi32>
        %shift_right_logical3A_3953 = arith.constant 3 : i32
        %shift_right_logical3A_3954 = arith.shrui %squeeze3A_3952, %shift_right_logical3A_3953 : i32
        %mul3A_3955 = arith.constant 8 : i32
        %mul3A_3956 = arith.muli %shift_right_logical3A_3954, %mul3A_3955 : i32
        %multiple_of3A_3957 = tpu.assume_multiple %mul3A_3956, 8 : i32
        %dma_start3A_3958 = arith.constant 48 : i32
        %dma_start3A_3959 = arith.constant 0 : i32
        %dma_start3A_3960 = tpu.memref_slice %arg11[%xor3A_3579, %dma_start3A_3958, %dma_start3A_3959] : memref<2x128x64xf32, #tpu.memory_space<vmem>> -> memref<1x8x64xf32, #tpu.memory_space<vmem>>
        %dma_start3A_3961 = tpu.memref_squeeze %dma_start3A_3960 : memref<1x8x64xf32, #tpu.memory_space<vmem>> -> memref<8x64xf32, #tpu.memory_space<vmem>>
        %dma_start3A_3962 = arith.constant 0 : i32
        %dma_start3A_3963 = tpu.memref_slice %arg5[%multiple_of3A_3943, %dma_start3A_3962] : memref<1000000x64xf32, #tpu.memory_space<hbm>> -> memref<8x64xf32, #tpu.memory_space<hbm>>
        %dma_start3A_3964 = arith.constant 48 : i32
        %dma_start3A_3965 = arith.constant 0 : i32
        %dma_start3A_3966 = tpu.memref_slice %arg11[%xor3A_3579, %dma_start3A_3964, %dma_start3A_3965] : memref<2x128x64xf32, #tpu.memory_space<vmem>> -> memref<1x8x64xf32, #tpu.memory_space<vmem>>
        %dma_start3A_3967 = tpu.memref_squeeze %dma_start3A_3966 : memref<1x8x64xf32, #tpu.memory_space<vmem>> -> memref<8x64xf32, #tpu.memory_space<vmem>>
        %dma_start3A_3968 = arith.constant 0 : i32
        %dma_start3A_3969 = tpu.memref_slice %arg5[%multiple_of3A_3943, %dma_start3A_3968] : memref<1000000x64xf32, #tpu.memory_space<hbm>> -> memref<8x64xf32, #tpu.memory_space<hbm>>
        tpu.enqueue_dma source(%dma_start3A_3969 : memref<8x64xf32, #tpu.memory_space<hbm>>) target(%dma_start3A_3967 : memref<8x64xf32, #tpu.memory_space<vmem>>) target_semaphore(%arg15 : memref<!tpu.dma_semaphore, #tpu.memory_space<semaphore_mem>>)
        %dma_start3A_3970 = arith.constant 48 : i32
        %dma_start3A_3971 = arith.constant 0 : i32
        %dma_start3A_3972 = tpu.memref_slice %arg12[%xor3A_3579, %dma_start3A_3970, %dma_start3A_3971] : memref<2x128x64xf32, #tpu.memory_space<vmem>> -> memref<1x8x64xf32, #tpu.memory_space<vmem>>
        %dma_start3A_3973 = tpu.memref_squeeze %dma_start3A_3972 : memref<1x8x64xf32, #tpu.memory_space<vmem>> -> memref<8x64xf32, #tpu.memory_space<vmem>>
        %dma_start3A_3974 = arith.constant 0 : i32
        %dma_start3A_3975 = tpu.memref_slice %arg5[%multiple_of3A_3950, %dma_start3A_3974] : memref<1000000x64xf32, #tpu.memory_space<hbm>> -> memref<8x64xf32, #tpu.memory_space<hbm>>
        %dma_start3A_3976 = arith.constant 48 : i32
        %dma_start3A_3977 = arith.constant 0 : i32
        %dma_start3A_3978 = tpu.memref_slice %arg12[%xor3A_3579, %dma_start3A_3976, %dma_start3A_3977] : memref<2x128x64xf32, #tpu.memory_space<vmem>> -> memref<1x8x64xf32, #tpu.memory_space<vmem>>
        %dma_start3A_3979 = tpu.memref_squeeze %dma_start3A_3978 : memref<1x8x64xf32, #tpu.memory_space<vmem>> -> memref<8x64xf32, #tpu.memory_space<vmem>>
        %dma_start3A_3980 = arith.constant 0 : i32
        %dma_start3A_3981 = tpu.memref_slice %arg5[%multiple_of3A_3950, %dma_start3A_3980] : memref<1000000x64xf32, #tpu.memory_space<hbm>> -> memref<8x64xf32, #tpu.memory_space<hbm>>
        tpu.enqueue_dma source(%dma_start3A_3981 : memref<8x64xf32, #tpu.memory_space<hbm>>) target(%dma_start3A_3979 : memref<8x64xf32, #tpu.memory_space<vmem>>) target_semaphore(%arg15 : memref<!tpu.dma_semaphore, #tpu.memory_space<semaphore_mem>>)
        %dma_start3A_3982 = arith.constant 48 : i32
        %dma_start3A_3983 = arith.constant 0 : i32
        %dma_start3A_3984 = tpu.memref_slice %arg13[%xor3A_3579, %dma_start3A_3982, %dma_start3A_3983] : memref<2x128x64xf32, #tpu.memory_space<vmem>> -> memref<1x8x64xf32, #tpu.memory_space<vmem>>
        %dma_start3A_3985 = tpu.memref_squeeze %dma_start3A_3984 : memref<1x8x64xf32, #tpu.memory_space<vmem>> -> memref<8x64xf32, #tpu.memory_space<vmem>>
        %dma_start3A_3986 = arith.constant 0 : i32
        %dma_start3A_3987 = tpu.memref_slice %arg6[%multiple_of3A_3957, %dma_start3A_3986] : memref<1000x64xf32, #tpu.memory_space<hbm>> -> memref<8x64xf32, #tpu.memory_space<hbm>>
        %dma_start3A_3988 = arith.constant 48 : i32
        %dma_start3A_3989 = arith.constant 0 : i32
        %dma_start3A_3990 = tpu.memref_slice %arg13[%xor3A_3579, %dma_start3A_3988, %dma_start3A_3989] : memref<2x128x64xf32, #tpu.memory_space<vmem>> -> memref<1x8x64xf32, #tpu.memory_space<vmem>>
        %dma_start3A_3991 = tpu.memref_squeeze %dma_start3A_3990 : memref<1x8x64xf32, #tpu.memory_space<vmem>> -> memref<8x64xf32, #tpu.memory_space<vmem>>
        %dma_start3A_3992 = arith.constant 0 : i32
        %dma_start3A_3993 = tpu.memref_slice %arg6[%multiple_of3A_3957, %dma_start3A_3992] : memref<1000x64xf32, #tpu.memory_space<hbm>> -> memref<8x64xf32, #tpu.memory_space<hbm>>
        tpu.enqueue_dma source(%dma_start3A_3993 : memref<8x64xf32, #tpu.memory_space<hbm>>) target(%dma_start3A_3991 : memref<8x64xf32, #tpu.memory_space<vmem>>) target_semaphore(%arg15 : memref<!tpu.dma_semaphore, #tpu.memory_space<semaphore_mem>>)
        %slice3A_3994 = vector.extract_strided_slice %get3A_3584 {offsets = [7], sizes = [1], strides = [1]} : vector<16xi32> to vector<1xi32>
        %squeeze3A_3995 = vector.extract %slice3A_3994[0] : i32 from vector<1xi32>
        %shift_right_logical3A_3996 = arith.constant 3 : i32
        %shift_right_logical3A_3997 = arith.shrui %squeeze3A_3995, %shift_right_logical3A_3996 : i32
        %mul3A_3998 = arith.constant 8 : i32
        %mul3A_3999 = arith.muli %shift_right_logical3A_3997, %mul3A_3998 : i32
        %multiple_of3A_4000 = tpu.assume_multiple %mul3A_3999, 8 : i32
        %slice3A_4001 = vector.extract_strided_slice %get3A_3589 {offsets = [7], sizes = [1], strides = [1]} : vector<16xi32> to vector<1xi32>
        %squeeze3A_4002 = vector.extract %slice3A_4001[0] : i32 from vector<1xi32>
        %shift_right_logical3A_4003 = arith.constant 3 : i32
        %shift_right_logical3A_4004 = arith.shrui %squeeze3A_4002, %shift_right_logical3A_4003 : i32
        %mul3A_4005 = arith.constant 8 : i32
        %mul3A_4006 = arith.muli %shift_right_logical3A_4004, %mul3A_4005 : i32
        %multiple_of3A_4007 = tpu.assume_multiple %mul3A_4006, 8 : i32
        %slice3A_4008 = vector.extract_strided_slice %get3A_3594 {offsets = [7], sizes = [1], strides = [1]} : vector<16xi32> to vector<1xi32>
        %squeeze3A_4009 = vector.extract %slice3A_4008[0] : i32 from vector<1xi32>
        %shift_right_logical3A_4010 = arith.constant 3 : i32
        %shift_right_logical3A_4011 = arith.shrui %squeeze3A_4009, %shift_right_logical3A_4010 : i32
        %mul3A_4012 = arith.constant 8 : i32
        %mul3A_4013 = arith.muli %shift_right_logical3A_4011, %mul3A_4012 : i32
        %multiple_of3A_4014 = tpu.assume_multiple %mul3A_4013, 8 : i32
        %dma_start3A_4015 = arith.constant 56 : i32
        %dma_start3A_4016 = arith.constant 0 : i32
        %dma_start3A_4017 = tpu.memref_slice %arg11[%xor3A_3579, %dma_start3A_4015, %dma_start3A_4016] : memref<2x128x64xf32, #tpu.memory_space<vmem>> -> memref<1x8x64xf32, #tpu.memory_space<vmem>>
        %dma_start3A_4018 = tpu.memref_squeeze %dma_start3A_4017 : memref<1x8x64xf32, #tpu.memory_space<vmem>> -> memref<8x64xf32, #tpu.memory_space<vmem>>
        %dma_start3A_4019 = arith.constant 0 : i32
        %dma_start3A_4020 = tpu.memref_slice %arg5[%multiple_of3A_4000, %dma_start3A_4019] : memref<1000000x64xf32, #tpu.memory_space<hbm>> -> memref<8x64xf32, #tpu.memory_space<hbm>>
        %dma_start3A_4021 = arith.constant 56 : i32
        %dma_start3A_4022 = arith.constant 0 : i32
        %dma_start3A_4023 = tpu.memref_slice %arg11[%xor3A_3579, %dma_start3A_4021, %dma_start3A_4022] : memref<2x128x64xf32, #tpu.memory_space<vmem>> -> memref<1x8x64xf32, #tpu.memory_space<vmem>>
        %dma_start3A_4024 = tpu.memref_squeeze %dma_start3A_4023 : memref<1x8x64xf32, #tpu.memory_space<vmem>> -> memref<8x64xf32, #tpu.memory_space<vmem>>
        %dma_start3A_4025 = arith.constant 0 : i32
        %dma_start3A_4026 = tpu.memref_slice %arg5[%multiple_of3A_4000, %dma_start3A_4025] : memref<1000000x64xf32, #tpu.memory_space<hbm>> -> memref<8x64xf32, #tpu.memory_space<hbm>>
        tpu.enqueue_dma source(%dma_start3A_4026 : memref<8x64xf32, #tpu.memory_space<hbm>>) target(%dma_start3A_4024 : memref<8x64xf32, #tpu.memory_space<vmem>>) target_semaphore(%arg15 : memref<!tpu.dma_semaphore, #tpu.memory_space<semaphore_mem>>)
        %dma_start3A_4027 = arith.constant 56 : i32
        %dma_start3A_4028 = arith.constant 0 : i32
        %dma_start3A_4029 = tpu.memref_slice %arg12[%xor3A_3579, %dma_start3A_4027, %dma_start3A_4028] : memref<2x128x64xf32, #tpu.memory_space<vmem>> -> memref<1x8x64xf32, #tpu.memory_space<vmem>>
        %dma_start3A_4030 = tpu.memref_squeeze %dma_start3A_4029 : memref<1x8x64xf32, #tpu.memory_space<vmem>> -> memref<8x64xf32, #tpu.memory_space<vmem>>
        %dma_start3A_4031 = arith.constant 0 : i32
        %dma_start3A_4032 = tpu.memref_slice %arg5[%multiple_of3A_4007, %dma_start3A_4031] : memref<1000000x64xf32, #tpu.memory_space<hbm>> -> memref<8x64xf32, #tpu.memory_space<hbm>>
        %dma_start3A_4033 = arith.constant 56 : i32
        %dma_start3A_4034 = arith.constant 0 : i32
        %dma_start3A_4035 = tpu.memref_slice %arg12[%xor3A_3579, %dma_start3A_4033, %dma_start3A_4034] : memref<2x128x64xf32, #tpu.memory_space<vmem>> -> memref<1x8x64xf32, #tpu.memory_space<vmem>>
        %dma_start3A_4036 = tpu.memref_squeeze %dma_start3A_4035 : memref<1x8x64xf32, #tpu.memory_space<vmem>> -> memref<8x64xf32, #tpu.memory_space<vmem>>
        %dma_start3A_4037 = arith.constant 0 : i32
        %dma_start3A_4038 = tpu.memref_slice %arg5[%multiple_of3A_4007, %dma_start3A_4037] : memref<1000000x64xf32, #tpu.memory_space<hbm>> -> memref<8x64xf32, #tpu.memory_space<hbm>>
        tpu.enqueue_dma source(%dma_start3A_4038 : memref<8x64xf32, #tpu.memory_space<hbm>>) target(%dma_start3A_4036 : memref<8x64xf32, #tpu.memory_space<vmem>>) target_semaphore(%arg15 : memref<!tpu.dma_semaphore, #tpu.memory_space<semaphore_mem>>)
        %dma_start3A_4039 = arith.constant 56 : i32
        %dma_start3A_4040 = arith.constant 0 : i32
        %dma_start3A_4041 = tpu.memref_slice %arg13[%xor3A_3579, %dma_start3A_4039, %dma_start3A_4040] : memref<2x128x64xf32, #tpu.memory_space<vmem>> -> memref<1x8x64xf32, #tpu.memory_space<vmem>>
        %dma_start3A_4042 = tpu.memref_squeeze %dma_start3A_4041 : memref<1x8x64xf32, #tpu.memory_space<vmem>> -> memref<8x64xf32, #tpu.memory_space<vmem>>
        %dma_start3A_4043 = arith.constant 0 : i32
        %dma_start3A_4044 = tpu.memref_slice %arg6[%multiple_of3A_4014, %dma_start3A_4043] : memref<1000x64xf32, #tpu.memory_space<hbm>> -> memref<8x64xf32, #tpu.memory_space<hbm>>
        %dma_start3A_4045 = arith.constant 56 : i32
        %dma_start3A_4046 = arith.constant 0 : i32
        %dma_start3A_4047 = tpu.memref_slice %arg13[%xor3A_3579, %dma_start3A_4045, %dma_start3A_4046] : memref<2x128x64xf32, #tpu.memory_space<vmem>> -> memref<1x8x64xf32, #tpu.memory_space<vmem>>
        %dma_start3A_4048 = tpu.memref_squeeze %dma_start3A_4047 : memref<1x8x64xf32, #tpu.memory_space<vmem>> -> memref<8x64xf32, #tpu.memory_space<vmem>>
        %dma_start3A_4049 = arith.constant 0 : i32
        %dma_start3A_4050 = tpu.memref_slice %arg6[%multiple_of3A_4014, %dma_start3A_4049] : memref<1000x64xf32, #tpu.memory_space<hbm>> -> memref<8x64xf32, #tpu.memory_space<hbm>>
        tpu.enqueue_dma source(%dma_start3A_4050 : memref<8x64xf32, #tpu.memory_space<hbm>>) target(%dma_start3A_4048 : memref<8x64xf32, #tpu.memory_space<vmem>>) target_semaphore(%arg15 : memref<!tpu.dma_semaphore, #tpu.memory_space<semaphore_mem>>)
        %slice3A_4051 = vector.extract_strided_slice %get3A_3584 {offsets = [8], sizes = [1], strides = [1]} : vector<16xi32> to vector<1xi32>
        %squeeze3A_4052 = vector.extract %slice3A_4051[0] : i32 from vector<1xi32>
        %shift_right_logical3A_4053 = arith.constant 3 : i32
        %shift_right_logical3A_4054 = arith.shrui %squeeze3A_4052, %shift_right_logical3A_4053 : i32
        %mul3A_4055 = arith.constant 8 : i32
        %mul3A_4056 = arith.muli %shift_right_logical3A_4054, %mul3A_4055 : i32
        %multiple_of3A_4057 = tpu.assume_multiple %mul3A_4056, 8 : i32
        %slice3A_4058 = vector.extract_strided_slice %get3A_3589 {offsets = [8], sizes = [1], strides = [1]} : vector<16xi32> to vector<1xi32>
        %squeeze3A_4059 = vector.extract %slice3A_4058[0] : i32 from vector<1xi32>
        %shift_right_logical3A_4060 = arith.constant 3 : i32
        %shift_right_logical3A_4061 = arith.shrui %squeeze3A_4059, %shift_right_logical3A_4060 : i32
        %mul3A_4062 = arith.constant 8 : i32
        %mul3A_4063 = arith.muli %shift_right_logical3A_4061, %mul3A_4062 : i32
        %multiple_of3A_4064 = tpu.assume_multiple %mul3A_4063, 8 : i32
        %slice3A_4065 = vector.extract_strided_slice %get3A_3594 {offsets = [8], sizes = [1], strides = [1]} : vector<16xi32> to vector<1xi32>
        %squeeze3A_4066 = vector.extract %slice3A_4065[0] : i32 from vector<1xi32>
        %shift_right_logical3A_4067 = arith.constant 3 : i32
        %shift_right_logical3A_4068 = arith.shrui %squeeze3A_4066, %shift_right_logical3A_4067 : i32
        %mul3A_4069 = arith.constant 8 : i32
        %mul3A_4070 = arith.muli %shift_right_logical3A_4068, %mul3A_4069 : i32
        %multiple_of3A_4071 = tpu.assume_multiple %mul3A_4070, 8 : i32
        %dma_start3A_4072 = arith.constant 64 : i32
        %dma_start3A_4073 = arith.constant 0 : i32
        %dma_start3A_4074 = tpu.memref_slice %arg11[%xor3A_3579, %dma_start3A_4072, %dma_start3A_4073] : memref<2x128x64xf32, #tpu.memory_space<vmem>> -> memref<1x8x64xf32, #tpu.memory_space<vmem>>
        %dma_start3A_4075 = tpu.memref_squeeze %dma_start3A_4074 : memref<1x8x64xf32, #tpu.memory_space<vmem>> -> memref<8x64xf32, #tpu.memory_space<vmem>>
        %dma_start3A_4076 = arith.constant 0 : i32
        %dma_start3A_4077 = tpu.memref_slice %arg5[%multiple_of3A_4057, %dma_start3A_4076] : memref<1000000x64xf32, #tpu.memory_space<hbm>> -> memref<8x64xf32, #tpu.memory_space<hbm>>
        %dma_start3A_4078 = arith.constant 64 : i32
        %dma_start3A_4079 = arith.constant 0 : i32
        %dma_start3A_4080 = tpu.memref_slice %arg11[%xor3A_3579, %dma_start3A_4078, %dma_start3A_4079] : memref<2x128x64xf32, #tpu.memory_space<vmem>> -> memref<1x8x64xf32, #tpu.memory_space<vmem>>
        %dma_start3A_4081 = tpu.memref_squeeze %dma_start3A_4080 : memref<1x8x64xf32, #tpu.memory_space<vmem>> -> memref<8x64xf32, #tpu.memory_space<vmem>>
        %dma_start3A_4082 = arith.constant 0 : i32
        %dma_start3A_4083 = tpu.memref_slice %arg5[%multiple_of3A_4057, %dma_start3A_4082] : memref<1000000x64xf32, #tpu.memory_space<hbm>> -> memref<8x64xf32, #tpu.memory_space<hbm>>
        tpu.enqueue_dma source(%dma_start3A_4083 : memref<8x64xf32, #tpu.memory_space<hbm>>) target(%dma_start3A_4081 : memref<8x64xf32, #tpu.memory_space<vmem>>) target_semaphore(%arg15 : memref<!tpu.dma_semaphore, #tpu.memory_space<semaphore_mem>>)
        %dma_start3A_4084 = arith.constant 64 : i32
        %dma_start3A_4085 = arith.constant 0 : i32
        %dma_start3A_4086 = tpu.memref_slice %arg12[%xor3A_3579, %dma_start3A_4084, %dma_start3A_4085] : memref<2x128x64xf32, #tpu.memory_space<vmem>> -> memref<1x8x64xf32, #tpu.memory_space<vmem>>
        %dma_start3A_4087 = tpu.memref_squeeze %dma_start3A_4086 : memref<1x8x64xf32, #tpu.memory_space<vmem>> -> memref<8x64xf32, #tpu.memory_space<vmem>>
        %dma_start3A_4088 = arith.constant 0 : i32
        %dma_start3A_4089 = tpu.memref_slice %arg5[%multiple_of3A_4064, %dma_start3A_4088] : memref<1000000x64xf32, #tpu.memory_space<hbm>> -> memref<8x64xf32, #tpu.memory_space<hbm>>
        %dma_start3A_4090 = arith.constant 64 : i32
        %dma_start3A_4091 = arith.constant 0 : i32
        %dma_start3A_4092 = tpu.memref_slice %arg12[%xor3A_3579, %dma_start3A_4090, %dma_start3A_4091] : memref<2x128x64xf32, #tpu.memory_space<vmem>> -> memref<1x8x64xf32, #tpu.memory_space<vmem>>
        %dma_start3A_4093 = tpu.memref_squeeze %dma_start3A_4092 : memref<1x8x64xf32, #tpu.memory_space<vmem>> -> memref<8x64xf32, #tpu.memory_space<vmem>>
        %dma_start3A_4094 = arith.constant 0 : i32
        %dma_start3A_4095 = tpu.memref_slice %arg5[%multiple_of3A_4064, %dma_start3A_4094] : memref<1000000x64xf32, #tpu.memory_space<hbm>> -> memref<8x64xf32, #tpu.memory_space<hbm>>
        tpu.enqueue_dma source(%dma_start3A_4095 : memref<8x64xf32, #tpu.memory_space<hbm>>) target(%dma_start3A_4093 : memref<8x64xf32, #tpu.memory_space<vmem>>) target_semaphore(%arg15 : memref<!tpu.dma_semaphore, #tpu.memory_space<semaphore_mem>>)
        %dma_start3A_4096 = arith.constant 64 : i32
        %dma_start3A_4097 = arith.constant 0 : i32
        %dma_start3A_4098 = tpu.memref_slice %arg13[%xor3A_3579, %dma_start3A_4096, %dma_start3A_4097] : memref<2x128x64xf32, #tpu.memory_space<vmem>> -> memref<1x8x64xf32, #tpu.memory_space<vmem>>
        %dma_start3A_4099 = tpu.memref_squeeze %dma_start3A_4098 : memref<1x8x64xf32, #tpu.memory_space<vmem>> -> memref<8x64xf32, #tpu.memory_space<vmem>>
        %dma_start3A_4100 = arith.constant 0 : i32
        %dma_start3A_4101 = tpu.memref_slice %arg6[%multiple_of3A_4071, %dma_start3A_4100] : memref<1000x64xf32, #tpu.memory_space<hbm>> -> memref<8x64xf32, #tpu.memory_space<hbm>>
        %dma_start3A_4102 = arith.constant 64 : i32
        %dma_start3A_4103 = arith.constant 0 : i32
        %dma_start3A_4104 = tpu.memref_slice %arg13[%xor3A_3579, %dma_start3A_4102, %dma_start3A_4103] : memref<2x128x64xf32, #tpu.memory_space<vmem>> -> memref<1x8x64xf32, #tpu.memory_space<vmem>>
        %dma_start3A_4105 = tpu.memref_squeeze %dma_start3A_4104 : memref<1x8x64xf32, #tpu.memory_space<vmem>> -> memref<8x64xf32, #tpu.memory_space<vmem>>
        %dma_start3A_4106 = arith.constant 0 : i32
        %dma_start3A_4107 = tpu.memref_slice %arg6[%multiple_of3A_4071, %dma_start3A_4106] : memref<1000x64xf32, #tpu.memory_space<hbm>> -> memref<8x64xf32, #tpu.memory_space<hbm>>
        tpu.enqueue_dma source(%dma_start3A_4107 : memref<8x64xf32, #tpu.memory_space<hbm>>) target(%dma_start3A_4105 : memref<8x64xf32, #tpu.memory_space<vmem>>) target_semaphore(%arg15 : memref<!tpu.dma_semaphore, #tpu.memory_space<semaphore_mem>>)
        %slice3A_4108 = vector.extract_strided_slice %get3A_3584 {offsets = [9], sizes = [1], strides = [1]} : vector<16xi32> to vector<1xi32>
        %squeeze3A_4109 = vector.extract %slice3A_4108[0] : i32 from vector<1xi32>
        %shift_right_logical3A_4110 = arith.constant 3 : i32
        %shift_right_logical3A_4111 = arith.shrui %squeeze3A_4109, %shift_right_logical3A_4110 : i32
        %mul3A_4112 = arith.constant 8 : i32
        %mul3A_4113 = arith.muli %shift_right_logical3A_4111, %mul3A_4112 : i32
        %multiple_of3A_4114 = tpu.assume_multiple %mul3A_4113, 8 : i32
        %slice3A_4115 = vector.extract_strided_slice %get3A_3589 {offsets = [9], sizes = [1], strides = [1]} : vector<16xi32> to vector<1xi32>
        %squeeze3A_4116 = vector.extract %slice3A_4115[0] : i32 from vector<1xi32>
        %shift_right_logical3A_4117 = arith.constant 3 : i32
        %shift_right_logical3A_4118 = arith.shrui %squeeze3A_4116, %shift_right_logical3A_4117 : i32
        %mul3A_4119 = arith.constant 8 : i32
        %mul3A_4120 = arith.muli %shift_right_logical3A_4118, %mul3A_4119 : i32
        %multiple_of3A_4121 = tpu.assume_multiple %mul3A_4120, 8 : i32
        %slice3A_4122 = vector.extract_strided_slice %get3A_3594 {offsets = [9], sizes = [1], strides = [1]} : vector<16xi32> to vector<1xi32>
        %squeeze3A_4123 = vector.extract %slice3A_4122[0] : i32 from vector<1xi32>
        %shift_right_logical3A_4124 = arith.constant 3 : i32
        %shift_right_logical3A_4125 = arith.shrui %squeeze3A_4123, %shift_right_logical3A_4124 : i32
        %mul3A_4126 = arith.constant 8 : i32
        %mul3A_4127 = arith.muli %shift_right_logical3A_4125, %mul3A_4126 : i32
        %multiple_of3A_4128 = tpu.assume_multiple %mul3A_4127, 8 : i32
        %dma_start3A_4129 = arith.constant 72 : i32
        %dma_start3A_4130 = arith.constant 0 : i32
        %dma_start3A_4131 = tpu.memref_slice %arg11[%xor3A_3579, %dma_start3A_4129, %dma_start3A_4130] : memref<2x128x64xf32, #tpu.memory_space<vmem>> -> memref<1x8x64xf32, #tpu.memory_space<vmem>>
        %dma_start3A_4132 = tpu.memref_squeeze %dma_start3A_4131 : memref<1x8x64xf32, #tpu.memory_space<vmem>> -> memref<8x64xf32, #tpu.memory_space<vmem>>
        %dma_start3A_4133 = arith.constant 0 : i32
        %dma_start3A_4134 = tpu.memref_slice %arg5[%multiple_of3A_4114, %dma_start3A_4133] : memref<1000000x64xf32, #tpu.memory_space<hbm>> -> memref<8x64xf32, #tpu.memory_space<hbm>>
        %dma_start3A_4135 = arith.constant 72 : i32
        %dma_start3A_4136 = arith.constant 0 : i32
        %dma_start3A_4137 = tpu.memref_slice %arg11[%xor3A_3579, %dma_start3A_4135, %dma_start3A_4136] : memref<2x128x64xf32, #tpu.memory_space<vmem>> -> memref<1x8x64xf32, #tpu.memory_space<vmem>>
        %dma_start3A_4138 = tpu.memref_squeeze %dma_start3A_4137 : memref<1x8x64xf32, #tpu.memory_space<vmem>> -> memref<8x64xf32, #tpu.memory_space<vmem>>
        %dma_start3A_4139 = arith.constant 0 : i32
        %dma_start3A_4140 = tpu.memref_slice %arg5[%multiple_of3A_4114, %dma_start3A_4139] : memref<1000000x64xf32, #tpu.memory_space<hbm>> -> memref<8x64xf32, #tpu.memory_space<hbm>>
        tpu.enqueue_dma source(%dma_start3A_4140 : memref<8x64xf32, #tpu.memory_space<hbm>>) target(%dma_start3A_4138 : memref<8x64xf32, #tpu.memory_space<vmem>>) target_semaphore(%arg15 : memref<!tpu.dma_semaphore, #tpu.memory_space<semaphore_mem>>)
        %dma_start3A_4141 = arith.constant 72 : i32
        %dma_start3A_4142 = arith.constant 0 : i32
        %dma_start3A_4143 = tpu.memref_slice %arg12[%xor3A_3579, %dma_start3A_4141, %dma_start3A_4142] : memref<2x128x64xf32, #tpu.memory_space<vmem>> -> memref<1x8x64xf32, #tpu.memory_space<vmem>>
        %dma_start3A_4144 = tpu.memref_squeeze %dma_start3A_4143 : memref<1x8x64xf32, #tpu.memory_space<vmem>> -> memref<8x64xf32, #tpu.memory_space<vmem>>
        %dma_start3A_4145 = arith.constant 0 : i32
        %dma_start3A_4146 = tpu.memref_slice %arg5[%multiple_of3A_4121, %dma_start3A_4145] : memref<1000000x64xf32, #tpu.memory_space<hbm>> -> memref<8x64xf32, #tpu.memory_space<hbm>>
        %dma_start3A_4147 = arith.constant 72 : i32
        %dma_start3A_4148 = arith.constant 0 : i32
        %dma_start3A_4149 = tpu.memref_slice %arg12[%xor3A_3579, %dma_start3A_4147, %dma_start3A_4148] : memref<2x128x64xf32, #tpu.memory_space<vmem>> -> memref<1x8x64xf32, #tpu.memory_space<vmem>>
        %dma_start3A_4150 = tpu.memref_squeeze %dma_start3A_4149 : memref<1x8x64xf32, #tpu.memory_space<vmem>> -> memref<8x64xf32, #tpu.memory_space<vmem>>
        %dma_start3A_4151 = arith.constant 0 : i32
        %dma_start3A_4152 = tpu.memref_slice %arg5[%multiple_of3A_4121, %dma_start3A_4151] : memref<1000000x64xf32, #tpu.memory_space<hbm>> -> memref<8x64xf32, #tpu.memory_space<hbm>>
        tpu.enqueue_dma source(%dma_start3A_4152 : memref<8x64xf32, #tpu.memory_space<hbm>>) target(%dma_start3A_4150 : memref<8x64xf32, #tpu.memory_space<vmem>>) target_semaphore(%arg15 : memref<!tpu.dma_semaphore, #tpu.memory_space<semaphore_mem>>)
        %dma_start3A_4153 = arith.constant 72 : i32
        %dma_start3A_4154 = arith.constant 0 : i32
        %dma_start3A_4155 = tpu.memref_slice %arg13[%xor3A_3579, %dma_start3A_4153, %dma_start3A_4154] : memref<2x128x64xf32, #tpu.memory_space<vmem>> -> memref<1x8x64xf32, #tpu.memory_space<vmem>>
        %dma_start3A_4156 = tpu.memref_squeeze %dma_start3A_4155 : memref<1x8x64xf32, #tpu.memory_space<vmem>> -> memref<8x64xf32, #tpu.memory_space<vmem>>
        %dma_start3A_4157 = arith.constant 0 : i32
        %dma_start3A_4158 = tpu.memref_slice %arg6[%multiple_of3A_4128, %dma_start3A_4157] : memref<1000x64xf32, #tpu.memory_space<hbm>> -> memref<8x64xf32, #tpu.memory_space<hbm>>
        %dma_start3A_4159 = arith.constant 72 : i32
        %dma_start3A_4160 = arith.constant 0 : i32
        %dma_start3A_4161 = tpu.memref_slice %arg13[%xor3A_3579, %dma_start3A_4159, %dma_start3A_4160] : memref<2x128x64xf32, #tpu.memory_space<vmem>> -> memref<1x8x64xf32, #tpu.memory_space<vmem>>
        %dma_start3A_4162 = tpu.memref_squeeze %dma_start3A_4161 : memref<1x8x64xf32, #tpu.memory_space<vmem>> -> memref<8x64xf32, #tpu.memory_space<vmem>>
        %dma_start3A_4163 = arith.constant 0 : i32
        %dma_start3A_4164 = tpu.memref_slice %arg6[%multiple_of3A_4128, %dma_start3A_4163] : memref<1000x64xf32, #tpu.memory_space<hbm>> -> memref<8x64xf32, #tpu.memory_space<hbm>>
        tpu.enqueue_dma source(%dma_start3A_4164 : memref<8x64xf32, #tpu.memory_space<hbm>>) target(%dma_start3A_4162 : memref<8x64xf32, #tpu.memory_space<vmem>>) target_semaphore(%arg15 : memref<!tpu.dma_semaphore, #tpu.memory_space<semaphore_mem>>)
        %slice3A_4165 = vector.extract_strided_slice %get3A_3584 {offsets = [10], sizes = [1], strides = [1]} : vector<16xi32> to vector<1xi32>
        %squeeze3A_4166 = vector.extract %slice3A_4165[0] : i32 from vector<1xi32>
        %shift_right_logical3A_4167 = arith.constant 3 : i32
        %shift_right_logical3A_4168 = arith.shrui %squeeze3A_4166, %shift_right_logical3A_4167 : i32
        %mul3A_4169 = arith.constant 8 : i32
        %mul3A_4170 = arith.muli %shift_right_logical3A_4168, %mul3A_4169 : i32
        %multiple_of3A_4171 = tpu.assume_multiple %mul3A_4170, 8 : i32
        %slice3A_4172 = vector.extract_strided_slice %get3A_3589 {offsets = [10], sizes = [1], strides = [1]} : vector<16xi32> to vector<1xi32>
        %squeeze3A_4173 = vector.extract %slice3A_4172[0] : i32 from vector<1xi32>
        %shift_right_logical3A_4174 = arith.constant 3 : i32
        %shift_right_logical3A_4175 = arith.shrui %squeeze3A_4173, %shift_right_logical3A_4174 : i32
        %mul3A_4176 = arith.constant 8 : i32
        %mul3A_4177 = arith.muli %shift_right_logical3A_4175, %mul3A_4176 : i32
        %multiple_of3A_4178 = tpu.assume_multiple %mul3A_4177, 8 : i32
        %slice3A_4179 = vector.extract_strided_slice %get3A_3594 {offsets = [10], sizes = [1], strides = [1]} : vector<16xi32> to vector<1xi32>
        %squeeze3A_4180 = vector.extract %slice3A_4179[0] : i32 from vector<1xi32>
        %shift_right_logical3A_4181 = arith.constant 3 : i32
        %shift_right_logical3A_4182 = arith.shrui %squeeze3A_4180, %shift_right_logical3A_4181 : i32
        %mul3A_4183 = arith.constant 8 : i32
        %mul3A_4184 = arith.muli %shift_right_logical3A_4182, %mul3A_4183 : i32
        %multiple_of3A_4185 = tpu.assume_multiple %mul3A_4184, 8 : i32
        %dma_start3A_4186 = arith.constant 80 : i32
        %dma_start3A_4187 = arith.constant 0 : i32
        %dma_start3A_4188 = tpu.memref_slice %arg11[%xor3A_3579, %dma_start3A_4186, %dma_start3A_4187] : memref<2x128x64xf32, #tpu.memory_space<vmem>> -> memref<1x8x64xf32, #tpu.memory_space<vmem>>
        %dma_start3A_4189 = tpu.memref_squeeze %dma_start3A_4188 : memref<1x8x64xf32, #tpu.memory_space<vmem>> -> memref<8x64xf32, #tpu.memory_space<vmem>>
        %dma_start3A_4190 = arith.constant 0 : i32
        %dma_start3A_4191 = tpu.memref_slice %arg5[%multiple_of3A_4171, %dma_start3A_4190] : memref<1000000x64xf32, #tpu.memory_space<hbm>> -> memref<8x64xf32, #tpu.memory_space<hbm>>
        %dma_start3A_4192 = arith.constant 80 : i32
        %dma_start3A_4193 = arith.constant 0 : i32
        %dma_start3A_4194 = tpu.memref_slice %arg11[%xor3A_3579, %dma_start3A_4192, %dma_start3A_4193] : memref<2x128x64xf32, #tpu.memory_space<vmem>> -> memref<1x8x64xf32, #tpu.memory_space<vmem>>
        %dma_start3A_4195 = tpu.memref_squeeze %dma_start3A_4194 : memref<1x8x64xf32, #tpu.memory_space<vmem>> -> memref<8x64xf32, #tpu.memory_space<vmem>>
        %dma_start3A_4196 = arith.constant 0 : i32
        %dma_start3A_4197 = tpu.memref_slice %arg5[%multiple_of3A_4171, %dma_start3A_4196] : memref<1000000x64xf32, #tpu.memory_space<hbm>> -> memref<8x64xf32, #tpu.memory_space<hbm>>
        tpu.enqueue_dma source(%dma_start3A_4197 : memref<8x64xf32, #tpu.memory_space<hbm>>) target(%dma_start3A_4195 : memref<8x64xf32, #tpu.memory_space<vmem>>) target_semaphore(%arg15 : memref<!tpu.dma_semaphore, #tpu.memory_space<semaphore_mem>>)
        %dma_start3A_4198 = arith.constant 80 : i32
        %dma_start3A_4199 = arith.constant 0 : i32
        %dma_start3A_4200 = tpu.memref_slice %arg12[%xor3A_3579, %dma_start3A_4198, %dma_start3A_4199] : memref<2x128x64xf32, #tpu.memory_space<vmem>> -> memref<1x8x64xf32, #tpu.memory_space<vmem>>
        %dma_start3A_4201 = tpu.memref_squeeze %dma_start3A_4200 : memref<1x8x64xf32, #tpu.memory_space<vmem>> -> memref<8x64xf32, #tpu.memory_space<vmem>>
        %dma_start3A_4202 = arith.constant 0 : i32
        %dma_start3A_4203 = tpu.memref_slice %arg5[%multiple_of3A_4178, %dma_start3A_4202] : memref<1000000x64xf32, #tpu.memory_space<hbm>> -> memref<8x64xf32, #tpu.memory_space<hbm>>
        %dma_start3A_4204 = arith.constant 80 : i32
        %dma_start3A_4205 = arith.constant 0 : i32
        %dma_start3A_4206 = tpu.memref_slice %arg12[%xor3A_3579, %dma_start3A_4204, %dma_start3A_4205] : memref<2x128x64xf32, #tpu.memory_space<vmem>> -> memref<1x8x64xf32, #tpu.memory_space<vmem>>
        %dma_start3A_4207 = tpu.memref_squeeze %dma_start3A_4206 : memref<1x8x64xf32, #tpu.memory_space<vmem>> -> memref<8x64xf32, #tpu.memory_space<vmem>>
        %dma_start3A_4208 = arith.constant 0 : i32
        %dma_start3A_4209 = tpu.memref_slice %arg5[%multiple_of3A_4178, %dma_start3A_4208] : memref<1000000x64xf32, #tpu.memory_space<hbm>> -> memref<8x64xf32, #tpu.memory_space<hbm>>
        tpu.enqueue_dma source(%dma_start3A_4209 : memref<8x64xf32, #tpu.memory_space<hbm>>) target(%dma_start3A_4207 : memref<8x64xf32, #tpu.memory_space<vmem>>) target_semaphore(%arg15 : memref<!tpu.dma_semaphore, #tpu.memory_space<semaphore_mem>>)
        %dma_start3A_4210 = arith.constant 80 : i32
        %dma_start3A_4211 = arith.constant 0 : i32
        %dma_start3A_4212 = tpu.memref_slice %arg13[%xor3A_3579, %dma_start3A_4210, %dma_start3A_4211] : memref<2x128x64xf32, #tpu.memory_space<vmem>> -> memref<1x8x64xf32, #tpu.memory_space<vmem>>
        %dma_start3A_4213 = tpu.memref_squeeze %dma_start3A_4212 : memref<1x8x64xf32, #tpu.memory_space<vmem>> -> memref<8x64xf32, #tpu.memory_space<vmem>>
        %dma_start3A_4214 = arith.constant 0 : i32
        %dma_start3A_4215 = tpu.memref_slice %arg6[%multiple_of3A_4185, %dma_start3A_4214] : memref<1000x64xf32, #tpu.memory_space<hbm>> -> memref<8x64xf32, #tpu.memory_space<hbm>>
        %dma_start3A_4216 = arith.constant 80 : i32
        %dma_start3A_4217 = arith.constant 0 : i32
        %dma_start3A_4218 = tpu.memref_slice %arg13[%xor3A_3579, %dma_start3A_4216, %dma_start3A_4217] : memref<2x128x64xf32, #tpu.memory_space<vmem>> -> memref<1x8x64xf32, #tpu.memory_space<vmem>>
        %dma_start3A_4219 = tpu.memref_squeeze %dma_start3A_4218 : memref<1x8x64xf32, #tpu.memory_space<vmem>> -> memref<8x64xf32, #tpu.memory_space<vmem>>
        %dma_start3A_4220 = arith.constant 0 : i32
        %dma_start3A_4221 = tpu.memref_slice %arg6[%multiple_of3A_4185, %dma_start3A_4220] : memref<1000x64xf32, #tpu.memory_space<hbm>> -> memref<8x64xf32, #tpu.memory_space<hbm>>
        tpu.enqueue_dma source(%dma_start3A_4221 : memref<8x64xf32, #tpu.memory_space<hbm>>) target(%dma_start3A_4219 : memref<8x64xf32, #tpu.memory_space<vmem>>) target_semaphore(%arg15 : memref<!tpu.dma_semaphore, #tpu.memory_space<semaphore_mem>>)
        %slice3A_4222 = vector.extract_strided_slice %get3A_3584 {offsets = [11], sizes = [1], strides = [1]} : vector<16xi32> to vector<1xi32>
        %squeeze3A_4223 = vector.extract %slice3A_4222[0] : i32 from vector<1xi32>
        %shift_right_logical3A_4224 = arith.constant 3 : i32
        %shift_right_logical3A_4225 = arith.shrui %squeeze3A_4223, %shift_right_logical3A_4224 : i32
        %mul3A_4226 = arith.constant 8 : i32
        %mul3A_4227 = arith.muli %shift_right_logical3A_4225, %mul3A_4226 : i32
        %multiple_of3A_4228 = tpu.assume_multiple %mul3A_4227, 8 : i32
        %slice3A_4229 = vector.extract_strided_slice %get3A_3589 {offsets = [11], sizes = [1], strides = [1]} : vector<16xi32> to vector<1xi32>
        %squeeze3A_4230 = vector.extract %slice3A_4229[0] : i32 from vector<1xi32>
        %shift_right_logical3A_4231 = arith.constant 3 : i32
        %shift_right_logical3A_4232 = arith.shrui %squeeze3A_4230, %shift_right_logical3A_4231 : i32
        %mul3A_4233 = arith.constant 8 : i32
        %mul3A_4234 = arith.muli %shift_right_logical3A_4232, %mul3A_4233 : i32
        %multiple_of3A_4235 = tpu.assume_multiple %mul3A_4234, 8 : i32
        %slice3A_4236 = vector.extract_strided_slice %get3A_3594 {offsets = [11], sizes = [1], strides = [1]} : vector<16xi32> to vector<1xi32>
        %squeeze3A_4237 = vector.extract %slice3A_4236[0] : i32 from vector<1xi32>
        %shift_right_logical3A_4238 = arith.constant 3 : i32
        %shift_right_logical3A_4239 = arith.shrui %squeeze3A_4237, %shift_right_logical3A_4238 : i32
        %mul3A_4240 = arith.constant 8 : i32
        %mul3A_4241 = arith.muli %shift_right_logical3A_4239, %mul3A_4240 : i32
        %multiple_of3A_4242 = tpu.assume_multiple %mul3A_4241, 8 : i32
        %dma_start3A_4243 = arith.constant 88 : i32
        %dma_start3A_4244 = arith.constant 0 : i32
        %dma_start3A_4245 = tpu.memref_slice %arg11[%xor3A_3579, %dma_start3A_4243, %dma_start3A_4244] : memref<2x128x64xf32, #tpu.memory_space<vmem>> -> memref<1x8x64xf32, #tpu.memory_space<vmem>>
        %dma_start3A_4246 = tpu.memref_squeeze %dma_start3A_4245 : memref<1x8x64xf32, #tpu.memory_space<vmem>> -> memref<8x64xf32, #tpu.memory_space<vmem>>
        %dma_start3A_4247 = arith.constant 0 : i32
        %dma_start3A_4248 = tpu.memref_slice %arg5[%multiple_of3A_4228, %dma_start3A_4247] : memref<1000000x64xf32, #tpu.memory_space<hbm>> -> memref<8x64xf32, #tpu.memory_space<hbm>>
        %dma_start3A_4249 = arith.constant 88 : i32
        %dma_start3A_4250 = arith.constant 0 : i32
        %dma_start3A_4251 = tpu.memref_slice %arg11[%xor3A_3579, %dma_start3A_4249, %dma_start3A_4250] : memref<2x128x64xf32, #tpu.memory_space<vmem>> -> memref<1x8x64xf32, #tpu.memory_space<vmem>>
        %dma_start3A_4252 = tpu.memref_squeeze %dma_start3A_4251 : memref<1x8x64xf32, #tpu.memory_space<vmem>> -> memref<8x64xf32, #tpu.memory_space<vmem>>
        %dma_start3A_4253 = arith.constant 0 : i32
        %dma_start3A_4254 = tpu.memref_slice %arg5[%multiple_of3A_4228, %dma_start3A_4253] : memref<1000000x64xf32, #tpu.memory_space<hbm>> -> memref<8x64xf32, #tpu.memory_space<hbm>>
        tpu.enqueue_dma source(%dma_start3A_4254 : memref<8x64xf32, #tpu.memory_space<hbm>>) target(%dma_start3A_4252 : memref<8x64xf32, #tpu.memory_space<vmem>>) target_semaphore(%arg15 : memref<!tpu.dma_semaphore, #tpu.memory_space<semaphore_mem>>)
        %dma_start3A_4255 = arith.constant 88 : i32
        %dma_start3A_4256 = arith.constant 0 : i32
        %dma_start3A_4257 = tpu.memref_slice %arg12[%xor3A_3579, %dma_start3A_4255, %dma_start3A_4256] : memref<2x128x64xf32, #tpu.memory_space<vmem>> -> memref<1x8x64xf32, #tpu.memory_space<vmem>>
        %dma_start3A_4258 = tpu.memref_squeeze %dma_start3A_4257 : memref<1x8x64xf32, #tpu.memory_space<vmem>> -> memref<8x64xf32, #tpu.memory_space<vmem>>
        %dma_start3A_4259 = arith.constant 0 : i32
        %dma_start3A_4260 = tpu.memref_slice %arg5[%multiple_of3A_4235, %dma_start3A_4259] : memref<1000000x64xf32, #tpu.memory_space<hbm>> -> memref<8x64xf32, #tpu.memory_space<hbm>>
        %dma_start3A_4261 = arith.constant 88 : i32
        %dma_start3A_4262 = arith.constant 0 : i32
        %dma_start3A_4263 = tpu.memref_slice %arg12[%xor3A_3579, %dma_start3A_4261, %dma_start3A_4262] : memref<2x128x64xf32, #tpu.memory_space<vmem>> -> memref<1x8x64xf32, #tpu.memory_space<vmem>>
        %dma_start3A_4264 = tpu.memref_squeeze %dma_start3A_4263 : memref<1x8x64xf32, #tpu.memory_space<vmem>> -> memref<8x64xf32, #tpu.memory_space<vmem>>
        %dma_start3A_4265 = arith.constant 0 : i32
        %dma_start3A_4266 = tpu.memref_slice %arg5[%multiple_of3A_4235, %dma_start3A_4265] : memref<1000000x64xf32, #tpu.memory_space<hbm>> -> memref<8x64xf32, #tpu.memory_space<hbm>>
        tpu.enqueue_dma source(%dma_start3A_4266 : memref<8x64xf32, #tpu.memory_space<hbm>>) target(%dma_start3A_4264 : memref<8x64xf32, #tpu.memory_space<vmem>>) target_semaphore(%arg15 : memref<!tpu.dma_semaphore, #tpu.memory_space<semaphore_mem>>)
        %dma_start3A_4267 = arith.constant 88 : i32
        %dma_start3A_4268 = arith.constant 0 : i32
        %dma_start3A_4269 = tpu.memref_slice %arg13[%xor3A_3579, %dma_start3A_4267, %dma_start3A_4268] : memref<2x128x64xf32, #tpu.memory_space<vmem>> -> memref<1x8x64xf32, #tpu.memory_space<vmem>>
        %dma_start3A_4270 = tpu.memref_squeeze %dma_start3A_4269 : memref<1x8x64xf32, #tpu.memory_space<vmem>> -> memref<8x64xf32, #tpu.memory_space<vmem>>
        %dma_start3A_4271 = arith.constant 0 : i32
        %dma_start3A_4272 = tpu.memref_slice %arg6[%multiple_of3A_4242, %dma_start3A_4271] : memref<1000x64xf32, #tpu.memory_space<hbm>> -> memref<8x64xf32, #tpu.memory_space<hbm>>
        %dma_start3A_4273 = arith.constant 88 : i32
        %dma_start3A_4274 = arith.constant 0 : i32
        %dma_start3A_4275 = tpu.memref_slice %arg13[%xor3A_3579, %dma_start3A_4273, %dma_start3A_4274] : memref<2x128x64xf32, #tpu.memory_space<vmem>> -> memref<1x8x64xf32, #tpu.memory_space<vmem>>
        %dma_start3A_4276 = tpu.memref_squeeze %dma_start3A_4275 : memref<1x8x64xf32, #tpu.memory_space<vmem>> -> memref<8x64xf32, #tpu.memory_space<vmem>>
        %dma_start3A_4277 = arith.constant 0 : i32
        %dma_start3A_4278 = tpu.memref_slice %arg6[%multiple_of3A_4242, %dma_start3A_4277] : memref<1000x64xf32, #tpu.memory_space<hbm>> -> memref<8x64xf32, #tpu.memory_space<hbm>>
        tpu.enqueue_dma source(%dma_start3A_4278 : memref<8x64xf32, #tpu.memory_space<hbm>>) target(%dma_start3A_4276 : memref<8x64xf32, #tpu.memory_space<vmem>>) target_semaphore(%arg15 : memref<!tpu.dma_semaphore, #tpu.memory_space<semaphore_mem>>)
        %slice3A_4279 = vector.extract_strided_slice %get3A_3584 {offsets = [12], sizes = [1], strides = [1]} : vector<16xi32> to vector<1xi32>
        %squeeze3A_4280 = vector.extract %slice3A_4279[0] : i32 from vector<1xi32>
        %shift_right_logical3A_4281 = arith.constant 3 : i32
        %shift_right_logical3A_4282 = arith.shrui %squeeze3A_4280, %shift_right_logical3A_4281 : i32
        %mul3A_4283 = arith.constant 8 : i32
        %mul3A_4284 = arith.muli %shift_right_logical3A_4282, %mul3A_4283 : i32
        %multiple_of3A_4285 = tpu.assume_multiple %mul3A_4284, 8 : i32
        %slice3A_4286 = vector.extract_strided_slice %get3A_3589 {offsets = [12], sizes = [1], strides = [1]} : vector<16xi32> to vector<1xi32>
        %squeeze3A_4287 = vector.extract %slice3A_4286[0] : i32 from vector<1xi32>
        %shift_right_logical3A_4288 = arith.constant 3 : i32
        %shift_right_logical3A_4289 = arith.shrui %squeeze3A_4287, %shift_right_logical3A_4288 : i32
        %mul3A_4290 = arith.constant 8 : i32
        %mul3A_4291 = arith.muli %shift_right_logical3A_4289, %mul3A_4290 : i32
        %multiple_of3A_4292 = tpu.assume_multiple %mul3A_4291, 8 : i32
        %slice3A_4293 = vector.extract_strided_slice %get3A_3594 {offsets = [12], sizes = [1], strides = [1]} : vector<16xi32> to vector<1xi32>
        %squeeze3A_4294 = vector.extract %slice3A_4293[0] : i32 from vector<1xi32>
        %shift_right_logical3A_4295 = arith.constant 3 : i32
        %shift_right_logical3A_4296 = arith.shrui %squeeze3A_4294, %shift_right_logical3A_4295 : i32
        %mul3A_4297 = arith.constant 8 : i32
        %mul3A_4298 = arith.muli %shift_right_logical3A_4296, %mul3A_4297 : i32
        %multiple_of3A_4299 = tpu.assume_multiple %mul3A_4298, 8 : i32
        %dma_start3A_4300 = arith.constant 96 : i32
        %dma_start3A_4301 = arith.constant 0 : i32
        %dma_start3A_4302 = tpu.memref_slice %arg11[%xor3A_3579, %dma_start3A_4300, %dma_start3A_4301] : memref<2x128x64xf32, #tpu.memory_space<vmem>> -> memref<1x8x64xf32, #tpu.memory_space<vmem>>
        %dma_start3A_4303 = tpu.memref_squeeze %dma_start3A_4302 : memref<1x8x64xf32, #tpu.memory_space<vmem>> -> memref<8x64xf32, #tpu.memory_space<vmem>>
        %dma_start3A_4304 = arith.constant 0 : i32
        %dma_start3A_4305 = tpu.memref_slice %arg5[%multiple_of3A_4285, %dma_start3A_4304] : memref<1000000x64xf32, #tpu.memory_space<hbm>> -> memref<8x64xf32, #tpu.memory_space<hbm>>
        %dma_start3A_4306 = arith.constant 96 : i32
        %dma_start3A_4307 = arith.constant 0 : i32
        %dma_start3A_4308 = tpu.memref_slice %arg11[%xor3A_3579, %dma_start3A_4306, %dma_start3A_4307] : memref<2x128x64xf32, #tpu.memory_space<vmem>> -> memref<1x8x64xf32, #tpu.memory_space<vmem>>
        %dma_start3A_4309 = tpu.memref_squeeze %dma_start3A_4308 : memref<1x8x64xf32, #tpu.memory_space<vmem>> -> memref<8x64xf32, #tpu.memory_space<vmem>>
        %dma_start3A_4310 = arith.constant 0 : i32
        %dma_start3A_4311 = tpu.memref_slice %arg5[%multiple_of3A_4285, %dma_start3A_4310] : memref<1000000x64xf32, #tpu.memory_space<hbm>> -> memref<8x64xf32, #tpu.memory_space<hbm>>
        tpu.enqueue_dma source(%dma_start3A_4311 : memref<8x64xf32, #tpu.memory_space<hbm>>) target(%dma_start3A_4309 : memref<8x64xf32, #tpu.memory_space<vmem>>) target_semaphore(%arg15 : memref<!tpu.dma_semaphore, #tpu.memory_space<semaphore_mem>>)
        %dma_start3A_4312 = arith.constant 96 : i32
        %dma_start3A_4313 = arith.constant 0 : i32
        %dma_start3A_4314 = tpu.memref_slice %arg12[%xor3A_3579, %dma_start3A_4312, %dma_start3A_4313] : memref<2x128x64xf32, #tpu.memory_space<vmem>> -> memref<1x8x64xf32, #tpu.memory_space<vmem>>
        %dma_start3A_4315 = tpu.memref_squeeze %dma_start3A_4314 : memref<1x8x64xf32, #tpu.memory_space<vmem>> -> memref<8x64xf32, #tpu.memory_space<vmem>>
        %dma_start3A_4316 = arith.constant 0 : i32
        %dma_start3A_4317 = tpu.memref_slice %arg5[%multiple_of3A_4292, %dma_start3A_4316] : memref<1000000x64xf32, #tpu.memory_space<hbm>> -> memref<8x64xf32, #tpu.memory_space<hbm>>
        %dma_start3A_4318 = arith.constant 96 : i32
        %dma_start3A_4319 = arith.constant 0 : i32
        %dma_start3A_4320 = tpu.memref_slice %arg12[%xor3A_3579, %dma_start3A_4318, %dma_start3A_4319] : memref<2x128x64xf32, #tpu.memory_space<vmem>> -> memref<1x8x64xf32, #tpu.memory_space<vmem>>
        %dma_start3A_4321 = tpu.memref_squeeze %dma_start3A_4320 : memref<1x8x64xf32, #tpu.memory_space<vmem>> -> memref<8x64xf32, #tpu.memory_space<vmem>>
        %dma_start3A_4322 = arith.constant 0 : i32
        %dma_start3A_4323 = tpu.memref_slice %arg5[%multiple_of3A_4292, %dma_start3A_4322] : memref<1000000x64xf32, #tpu.memory_space<hbm>> -> memref<8x64xf32, #tpu.memory_space<hbm>>
        tpu.enqueue_dma source(%dma_start3A_4323 : memref<8x64xf32, #tpu.memory_space<hbm>>) target(%dma_start3A_4321 : memref<8x64xf32, #tpu.memory_space<vmem>>) target_semaphore(%arg15 : memref<!tpu.dma_semaphore, #tpu.memory_space<semaphore_mem>>)
        %dma_start3A_4324 = arith.constant 96 : i32
        %dma_start3A_4325 = arith.constant 0 : i32
        %dma_start3A_4326 = tpu.memref_slice %arg13[%xor3A_3579, %dma_start3A_4324, %dma_start3A_4325] : memref<2x128x64xf32, #tpu.memory_space<vmem>> -> memref<1x8x64xf32, #tpu.memory_space<vmem>>
        %dma_start3A_4327 = tpu.memref_squeeze %dma_start3A_4326 : memref<1x8x64xf32, #tpu.memory_space<vmem>> -> memref<8x64xf32, #tpu.memory_space<vmem>>
        %dma_start3A_4328 = arith.constant 0 : i32
        %dma_start3A_4329 = tpu.memref_slice %arg6[%multiple_of3A_4299, %dma_start3A_4328] : memref<1000x64xf32, #tpu.memory_space<hbm>> -> memref<8x64xf32, #tpu.memory_space<hbm>>
        %dma_start3A_4330 = arith.constant 96 : i32
        %dma_start3A_4331 = arith.constant 0 : i32
        %dma_start3A_4332 = tpu.memref_slice %arg13[%xor3A_3579, %dma_start3A_4330, %dma_start3A_4331] : memref<2x128x64xf32, #tpu.memory_space<vmem>> -> memref<1x8x64xf32, #tpu.memory_space<vmem>>
        %dma_start3A_4333 = tpu.memref_squeeze %dma_start3A_4332 : memref<1x8x64xf32, #tpu.memory_space<vmem>> -> memref<8x64xf32, #tpu.memory_space<vmem>>
        %dma_start3A_4334 = arith.constant 0 : i32
        %dma_start3A_4335 = tpu.memref_slice %arg6[%multiple_of3A_4299, %dma_start3A_4334] : memref<1000x64xf32, #tpu.memory_space<hbm>> -> memref<8x64xf32, #tpu.memory_space<hbm>>
        tpu.enqueue_dma source(%dma_start3A_4335 : memref<8x64xf32, #tpu.memory_space<hbm>>) target(%dma_start3A_4333 : memref<8x64xf32, #tpu.memory_space<vmem>>) target_semaphore(%arg15 : memref<!tpu.dma_semaphore, #tpu.memory_space<semaphore_mem>>)
        %slice3A_4336 = vector.extract_strided_slice %get3A_3584 {offsets = [13], sizes = [1], strides = [1]} : vector<16xi32> to vector<1xi32>
        %squeeze3A_4337 = vector.extract %slice3A_4336[0] : i32 from vector<1xi32>
        %shift_right_logical3A_4338 = arith.constant 3 : i32
        %shift_right_logical3A_4339 = arith.shrui %squeeze3A_4337, %shift_right_logical3A_4338 : i32
        %mul3A_4340 = arith.constant 8 : i32
        %mul3A_4341 = arith.muli %shift_right_logical3A_4339, %mul3A_4340 : i32
        %multiple_of3A_4342 = tpu.assume_multiple %mul3A_4341, 8 : i32
        %slice3A_4343 = vector.extract_strided_slice %get3A_3589 {offsets = [13], sizes = [1], strides = [1]} : vector<16xi32> to vector<1xi32>
        %squeeze3A_4344 = vector.extract %slice3A_4343[0] : i32 from vector<1xi32>
        %shift_right_logical3A_4345 = arith.constant 3 : i32
        %shift_right_logical3A_4346 = arith.shrui %squeeze3A_4344, %shift_right_logical3A_4345 : i32
        %mul3A_4347 = arith.constant 8 : i32
        %mul3A_4348 = arith.muli %shift_right_logical3A_4346, %mul3A_4347 : i32
        %multiple_of3A_4349 = tpu.assume_multiple %mul3A_4348, 8 : i32
        %slice3A_4350 = vector.extract_strided_slice %get3A_3594 {offsets = [13], sizes = [1], strides = [1]} : vector<16xi32> to vector<1xi32>
        %squeeze3A_4351 = vector.extract %slice3A_4350[0] : i32 from vector<1xi32>
        %shift_right_logical3A_4352 = arith.constant 3 : i32
        %shift_right_logical3A_4353 = arith.shrui %squeeze3A_4351, %shift_right_logical3A_4352 : i32
        %mul3A_4354 = arith.constant 8 : i32
        %mul3A_4355 = arith.muli %shift_right_logical3A_4353, %mul3A_4354 : i32
        %multiple_of3A_4356 = tpu.assume_multiple %mul3A_4355, 8 : i32
        %dma_start3A_4357 = arith.constant 104 : i32
        %dma_start3A_4358 = arith.constant 0 : i32
        %dma_start3A_4359 = tpu.memref_slice %arg11[%xor3A_3579, %dma_start3A_4357, %dma_start3A_4358] : memref<2x128x64xf32, #tpu.memory_space<vmem>> -> memref<1x8x64xf32, #tpu.memory_space<vmem>>
        %dma_start3A_4360 = tpu.memref_squeeze %dma_start3A_4359 : memref<1x8x64xf32, #tpu.memory_space<vmem>> -> memref<8x64xf32, #tpu.memory_space<vmem>>
        %dma_start3A_4361 = arith.constant 0 : i32
        %dma_start3A_4362 = tpu.memref_slice %arg5[%multiple_of3A_4342, %dma_start3A_4361] : memref<1000000x64xf32, #tpu.memory_space<hbm>> -> memref<8x64xf32, #tpu.memory_space<hbm>>
        %dma_start3A_4363 = arith.constant 104 : i32
        %dma_start3A_4364 = arith.constant 0 : i32
        %dma_start3A_4365 = tpu.memref_slice %arg11[%xor3A_3579, %dma_start3A_4363, %dma_start3A_4364] : memref<2x128x64xf32, #tpu.memory_space<vmem>> -> memref<1x8x64xf32, #tpu.memory_space<vmem>>
        %dma_start3A_4366 = tpu.memref_squeeze %dma_start3A_4365 : memref<1x8x64xf32, #tpu.memory_space<vmem>> -> memref<8x64xf32, #tpu.memory_space<vmem>>
        %dma_start3A_4367 = arith.constant 0 : i32
        %dma_start3A_4368 = tpu.memref_slice %arg5[%multiple_of3A_4342, %dma_start3A_4367] : memref<1000000x64xf32, #tpu.memory_space<hbm>> -> memref<8x64xf32, #tpu.memory_space<hbm>>
        tpu.enqueue_dma source(%dma_start3A_4368 : memref<8x64xf32, #tpu.memory_space<hbm>>) target(%dma_start3A_4366 : memref<8x64xf32, #tpu.memory_space<vmem>>) target_semaphore(%arg15 : memref<!tpu.dma_semaphore, #tpu.memory_space<semaphore_mem>>)
        %dma_start3A_4369 = arith.constant 104 : i32
        %dma_start3A_4370 = arith.constant 0 : i32
        %dma_start3A_4371 = tpu.memref_slice %arg12[%xor3A_3579, %dma_start3A_4369, %dma_start3A_4370] : memref<2x128x64xf32, #tpu.memory_space<vmem>> -> memref<1x8x64xf32, #tpu.memory_space<vmem>>
        %dma_start3A_4372 = tpu.memref_squeeze %dma_start3A_4371 : memref<1x8x64xf32, #tpu.memory_space<vmem>> -> memref<8x64xf32, #tpu.memory_space<vmem>>
        %dma_start3A_4373 = arith.constant 0 : i32
        %dma_start3A_4374 = tpu.memref_slice %arg5[%multiple_of3A_4349, %dma_start3A_4373] : memref<1000000x64xf32, #tpu.memory_space<hbm>> -> memref<8x64xf32, #tpu.memory_space<hbm>>
        %dma_start3A_4375 = arith.constant 104 : i32
        %dma_start3A_4376 = arith.constant 0 : i32
        %dma_start3A_4377 = tpu.memref_slice %arg12[%xor3A_3579, %dma_start3A_4375, %dma_start3A_4376] : memref<2x128x64xf32, #tpu.memory_space<vmem>> -> memref<1x8x64xf32, #tpu.memory_space<vmem>>
        %dma_start3A_4378 = tpu.memref_squeeze %dma_start3A_4377 : memref<1x8x64xf32, #tpu.memory_space<vmem>> -> memref<8x64xf32, #tpu.memory_space<vmem>>
        %dma_start3A_4379 = arith.constant 0 : i32
        %dma_start3A_4380 = tpu.memref_slice %arg5[%multiple_of3A_4349, %dma_start3A_4379] : memref<1000000x64xf32, #tpu.memory_space<hbm>> -> memref<8x64xf32, #tpu.memory_space<hbm>>
        tpu.enqueue_dma source(%dma_start3A_4380 : memref<8x64xf32, #tpu.memory_space<hbm>>) target(%dma_start3A_4378 : memref<8x64xf32, #tpu.memory_space<vmem>>) target_semaphore(%arg15 : memref<!tpu.dma_semaphore, #tpu.memory_space<semaphore_mem>>)
        %dma_start3A_4381 = arith.constant 104 : i32
        %dma_start3A_4382 = arith.constant 0 : i32
        %dma_start3A_4383 = tpu.memref_slice %arg13[%xor3A_3579, %dma_start3A_4381, %dma_start3A_4382] : memref<2x128x64xf32, #tpu.memory_space<vmem>> -> memref<1x8x64xf32, #tpu.memory_space<vmem>>
        %dma_start3A_4384 = tpu.memref_squeeze %dma_start3A_4383 : memref<1x8x64xf32, #tpu.memory_space<vmem>> -> memref<8x64xf32, #tpu.memory_space<vmem>>
        %dma_start3A_4385 = arith.constant 0 : i32
        %dma_start3A_4386 = tpu.memref_slice %arg6[%multiple_of3A_4356, %dma_start3A_4385] : memref<1000x64xf32, #tpu.memory_space<hbm>> -> memref<8x64xf32, #tpu.memory_space<hbm>>
        %dma_start3A_4387 = arith.constant 104 : i32
        %dma_start3A_4388 = arith.constant 0 : i32
        %dma_start3A_4389 = tpu.memref_slice %arg13[%xor3A_3579, %dma_start3A_4387, %dma_start3A_4388] : memref<2x128x64xf32, #tpu.memory_space<vmem>> -> memref<1x8x64xf32, #tpu.memory_space<vmem>>
        %dma_start3A_4390 = tpu.memref_squeeze %dma_start3A_4389 : memref<1x8x64xf32, #tpu.memory_space<vmem>> -> memref<8x64xf32, #tpu.memory_space<vmem>>
        %dma_start3A_4391 = arith.constant 0 : i32
        %dma_start3A_4392 = tpu.memref_slice %arg6[%multiple_of3A_4356, %dma_start3A_4391] : memref<1000x64xf32, #tpu.memory_space<hbm>> -> memref<8x64xf32, #tpu.memory_space<hbm>>
        tpu.enqueue_dma source(%dma_start3A_4392 : memref<8x64xf32, #tpu.memory_space<hbm>>) target(%dma_start3A_4390 : memref<8x64xf32, #tpu.memory_space<vmem>>) target_semaphore(%arg15 : memref<!tpu.dma_semaphore, #tpu.memory_space<semaphore_mem>>)
        %slice3A_4393 = vector.extract_strided_slice %get3A_3584 {offsets = [14], sizes = [1], strides = [1]} : vector<16xi32> to vector<1xi32>
        %squeeze3A_4394 = vector.extract %slice3A_4393[0] : i32 from vector<1xi32>
        %shift_right_logical3A_4395 = arith.constant 3 : i32
        %shift_right_logical3A_4396 = arith.shrui %squeeze3A_4394, %shift_right_logical3A_4395 : i32
        %mul3A_4397 = arith.constant 8 : i32
        %mul3A_4398 = arith.muli %shift_right_logical3A_4396, %mul3A_4397 : i32
        %multiple_of3A_4399 = tpu.assume_multiple %mul3A_4398, 8 : i32
        %slice3A_4400 = vector.extract_strided_slice %get3A_3589 {offsets = [14], sizes = [1], strides = [1]} : vector<16xi32> to vector<1xi32>
        %squeeze3A_4401 = vector.extract %slice3A_4400[0] : i32 from vector<1xi32>
        %shift_right_logical3A_4402 = arith.constant 3 : i32
        %shift_right_logical3A_4403 = arith.shrui %squeeze3A_4401, %shift_right_logical3A_4402 : i32
        %mul3A_4404 = arith.constant 8 : i32
        %mul3A_4405 = arith.muli %shift_right_logical3A_4403, %mul3A_4404 : i32
        %multiple_of3A_4406 = tpu.assume_multiple %mul3A_4405, 8 : i32
        %slice3A_4407 = vector.extract_strided_slice %get3A_3594 {offsets = [14], sizes = [1], strides = [1]} : vector<16xi32> to vector<1xi32>
        %squeeze3A_4408 = vector.extract %slice3A_4407[0] : i32 from vector<1xi32>
        %shift_right_logical3A_4409 = arith.constant 3 : i32
        %shift_right_logical3A_4410 = arith.shrui %squeeze3A_4408, %shift_right_logical3A_4409 : i32
        %mul3A_4411 = arith.constant 8 : i32
        %mul3A_4412 = arith.muli %shift_right_logical3A_4410, %mul3A_4411 : i32
        %multiple_of3A_4413 = tpu.assume_multiple %mul3A_4412, 8 : i32
        %dma_start3A_4414 = arith.constant 112 : i32
        %dma_start3A_4415 = arith.constant 0 : i32
        %dma_start3A_4416 = tpu.memref_slice %arg11[%xor3A_3579, %dma_start3A_4414, %dma_start3A_4415] : memref<2x128x64xf32, #tpu.memory_space<vmem>> -> memref<1x8x64xf32, #tpu.memory_space<vmem>>
        %dma_start3A_4417 = tpu.memref_squeeze %dma_start3A_4416 : memref<1x8x64xf32, #tpu.memory_space<vmem>> -> memref<8x64xf32, #tpu.memory_space<vmem>>
        %dma_start3A_4418 = arith.constant 0 : i32
        %dma_start3A_4419 = tpu.memref_slice %arg5[%multiple_of3A_4399, %dma_start3A_4418] : memref<1000000x64xf32, #tpu.memory_space<hbm>> -> memref<8x64xf32, #tpu.memory_space<hbm>>
        %dma_start3A_4420 = arith.constant 112 : i32
        %dma_start3A_4421 = arith.constant 0 : i32
        %dma_start3A_4422 = tpu.memref_slice %arg11[%xor3A_3579, %dma_start3A_4420, %dma_start3A_4421] : memref<2x128x64xf32, #tpu.memory_space<vmem>> -> memref<1x8x64xf32, #tpu.memory_space<vmem>>
        %dma_start3A_4423 = tpu.memref_squeeze %dma_start3A_4422 : memref<1x8x64xf32, #tpu.memory_space<vmem>> -> memref<8x64xf32, #tpu.memory_space<vmem>>
        %dma_start3A_4424 = arith.constant 0 : i32
        %dma_start3A_4425 = tpu.memref_slice %arg5[%multiple_of3A_4399, %dma_start3A_4424] : memref<1000000x64xf32, #tpu.memory_space<hbm>> -> memref<8x64xf32, #tpu.memory_space<hbm>>
        tpu.enqueue_dma source(%dma_start3A_4425 : memref<8x64xf32, #tpu.memory_space<hbm>>) target(%dma_start3A_4423 : memref<8x64xf32, #tpu.memory_space<vmem>>) target_semaphore(%arg15 : memref<!tpu.dma_semaphore, #tpu.memory_space<semaphore_mem>>)
        %dma_start3A_4426 = arith.constant 112 : i32
        %dma_start3A_4427 = arith.constant 0 : i32
        %dma_start3A_4428 = tpu.memref_slice %arg12[%xor3A_3579, %dma_start3A_4426, %dma_start3A_4427] : memref<2x128x64xf32, #tpu.memory_space<vmem>> -> memref<1x8x64xf32, #tpu.memory_space<vmem>>
        %dma_start3A_4429 = tpu.memref_squeeze %dma_start3A_4428 : memref<1x8x64xf32, #tpu.memory_space<vmem>> -> memref<8x64xf32, #tpu.memory_space<vmem>>
        %dma_start3A_4430 = arith.constant 0 : i32
        %dma_start3A_4431 = tpu.memref_slice %arg5[%multiple_of3A_4406, %dma_start3A_4430] : memref<1000000x64xf32, #tpu.memory_space<hbm>> -> memref<8x64xf32, #tpu.memory_space<hbm>>
        %dma_start3A_4432 = arith.constant 112 : i32
        %dma_start3A_4433 = arith.constant 0 : i32
        %dma_start3A_4434 = tpu.memref_slice %arg12[%xor3A_3579, %dma_start3A_4432, %dma_start3A_4433] : memref<2x128x64xf32, #tpu.memory_space<vmem>> -> memref<1x8x64xf32, #tpu.memory_space<vmem>>
        %dma_start3A_4435 = tpu.memref_squeeze %dma_start3A_4434 : memref<1x8x64xf32, #tpu.memory_space<vmem>> -> memref<8x64xf32, #tpu.memory_space<vmem>>
        %dma_start3A_4436 = arith.constant 0 : i32
        %dma_start3A_4437 = tpu.memref_slice %arg5[%multiple_of3A_4406, %dma_start3A_4436] : memref<1000000x64xf32, #tpu.memory_space<hbm>> -> memref<8x64xf32, #tpu.memory_space<hbm>>
        tpu.enqueue_dma source(%dma_start3A_4437 : memref<8x64xf32, #tpu.memory_space<hbm>>) target(%dma_start3A_4435 : memref<8x64xf32, #tpu.memory_space<vmem>>) target_semaphore(%arg15 : memref<!tpu.dma_semaphore, #tpu.memory_space<semaphore_mem>>)
        %dma_start3A_4438 = arith.constant 112 : i32
        %dma_start3A_4439 = arith.constant 0 : i32
        %dma_start3A_4440 = tpu.memref_slice %arg13[%xor3A_3579, %dma_start3A_4438, %dma_start3A_4439] : memref<2x128x64xf32, #tpu.memory_space<vmem>> -> memref<1x8x64xf32, #tpu.memory_space<vmem>>
        %dma_start3A_4441 = tpu.memref_squeeze %dma_start3A_4440 : memref<1x8x64xf32, #tpu.memory_space<vmem>> -> memref<8x64xf32, #tpu.memory_space<vmem>>
        %dma_start3A_4442 = arith.constant 0 : i32
        %dma_start3A_4443 = tpu.memref_slice %arg6[%multiple_of3A_4413, %dma_start3A_4442] : memref<1000x64xf32, #tpu.memory_space<hbm>> -> memref<8x64xf32, #tpu.memory_space<hbm>>
        %dma_start3A_4444 = arith.constant 112 : i32
        %dma_start3A_4445 = arith.constant 0 : i32
        %dma_start3A_4446 = tpu.memref_slice %arg13[%xor3A_3579, %dma_start3A_4444, %dma_start3A_4445] : memref<2x128x64xf32, #tpu.memory_space<vmem>> -> memref<1x8x64xf32, #tpu.memory_space<vmem>>
        %dma_start3A_4447 = tpu.memref_squeeze %dma_start3A_4446 : memref<1x8x64xf32, #tpu.memory_space<vmem>> -> memref<8x64xf32, #tpu.memory_space<vmem>>
        %dma_start3A_4448 = arith.constant 0 : i32
        %dma_start3A_4449 = tpu.memref_slice %arg6[%multiple_of3A_4413, %dma_start3A_4448] : memref<1000x64xf32, #tpu.memory_space<hbm>> -> memref<8x64xf32, #tpu.memory_space<hbm>>
        tpu.enqueue_dma source(%dma_start3A_4449 : memref<8x64xf32, #tpu.memory_space<hbm>>) target(%dma_start3A_4447 : memref<8x64xf32, #tpu.memory_space<vmem>>) target_semaphore(%arg15 : memref<!tpu.dma_semaphore, #tpu.memory_space<semaphore_mem>>)
        %slice3A_4450 = vector.extract_strided_slice %get3A_3584 {offsets = [15], sizes = [1], strides = [1]} : vector<16xi32> to vector<1xi32>
        %squeeze3A_4451 = vector.extract %slice3A_4450[0] : i32 from vector<1xi32>
        %shift_right_logical3A_4452 = arith.constant 3 : i32
        %shift_right_logical3A_4453 = arith.shrui %squeeze3A_4451, %shift_right_logical3A_4452 : i32
        %mul3A_4454 = arith.constant 8 : i32
        %mul3A_4455 = arith.muli %shift_right_logical3A_4453, %mul3A_4454 : i32
        %multiple_of3A_4456 = tpu.assume_multiple %mul3A_4455, 8 : i32
        %slice3A_4457 = vector.extract_strided_slice %get3A_3589 {offsets = [15], sizes = [1], strides = [1]} : vector<16xi32> to vector<1xi32>
        %squeeze3A_4458 = vector.extract %slice3A_4457[0] : i32 from vector<1xi32>
        %shift_right_logical3A_4459 = arith.constant 3 : i32
        %shift_right_logical3A_4460 = arith.shrui %squeeze3A_4458, %shift_right_logical3A_4459 : i32
        %mul3A_4461 = arith.constant 8 : i32
        %mul3A_4462 = arith.muli %shift_right_logical3A_4460, %mul3A_4461 : i32
        %multiple_of3A_4463 = tpu.assume_multiple %mul3A_4462, 8 : i32
        %slice3A_4464 = vector.extract_strided_slice %get3A_3594 {offsets = [15], sizes = [1], strides = [1]} : vector<16xi32> to vector<1xi32>
        %squeeze3A_4465 = vector.extract %slice3A_4464[0] : i32 from vector<1xi32>
        %shift_right_logical3A_4466 = arith.constant 3 : i32
        %shift_right_logical3A_4467 = arith.shrui %squeeze3A_4465, %shift_right_logical3A_4466 : i32
        %mul3A_4468 = arith.constant 8 : i32
        %mul3A_4469 = arith.muli %shift_right_logical3A_4467, %mul3A_4468 : i32
        %multiple_of3A_4470 = tpu.assume_multiple %mul3A_4469, 8 : i32
        %dma_start3A_4471 = arith.constant 120 : i32
        %dma_start3A_4472 = arith.constant 0 : i32
        %dma_start3A_4473 = tpu.memref_slice %arg11[%xor3A_3579, %dma_start3A_4471, %dma_start3A_4472] : memref<2x128x64xf32, #tpu.memory_space<vmem>> -> memref<1x8x64xf32, #tpu.memory_space<vmem>>
        %dma_start3A_4474 = tpu.memref_squeeze %dma_start3A_4473 : memref<1x8x64xf32, #tpu.memory_space<vmem>> -> memref<8x64xf32, #tpu.memory_space<vmem>>
        %dma_start3A_4475 = arith.constant 0 : i32
        %dma_start3A_4476 = tpu.memref_slice %arg5[%multiple_of3A_4456, %dma_start3A_4475] : memref<1000000x64xf32, #tpu.memory_space<hbm>> -> memref<8x64xf32, #tpu.memory_space<hbm>>
        %dma_start3A_4477 = arith.constant 120 : i32
        %dma_start3A_4478 = arith.constant 0 : i32
        %dma_start3A_4479 = tpu.memref_slice %arg11[%xor3A_3579, %dma_start3A_4477, %dma_start3A_4478] : memref<2x128x64xf32, #tpu.memory_space<vmem>> -> memref<1x8x64xf32, #tpu.memory_space<vmem>>
        %dma_start3A_4480 = tpu.memref_squeeze %dma_start3A_4479 : memref<1x8x64xf32, #tpu.memory_space<vmem>> -> memref<8x64xf32, #tpu.memory_space<vmem>>
        %dma_start3A_4481 = arith.constant 0 : i32
        %dma_start3A_4482 = tpu.memref_slice %arg5[%multiple_of3A_4456, %dma_start3A_4481] : memref<1000000x64xf32, #tpu.memory_space<hbm>> -> memref<8x64xf32, #tpu.memory_space<hbm>>
        tpu.enqueue_dma source(%dma_start3A_4482 : memref<8x64xf32, #tpu.memory_space<hbm>>) target(%dma_start3A_4480 : memref<8x64xf32, #tpu.memory_space<vmem>>) target_semaphore(%arg15 : memref<!tpu.dma_semaphore, #tpu.memory_space<semaphore_mem>>)
        %dma_start3A_4483 = arith.constant 120 : i32
        %dma_start3A_4484 = arith.constant 0 : i32
        %dma_start3A_4485 = tpu.memref_slice %arg12[%xor3A_3579, %dma_start3A_4483, %dma_start3A_4484] : memref<2x128x64xf32, #tpu.memory_space<vmem>> -> memref<1x8x64xf32, #tpu.memory_space<vmem>>
        %dma_start3A_4486 = tpu.memref_squeeze %dma_start3A_4485 : memref<1x8x64xf32, #tpu.memory_space<vmem>> -> memref<8x64xf32, #tpu.memory_space<vmem>>
        %dma_start3A_4487 = arith.constant 0 : i32
        %dma_start3A_4488 = tpu.memref_slice %arg5[%multiple_of3A_4463, %dma_start3A_4487] : memref<1000000x64xf32, #tpu.memory_space<hbm>> -> memref<8x64xf32, #tpu.memory_space<hbm>>
        %dma_start3A_4489 = arith.constant 120 : i32
        %dma_start3A_4490 = arith.constant 0 : i32
        %dma_start3A_4491 = tpu.memref_slice %arg12[%xor3A_3579, %dma_start3A_4489, %dma_start3A_4490] : memref<2x128x64xf32, #tpu.memory_space<vmem>> -> memref<1x8x64xf32, #tpu.memory_space<vmem>>
        %dma_start3A_4492 = tpu.memref_squeeze %dma_start3A_4491 : memref<1x8x64xf32, #tpu.memory_space<vmem>> -> memref<8x64xf32, #tpu.memory_space<vmem>>
        %dma_start3A_4493 = arith.constant 0 : i32
        %dma_start3A_4494 = tpu.memref_slice %arg5[%multiple_of3A_4463, %dma_start3A_4493] : memref<1000000x64xf32, #tpu.memory_space<hbm>> -> memref<8x64xf32, #tpu.memory_space<hbm>>
        tpu.enqueue_dma source(%dma_start3A_4494 : memref<8x64xf32, #tpu.memory_space<hbm>>) target(%dma_start3A_4492 : memref<8x64xf32, #tpu.memory_space<vmem>>) target_semaphore(%arg15 : memref<!tpu.dma_semaphore, #tpu.memory_space<semaphore_mem>>)
        %dma_start3A_4495 = arith.constant 120 : i32
        %dma_start3A_4496 = arith.constant 0 : i32
        %dma_start3A_4497 = tpu.memref_slice %arg13[%xor3A_3579, %dma_start3A_4495, %dma_start3A_4496] : memref<2x128x64xf32, #tpu.memory_space<vmem>> -> memref<1x8x64xf32, #tpu.memory_space<vmem>>
        %dma_start3A_4498 = tpu.memref_squeeze %dma_start3A_4497 : memref<1x8x64xf32, #tpu.memory_space<vmem>> -> memref<8x64xf32, #tpu.memory_space<vmem>>
        %dma_start3A_4499 = arith.constant 0 : i32
        %dma_start3A_4500 = tpu.memref_slice %arg6[%multiple_of3A_4470, %dma_start3A_4499] : memref<1000x64xf32, #tpu.memory_space<hbm>> -> memref<8x64xf32, #tpu.memory_space<hbm>>
        %dma_start3A_4501 = arith.constant 120 : i32
        %dma_start3A_4502 = arith.constant 0 : i32
        %dma_start3A_4503 = tpu.memref_slice %arg13[%xor3A_3579, %dma_start3A_4501, %dma_start3A_4502] : memref<2x128x64xf32, #tpu.memory_space<vmem>> -> memref<1x8x64xf32, #tpu.memory_space<vmem>>
        %dma_start3A_4504 = tpu.memref_squeeze %dma_start3A_4503 : memref<1x8x64xf32, #tpu.memory_space<vmem>> -> memref<8x64xf32, #tpu.memory_space<vmem>>
        %dma_start3A_4505 = arith.constant 0 : i32
        %dma_start3A_4506 = tpu.memref_slice %arg6[%multiple_of3A_4470, %dma_start3A_4505] : memref<1000x64xf32, #tpu.memory_space<hbm>> -> memref<8x64xf32, #tpu.memory_space<hbm>>
        tpu.enqueue_dma source(%dma_start3A_4506 : memref<8x64xf32, #tpu.memory_space<hbm>>) target(%dma_start3A_4504 : memref<8x64xf32, #tpu.memory_space<vmem>>) target_semaphore(%arg15 : memref<!tpu.dma_semaphore, #tpu.memory_space<semaphore_mem>>)
      } else {
      }
      %dma_wait3A = arith.constant 0 : i32
      %dma_wait3A_979 = arith.constant 0 : i32
      %dma_wait3A_980 = tpu.memref_slice %arg11[%and3A_974, %dma_wait3A, %dma_wait3A_979] : memref<2x128x64xf32, #tpu.memory_space<vmem>> -> memref<1x128x64xf32, #tpu.memory_space<vmem>>
      %dma_wait3A_981 = tpu.memref_squeeze %dma_wait3A_980 : memref<1x128x64xf32, #tpu.memory_space<vmem>> -> memref<128x64xf32, #tpu.memory_space<vmem>>
      %dma_wait3A_982 = arith.constant 0 : i32
      %dma_wait3A_983 = arith.constant 0 : i32
      %dma_wait3A_984 = tpu.memref_slice %arg5[%dma_wait3A_982, %dma_wait3A_983] : memref<1000000x64xf32, #tpu.memory_space<hbm>> -> memref<128x64xf32, #tpu.memory_space<hbm>>
      %dma_wait3A_985 = arith.constant 0 : i32
      %dma_wait3A_986 = arith.constant 0 : i32
      %dma_wait3A_987 = tpu.memref_slice %arg11[%and3A_974, %dma_wait3A_985, %dma_wait3A_986] : memref<2x128x64xf32, #tpu.memory_space<vmem>> -> memref<1x128x64xf32, #tpu.memory_space<vmem>>
      %dma_wait3A_988 = tpu.memref_squeeze %dma_wait3A_987 : memref<1x128x64xf32, #tpu.memory_space<vmem>> -> memref<128x64xf32, #tpu.memory_space<vmem>>
      %dma_wait3A_989 = arith.constant 0 : i32
      %dma_wait3A_990 = arith.constant 0 : i32
      %dma_wait3A_991 = tpu.memref_slice %arg5[%dma_wait3A_989, %dma_wait3A_990] : memref<1000000x64xf32, #tpu.memory_space<hbm>> -> memref<128x64xf32, #tpu.memory_space<hbm>>
      tpu.wait_dma2 semaphore(%arg15 : memref<!tpu.dma_semaphore, #tpu.memory_space<semaphore_mem>>) src(%dma_wait3A_991 : memref<128x64xf32, #tpu.memory_space<hbm>>) dst(%dma_wait3A_988 : memref<128x64xf32, #tpu.memory_space<vmem>>)
      %dma_wait3A_992 = arith.constant 0 : i32
      %dma_wait3A_993 = arith.constant 0 : i32
      %dma_wait3A_994 = tpu.memref_slice %arg12[%and3A_974, %dma_wait3A_992, %dma_wait3A_993] : memref<2x128x64xf32, #tpu.memory_space<vmem>> -> memref<1x128x64xf32, #tpu.memory_space<vmem>>
      %dma_wait3A_995 = tpu.memref_squeeze %dma_wait3A_994 : memref<1x128x64xf32, #tpu.memory_space<vmem>> -> memref<128x64xf32, #tpu.memory_space<vmem>>
      %dma_wait3A_996 = arith.constant 0 : i32
      %dma_wait3A_997 = arith.constant 0 : i32
      %dma_wait3A_998 = tpu.memref_slice %arg5[%dma_wait3A_996, %dma_wait3A_997] : memref<1000000x64xf32, #tpu.memory_space<hbm>> -> memref<128x64xf32, #tpu.memory_space<hbm>>
      %dma_wait3A_999 = arith.constant 0 : i32
      %dma_wait3A_1000 = arith.constant 0 : i32
      %dma_wait3A_1001 = tpu.memref_slice %arg12[%and3A_974, %dma_wait3A_999, %dma_wait3A_1000] : memref<2x128x64xf32, #tpu.memory_space<vmem>> -> memref<1x128x64xf32, #tpu.memory_space<vmem>>
      %dma_wait3A_1002 = tpu.memref_squeeze %dma_wait3A_1001 : memref<1x128x64xf32, #tpu.memory_space<vmem>> -> memref<128x64xf32, #tpu.memory_space<vmem>>
      %dma_wait3A_1003 = arith.constant 0 : i32
      %dma_wait3A_1004 = arith.constant 0 : i32
      %dma_wait3A_1005 = tpu.memref_slice %arg5[%dma_wait3A_1003, %dma_wait3A_1004] : memref<1000000x64xf32, #tpu.memory_space<hbm>> -> memref<128x64xf32, #tpu.memory_space<hbm>>
      tpu.wait_dma2 semaphore(%arg15 : memref<!tpu.dma_semaphore, #tpu.memory_space<semaphore_mem>>) src(%dma_wait3A_1005 : memref<128x64xf32, #tpu.memory_space<hbm>>) dst(%dma_wait3A_1002 : memref<128x64xf32, #tpu.memory_space<vmem>>)
      %dma_wait3A_1006 = arith.constant 0 : i32
      %dma_wait3A_1007 = arith.constant 0 : i32
      %dma_wait3A_1008 = tpu.memref_slice %arg13[%and3A_974, %dma_wait3A_1006, %dma_wait3A_1007] : memref<2x128x64xf32, #tpu.memory_space<vmem>> -> memref<1x128x64xf32, #tpu.memory_space<vmem>>
      %dma_wait3A_1009 = tpu.memref_squeeze %dma_wait3A_1008 : memref<1x128x64xf32, #tpu.memory_space<vmem>> -> memref<128x64xf32, #tpu.memory_space<vmem>>
      %dma_wait3A_1010 = arith.constant 0 : i32
      %dma_wait3A_1011 = arith.constant 0 : i32
      %dma_wait3A_1012 = tpu.memref_slice %arg5[%dma_wait3A_1010, %dma_wait3A_1011] : memref<1000000x64xf32, #tpu.memory_space<hbm>> -> memref<128x64xf32, #tpu.memory_space<hbm>>
      %dma_wait3A_1013 = arith.constant 0 : i32
      %dma_wait3A_1014 = arith.constant 0 : i32
      %dma_wait3A_1015 = tpu.memref_slice %arg13[%and3A_974, %dma_wait3A_1013, %dma_wait3A_1014] : memref<2x128x64xf32, #tpu.memory_space<vmem>> -> memref<1x128x64xf32, #tpu.memory_space<vmem>>
      %dma_wait3A_1016 = tpu.memref_squeeze %dma_wait3A_1015 : memref<1x128x64xf32, #tpu.memory_space<vmem>> -> memref<128x64xf32, #tpu.memory_space<vmem>>
      %dma_wait3A_1017 = arith.constant 0 : i32
      %dma_wait3A_1018 = arith.constant 0 : i32
      %dma_wait3A_1019 = tpu.memref_slice %arg5[%dma_wait3A_1017, %dma_wait3A_1018] : memref<1000000x64xf32, #tpu.memory_space<hbm>> -> memref<128x64xf32, #tpu.memory_space<hbm>>
      tpu.wait_dma2 semaphore(%arg15 : memref<!tpu.dma_semaphore, #tpu.memory_space<semaphore_mem>>) src(%dma_wait3A_1019 : memref<128x64xf32, #tpu.memory_space<hbm>>) dst(%dma_wait3A_1016 : memref<128x64xf32, #tpu.memory_space<vmem>>)
      %mul3A_1020 = arith.constant 16 : i32
      %mul3A_1021 = arith.muli %scan3A_973, %mul3A_1020 : i32
      %get3A_1022 = arith.index_cast %mul3A_1021 : i32 to index
      %get3A_1023 = tpu.vector_load %arg8[%get3A_1022] {strides = array<i32>} : memref<512xi32, #tpu.memory_space<vmem>>, vector<16xi32>,
      %get3A_1024 = vector.shape_cast %get3A_1023 : vector<16xi32> to vector<16xi32>
      %mul3A_1025 = arith.constant 16 : i32
      %mul3A_1026 = arith.muli %scan3A_973, %mul3A_1025 : i32
      %get3A_1027 = arith.index_cast %mul3A_1026 : i32 to index
      %get3A_1028 = tpu.vector_load %arg10[%get3A_1027] {strides = array<i32>} : memref<512xi32, #tpu.memory_space<vmem>>, vector<16xi32>,
      %get3A_1029 = vector.shape_cast %get3A_1028 : vector<16xi32> to vector<16xi32>
      %mul3A_1030 = arith.constant 16 : i32
      %mul3A_1031 = arith.muli %scan3A_973, %mul3A_1030 : i32
      %get3A_1032 = arith.index_cast %mul3A_1031 : i32 to index
      %get3A_1033 = tpu.vector_load %arg9[%get3A_1032] {strides = array<i32>} : memref<512xi32, #tpu.memory_space<vmem>>, vector<16xi32>,
      %get3A_1034 = vector.shape_cast %get3A_1033 : vector<16xi32> to vector<16xi32>
      %broadcast_in_dim3A = arith.constant 0.000000e+00 : f32
      %broadcast_in_dim3A_1035 = vector.broadcast %broadcast_in_dim3A : f32 to vector<16xf32>
      %slice3A_1036 = vector.extract_strided_slice %get3A_1024 {offsets = [0], sizes = [1], strides = [1]} : vector<16xi32> to vector<1xi32>
      %squeeze3A_1037 = vector.extract %slice3A_1036[0] : i32 from vector<1xi32>
      %and3A_1038 = arith.constant 7 : i32
      %and3A_1039 = arith.andi %squeeze3A_1037, %and3A_1038 : i32
      %add3A_1040 = arith.constant 0 : i32
      %add3A_1041 = arith.addi %add3A_1040, %and3A_1039 : i32
      %slice3A_1042 = vector.extract_strided_slice %get3A_1029 {offsets = [0], sizes = [1], strides = [1]} : vector<16xi32> to vector<1xi32>
      %squeeze3A_1043 = vector.extract %slice3A_1042[0] : i32 from vector<1xi32>
      %and3A_1044 = arith.constant 7 : i32
      %and3A_1045 = arith.andi %squeeze3A_1043, %and3A_1044 : i32
      %add3A_1046 = arith.constant 0 : i32
      %add3A_1047 = arith.addi %add3A_1046, %and3A_1045 : i32
      %slice3A_1048 = vector.extract_strided_slice %get3A_1034 {offsets = [0], sizes = [1], strides = [1]} : vector<16xi32> to vector<1xi32>
      %squeeze3A_1049 = vector.extract %slice3A_1048[0] : i32 from vector<1xi32>
      %and3A_1050 = arith.constant 7 : i32
      %and3A_1051 = arith.andi %squeeze3A_1049, %and3A_1050 : i32
      %add3A_1052 = arith.constant 0 : i32
      %add3A_1053 = arith.addi %add3A_1052, %and3A_1051 : i32
      %broadcast_in_dim3A_1054 = arith.constant 0.000000e+00 : f32
      %broadcast_in_dim3A_1055 = vector.broadcast %broadcast_in_dim3A_1054 : f32 to vector<16xf32>
      %get3A_1056 = arith.index_cast %and3A_974 : i32 to index
      %get3A_1057 = arith.index_cast %add3A_1041 : i32 to index
      %get3A_1058 = arith.constant 0 : index
      %get3A_1059 = tpu.vector_load %arg11[%get3A_1056, %get3A_1057, %get3A_1058] {strides = array<i32>} : memref<2x128x64xf32, #tpu.memory_space<vmem>>, vector<1x1x16xf32>,
      %get3A_1060 = vector.shape_cast %get3A_1059 : vector<1x1x16xf32> to vector<16xf32>
      %get3A_1061 = arith.index_cast %and3A_974 : i32 to index
      %get3A_1062 = arith.index_cast %add3A_1053 : i32 to index
      %get3A_1063 = arith.constant 0 : index
      %get3A_1064 = tpu.vector_load %arg13[%get3A_1061, %get3A_1062, %get3A_1063] {strides = array<i32>} : memref<2x128x64xf32, #tpu.memory_space<vmem>>, vector<1x1x16xf32>,
      %get3A_1065 = vector.shape_cast %get3A_1064 : vector<1x1x16xf32> to vector<16xf32>
      %add3A_1066 = arith.addf %get3A_1060, %get3A_1065 : vector<16xf32>
      %get3A_1067 = arith.index_cast %and3A_974 : i32 to index
      %get3A_1068 = arith.index_cast %add3A_1047 : i32 to index
      %get3A_1069 = arith.constant 0 : index
      %get3A_1070 = tpu.vector_load %arg12[%get3A_1067, %get3A_1068, %get3A_1069] {strides = array<i32>} : memref<2x128x64xf32, #tpu.memory_space<vmem>>, vector<1x1x16xf32>,
      %get3A_1071 = vector.shape_cast %get3A_1070 : vector<1x1x16xf32> to vector<16xf32>
      %sub3A = arith.subf %add3A_1066, %get3A_1071 : vector<16xf32>
      %mul3A_1072 = arith.mulf %sub3A, %sub3A : vector<16xf32>
      %add3A_1073 = arith.addf %broadcast_in_dim3A_1055, %mul3A_1072 : vector<16xf32>
      %get3A_1074 = arith.index_cast %and3A_974 : i32 to index
      %get3A_1075 = arith.index_cast %add3A_1041 : i32 to index
      %get3A_1076 = arith.constant 16 : index
      %get3A_1077 = tpu.vector_load %arg11[%get3A_1074, %get3A_1075, %get3A_1076] {strides = array<i32>} : memref<2x128x64xf32, #tpu.memory_space<vmem>>, vector<1x1x16xf32>,
      %get3A_1078 = vector.shape_cast %get3A_1077 : vector<1x1x16xf32> to vector<16xf32>
      %get3A_1079 = arith.index_cast %and3A_974 : i32 to index
      %get3A_1080 = arith.index_cast %add3A_1053 : i32 to index
      %get3A_1081 = arith.constant 16 : index
      %get3A_1082 = tpu.vector_load %arg13[%get3A_1079, %get3A_1080, %get3A_1081] {strides = array<i32>} : memref<2x128x64xf32, #tpu.memory_space<vmem>>, vector<1x1x16xf32>,
      %get3A_1083 = vector.shape_cast %get3A_1082 : vector<1x1x16xf32> to vector<16xf32>
      %add3A_1084 = arith.addf %get3A_1078, %get3A_1083 : vector<16xf32>
      %get3A_1085 = arith.index_cast %and3A_974 : i32 to index
      %get3A_1086 = arith.index_cast %add3A_1047 : i32 to index
      %get3A_1087 = arith.constant 16 : index
      %get3A_1088 = tpu.vector_load %arg12[%get3A_1085, %get3A_1086, %get3A_1087] {strides = array<i32>} : memref<2x128x64xf32, #tpu.memory_space<vmem>>, vector<1x1x16xf32>,
      %get3A_1089 = vector.shape_cast %get3A_1088 : vector<1x1x16xf32> to vector<16xf32>
      %sub3A_1090 = arith.subf %add3A_1084, %get3A_1089 : vector<16xf32>
      %mul3A_1091 = arith.mulf %sub3A_1090, %sub3A_1090 : vector<16xf32>
      %add3A_1092 = arith.addf %add3A_1073, %mul3A_1091 : vector<16xf32>
      %get3A_1093 = arith.index_cast %and3A_974 : i32 to index
      %get3A_1094 = arith.index_cast %add3A_1041 : i32 to index
      %get3A_1095 = arith.constant 32 : index
      %get3A_1096 = tpu.vector_load %arg11[%get3A_1093, %get3A_1094, %get3A_1095] {strides = array<i32>} : memref<2x128x64xf32, #tpu.memory_space<vmem>>, vector<1x1x16xf32>,
      %get3A_1097 = vector.shape_cast %get3A_1096 : vector<1x1x16xf32> to vector<16xf32>
      %get3A_1098 = arith.index_cast %and3A_974 : i32 to index
      %get3A_1099 = arith.index_cast %add3A_1053 : i32 to index
      %get3A_1100 = arith.constant 32 : index
      %get3A_1101 = tpu.vector_load %arg13[%get3A_1098, %get3A_1099, %get3A_1100] {strides = array<i32>} : memref<2x128x64xf32, #tpu.memory_space<vmem>>, vector<1x1x16xf32>,
      %get3A_1102 = vector.shape_cast %get3A_1101 : vector<1x1x16xf32> to vector<16xf32>
      %add3A_1103 = arith.addf %get3A_1097, %get3A_1102 : vector<16xf32>
      %get3A_1104 = arith.index_cast %and3A_974 : i32 to index
      %get3A_1105 = arith.index_cast %add3A_1047 : i32 to index
      %get3A_1106 = arith.constant 32 : index
      %get3A_1107 = tpu.vector_load %arg12[%get3A_1104, %get3A_1105, %get3A_1106] {strides = array<i32>} : memref<2x128x64xf32, #tpu.memory_space<vmem>>, vector<1x1x16xf32>,
      %get3A_1108 = vector.shape_cast %get3A_1107 : vector<1x1x16xf32> to vector<16xf32>
      %sub3A_1109 = arith.subf %add3A_1103, %get3A_1108 : vector<16xf32>
      %mul3A_1110 = arith.mulf %sub3A_1109, %sub3A_1109 : vector<16xf32>
      %add3A_1111 = arith.addf %add3A_1092, %mul3A_1110 : vector<16xf32>
      %get3A_1112 = arith.index_cast %and3A_974 : i32 to index
      %get3A_1113 = arith.index_cast %add3A_1041 : i32 to index
      %get3A_1114 = arith.constant 48 : index
      %get3A_1115 = tpu.vector_load %arg11[%get3A_1112, %get3A_1113, %get3A_1114] {strides = array<i32>} : memref<2x128x64xf32, #tpu.memory_space<vmem>>, vector<1x1x16xf32>,
      %get3A_1116 = vector.shape_cast %get3A_1115 : vector<1x1x16xf32> to vector<16xf32>
      %get3A_1117 = arith.index_cast %and3A_974 : i32 to index
      %get3A_1118 = arith.index_cast %add3A_1053 : i32 to index
      %get3A_1119 = arith.constant 48 : index
      %get3A_1120 = tpu.vector_load %arg13[%get3A_1117, %get3A_1118, %get3A_1119] {strides = array<i32>} : memref<2x128x64xf32, #tpu.memory_space<vmem>>, vector<1x1x16xf32>,
      %get3A_1121 = vector.shape_cast %get3A_1120 : vector<1x1x16xf32> to vector<16xf32>
      %add3A_1122 = arith.addf %get3A_1116, %get3A_1121 : vector<16xf32>
      %get3A_1123 = arith.index_cast %and3A_974 : i32 to index
      %get3A_1124 = arith.index_cast %add3A_1047 : i32 to index
      %get3A_1125 = arith.constant 48 : index
      %get3A_1126 = tpu.vector_load %arg12[%get3A_1123, %get3A_1124, %get3A_1125] {strides = array<i32>} : memref<2x128x64xf32, #tpu.memory_space<vmem>>, vector<1x1x16xf32>,
      %get3A_1127 = vector.shape_cast %get3A_1126 : vector<1x1x16xf32> to vector<16xf32>
      %sub3A_1128 = arith.subf %add3A_1122, %get3A_1127 : vector<16xf32>
      %mul3A_1129 = arith.mulf %sub3A_1128, %sub3A_1128 : vector<16xf32>
      %add3A_1130 = arith.addf %add3A_1111, %mul3A_1129 : vector<16xf32>
      %xor3A = arith.constant 8 : i32
      %xor3A_1131 = vector.broadcast %xor3A : i32 to vector<16xi32>
      %xor3A_1132 = arith.xori %iota3A, %xor3A_1131 : vector<16xi32>
      %lt3A_1133 = arith.constant 0 : i32
      %lt3A_1134 = vector.broadcast %lt3A_1133 : i32 to vector<16xi32>
      %lt3A_1135 = arith.cmpi slt, %xor3A_1132, %lt3A_1134 : vector<16xi32>
      %add3A_1136 = arith.constant 16 : i32
      %add3A_1137 = vector.broadcast %add3A_1136 : i32 to vector<16xi32>
      %add3A_1138 = arith.addi %xor3A_1132, %add3A_1137 : vector<16xi32>
      %select_n3A = arith.select %lt3A_1135, %add3A_1138, %xor3A_1132 : vector<16xi1>, vector<16xi32>
      %broadcast_in_dim3A_1139 = vector.shape_cast %select_n3A : vector<16xi32> to vector<16x1xi32>
      %gather3A = vector.shape_cast %broadcast_in_dim3A_1139 : vector<16x1xi32> to vector<16xi32>
      %gather3A_1140 = tpu.dynamic_gather %add3A_1130[%gather3A] in [0] : vector<16xf32>, vector<16xi32> -> vector<16xf32>
      %add3A_1141 = arith.addf %add3A_1130, %gather3A_1140 : vector<16xf32>
      %xor3A_1142 = arith.constant 4 : i32
      %xor3A_1143 = vector.broadcast %xor3A_1142 : i32 to vector<16xi32>
      %xor3A_1144 = arith.xori %iota3A, %xor3A_1143 : vector<16xi32>
      %lt3A_1145 = arith.constant 0 : i32
      %lt3A_1146 = vector.broadcast %lt3A_1145 : i32 to vector<16xi32>
      %lt3A_1147 = arith.cmpi slt, %xor3A_1144, %lt3A_1146 : vector<16xi32>
      %add3A_1148 = arith.constant 16 : i32
      %add3A_1149 = vector.broadcast %add3A_1148 : i32 to vector<16xi32>
      %add3A_1150 = arith.addi %xor3A_1144, %add3A_1149 : vector<16xi32>
      %select_n3A_1151 = arith.select %lt3A_1147, %add3A_1150, %xor3A_1144 : vector<16xi1>, vector<16xi32>
      %broadcast_in_dim3A_1152 = vector.shape_cast %select_n3A_1151 : vector<16xi32> to vector<16x1xi32>
      %gather3A_1153 = vector.shape_cast %broadcast_in_dim3A_1152 : vector<16x1xi32> to vector<16xi32>
      %gather3A_1154 = tpu.dynamic_gather %add3A_1141[%gather3A_1153] in [0] : vector<16xf32>, vector<16xi32> -> vector<16xf32>
      %add3A_1155 = arith.addf %add3A_1141, %gather3A_1154 : vector<16xf32>
      %xor3A_1156 = arith.constant 2 : i32
      %xor3A_1157 = vector.broadcast %xor3A_1156 : i32 to vector<16xi32>
      %xor3A_1158 = arith.xori %iota3A, %xor3A_1157 : vector<16xi32>
      %lt3A_1159 = arith.constant 0 : i32
      %lt3A_1160 = vector.broadcast %lt3A_1159 : i32 to vector<16xi32>
      %lt3A_1161 = arith.cmpi slt, %xor3A_1158, %lt3A_1160 : vector<16xi32>
      %add3A_1162 = arith.constant 16 : i32
      %add3A_1163 = vector.broadcast %add3A_1162 : i32 to vector<16xi32>
      %add3A_1164 = arith.addi %xor3A_1158, %add3A_1163 : vector<16xi32>
      %select_n3A_1165 = arith.select %lt3A_1161, %add3A_1164, %xor3A_1158 : vector<16xi1>, vector<16xi32>
      %broadcast_in_dim3A_1166 = vector.shape_cast %select_n3A_1165 : vector<16xi32> to vector<16x1xi32>
      %gather3A_1167 = vector.shape_cast %broadcast_in_dim3A_1166 : vector<16x1xi32> to vector<16xi32>
      %gather3A_1168 = tpu.dynamic_gather %add3A_1155[%gather3A_1167] in [0] : vector<16xf32>, vector<16xi32> -> vector<16xf32>
      %add3A_1169 = arith.addf %add3A_1155, %gather3A_1168 : vector<16xf32>
      %xor3A_1170 = arith.constant 1 : i32
      %xor3A_1171 = vector.broadcast %xor3A_1170 : i32 to vector<16xi32>
      %xor3A_1172 = arith.xori %iota3A, %xor3A_1171 : vector<16xi32>
      %lt3A_1173 = arith.constant 0 : i32
      %lt3A_1174 = vector.broadcast %lt3A_1173 : i32 to vector<16xi32>
      %lt3A_1175 = arith.cmpi slt, %xor3A_1172, %lt3A_1174 : vector<16xi32>
      %add3A_1176 = arith.constant 16 : i32
      %add3A_1177 = vector.broadcast %add3A_1176 : i32 to vector<16xi32>
      %add3A_1178 = arith.addi %xor3A_1172, %add3A_1177 : vector<16xi32>
      %select_n3A_1179 = arith.select %lt3A_1175, %add3A_1178, %xor3A_1172 : vector<16xi1>, vector<16xi32>
      %broadcast_in_dim3A_1180 = vector.shape_cast %select_n3A_1179 : vector<16xi32> to vector<16x1xi32>
      %gather3A_1181 = vector.shape_cast %broadcast_in_dim3A_1180 : vector<16x1xi32> to vector<16xi32>
      %gather3A_1182 = tpu.dynamic_gather %add3A_1169[%gather3A_1181] in [0] : vector<16xf32>, vector<16xi32> -> vector<16xf32>
      %add3A_1183 = arith.addf %add3A_1169, %gather3A_1182 : vector<16xf32>
      %eq3A = arith.constant 0 : i32
      %eq3A_1184 = vector.broadcast %eq3A : i32 to vector<16xi32>
      %eq3A_1185 = arith.cmpi eq, %iota3A, %eq3A_1184 : vector<16xi32>
      %select_n3A_1186 = arith.select %eq3A_1185, %add3A_1183, %broadcast_in_dim3A_1035 : vector<16xi1>, vector<16xf32>
      %slice3A_1187 = vector.extract_strided_slice %get3A_1024 {offsets = [1], sizes = [1], strides = [1]} : vector<16xi32> to vector<1xi32>
      %squeeze3A_1188 = vector.extract %slice3A_1187[0] : i32 from vector<1xi32>
      %and3A_1189 = arith.constant 7 : i32
      %and3A_1190 = arith.andi %squeeze3A_1188, %and3A_1189 : i32
      %add3A_1191 = arith.constant 8 : i32
      %add3A_1192 = arith.addi %add3A_1191, %and3A_1190 : i32
      %slice3A_1193 = vector.extract_strided_slice %get3A_1029 {offsets = [1], sizes = [1], strides = [1]} : vector<16xi32> to vector<1xi32>
      %squeeze3A_1194 = vector.extract %slice3A_1193[0] : i32 from vector<1xi32>
      %and3A_1195 = arith.constant 7 : i32
      %and3A_1196 = arith.andi %squeeze3A_1194, %and3A_1195 : i32
      %add3A_1197 = arith.constant 8 : i32
      %add3A_1198 = arith.addi %add3A_1197, %and3A_1196 : i32
      %slice3A_1199 = vector.extract_strided_slice %get3A_1034 {offsets = [1], sizes = [1], strides = [1]} : vector<16xi32> to vector<1xi32>
      %squeeze3A_1200 = vector.extract %slice3A_1199[0] : i32 from vector<1xi32>
      %and3A_1201 = arith.constant 7 : i32
      %and3A_1202 = arith.andi %squeeze3A_1200, %and3A_1201 : i32
      %add3A_1203 = arith.constant 8 : i32
      %add3A_1204 = arith.addi %add3A_1203, %and3A_1202 : i32
      %broadcast_in_dim3A_1205 = arith.constant 0.000000e+00 : f32
      %broadcast_in_dim3A_1206 = vector.broadcast %broadcast_in_dim3A_1205 : f32 to vector<16xf32>
      %get3A_1207 = arith.index_cast %and3A_974 : i32 to index
      %get3A_1208 = arith.index_cast %add3A_1192 : i32 to index
      %get3A_1209 = arith.constant 0 : index
      %get3A_1210 = tpu.vector_load %arg11[%get3A_1207, %get3A_1208, %get3A_1209] {strides = array<i32>} : memref<2x128x64xf32, #tpu.memory_space<vmem>>, vector<1x1x16xf32>,
      %get3A_1211 = vector.shape_cast %get3A_1210 : vector<1x1x16xf32> to vector<16xf32>
      %get3A_1212 = arith.index_cast %and3A_974 : i32 to index
      %get3A_1213 = arith.index_cast %add3A_1204 : i32 to index
      %get3A_1214 = arith.constant 0 : index
      %get3A_1215 = tpu.vector_load %arg13[%get3A_1212, %get3A_1213, %get3A_1214] {strides = array<i32>} : memref<2x128x64xf32, #tpu.memory_space<vmem>>, vector<1x1x16xf32>,
      %get3A_1216 = vector.shape_cast %get3A_1215 : vector<1x1x16xf32> to vector<16xf32>
      %add3A_1217 = arith.addf %get3A_1211, %get3A_1216 : vector<16xf32>
      %get3A_1218 = arith.index_cast %and3A_974 : i32 to index
      %get3A_1219 = arith.index_cast %add3A_1198 : i32 to index
      %get3A_1220 = arith.constant 0 : index
      %get3A_1221 = tpu.vector_load %arg12[%get3A_1218, %get3A_1219, %get3A_1220] {strides = array<i32>} : memref<2x128x64xf32, #tpu.memory_space<vmem>>, vector<1x1x16xf32>,
      %get3A_1222 = vector.shape_cast %get3A_1221 : vector<1x1x16xf32> to vector<16xf32>
      %sub3A_1223 = arith.subf %add3A_1217, %get3A_1222 : vector<16xf32>
      %mul3A_1224 = arith.mulf %sub3A_1223, %sub3A_1223 : vector<16xf32>
      %add3A_1225 = arith.addf %broadcast_in_dim3A_1206, %mul3A_1224 : vector<16xf32>
      %get3A_1226 = arith.index_cast %and3A_974 : i32 to index
      %get3A_1227 = arith.index_cast %add3A_1192 : i32 to index
      %get3A_1228 = arith.constant 16 : index
      %get3A_1229 = tpu.vector_load %arg11[%get3A_1226, %get3A_1227, %get3A_1228] {strides = array<i32>} : memref<2x128x64xf32, #tpu.memory_space<vmem>>, vector<1x1x16xf32>,
      %get3A_1230 = vector.shape_cast %get3A_1229 : vector<1x1x16xf32> to vector<16xf32>
      %get3A_1231 = arith.index_cast %and3A_974 : i32 to index
      %get3A_1232 = arith.index_cast %add3A_1204 : i32 to index
      %get3A_1233 = arith.constant 16 : index
      %get3A_1234 = tpu.vector_load %arg13[%get3A_1231, %get3A_1232, %get3A_1233] {strides = array<i32>} : memref<2x128x64xf32, #tpu.memory_space<vmem>>, vector<1x1x16xf32>,
      %get3A_1235 = vector.shape_cast %get3A_1234 : vector<1x1x16xf32> to vector<16xf32>
      %add3A_1236 = arith.addf %get3A_1230, %get3A_1235 : vector<16xf32>
      %get3A_1237 = arith.index_cast %and3A_974 : i32 to index
      %get3A_1238 = arith.index_cast %add3A_1198 : i32 to index
      %get3A_1239 = arith.constant 16 : index
      %get3A_1240 = tpu.vector_load %arg12[%get3A_1237, %get3A_1238, %get3A_1239] {strides = array<i32>} : memref<2x128x64xf32, #tpu.memory_space<vmem>>, vector<1x1x16xf32>,
      %get3A_1241 = vector.shape_cast %get3A_1240 : vector<1x1x16xf32> to vector<16xf32>
      %sub3A_1242 = arith.subf %add3A_1236, %get3A_1241 : vector<16xf32>
      %mul3A_1243 = arith.mulf %sub3A_1242, %sub3A_1242 : vector<16xf32>
      %add3A_1244 = arith.addf %add3A_1225, %mul3A_1243 : vector<16xf32>
      %get3A_1245 = arith.index_cast %and3A_974 : i32 to index
      %get3A_1246 = arith.index_cast %add3A_1192 : i32 to index
      %get3A_1247 = arith.constant 32 : index
      %get3A_1248 = tpu.vector_load %arg11[%get3A_1245, %get3A_1246, %get3A_1247] {strides = array<i32>} : memref<2x128x64xf32, #tpu.memory_space<vmem>>, vector<1x1x16xf32>,
      %get3A_1249 = vector.shape_cast %get3A_1248 : vector<1x1x16xf32> to vector<16xf32>
      %get3A_1250 = arith.index_cast %and3A_974 : i32 to index
      %get3A_1251 = arith.index_cast %add3A_1204 : i32 to index
      %get3A_1252 = arith.constant 32 : index
      %get3A_1253 = tpu.vector_load %arg13[%get3A_1250, %get3A_1251, %get3A_1252] {strides = array<i32>} : memref<2x128x64xf32, #tpu.memory_space<vmem>>, vector<1x1x16xf32>,
      %get3A_1254 = vector.shape_cast %get3A_1253 : vector<1x1x16xf32> to vector<16xf32>
      %add3A_1255 = arith.addf %get3A_1249, %get3A_1254 : vector<16xf32>
      %get3A_1256 = arith.index_cast %and3A_974 : i32 to index
      %get3A_1257 = arith.index_cast %add3A_1198 : i32 to index
      %get3A_1258 = arith.constant 32 : index
      %get3A_1259 = tpu.vector_load %arg12[%get3A_1256, %get3A_1257, %get3A_1258] {strides = array<i32>} : memref<2x128x64xf32, #tpu.memory_space<vmem>>, vector<1x1x16xf32>,
      %get3A_1260 = vector.shape_cast %get3A_1259 : vector<1x1x16xf32> to vector<16xf32>
      %sub3A_1261 = arith.subf %add3A_1255, %get3A_1260 : vector<16xf32>
      %mul3A_1262 = arith.mulf %sub3A_1261, %sub3A_1261 : vector<16xf32>
      %add3A_1263 = arith.addf %add3A_1244, %mul3A_1262 : vector<16xf32>
      %get3A_1264 = arith.index_cast %and3A_974 : i32 to index
      %get3A_1265 = arith.index_cast %add3A_1192 : i32 to index
      %get3A_1266 = arith.constant 48 : index
      %get3A_1267 = tpu.vector_load %arg11[%get3A_1264, %get3A_1265, %get3A_1266] {strides = array<i32>} : memref<2x128x64xf32, #tpu.memory_space<vmem>>, vector<1x1x16xf32>,
      %get3A_1268 = vector.shape_cast %get3A_1267 : vector<1x1x16xf32> to vector<16xf32>
      %get3A_1269 = arith.index_cast %and3A_974 : i32 to index
      %get3A_1270 = arith.index_cast %add3A_1204 : i32 to index
      %get3A_1271 = arith.constant 48 : index
      %get3A_1272 = tpu.vector_load %arg13[%get3A_1269, %get3A_1270, %get3A_1271] {strides = array<i32>} : memref<2x128x64xf32, #tpu.memory_space<vmem>>, vector<1x1x16xf32>,
      %get3A_1273 = vector.shape_cast %get3A_1272 : vector<1x1x16xf32> to vector<16xf32>
      %add3A_1274 = arith.addf %get3A_1268, %get3A_1273 : vector<16xf32>
      %get3A_1275 = arith.index_cast %and3A_974 : i32 to index
      %get3A_1276 = arith.index_cast %add3A_1198 : i32 to index
      %get3A_1277 = arith.constant 48 : index
      %get3A_1278 = tpu.vector_load %arg12[%get3A_1275, %get3A_1276, %get3A_1277] {strides = array<i32>} : memref<2x128x64xf32, #tpu.memory_space<vmem>>, vector<1x1x16xf32>,
      %get3A_1279 = vector.shape_cast %get3A_1278 : vector<1x1x16xf32> to vector<16xf32>
      %sub3A_1280 = arith.subf %add3A_1274, %get3A_1279 : vector<16xf32>
      %mul3A_1281 = arith.mulf %sub3A_1280, %sub3A_1280 : vector<16xf32>
      %add3A_1282 = arith.addf %add3A_1263, %mul3A_1281 : vector<16xf32>
      %xor3A_1283 = arith.constant 8 : i32
      %xor3A_1284 = vector.broadcast %xor3A_1283 : i32 to vector<16xi32>
      %xor3A_1285 = arith.xori %iota3A, %xor3A_1284 : vector<16xi32>
      %lt3A_1286 = arith.constant 0 : i32
      %lt3A_1287 = vector.broadcast %lt3A_1286 : i32 to vector<16xi32>
      %lt3A_1288 = arith.cmpi slt, %xor3A_1285, %lt3A_1287 : vector<16xi32>
      %add3A_1289 = arith.constant 16 : i32
      %add3A_1290 = vector.broadcast %add3A_1289 : i32 to vector<16xi32>
      %add3A_1291 = arith.addi %xor3A_1285, %add3A_1290 : vector<16xi32>
      %select_n3A_1292 = arith.select %lt3A_1288, %add3A_1291, %xor3A_1285 : vector<16xi1>, vector<16xi32>
      %broadcast_in_dim3A_1293 = vector.shape_cast %select_n3A_1292 : vector<16xi32> to vector<16x1xi32>
      %gather3A_1294 = vector.shape_cast %broadcast_in_dim3A_1293 : vector<16x1xi32> to vector<16xi32>
      %gather3A_1295 = tpu.dynamic_gather %add3A_1282[%gather3A_1294] in [0] : vector<16xf32>, vector<16xi32> -> vector<16xf32>
      %add3A_1296 = arith.addf %add3A_1282, %gather3A_1295 : vector<16xf32>
      %xor3A_1297 = arith.constant 4 : i32
      %xor3A_1298 = vector.broadcast %xor3A_1297 : i32 to vector<16xi32>
      %xor3A_1299 = arith.xori %iota3A, %xor3A_1298 : vector<16xi32>
      %lt3A_1300 = arith.constant 0 : i32
      %lt3A_1301 = vector.broadcast %lt3A_1300 : i32 to vector<16xi32>
      %lt3A_1302 = arith.cmpi slt, %xor3A_1299, %lt3A_1301 : vector<16xi32>
      %add3A_1303 = arith.constant 16 : i32
      %add3A_1304 = vector.broadcast %add3A_1303 : i32 to vector<16xi32>
      %add3A_1305 = arith.addi %xor3A_1299, %add3A_1304 : vector<16xi32>
      %select_n3A_1306 = arith.select %lt3A_1302, %add3A_1305, %xor3A_1299 : vector<16xi1>, vector<16xi32>
      %broadcast_in_dim3A_1307 = vector.shape_cast %select_n3A_1306 : vector<16xi32> to vector<16x1xi32>
      %gather3A_1308 = vector.shape_cast %broadcast_in_dim3A_1307 : vector<16x1xi32> to vector<16xi32>
      %gather3A_1309 = tpu.dynamic_gather %add3A_1296[%gather3A_1308] in [0] : vector<16xf32>, vector<16xi32> -> vector<16xf32>
      %add3A_1310 = arith.addf %add3A_1296, %gather3A_1309 : vector<16xf32>
      %xor3A_1311 = arith.constant 2 : i32
      %xor3A_1312 = vector.broadcast %xor3A_1311 : i32 to vector<16xi32>
      %xor3A_1313 = arith.xori %iota3A, %xor3A_1312 : vector<16xi32>
      %lt3A_1314 = arith.constant 0 : i32
      %lt3A_1315 = vector.broadcast %lt3A_1314 : i32 to vector<16xi32>
      %lt3A_1316 = arith.cmpi slt, %xor3A_1313, %lt3A_1315 : vector<16xi32>
      %add3A_1317 = arith.constant 16 : i32
      %add3A_1318 = vector.broadcast %add3A_1317 : i32 to vector<16xi32>
      %add3A_1319 = arith.addi %xor3A_1313, %add3A_1318 : vector<16xi32>
      %select_n3A_1320 = arith.select %lt3A_1316, %add3A_1319, %xor3A_1313 : vector<16xi1>, vector<16xi32>
      %broadcast_in_dim3A_1321 = vector.shape_cast %select_n3A_1320 : vector<16xi32> to vector<16x1xi32>
      %gather3A_1322 = vector.shape_cast %broadcast_in_dim3A_1321 : vector<16x1xi32> to vector<16xi32>
      %gather3A_1323 = tpu.dynamic_gather %add3A_1310[%gather3A_1322] in [0] : vector<16xf32>, vector<16xi32> -> vector<16xf32>
      %add3A_1324 = arith.addf %add3A_1310, %gather3A_1323 : vector<16xf32>
      %xor3A_1325 = arith.constant 1 : i32
      %xor3A_1326 = vector.broadcast %xor3A_1325 : i32 to vector<16xi32>
      %xor3A_1327 = arith.xori %iota3A, %xor3A_1326 : vector<16xi32>
      %lt3A_1328 = arith.constant 0 : i32
      %lt3A_1329 = vector.broadcast %lt3A_1328 : i32 to vector<16xi32>
      %lt3A_1330 = arith.cmpi slt, %xor3A_1327, %lt3A_1329 : vector<16xi32>
      %add3A_1331 = arith.constant 16 : i32
      %add3A_1332 = vector.broadcast %add3A_1331 : i32 to vector<16xi32>
      %add3A_1333 = arith.addi %xor3A_1327, %add3A_1332 : vector<16xi32>
      %select_n3A_1334 = arith.select %lt3A_1330, %add3A_1333, %xor3A_1327 : vector<16xi1>, vector<16xi32>
      %broadcast_in_dim3A_1335 = vector.shape_cast %select_n3A_1334 : vector<16xi32> to vector<16x1xi32>
      %gather3A_1336 = vector.shape_cast %broadcast_in_dim3A_1335 : vector<16x1xi32> to vector<16xi32>
      %gather3A_1337 = tpu.dynamic_gather %add3A_1324[%gather3A_1336] in [0] : vector<16xf32>, vector<16xi32> -> vector<16xf32>
      %add3A_1338 = arith.addf %add3A_1324, %gather3A_1337 : vector<16xf32>
      %eq3A_1339 = arith.constant 1 : i32
      %eq3A_1340 = vector.broadcast %eq3A_1339 : i32 to vector<16xi32>
      %eq3A_1341 = arith.cmpi eq, %iota3A, %eq3A_1340 : vector<16xi32>
      %select_n3A_1342 = arith.select %eq3A_1341, %add3A_1338, %select_n3A_1186 : vector<16xi1>, vector<16xf32>
      %slice3A_1343 = vector.extract_strided_slice %get3A_1024 {offsets = [2], sizes = [1], strides = [1]} : vector<16xi32> to vector<1xi32>
      %squeeze3A_1344 = vector.extract %slice3A_1343[0] : i32 from vector<1xi32>
      %and3A_1345 = arith.constant 7 : i32
      %and3A_1346 = arith.andi %squeeze3A_1344, %and3A_1345 : i32
      %add3A_1347 = arith.constant 16 : i32
      %add3A_1348 = arith.addi %add3A_1347, %and3A_1346 : i32
      %slice3A_1349 = vector.extract_strided_slice %get3A_1029 {offsets = [2], sizes = [1], strides = [1]} : vector<16xi32> to vector<1xi32>
      %squeeze3A_1350 = vector.extract %slice3A_1349[0] : i32 from vector<1xi32>
      %and3A_1351 = arith.constant 7 : i32
      %and3A_1352 = arith.andi %squeeze3A_1350, %and3A_1351 : i32
      %add3A_1353 = arith.constant 16 : i32
      %add3A_1354 = arith.addi %add3A_1353, %and3A_1352 : i32
      %slice3A_1355 = vector.extract_strided_slice %get3A_1034 {offsets = [2], sizes = [1], strides = [1]} : vector<16xi32> to vector<1xi32>
      %squeeze3A_1356 = vector.extract %slice3A_1355[0] : i32 from vector<1xi32>
      %and3A_1357 = arith.constant 7 : i32
      %and3A_1358 = arith.andi %squeeze3A_1356, %and3A_1357 : i32
      %add3A_1359 = arith.constant 16 : i32
      %add3A_1360 = arith.addi %add3A_1359, %and3A_1358 : i32
      %broadcast_in_dim3A_1361 = arith.constant 0.000000e+00 : f32
      %broadcast_in_dim3A_1362 = vector.broadcast %broadcast_in_dim3A_1361 : f32 to vector<16xf32>
      %get3A_1363 = arith.index_cast %and3A_974 : i32 to index
      %get3A_1364 = arith.index_cast %add3A_1348 : i32 to index
      %get3A_1365 = arith.constant 0 : index
      %get3A_1366 = tpu.vector_load %arg11[%get3A_1363, %get3A_1364, %get3A_1365] {strides = array<i32>} : memref<2x128x64xf32, #tpu.memory_space<vmem>>, vector<1x1x16xf32>,
      %get3A_1367 = vector.shape_cast %get3A_1366 : vector<1x1x16xf32> to vector<16xf32>
      %get3A_1368 = arith.index_cast %and3A_974 : i32 to index
      %get3A_1369 = arith.index_cast %add3A_1360 : i32 to index
      %get3A_1370 = arith.constant 0 : index
      %get3A_1371 = tpu.vector_load %arg13[%get3A_1368, %get3A_1369, %get3A_1370] {strides = array<i32>} : memref<2x128x64xf32, #tpu.memory_space<vmem>>, vector<1x1x16xf32>,
      %get3A_1372 = vector.shape_cast %get3A_1371 : vector<1x1x16xf32> to vector<16xf32>
      %add3A_1373 = arith.addf %get3A_1367, %get3A_1372 : vector<16xf32>
      %get3A_1374 = arith.index_cast %and3A_974 : i32 to index
      %get3A_1375 = arith.index_cast %add3A_1354 : i32 to index
      %get3A_1376 = arith.constant 0 : index
      %get3A_1377 = tpu.vector_load %arg12[%get3A_1374, %get3A_1375, %get3A_1376] {strides = array<i32>} : memref<2x128x64xf32, #tpu.memory_space<vmem>>, vector<1x1x16xf32>,
      %get3A_1378 = vector.shape_cast %get3A_1377 : vector<1x1x16xf32> to vector<16xf32>
      %sub3A_1379 = arith.subf %add3A_1373, %get3A_1378 : vector<16xf32>
      %mul3A_1380 = arith.mulf %sub3A_1379, %sub3A_1379 : vector<16xf32>
      %add3A_1381 = arith.addf %broadcast_in_dim3A_1362, %mul3A_1380 : vector<16xf32>
      %get3A_1382 = arith.index_cast %and3A_974 : i32 to index
      %get3A_1383 = arith.index_cast %add3A_1348 : i32 to index
      %get3A_1384 = arith.constant 16 : index
      %get3A_1385 = tpu.vector_load %arg11[%get3A_1382, %get3A_1383, %get3A_1384] {strides = array<i32>} : memref<2x128x64xf32, #tpu.memory_space<vmem>>, vector<1x1x16xf32>,
      %get3A_1386 = vector.shape_cast %get3A_1385 : vector<1x1x16xf32> to vector<16xf32>
      %get3A_1387 = arith.index_cast %and3A_974 : i32 to index
      %get3A_1388 = arith.index_cast %add3A_1360 : i32 to index
      %get3A_1389 = arith.constant 16 : index
      %get3A_1390 = tpu.vector_load %arg13[%get3A_1387, %get3A_1388, %get3A_1389] {strides = array<i32>} : memref<2x128x64xf32, #tpu.memory_space<vmem>>, vector<1x1x16xf32>,
      %get3A_1391 = vector.shape_cast %get3A_1390 : vector<1x1x16xf32> to vector<16xf32>
      %add3A_1392 = arith.addf %get3A_1386, %get3A_1391 : vector<16xf32>
      %get3A_1393 = arith.index_cast %and3A_974 : i32 to index
      %get3A_1394 = arith.index_cast %add3A_1354 : i32 to index
      %get3A_1395 = arith.constant 16 : index
      %get3A_1396 = tpu.vector_load %arg12[%get3A_1393, %get3A_1394, %get3A_1395] {strides = array<i32>} : memref<2x128x64xf32, #tpu.memory_space<vmem>>, vector<1x1x16xf32>,
      %get3A_1397 = vector.shape_cast %get3A_1396 : vector<1x1x16xf32> to vector<16xf32>
      %sub3A_1398 = arith.subf %add3A_1392, %get3A_1397 : vector<16xf32>
      %mul3A_1399 = arith.mulf %sub3A_1398, %sub3A_1398 : vector<16xf32>
      %add3A_1400 = arith.addf %add3A_1381, %mul3A_1399 : vector<16xf32>
      %get3A_1401 = arith.index_cast %and3A_974 : i32 to index
      %get3A_1402 = arith.index_cast %add3A_1348 : i32 to index
      %get3A_1403 = arith.constant 32 : index
      %get3A_1404 = tpu.vector_load %arg11[%get3A_1401, %get3A_1402, %get3A_1403] {strides = array<i32>} : memref<2x128x64xf32, #tpu.memory_space<vmem>>, vector<1x1x16xf32>,
      %get3A_1405 = vector.shape_cast %get3A_1404 : vector<1x1x16xf32> to vector<16xf32>
      %get3A_1406 = arith.index_cast %and3A_974 : i32 to index
      %get3A_1407 = arith.index_cast %add3A_1360 : i32 to index
      %get3A_1408 = arith.constant 32 : index
      %get3A_1409 = tpu.vector_load %arg13[%get3A_1406, %get3A_1407, %get3A_1408] {strides = array<i32>} : memref<2x128x64xf32, #tpu.memory_space<vmem>>, vector<1x1x16xf32>,
      %get3A_1410 = vector.shape_cast %get3A_1409 : vector<1x1x16xf32> to vector<16xf32>
      %add3A_1411 = arith.addf %get3A_1405, %get3A_1410 : vector<16xf32>
      %get3A_1412 = arith.index_cast %and3A_974 : i32 to index
      %get3A_1413 = arith.index_cast %add3A_1354 : i32 to index
      %get3A_1414 = arith.constant 32 : index
      %get3A_1415 = tpu.vector_load %arg12[%get3A_1412, %get3A_1413, %get3A_1414] {strides = array<i32>} : memref<2x128x64xf32, #tpu.memory_space<vmem>>, vector<1x1x16xf32>,
      %get3A_1416 = vector.shape_cast %get3A_1415 : vector<1x1x16xf32> to vector<16xf32>
      %sub3A_1417 = arith.subf %add3A_1411, %get3A_1416 : vector<16xf32>
      %mul3A_1418 = arith.mulf %sub3A_1417, %sub3A_1417 : vector<16xf32>
      %add3A_1419 = arith.addf %add3A_1400, %mul3A_1418 : vector<16xf32>
      %get3A_1420 = arith.index_cast %and3A_974 : i32 to index
      %get3A_1421 = arith.index_cast %add3A_1348 : i32 to index
      %get3A_1422 = arith.constant 48 : index
      %get3A_1423 = tpu.vector_load %arg11[%get3A_1420, %get3A_1421, %get3A_1422] {strides = array<i32>} : memref<2x128x64xf32, #tpu.memory_space<vmem>>, vector<1x1x16xf32>,
      %get3A_1424 = vector.shape_cast %get3A_1423 : vector<1x1x16xf32> to vector<16xf32>
      %get3A_1425 = arith.index_cast %and3A_974 : i32 to index
      %get3A_1426 = arith.index_cast %add3A_1360 : i32 to index
      %get3A_1427 = arith.constant 48 : index
      %get3A_1428 = tpu.vector_load %arg13[%get3A_1425, %get3A_1426, %get3A_1427] {strides = array<i32>} : memref<2x128x64xf32, #tpu.memory_space<vmem>>, vector<1x1x16xf32>,
      %get3A_1429 = vector.shape_cast %get3A_1428 : vector<1x1x16xf32> to vector<16xf32>
      %add3A_1430 = arith.addf %get3A_1424, %get3A_1429 : vector<16xf32>
      %get3A_1431 = arith.index_cast %and3A_974 : i32 to index
      %get3A_1432 = arith.index_cast %add3A_1354 : i32 to index
      %get3A_1433 = arith.constant 48 : index
      %get3A_1434 = tpu.vector_load %arg12[%get3A_1431, %get3A_1432, %get3A_1433] {strides = array<i32>} : memref<2x128x64xf32, #tpu.memory_space<vmem>>, vector<1x1x16xf32>,
      %get3A_1435 = vector.shape_cast %get3A_1434 : vector<1x1x16xf32> to vector<16xf32>
      %sub3A_1436 = arith.subf %add3A_1430, %get3A_1435 : vector<16xf32>
      %mul3A_1437 = arith.mulf %sub3A_1436, %sub3A_1436 : vector<16xf32>
      %add3A_1438 = arith.addf %add3A_1419, %mul3A_1437 : vector<16xf32>
      %xor3A_1439 = arith.constant 8 : i32
      %xor3A_1440 = vector.broadcast %xor3A_1439 : i32 to vector<16xi32>
      %xor3A_1441 = arith.xori %iota3A, %xor3A_1440 : vector<16xi32>
      %lt3A_1442 = arith.constant 0 : i32
      %lt3A_1443 = vector.broadcast %lt3A_1442 : i32 to vector<16xi32>
      %lt3A_1444 = arith.cmpi slt, %xor3A_1441, %lt3A_1443 : vector<16xi32>
      %add3A_1445 = arith.constant 16 : i32
      %add3A_1446 = vector.broadcast %add3A_1445 : i32 to vector<16xi32>
      %add3A_1447 = arith.addi %xor3A_1441, %add3A_1446 : vector<16xi32>
      %select_n3A_1448 = arith.select %lt3A_1444, %add3A_1447, %xor3A_1441 : vector<16xi1>, vector<16xi32>
      %broadcast_in_dim3A_1449 = vector.shape_cast %select_n3A_1448 : vector<16xi32> to vector<16x1xi32>
      %gather3A_1450 = vector.shape_cast %broadcast_in_dim3A_1449 : vector<16x1xi32> to vector<16xi32>
      %gather3A_1451 = tpu.dynamic_gather %add3A_1438[%gather3A_1450] in [0] : vector<16xf32>, vector<16xi32> -> vector<16xf32>
      %add3A_1452 = arith.addf %add3A_1438, %gather3A_1451 : vector<16xf32>
      %xor3A_1453 = arith.constant 4 : i32
      %xor3A_1454 = vector.broadcast %xor3A_1453 : i32 to vector<16xi32>
      %xor3A_1455 = arith.xori %iota3A, %xor3A_1454 : vector<16xi32>
      %lt3A_1456 = arith.constant 0 : i32
      %lt3A_1457 = vector.broadcast %lt3A_1456 : i32 to vector<16xi32>
      %lt3A_1458 = arith.cmpi slt, %xor3A_1455, %lt3A_1457 : vector<16xi32>
      %add3A_1459 = arith.constant 16 : i32
      %add3A_1460 = vector.broadcast %add3A_1459 : i32 to vector<16xi32>
      %add3A_1461 = arith.addi %xor3A_1455, %add3A_1460 : vector<16xi32>
      %select_n3A_1462 = arith.select %lt3A_1458, %add3A_1461, %xor3A_1455 : vector<16xi1>, vector<16xi32>
      %broadcast_in_dim3A_1463 = vector.shape_cast %select_n3A_1462 : vector<16xi32> to vector<16x1xi32>
      %gather3A_1464 = vector.shape_cast %broadcast_in_dim3A_1463 : vector<16x1xi32> to vector<16xi32>
      %gather3A_1465 = tpu.dynamic_gather %add3A_1452[%gather3A_1464] in [0] : vector<16xf32>, vector<16xi32> -> vector<16xf32>
      %add3A_1466 = arith.addf %add3A_1452, %gather3A_1465 : vector<16xf32>
      %xor3A_1467 = arith.constant 2 : i32
      %xor3A_1468 = vector.broadcast %xor3A_1467 : i32 to vector<16xi32>
      %xor3A_1469 = arith.xori %iota3A, %xor3A_1468 : vector<16xi32>
      %lt3A_1470 = arith.constant 0 : i32
      %lt3A_1471 = vector.broadcast %lt3A_1470 : i32 to vector<16xi32>
      %lt3A_1472 = arith.cmpi slt, %xor3A_1469, %lt3A_1471 : vector<16xi32>
      %add3A_1473 = arith.constant 16 : i32
      %add3A_1474 = vector.broadcast %add3A_1473 : i32 to vector<16xi32>
      %add3A_1475 = arith.addi %xor3A_1469, %add3A_1474 : vector<16xi32>
      %select_n3A_1476 = arith.select %lt3A_1472, %add3A_1475, %xor3A_1469 : vector<16xi1>, vector<16xi32>
      %broadcast_in_dim3A_1477 = vector.shape_cast %select_n3A_1476 : vector<16xi32> to vector<16x1xi32>
      %gather3A_1478 = vector.shape_cast %broadcast_in_dim3A_1477 : vector<16x1xi32> to vector<16xi32>
      %gather3A_1479 = tpu.dynamic_gather %add3A_1466[%gather3A_1478] in [0] : vector<16xf32>, vector<16xi32> -> vector<16xf32>
      %add3A_1480 = arith.addf %add3A_1466, %gather3A_1479 : vector<16xf32>
      %xor3A_1481 = arith.constant 1 : i32
      %xor3A_1482 = vector.broadcast %xor3A_1481 : i32 to vector<16xi32>
      %xor3A_1483 = arith.xori %iota3A, %xor3A_1482 : vector<16xi32>
      %lt3A_1484 = arith.constant 0 : i32
      %lt3A_1485 = vector.broadcast %lt3A_1484 : i32 to vector<16xi32>
      %lt3A_1486 = arith.cmpi slt, %xor3A_1483, %lt3A_1485 : vector<16xi32>
      %add3A_1487 = arith.constant 16 : i32
      %add3A_1488 = vector.broadcast %add3A_1487 : i32 to vector<16xi32>
      %add3A_1489 = arith.addi %xor3A_1483, %add3A_1488 : vector<16xi32>
      %select_n3A_1490 = arith.select %lt3A_1486, %add3A_1489, %xor3A_1483 : vector<16xi1>, vector<16xi32>
      %broadcast_in_dim3A_1491 = vector.shape_cast %select_n3A_1490 : vector<16xi32> to vector<16x1xi32>
      %gather3A_1492 = vector.shape_cast %broadcast_in_dim3A_1491 : vector<16x1xi32> to vector<16xi32>
      %gather3A_1493 = tpu.dynamic_gather %add3A_1480[%gather3A_1492] in [0] : vector<16xf32>, vector<16xi32> -> vector<16xf32>
      %add3A_1494 = arith.addf %add3A_1480, %gather3A_1493 : vector<16xf32>
      %eq3A_1495 = arith.constant 2 : i32
      %eq3A_1496 = vector.broadcast %eq3A_1495 : i32 to vector<16xi32>
      %eq3A_1497 = arith.cmpi eq, %iota3A, %eq3A_1496 : vector<16xi32>
      %select_n3A_1498 = arith.select %eq3A_1497, %add3A_1494, %select_n3A_1342 : vector<16xi1>, vector<16xf32>
      %slice3A_1499 = vector.extract_strided_slice %get3A_1024 {offsets = [3], sizes = [1], strides = [1]} : vector<16xi32> to vector<1xi32>
      %squeeze3A_1500 = vector.extract %slice3A_1499[0] : i32 from vector<1xi32>
      %and3A_1501 = arith.constant 7 : i32
      %and3A_1502 = arith.andi %squeeze3A_1500, %and3A_1501 : i32
      %add3A_1503 = arith.constant 24 : i32
      %add3A_1504 = arith.addi %add3A_1503, %and3A_1502 : i32
      %slice3A_1505 = vector.extract_strided_slice %get3A_1029 {offsets = [3], sizes = [1], strides = [1]} : vector<16xi32> to vector<1xi32>
      %squeeze3A_1506 = vector.extract %slice3A_1505[0] : i32 from vector<1xi32>
      %and3A_1507 = arith.constant 7 : i32
      %and3A_1508 = arith.andi %squeeze3A_1506, %and3A_1507 : i32
      %add3A_1509 = arith.constant 24 : i32
      %add3A_1510 = arith.addi %add3A_1509, %and3A_1508 : i32
      %slice3A_1511 = vector.extract_strided_slice %get3A_1034 {offsets = [3], sizes = [1], strides = [1]} : vector<16xi32> to vector<1xi32>
      %squeeze3A_1512 = vector.extract %slice3A_1511[0] : i32 from vector<1xi32>
      %and3A_1513 = arith.constant 7 : i32
      %and3A_1514 = arith.andi %squeeze3A_1512, %and3A_1513 : i32
      %add3A_1515 = arith.constant 24 : i32
      %add3A_1516 = arith.addi %add3A_1515, %and3A_1514 : i32
      %broadcast_in_dim3A_1517 = arith.constant 0.000000e+00 : f32
      %broadcast_in_dim3A_1518 = vector.broadcast %broadcast_in_dim3A_1517 : f32 to vector<16xf32>
      %get3A_1519 = arith.index_cast %and3A_974 : i32 to index
      %get3A_1520 = arith.index_cast %add3A_1504 : i32 to index
      %get3A_1521 = arith.constant 0 : index
      %get3A_1522 = tpu.vector_load %arg11[%get3A_1519, %get3A_1520, %get3A_1521] {strides = array<i32>} : memref<2x128x64xf32, #tpu.memory_space<vmem>>, vector<1x1x16xf32>,
      %get3A_1523 = vector.shape_cast %get3A_1522 : vector<1x1x16xf32> to vector<16xf32>
      %get3A_1524 = arith.index_cast %and3A_974 : i32 to index
      %get3A_1525 = arith.index_cast %add3A_1516 : i32 to index
      %get3A_1526 = arith.constant 0 : index
      %get3A_1527 = tpu.vector_load %arg13[%get3A_1524, %get3A_1525, %get3A_1526] {strides = array<i32>} : memref<2x128x64xf32, #tpu.memory_space<vmem>>, vector<1x1x16xf32>,
      %get3A_1528 = vector.shape_cast %get3A_1527 : vector<1x1x16xf32> to vector<16xf32>
      %add3A_1529 = arith.addf %get3A_1523, %get3A_1528 : vector<16xf32>
      %get3A_1530 = arith.index_cast %and3A_974 : i32 to index
      %get3A_1531 = arith.index_cast %add3A_1510 : i32 to index
      %get3A_1532 = arith.constant 0 : index
      %get3A_1533 = tpu.vector_load %arg12[%get3A_1530, %get3A_1531, %get3A_1532] {strides = array<i32>} : memref<2x128x64xf32, #tpu.memory_space<vmem>>, vector<1x1x16xf32>,
      %get3A_1534 = vector.shape_cast %get3A_1533 : vector<1x1x16xf32> to vector<16xf32>
      %sub3A_1535 = arith.subf %add3A_1529, %get3A_1534 : vector<16xf32>
      %mul3A_1536 = arith.mulf %sub3A_1535, %sub3A_1535 : vector<16xf32>
      %add3A_1537 = arith.addf %broadcast_in_dim3A_1518, %mul3A_1536 : vector<16xf32>
      %get3A_1538 = arith.index_cast %and3A_974 : i32 to index
      %get3A_1539 = arith.index_cast %add3A_1504 : i32 to index
      %get3A_1540 = arith.constant 16 : index
      %get3A_1541 = tpu.vector_load %arg11[%get3A_1538, %get3A_1539, %get3A_1540] {strides = array<i32>} : memref<2x128x64xf32, #tpu.memory_space<vmem>>, vector<1x1x16xf32>,
      %get3A_1542 = vector.shape_cast %get3A_1541 : vector<1x1x16xf32> to vector<16xf32>
      %get3A_1543 = arith.index_cast %and3A_974 : i32 to index
      %get3A_1544 = arith.index_cast %add3A_1516 : i32 to index
      %get3A_1545 = arith.constant 16 : index
      %get3A_1546 = tpu.vector_load %arg13[%get3A_1543, %get3A_1544, %get3A_1545] {strides = array<i32>} : memref<2x128x64xf32, #tpu.memory_space<vmem>>, vector<1x1x16xf32>,
      %get3A_1547 = vector.shape_cast %get3A_1546 : vector<1x1x16xf32> to vector<16xf32>
      %add3A_1548 = arith.addf %get3A_1542, %get3A_1547 : vector<16xf32>
      %get3A_1549 = arith.index_cast %and3A_974 : i32 to index
      %get3A_1550 = arith.index_cast %add3A_1510 : i32 to index
      %get3A_1551 = arith.constant 16 : index
      %get3A_1552 = tpu.vector_load %arg12[%get3A_1549, %get3A_1550, %get3A_1551] {strides = array<i32>} : memref<2x128x64xf32, #tpu.memory_space<vmem>>, vector<1x1x16xf32>,
      %get3A_1553 = vector.shape_cast %get3A_1552 : vector<1x1x16xf32> to vector<16xf32>
      %sub3A_1554 = arith.subf %add3A_1548, %get3A_1553 : vector<16xf32>
      %mul3A_1555 = arith.mulf %sub3A_1554, %sub3A_1554 : vector<16xf32>
      %add3A_1556 = arith.addf %add3A_1537, %mul3A_1555 : vector<16xf32>
      %get3A_1557 = arith.index_cast %and3A_974 : i32 to index
      %get3A_1558 = arith.index_cast %add3A_1504 : i32 to index
      %get3A_1559 = arith.constant 32 : index
      %get3A_1560 = tpu.vector_load %arg11[%get3A_1557, %get3A_1558, %get3A_1559] {strides = array<i32>} : memref<2x128x64xf32, #tpu.memory_space<vmem>>, vector<1x1x16xf32>,
      %get3A_1561 = vector.shape_cast %get3A_1560 : vector<1x1x16xf32> to vector<16xf32>
      %get3A_1562 = arith.index_cast %and3A_974 : i32 to index
      %get3A_1563 = arith.index_cast %add3A_1516 : i32 to index
      %get3A_1564 = arith.constant 32 : index
      %get3A_1565 = tpu.vector_load %arg13[%get3A_1562, %get3A_1563, %get3A_1564] {strides = array<i32>} : memref<2x128x64xf32, #tpu.memory_space<vmem>>, vector<1x1x16xf32>,
      %get3A_1566 = vector.shape_cast %get3A_1565 : vector<1x1x16xf32> to vector<16xf32>
      %add3A_1567 = arith.addf %get3A_1561, %get3A_1566 : vector<16xf32>
      %get3A_1568 = arith.index_cast %and3A_974 : i32 to index
      %get3A_1569 = arith.index_cast %add3A_1510 : i32 to index
      %get3A_1570 = arith.constant 32 : index
      %get3A_1571 = tpu.vector_load %arg12[%get3A_1568, %get3A_1569, %get3A_1570] {strides = array<i32>} : memref<2x128x64xf32, #tpu.memory_space<vmem>>, vector<1x1x16xf32>,
      %get3A_1572 = vector.shape_cast %get3A_1571 : vector<1x1x16xf32> to vector<16xf32>
      %sub3A_1573 = arith.subf %add3A_1567, %get3A_1572 : vector<16xf32>
      %mul3A_1574 = arith.mulf %sub3A_1573, %sub3A_1573 : vector<16xf32>
      %add3A_1575 = arith.addf %add3A_1556, %mul3A_1574 : vector<16xf32>
      %get3A_1576 = arith.index_cast %and3A_974 : i32 to index
      %get3A_1577 = arith.index_cast %add3A_1504 : i32 to index
      %get3A_1578 = arith.constant 48 : index
      %get3A_1579 = tpu.vector_load %arg11[%get3A_1576, %get3A_1577, %get3A_1578] {strides = array<i32>} : memref<2x128x64xf32, #tpu.memory_space<vmem>>, vector<1x1x16xf32>,
      %get3A_1580 = vector.shape_cast %get3A_1579 : vector<1x1x16xf32> to vector<16xf32>
      %get3A_1581 = arith.index_cast %and3A_974 : i32 to index
      %get3A_1582 = arith.index_cast %add3A_1516 : i32 to index
      %get3A_1583 = arith.constant 48 : index
      %get3A_1584 = tpu.vector_load %arg13[%get3A_1581, %get3A_1582, %get3A_1583] {strides = array<i32>} : memref<2x128x64xf32, #tpu.memory_space<vmem>>, vector<1x1x16xf32>,
      %get3A_1585 = vector.shape_cast %get3A_1584 : vector<1x1x16xf32> to vector<16xf32>
      %add3A_1586 = arith.addf %get3A_1580, %get3A_1585 : vector<16xf32>
      %get3A_1587 = arith.index_cast %and3A_974 : i32 to index
      %get3A_1588 = arith.index_cast %add3A_1510 : i32 to index
      %get3A_1589 = arith.constant 48 : index
      %get3A_1590 = tpu.vector_load %arg12[%get3A_1587, %get3A_1588, %get3A_1589] {strides = array<i32>} : memref<2x128x64xf32, #tpu.memory_space<vmem>>, vector<1x1x16xf32>,
      %get3A_1591 = vector.shape_cast %get3A_1590 : vector<1x1x16xf32> to vector<16xf32>
      %sub3A_1592 = arith.subf %add3A_1586, %get3A_1591 : vector<16xf32>
      %mul3A_1593 = arith.mulf %sub3A_1592, %sub3A_1592 : vector<16xf32>
      %add3A_1594 = arith.addf %add3A_1575, %mul3A_1593 : vector<16xf32>
      %xor3A_1595 = arith.constant 8 : i32
      %xor3A_1596 = vector.broadcast %xor3A_1595 : i32 to vector<16xi32>
      %xor3A_1597 = arith.xori %iota3A, %xor3A_1596 : vector<16xi32>
      %lt3A_1598 = arith.constant 0 : i32
      %lt3A_1599 = vector.broadcast %lt3A_1598 : i32 to vector<16xi32>
      %lt3A_1600 = arith.cmpi slt, %xor3A_1597, %lt3A_1599 : vector<16xi32>
      %add3A_1601 = arith.constant 16 : i32
      %add3A_1602 = vector.broadcast %add3A_1601 : i32 to vector<16xi32>
      %add3A_1603 = arith.addi %xor3A_1597, %add3A_1602 : vector<16xi32>
      %select_n3A_1604 = arith.select %lt3A_1600, %add3A_1603, %xor3A_1597 : vector<16xi1>, vector<16xi32>
      %broadcast_in_dim3A_1605 = vector.shape_cast %select_n3A_1604 : vector<16xi32> to vector<16x1xi32>
      %gather3A_1606 = vector.shape_cast %broadcast_in_dim3A_1605 : vector<16x1xi32> to vector<16xi32>
      %gather3A_1607 = tpu.dynamic_gather %add3A_1594[%gather3A_1606] in [0] : vector<16xf32>, vector<16xi32> -> vector<16xf32>
      %add3A_1608 = arith.addf %add3A_1594, %gather3A_1607 : vector<16xf32>
      %xor3A_1609 = arith.constant 4 : i32
      %xor3A_1610 = vector.broadcast %xor3A_1609 : i32 to vector<16xi32>
      %xor3A_1611 = arith.xori %iota3A, %xor3A_1610 : vector<16xi32>
      %lt3A_1612 = arith.constant 0 : i32
      %lt3A_1613 = vector.broadcast %lt3A_1612 : i32 to vector<16xi32>
      %lt3A_1614 = arith.cmpi slt, %xor3A_1611, %lt3A_1613 : vector<16xi32>
      %add3A_1615 = arith.constant 16 : i32
      %add3A_1616 = vector.broadcast %add3A_1615 : i32 to vector<16xi32>
      %add3A_1617 = arith.addi %xor3A_1611, %add3A_1616 : vector<16xi32>
      %select_n3A_1618 = arith.select %lt3A_1614, %add3A_1617, %xor3A_1611 : vector<16xi1>, vector<16xi32>
      %broadcast_in_dim3A_1619 = vector.shape_cast %select_n3A_1618 : vector<16xi32> to vector<16x1xi32>
      %gather3A_1620 = vector.shape_cast %broadcast_in_dim3A_1619 : vector<16x1xi32> to vector<16xi32>
      %gather3A_1621 = tpu.dynamic_gather %add3A_1608[%gather3A_1620] in [0] : vector<16xf32>, vector<16xi32> -> vector<16xf32>
      %add3A_1622 = arith.addf %add3A_1608, %gather3A_1621 : vector<16xf32>
      %xor3A_1623 = arith.constant 2 : i32
      %xor3A_1624 = vector.broadcast %xor3A_1623 : i32 to vector<16xi32>
      %xor3A_1625 = arith.xori %iota3A, %xor3A_1624 : vector<16xi32>
      %lt3A_1626 = arith.constant 0 : i32
      %lt3A_1627 = vector.broadcast %lt3A_1626 : i32 to vector<16xi32>
      %lt3A_1628 = arith.cmpi slt, %xor3A_1625, %lt3A_1627 : vector<16xi32>
      %add3A_1629 = arith.constant 16 : i32
      %add3A_1630 = vector.broadcast %add3A_1629 : i32 to vector<16xi32>
      %add3A_1631 = arith.addi %xor3A_1625, %add3A_1630 : vector<16xi32>
      %select_n3A_1632 = arith.select %lt3A_1628, %add3A_1631, %xor3A_1625 : vector<16xi1>, vector<16xi32>
      %broadcast_in_dim3A_1633 = vector.shape_cast %select_n3A_1632 : vector<16xi32> to vector<16x1xi32>
      %gather3A_1634 = vector.shape_cast %broadcast_in_dim3A_1633 : vector<16x1xi32> to vector<16xi32>
      %gather3A_1635 = tpu.dynamic_gather %add3A_1622[%gather3A_1634] in [0] : vector<16xf32>, vector<16xi32> -> vector<16xf32>
      %add3A_1636 = arith.addf %add3A_1622, %gather3A_1635 : vector<16xf32>
      %xor3A_1637 = arith.constant 1 : i32
      %xor3A_1638 = vector.broadcast %xor3A_1637 : i32 to vector<16xi32>
      %xor3A_1639 = arith.xori %iota3A, %xor3A_1638 : vector<16xi32>
      %lt3A_1640 = arith.constant 0 : i32
      %lt3A_1641 = vector.broadcast %lt3A_1640 : i32 to vector<16xi32>
      %lt3A_1642 = arith.cmpi slt, %xor3A_1639, %lt3A_1641 : vector<16xi32>
      %add3A_1643 = arith.constant 16 : i32
      %add3A_1644 = vector.broadcast %add3A_1643 : i32 to vector<16xi32>
      %add3A_1645 = arith.addi %xor3A_1639, %add3A_1644 : vector<16xi32>
      %select_n3A_1646 = arith.select %lt3A_1642, %add3A_1645, %xor3A_1639 : vector<16xi1>, vector<16xi32>
      %broadcast_in_dim3A_1647 = vector.shape_cast %select_n3A_1646 : vector<16xi32> to vector<16x1xi32>
      %gather3A_1648 = vector.shape_cast %broadcast_in_dim3A_1647 : vector<16x1xi32> to vector<16xi32>
      %gather3A_1649 = tpu.dynamic_gather %add3A_1636[%gather3A_1648] in [0] : vector<16xf32>, vector<16xi32> -> vector<16xf32>
      %add3A_1650 = arith.addf %add3A_1636, %gather3A_1649 : vector<16xf32>
      %eq3A_1651 = arith.constant 3 : i32
      %eq3A_1652 = vector.broadcast %eq3A_1651 : i32 to vector<16xi32>
      %eq3A_1653 = arith.cmpi eq, %iota3A, %eq3A_1652 : vector<16xi32>
      %select_n3A_1654 = arith.select %eq3A_1653, %add3A_1650, %select_n3A_1498 : vector<16xi1>, vector<16xf32>
      %slice3A_1655 = vector.extract_strided_slice %get3A_1024 {offsets = [4], sizes = [1], strides = [1]} : vector<16xi32> to vector<1xi32>
      %squeeze3A_1656 = vector.extract %slice3A_1655[0] : i32 from vector<1xi32>
      %and3A_1657 = arith.constant 7 : i32
      %and3A_1658 = arith.andi %squeeze3A_1656, %and3A_1657 : i32
      %add3A_1659 = arith.constant 32 : i32
      %add3A_1660 = arith.addi %add3A_1659, %and3A_1658 : i32
      %slice3A_1661 = vector.extract_strided_slice %get3A_1029 {offsets = [4], sizes = [1], strides = [1]} : vector<16xi32> to vector<1xi32>
      %squeeze3A_1662 = vector.extract %slice3A_1661[0] : i32 from vector<1xi32>
      %and3A_1663 = arith.constant 7 : i32
      %and3A_1664 = arith.andi %squeeze3A_1662, %and3A_1663 : i32
      %add3A_1665 = arith.constant 32 : i32
      %add3A_1666 = arith.addi %add3A_1665, %and3A_1664 : i32
      %slice3A_1667 = vector.extract_strided_slice %get3A_1034 {offsets = [4], sizes = [1], strides = [1]} : vector<16xi32> to vector<1xi32>
      %squeeze3A_1668 = vector.extract %slice3A_1667[0] : i32 from vector<1xi32>
      %and3A_1669 = arith.constant 7 : i32
      %and3A_1670 = arith.andi %squeeze3A_1668, %and3A_1669 : i32
      %add3A_1671 = arith.constant 32 : i32
      %add3A_1672 = arith.addi %add3A_1671, %and3A_1670 : i32
      %broadcast_in_dim3A_1673 = arith.constant 0.000000e+00 : f32
      %broadcast_in_dim3A_1674 = vector.broadcast %broadcast_in_dim3A_1673 : f32 to vector<16xf32>
      %get3A_1675 = arith.index_cast %and3A_974 : i32 to index
      %get3A_1676 = arith.index_cast %add3A_1660 : i32 to index
      %get3A_1677 = arith.constant 0 : index
      %get3A_1678 = tpu.vector_load %arg11[%get3A_1675, %get3A_1676, %get3A_1677] {strides = array<i32>} : memref<2x128x64xf32, #tpu.memory_space<vmem>>, vector<1x1x16xf32>,
      %get3A_1679 = vector.shape_cast %get3A_1678 : vector<1x1x16xf32> to vector<16xf32>
      %get3A_1680 = arith.index_cast %and3A_974 : i32 to index
      %get3A_1681 = arith.index_cast %add3A_1672 : i32 to index
      %get3A_1682 = arith.constant 0 : index
      %get3A_1683 = tpu.vector_load %arg13[%get3A_1680, %get3A_1681, %get3A_1682] {strides = array<i32>} : memref<2x128x64xf32, #tpu.memory_space<vmem>>, vector<1x1x16xf32>,
      %get3A_1684 = vector.shape_cast %get3A_1683 : vector<1x1x16xf32> to vector<16xf32>
      %add3A_1685 = arith.addf %get3A_1679, %get3A_1684 : vector<16xf32>
      %get3A_1686 = arith.index_cast %and3A_974 : i32 to index
      %get3A_1687 = arith.index_cast %add3A_1666 : i32 to index
      %get3A_1688 = arith.constant 0 : index
      %get3A_1689 = tpu.vector_load %arg12[%get3A_1686, %get3A_1687, %get3A_1688] {strides = array<i32>} : memref<2x128x64xf32, #tpu.memory_space<vmem>>, vector<1x1x16xf32>,
      %get3A_1690 = vector.shape_cast %get3A_1689 : vector<1x1x16xf32> to vector<16xf32>
      %sub3A_1691 = arith.subf %add3A_1685, %get3A_1690 : vector<16xf32>
      %mul3A_1692 = arith.mulf %sub3A_1691, %sub3A_1691 : vector<16xf32>
      %add3A_1693 = arith.addf %broadcast_in_dim3A_1674, %mul3A_1692 : vector<16xf32>
      %get3A_1694 = arith.index_cast %and3A_974 : i32 to index
      %get3A_1695 = arith.index_cast %add3A_1660 : i32 to index
      %get3A_1696 = arith.constant 16 : index
      %get3A_1697 = tpu.vector_load %arg11[%get3A_1694, %get3A_1695, %get3A_1696] {strides = array<i32>} : memref<2x128x64xf32, #tpu.memory_space<vmem>>, vector<1x1x16xf32>,
      %get3A_1698 = vector.shape_cast %get3A_1697 : vector<1x1x16xf32> to vector<16xf32>
      %get3A_1699 = arith.index_cast %and3A_974 : i32 to index
      %get3A_1700 = arith.index_cast %add3A_1672 : i32 to index
      %get3A_1701 = arith.constant 16 : index
      %get3A_1702 = tpu.vector_load %arg13[%get3A_1699, %get3A_1700, %get3A_1701] {strides = array<i32>} : memref<2x128x64xf32, #tpu.memory_space<vmem>>, vector<1x1x16xf32>,
      %get3A_1703 = vector.shape_cast %get3A_1702 : vector<1x1x16xf32> to vector<16xf32>
      %add3A_1704 = arith.addf %get3A_1698, %get3A_1703 : vector<16xf32>
      %get3A_1705 = arith.index_cast %and3A_974 : i32 to index
      %get3A_1706 = arith.index_cast %add3A_1666 : i32 to index
      %get3A_1707 = arith.constant 16 : index
      %get3A_1708 = tpu.vector_load %arg12[%get3A_1705, %get3A_1706, %get3A_1707] {strides = array<i32>} : memref<2x128x64xf32, #tpu.memory_space<vmem>>, vector<1x1x16xf32>,
      %get3A_1709 = vector.shape_cast %get3A_1708 : vector<1x1x16xf32> to vector<16xf32>
      %sub3A_1710 = arith.subf %add3A_1704, %get3A_1709 : vector<16xf32>
      %mul3A_1711 = arith.mulf %sub3A_1710, %sub3A_1710 : vector<16xf32>
      %add3A_1712 = arith.addf %add3A_1693, %mul3A_1711 : vector<16xf32>
      %get3A_1713 = arith.index_cast %and3A_974 : i32 to index
      %get3A_1714 = arith.index_cast %add3A_1660 : i32 to index
      %get3A_1715 = arith.constant 32 : index
      %get3A_1716 = tpu.vector_load %arg11[%get3A_1713, %get3A_1714, %get3A_1715] {strides = array<i32>} : memref<2x128x64xf32, #tpu.memory_space<vmem>>, vector<1x1x16xf32>,
      %get3A_1717 = vector.shape_cast %get3A_1716 : vector<1x1x16xf32> to vector<16xf32>
      %get3A_1718 = arith.index_cast %and3A_974 : i32 to index
      %get3A_1719 = arith.index_cast %add3A_1672 : i32 to index
      %get3A_1720 = arith.constant 32 : index
      %get3A_1721 = tpu.vector_load %arg13[%get3A_1718, %get3A_1719, %get3A_1720] {strides = array<i32>} : memref<2x128x64xf32, #tpu.memory_space<vmem>>, vector<1x1x16xf32>,
      %get3A_1722 = vector.shape_cast %get3A_1721 : vector<1x1x16xf32> to vector<16xf32>
      %add3A_1723 = arith.addf %get3A_1717, %get3A_1722 : vector<16xf32>
      %get3A_1724 = arith.index_cast %and3A_974 : i32 to index
      %get3A_1725 = arith.index_cast %add3A_1666 : i32 to index
      %get3A_1726 = arith.constant 32 : index
      %get3A_1727 = tpu.vector_load %arg12[%get3A_1724, %get3A_1725, %get3A_1726] {strides = array<i32>} : memref<2x128x64xf32, #tpu.memory_space<vmem>>, vector<1x1x16xf32>,
      %get3A_1728 = vector.shape_cast %get3A_1727 : vector<1x1x16xf32> to vector<16xf32>
      %sub3A_1729 = arith.subf %add3A_1723, %get3A_1728 : vector<16xf32>
      %mul3A_1730 = arith.mulf %sub3A_1729, %sub3A_1729 : vector<16xf32>
      %add3A_1731 = arith.addf %add3A_1712, %mul3A_1730 : vector<16xf32>
      %get3A_1732 = arith.index_cast %and3A_974 : i32 to index
      %get3A_1733 = arith.index_cast %add3A_1660 : i32 to index
      %get3A_1734 = arith.constant 48 : index
      %get3A_1735 = tpu.vector_load %arg11[%get3A_1732, %get3A_1733, %get3A_1734] {strides = array<i32>} : memref<2x128x64xf32, #tpu.memory_space<vmem>>, vector<1x1x16xf32>,
      %get3A_1736 = vector.shape_cast %get3A_1735 : vector<1x1x16xf32> to vector<16xf32>
      %get3A_1737 = arith.index_cast %and3A_974 : i32 to index
      %get3A_1738 = arith.index_cast %add3A_1672 : i32 to index
      %get3A_1739 = arith.constant 48 : index
      %get3A_1740 = tpu.vector_load %arg13[%get3A_1737, %get3A_1738, %get3A_1739] {strides = array<i32>} : memref<2x128x64xf32, #tpu.memory_space<vmem>>, vector<1x1x16xf32>,
      %get3A_1741 = vector.shape_cast %get3A_1740 : vector<1x1x16xf32> to vector<16xf32>
      %add3A_1742 = arith.addf %get3A_1736, %get3A_1741 : vector<16xf32>
      %get3A_1743 = arith.index_cast %and3A_974 : i32 to index
      %get3A_1744 = arith.index_cast %add3A_1666 : i32 to index
      %get3A_1745 = arith.constant 48 : index
      %get3A_1746 = tpu.vector_load %arg12[%get3A_1743, %get3A_1744, %get3A_1745] {strides = array<i32>} : memref<2x128x64xf32, #tpu.memory_space<vmem>>, vector<1x1x16xf32>,
      %get3A_1747 = vector.shape_cast %get3A_1746 : vector<1x1x16xf32> to vector<16xf32>
      %sub3A_1748 = arith.subf %add3A_1742, %get3A_1747 : vector<16xf32>
      %mul3A_1749 = arith.mulf %sub3A_1748, %sub3A_1748 : vector<16xf32>
      %add3A_1750 = arith.addf %add3A_1731, %mul3A_1749 : vector<16xf32>
      %xor3A_1751 = arith.constant 8 : i32
      %xor3A_1752 = vector.broadcast %xor3A_1751 : i32 to vector<16xi32>
      %xor3A_1753 = arith.xori %iota3A, %xor3A_1752 : vector<16xi32>
      %lt3A_1754 = arith.constant 0 : i32
      %lt3A_1755 = vector.broadcast %lt3A_1754 : i32 to vector<16xi32>
      %lt3A_1756 = arith.cmpi slt, %xor3A_1753, %lt3A_1755 : vector<16xi32>
      %add3A_1757 = arith.constant 16 : i32
      %add3A_1758 = vector.broadcast %add3A_1757 : i32 to vector<16xi32>
      %add3A_1759 = arith.addi %xor3A_1753, %add3A_1758 : vector<16xi32>
      %select_n3A_1760 = arith.select %lt3A_1756, %add3A_1759, %xor3A_1753 : vector<16xi1>, vector<16xi32>
      %broadcast_in_dim3A_1761 = vector.shape_cast %select_n3A_1760 : vector<16xi32> to vector<16x1xi32>
      %gather3A_1762 = vector.shape_cast %broadcast_in_dim3A_1761 : vector<16x1xi32> to vector<16xi32>
      %gather3A_1763 = tpu.dynamic_gather %add3A_1750[%gather3A_1762] in [0] : vector<16xf32>, vector<16xi32> -> vector<16xf32>
      %add3A_1764 = arith.addf %add3A_1750, %gather3A_1763 : vector<16xf32>
      %xor3A_1765 = arith.constant 4 : i32
      %xor3A_1766 = vector.broadcast %xor3A_1765 : i32 to vector<16xi32>
      %xor3A_1767 = arith.xori %iota3A, %xor3A_1766 : vector<16xi32>
      %lt3A_1768 = arith.constant 0 : i32
      %lt3A_1769 = vector.broadcast %lt3A_1768 : i32 to vector<16xi32>
      %lt3A_1770 = arith.cmpi slt, %xor3A_1767, %lt3A_1769 : vector<16xi32>
      %add3A_1771 = arith.constant 16 : i32
      %add3A_1772 = vector.broadcast %add3A_1771 : i32 to vector<16xi32>
      %add3A_1773 = arith.addi %xor3A_1767, %add3A_1772 : vector<16xi32>
      %select_n3A_1774 = arith.select %lt3A_1770, %add3A_1773, %xor3A_1767 : vector<16xi1>, vector<16xi32>
      %broadcast_in_dim3A_1775 = vector.shape_cast %select_n3A_1774 : vector<16xi32> to vector<16x1xi32>
      %gather3A_1776 = vector.shape_cast %broadcast_in_dim3A_1775 : vector<16x1xi32> to vector<16xi32>
      %gather3A_1777 = tpu.dynamic_gather %add3A_1764[%gather3A_1776] in [0] : vector<16xf32>, vector<16xi32> -> vector<16xf32>
      %add3A_1778 = arith.addf %add3A_1764, %gather3A_1777 : vector<16xf32>
      %xor3A_1779 = arith.constant 2 : i32
      %xor3A_1780 = vector.broadcast %xor3A_1779 : i32 to vector<16xi32>
      %xor3A_1781 = arith.xori %iota3A, %xor3A_1780 : vector<16xi32>
      %lt3A_1782 = arith.constant 0 : i32
      %lt3A_1783 = vector.broadcast %lt3A_1782 : i32 to vector<16xi32>
      %lt3A_1784 = arith.cmpi slt, %xor3A_1781, %lt3A_1783 : vector<16xi32>
      %add3A_1785 = arith.constant 16 : i32
      %add3A_1786 = vector.broadcast %add3A_1785 : i32 to vector<16xi32>
      %add3A_1787 = arith.addi %xor3A_1781, %add3A_1786 : vector<16xi32>
      %select_n3A_1788 = arith.select %lt3A_1784, %add3A_1787, %xor3A_1781 : vector<16xi1>, vector<16xi32>
      %broadcast_in_dim3A_1789 = vector.shape_cast %select_n3A_1788 : vector<16xi32> to vector<16x1xi32>
      %gather3A_1790 = vector.shape_cast %broadcast_in_dim3A_1789 : vector<16x1xi32> to vector<16xi32>
      %gather3A_1791 = tpu.dynamic_gather %add3A_1778[%gather3A_1790] in [0] : vector<16xf32>, vector<16xi32> -> vector<16xf32>
      %add3A_1792 = arith.addf %add3A_1778, %gather3A_1791 : vector<16xf32>
      %xor3A_1793 = arith.constant 1 : i32
      %xor3A_1794 = vector.broadcast %xor3A_1793 : i32 to vector<16xi32>
      %xor3A_1795 = arith.xori %iota3A, %xor3A_1794 : vector<16xi32>
      %lt3A_1796 = arith.constant 0 : i32
      %lt3A_1797 = vector.broadcast %lt3A_1796 : i32 to vector<16xi32>
      %lt3A_1798 = arith.cmpi slt, %xor3A_1795, %lt3A_1797 : vector<16xi32>
      %add3A_1799 = arith.constant 16 : i32
      %add3A_1800 = vector.broadcast %add3A_1799 : i32 to vector<16xi32>
      %add3A_1801 = arith.addi %xor3A_1795, %add3A_1800 : vector<16xi32>
      %select_n3A_1802 = arith.select %lt3A_1798, %add3A_1801, %xor3A_1795 : vector<16xi1>, vector<16xi32>
      %broadcast_in_dim3A_1803 = vector.shape_cast %select_n3A_1802 : vector<16xi32> to vector<16x1xi32>
      %gather3A_1804 = vector.shape_cast %broadcast_in_dim3A_1803 : vector<16x1xi32> to vector<16xi32>
      %gather3A_1805 = tpu.dynamic_gather %add3A_1792[%gather3A_1804] in [0] : vector<16xf32>, vector<16xi32> -> vector<16xf32>
      %add3A_1806 = arith.addf %add3A_1792, %gather3A_1805 : vector<16xf32>
      %eq3A_1807 = arith.constant 4 : i32
      %eq3A_1808 = vector.broadcast %eq3A_1807 : i32 to vector<16xi32>
      %eq3A_1809 = arith.cmpi eq, %iota3A, %eq3A_1808 : vector<16xi32>
      %select_n3A_1810 = arith.select %eq3A_1809, %add3A_1806, %select_n3A_1654 : vector<16xi1>, vector<16xf32>
      %slice3A_1811 = vector.extract_strided_slice %get3A_1024 {offsets = [5], sizes = [1], strides = [1]} : vector<16xi32> to vector<1xi32>
      %squeeze3A_1812 = vector.extract %slice3A_1811[0] : i32 from vector<1xi32>
      %and3A_1813 = arith.constant 7 : i32
      %and3A_1814 = arith.andi %squeeze3A_1812, %and3A_1813 : i32
      %add3A_1815 = arith.constant 40 : i32
      %add3A_1816 = arith.addi %add3A_1815, %and3A_1814 : i32
      %slice3A_1817 = vector.extract_strided_slice %get3A_1029 {offsets = [5], sizes = [1], strides = [1]} : vector<16xi32> to vector<1xi32>
      %squeeze3A_1818 = vector.extract %slice3A_1817[0] : i32 from vector<1xi32>
      %and3A_1819 = arith.constant 7 : i32
      %and3A_1820 = arith.andi %squeeze3A_1818, %and3A_1819 : i32
      %add3A_1821 = arith.constant 40 : i32
      %add3A_1822 = arith.addi %add3A_1821, %and3A_1820 : i32
      %slice3A_1823 = vector.extract_strided_slice %get3A_1034 {offsets = [5], sizes = [1], strides = [1]} : vector<16xi32> to vector<1xi32>
      %squeeze3A_1824 = vector.extract %slice3A_1823[0] : i32 from vector<1xi32>
      %and3A_1825 = arith.constant 7 : i32
      %and3A_1826 = arith.andi %squeeze3A_1824, %and3A_1825 : i32
      %add3A_1827 = arith.constant 40 : i32
      %add3A_1828 = arith.addi %add3A_1827, %and3A_1826 : i32
      %broadcast_in_dim3A_1829 = arith.constant 0.000000e+00 : f32
      %broadcast_in_dim3A_1830 = vector.broadcast %broadcast_in_dim3A_1829 : f32 to vector<16xf32>
      %get3A_1831 = arith.index_cast %and3A_974 : i32 to index
      %get3A_1832 = arith.index_cast %add3A_1816 : i32 to index
      %get3A_1833 = arith.constant 0 : index
      %get3A_1834 = tpu.vector_load %arg11[%get3A_1831, %get3A_1832, %get3A_1833] {strides = array<i32>} : memref<2x128x64xf32, #tpu.memory_space<vmem>>, vector<1x1x16xf32>,
      %get3A_1835 = vector.shape_cast %get3A_1834 : vector<1x1x16xf32> to vector<16xf32>
      %get3A_1836 = arith.index_cast %and3A_974 : i32 to index
      %get3A_1837 = arith.index_cast %add3A_1828 : i32 to index
      %get3A_1838 = arith.constant 0 : index
      %get3A_1839 = tpu.vector_load %arg13[%get3A_1836, %get3A_1837, %get3A_1838] {strides = array<i32>} : memref<2x128x64xf32, #tpu.memory_space<vmem>>, vector<1x1x16xf32>,
      %get3A_1840 = vector.shape_cast %get3A_1839 : vector<1x1x16xf32> to vector<16xf32>
      %add3A_1841 = arith.addf %get3A_1835, %get3A_1840 : vector<16xf32>
      %get3A_1842 = arith.index_cast %and3A_974 : i32 to index
      %get3A_1843 = arith.index_cast %add3A_1822 : i32 to index
      %get3A_1844 = arith.constant 0 : index
      %get3A_1845 = tpu.vector_load %arg12[%get3A_1842, %get3A_1843, %get3A_1844] {strides = array<i32>} : memref<2x128x64xf32, #tpu.memory_space<vmem>>, vector<1x1x16xf32>,
      %get3A_1846 = vector.shape_cast %get3A_1845 : vector<1x1x16xf32> to vector<16xf32>
      %sub3A_1847 = arith.subf %add3A_1841, %get3A_1846 : vector<16xf32>
      %mul3A_1848 = arith.mulf %sub3A_1847, %sub3A_1847 : vector<16xf32>
      %add3A_1849 = arith.addf %broadcast_in_dim3A_1830, %mul3A_1848 : vector<16xf32>
      %get3A_1850 = arith.index_cast %and3A_974 : i32 to index
      %get3A_1851 = arith.index_cast %add3A_1816 : i32 to index
      %get3A_1852 = arith.constant 16 : index
      %get3A_1853 = tpu.vector_load %arg11[%get3A_1850, %get3A_1851, %get3A_1852] {strides = array<i32>} : memref<2x128x64xf32, #tpu.memory_space<vmem>>, vector<1x1x16xf32>,
      %get3A_1854 = vector.shape_cast %get3A_1853 : vector<1x1x16xf32> to vector<16xf32>
      %get3A_1855 = arith.index_cast %and3A_974 : i32 to index
      %get3A_1856 = arith.index_cast %add3A_1828 : i32 to index
      %get3A_1857 = arith.constant 16 : index
      %get3A_1858 = tpu.vector_load %arg13[%get3A_1855, %get3A_1856, %get3A_1857] {strides = array<i32>} : memref<2x128x64xf32, #tpu.memory_space<vmem>>, vector<1x1x16xf32>,
      %get3A_1859 = vector.shape_cast %get3A_1858 : vector<1x1x16xf32> to vector<16xf32>
      %add3A_1860 = arith.addf %get3A_1854, %get3A_1859 : vector<16xf32>
      %get3A_1861 = arith.index_cast %and3A_974 : i32 to index
      %get3A_1862 = arith.index_cast %add3A_1822 : i32 to index
      %get3A_1863 = arith.constant 16 : index
      %get3A_1864 = tpu.vector_load %arg12[%get3A_1861, %get3A_1862, %get3A_1863] {strides = array<i32>} : memref<2x128x64xf32, #tpu.memory_space<vmem>>, vector<1x1x16xf32>,
      %get3A_1865 = vector.shape_cast %get3A_1864 : vector<1x1x16xf32> to vector<16xf32>
      %sub3A_1866 = arith.subf %add3A_1860, %get3A_1865 : vector<16xf32>
      %mul3A_1867 = arith.mulf %sub3A_1866, %sub3A_1866 : vector<16xf32>
      %add3A_1868 = arith.addf %add3A_1849, %mul3A_1867 : vector<16xf32>
      %get3A_1869 = arith.index_cast %and3A_974 : i32 to index
      %get3A_1870 = arith.index_cast %add3A_1816 : i32 to index
      %get3A_1871 = arith.constant 32 : index
      %get3A_1872 = tpu.vector_load %arg11[%get3A_1869, %get3A_1870, %get3A_1871] {strides = array<i32>} : memref<2x128x64xf32, #tpu.memory_space<vmem>>, vector<1x1x16xf32>,
      %get3A_1873 = vector.shape_cast %get3A_1872 : vector<1x1x16xf32> to vector<16xf32>
      %get3A_1874 = arith.index_cast %and3A_974 : i32 to index
      %get3A_1875 = arith.index_cast %add3A_1828 : i32 to index
      %get3A_1876 = arith.constant 32 : index
      %get3A_1877 = tpu.vector_load %arg13[%get3A_1874, %get3A_1875, %get3A_1876] {strides = array<i32>} : memref<2x128x64xf32, #tpu.memory_space<vmem>>, vector<1x1x16xf32>,
      %get3A_1878 = vector.shape_cast %get3A_1877 : vector<1x1x16xf32> to vector<16xf32>
      %add3A_1879 = arith.addf %get3A_1873, %get3A_1878 : vector<16xf32>
      %get3A_1880 = arith.index_cast %and3A_974 : i32 to index
      %get3A_1881 = arith.index_cast %add3A_1822 : i32 to index
      %get3A_1882 = arith.constant 32 : index
      %get3A_1883 = tpu.vector_load %arg12[%get3A_1880, %get3A_1881, %get3A_1882] {strides = array<i32>} : memref<2x128x64xf32, #tpu.memory_space<vmem>>, vector<1x1x16xf32>,
      %get3A_1884 = vector.shape_cast %get3A_1883 : vector<1x1x16xf32> to vector<16xf32>
      %sub3A_1885 = arith.subf %add3A_1879, %get3A_1884 : vector<16xf32>
      %mul3A_1886 = arith.mulf %sub3A_1885, %sub3A_1885 : vector<16xf32>
      %add3A_1887 = arith.addf %add3A_1868, %mul3A_1886 : vector<16xf32>
      %get3A_1888 = arith.index_cast %and3A_974 : i32 to index
      %get3A_1889 = arith.index_cast %add3A_1816 : i32 to index
      %get3A_1890 = arith.constant 48 : index
      %get3A_1891 = tpu.vector_load %arg11[%get3A_1888, %get3A_1889, %get3A_1890] {strides = array<i32>} : memref<2x128x64xf32, #tpu.memory_space<vmem>>, vector<1x1x16xf32>,
      %get3A_1892 = vector.shape_cast %get3A_1891 : vector<1x1x16xf32> to vector<16xf32>
      %get3A_1893 = arith.index_cast %and3A_974 : i32 to index
      %get3A_1894 = arith.index_cast %add3A_1828 : i32 to index
      %get3A_1895 = arith.constant 48 : index
      %get3A_1896 = tpu.vector_load %arg13[%get3A_1893, %get3A_1894, %get3A_1895] {strides = array<i32>} : memref<2x128x64xf32, #tpu.memory_space<vmem>>, vector<1x1x16xf32>,
      %get3A_1897 = vector.shape_cast %get3A_1896 : vector<1x1x16xf32> to vector<16xf32>
      %add3A_1898 = arith.addf %get3A_1892, %get3A_1897 : vector<16xf32>
      %get3A_1899 = arith.index_cast %and3A_974 : i32 to index
      %get3A_1900 = arith.index_cast %add3A_1822 : i32 to index
      %get3A_1901 = arith.constant 48 : index
      %get3A_1902 = tpu.vector_load %arg12[%get3A_1899, %get3A_1900, %get3A_1901] {strides = array<i32>} : memref<2x128x64xf32, #tpu.memory_space<vmem>>, vector<1x1x16xf32>,
      %get3A_1903 = vector.shape_cast %get3A_1902 : vector<1x1x16xf32> to vector<16xf32>
      %sub3A_1904 = arith.subf %add3A_1898, %get3A_1903 : vector<16xf32>
      %mul3A_1905 = arith.mulf %sub3A_1904, %sub3A_1904 : vector<16xf32>
      %add3A_1906 = arith.addf %add3A_1887, %mul3A_1905 : vector<16xf32>
      %xor3A_1907 = arith.constant 8 : i32
      %xor3A_1908 = vector.broadcast %xor3A_1907 : i32 to vector<16xi32>
      %xor3A_1909 = arith.xori %iota3A, %xor3A_1908 : vector<16xi32>
      %lt3A_1910 = arith.constant 0 : i32
      %lt3A_1911 = vector.broadcast %lt3A_1910 : i32 to vector<16xi32>
      %lt3A_1912 = arith.cmpi slt, %xor3A_1909, %lt3A_1911 : vector<16xi32>
      %add3A_1913 = arith.constant 16 : i32
      %add3A_1914 = vector.broadcast %add3A_1913 : i32 to vector<16xi32>
      %add3A_1915 = arith.addi %xor3A_1909, %add3A_1914 : vector<16xi32>
      %select_n3A_1916 = arith.select %lt3A_1912, %add3A_1915, %xor3A_1909 : vector<16xi1>, vector<16xi32>
      %broadcast_in_dim3A_1917 = vector.shape_cast %select_n3A_1916 : vector<16xi32> to vector<16x1xi32>
      %gather3A_1918 = vector.shape_cast %broadcast_in_dim3A_1917 : vector<16x1xi32> to vector<16xi32>
      %gather3A_1919 = tpu.dynamic_gather %add3A_1906[%gather3A_1918] in [0] : vector<16xf32>, vector<16xi32> -> vector<16xf32>
      %add3A_1920 = arith.addf %add3A_1906, %gather3A_1919 : vector<16xf32>
      %xor3A_1921 = arith.constant 4 : i32
      %xor3A_1922 = vector.broadcast %xor3A_1921 : i32 to vector<16xi32>
      %xor3A_1923 = arith.xori %iota3A, %xor3A_1922 : vector<16xi32>
      %lt3A_1924 = arith.constant 0 : i32
      %lt3A_1925 = vector.broadcast %lt3A_1924 : i32 to vector<16xi32>
      %lt3A_1926 = arith.cmpi slt, %xor3A_1923, %lt3A_1925 : vector<16xi32>
      %add3A_1927 = arith.constant 16 : i32
      %add3A_1928 = vector.broadcast %add3A_1927 : i32 to vector<16xi32>
      %add3A_1929 = arith.addi %xor3A_1923, %add3A_1928 : vector<16xi32>
      %select_n3A_1930 = arith.select %lt3A_1926, %add3A_1929, %xor3A_1923 : vector<16xi1>, vector<16xi32>
      %broadcast_in_dim3A_1931 = vector.shape_cast %select_n3A_1930 : vector<16xi32> to vector<16x1xi32>
      %gather3A_1932 = vector.shape_cast %broadcast_in_dim3A_1931 : vector<16x1xi32> to vector<16xi32>
      %gather3A_1933 = tpu.dynamic_gather %add3A_1920[%gather3A_1932] in [0] : vector<16xf32>, vector<16xi32> -> vector<16xf32>
      %add3A_1934 = arith.addf %add3A_1920, %gather3A_1933 : vector<16xf32>
      %xor3A_1935 = arith.constant 2 : i32
      %xor3A_1936 = vector.broadcast %xor3A_1935 : i32 to vector<16xi32>
      %xor3A_1937 = arith.xori %iota3A, %xor3A_1936 : vector<16xi32>
      %lt3A_1938 = arith.constant 0 : i32
      %lt3A_1939 = vector.broadcast %lt3A_1938 : i32 to vector<16xi32>
      %lt3A_1940 = arith.cmpi slt, %xor3A_1937, %lt3A_1939 : vector<16xi32>
      %add3A_1941 = arith.constant 16 : i32
      %add3A_1942 = vector.broadcast %add3A_1941 : i32 to vector<16xi32>
      %add3A_1943 = arith.addi %xor3A_1937, %add3A_1942 : vector<16xi32>
      %select_n3A_1944 = arith.select %lt3A_1940, %add3A_1943, %xor3A_1937 : vector<16xi1>, vector<16xi32>
      %broadcast_in_dim3A_1945 = vector.shape_cast %select_n3A_1944 : vector<16xi32> to vector<16x1xi32>
      %gather3A_1946 = vector.shape_cast %broadcast_in_dim3A_1945 : vector<16x1xi32> to vector<16xi32>
      %gather3A_1947 = tpu.dynamic_gather %add3A_1934[%gather3A_1946] in [0] : vector<16xf32>, vector<16xi32> -> vector<16xf32>
      %add3A_1948 = arith.addf %add3A_1934, %gather3A_1947 : vector<16xf32>
      %xor3A_1949 = arith.constant 1 : i32
      %xor3A_1950 = vector.broadcast %xor3A_1949 : i32 to vector<16xi32>
      %xor3A_1951 = arith.xori %iota3A, %xor3A_1950 : vector<16xi32>
      %lt3A_1952 = arith.constant 0 : i32
      %lt3A_1953 = vector.broadcast %lt3A_1952 : i32 to vector<16xi32>
      %lt3A_1954 = arith.cmpi slt, %xor3A_1951, %lt3A_1953 : vector<16xi32>
      %add3A_1955 = arith.constant 16 : i32
      %add3A_1956 = vector.broadcast %add3A_1955 : i32 to vector<16xi32>
      %add3A_1957 = arith.addi %xor3A_1951, %add3A_1956 : vector<16xi32>
      %select_n3A_1958 = arith.select %lt3A_1954, %add3A_1957, %xor3A_1951 : vector<16xi1>, vector<16xi32>
      %broadcast_in_dim3A_1959 = vector.shape_cast %select_n3A_1958 : vector<16xi32> to vector<16x1xi32>
      %gather3A_1960 = vector.shape_cast %broadcast_in_dim3A_1959 : vector<16x1xi32> to vector<16xi32>
      %gather3A_1961 = tpu.dynamic_gather %add3A_1948[%gather3A_1960] in [0] : vector<16xf32>, vector<16xi32> -> vector<16xf32>
      %add3A_1962 = arith.addf %add3A_1948, %gather3A_1961 : vector<16xf32>
      %eq3A_1963 = arith.constant 5 : i32
      %eq3A_1964 = vector.broadcast %eq3A_1963 : i32 to vector<16xi32>
      %eq3A_1965 = arith.cmpi eq, %iota3A, %eq3A_1964 : vector<16xi32>
      %select_n3A_1966 = arith.select %eq3A_1965, %add3A_1962, %select_n3A_1810 : vector<16xi1>, vector<16xf32>
      %slice3A_1967 = vector.extract_strided_slice %get3A_1024 {offsets = [6], sizes = [1], strides = [1]} : vector<16xi32> to vector<1xi32>
      %squeeze3A_1968 = vector.extract %slice3A_1967[0] : i32 from vector<1xi32>
      %and3A_1969 = arith.constant 7 : i32
      %and3A_1970 = arith.andi %squeeze3A_1968, %and3A_1969 : i32
      %add3A_1971 = arith.constant 48 : i32
      %add3A_1972 = arith.addi %add3A_1971, %and3A_1970 : i32
      %slice3A_1973 = vector.extract_strided_slice %get3A_1029 {offsets = [6], sizes = [1], strides = [1]} : vector<16xi32> to vector<1xi32>
      %squeeze3A_1974 = vector.extract %slice3A_1973[0] : i32 from vector<1xi32>
      %and3A_1975 = arith.constant 7 : i32
      %and3A_1976 = arith.andi %squeeze3A_1974, %and3A_1975 : i32
      %add3A_1977 = arith.constant 48 : i32
      %add3A_1978 = arith.addi %add3A_1977, %and3A_1976 : i32
      %slice3A_1979 = vector.extract_strided_slice %get3A_1034 {offsets = [6], sizes = [1], strides = [1]} : vector<16xi32> to vector<1xi32>
      %squeeze3A_1980 = vector.extract %slice3A_1979[0] : i32 from vector<1xi32>
      %and3A_1981 = arith.constant 7 : i32
      %and3A_1982 = arith.andi %squeeze3A_1980, %and3A_1981 : i32
      %add3A_1983 = arith.constant 48 : i32
      %add3A_1984 = arith.addi %add3A_1983, %and3A_1982 : i32
      %broadcast_in_dim3A_1985 = arith.constant 0.000000e+00 : f32
      %broadcast_in_dim3A_1986 = vector.broadcast %broadcast_in_dim3A_1985 : f32 to vector<16xf32>
      %get3A_1987 = arith.index_cast %and3A_974 : i32 to index
      %get3A_1988 = arith.index_cast %add3A_1972 : i32 to index
      %get3A_1989 = arith.constant 0 : index
      %get3A_1990 = tpu.vector_load %arg11[%get3A_1987, %get3A_1988, %get3A_1989] {strides = array<i32>} : memref<2x128x64xf32, #tpu.memory_space<vmem>>, vector<1x1x16xf32>,
      %get3A_1991 = vector.shape_cast %get3A_1990 : vector<1x1x16xf32> to vector<16xf32>
      %get3A_1992 = arith.index_cast %and3A_974 : i32 to index
      %get3A_1993 = arith.index_cast %add3A_1984 : i32 to index
      %get3A_1994 = arith.constant 0 : index
      %get3A_1995 = tpu.vector_load %arg13[%get3A_1992, %get3A_1993, %get3A_1994] {strides = array<i32>} : memref<2x128x64xf32, #tpu.memory_space<vmem>>, vector<1x1x16xf32>,
      %get3A_1996 = vector.shape_cast %get3A_1995 : vector<1x1x16xf32> to vector<16xf32>
      %add3A_1997 = arith.addf %get3A_1991, %get3A_1996 : vector<16xf32>
      %get3A_1998 = arith.index_cast %and3A_974 : i32 to index
      %get3A_1999 = arith.index_cast %add3A_1978 : i32 to index
      %get3A_2000 = arith.constant 0 : index
      %get3A_2001 = tpu.vector_load %arg12[%get3A_1998, %get3A_1999, %get3A_2000] {strides = array<i32>} : memref<2x128x64xf32, #tpu.memory_space<vmem>>, vector<1x1x16xf32>,
      %get3A_2002 = vector.shape_cast %get3A_2001 : vector<1x1x16xf32> to vector<16xf32>
      %sub3A_2003 = arith.subf %add3A_1997, %get3A_2002 : vector<16xf32>
      %mul3A_2004 = arith.mulf %sub3A_2003, %sub3A_2003 : vector<16xf32>
      %add3A_2005 = arith.addf %broadcast_in_dim3A_1986, %mul3A_2004 : vector<16xf32>
      %get3A_2006 = arith.index_cast %and3A_974 : i32 to index
      %get3A_2007 = arith.index_cast %add3A_1972 : i32 to index
      %get3A_2008 = arith.constant 16 : index
      %get3A_2009 = tpu.vector_load %arg11[%get3A_2006, %get3A_2007, %get3A_2008] {strides = array<i32>} : memref<2x128x64xf32, #tpu.memory_space<vmem>>, vector<1x1x16xf32>,
      %get3A_2010 = vector.shape_cast %get3A_2009 : vector<1x1x16xf32> to vector<16xf32>
      %get3A_2011 = arith.index_cast %and3A_974 : i32 to index
      %get3A_2012 = arith.index_cast %add3A_1984 : i32 to index
      %get3A_2013 = arith.constant 16 : index
      %get3A_2014 = tpu.vector_load %arg13[%get3A_2011, %get3A_2012, %get3A_2013] {strides = array<i32>} : memref<2x128x64xf32, #tpu.memory_space<vmem>>, vector<1x1x16xf32>,
      %get3A_2015 = vector.shape_cast %get3A_2014 : vector<1x1x16xf32> to vector<16xf32>
      %add3A_2016 = arith.addf %get3A_2010, %get3A_2015 : vector<16xf32>
      %get3A_2017 = arith.index_cast %and3A_974 : i32 to index
      %get3A_2018 = arith.index_cast %add3A_1978 : i32 to index
      %get3A_2019 = arith.constant 16 : index
      %get3A_2020 = tpu.vector_load %arg12[%get3A_2017, %get3A_2018, %get3A_2019] {strides = array<i32>} : memref<2x128x64xf32, #tpu.memory_space<vmem>>, vector<1x1x16xf32>,
      %get3A_2021 = vector.shape_cast %get3A_2020 : vector<1x1x16xf32> to vector<16xf32>
      %sub3A_2022 = arith.subf %add3A_2016, %get3A_2021 : vector<16xf32>
      %mul3A_2023 = arith.mulf %sub3A_2022, %sub3A_2022 : vector<16xf32>
      %add3A_2024 = arith.addf %add3A_2005, %mul3A_2023 : vector<16xf32>
      %get3A_2025 = arith.index_cast %and3A_974 : i32 to index
      %get3A_2026 = arith.index_cast %add3A_1972 : i32 to index
      %get3A_2027 = arith.constant 32 : index
      %get3A_2028 = tpu.vector_load %arg11[%get3A_2025, %get3A_2026, %get3A_2027] {strides = array<i32>} : memref<2x128x64xf32, #tpu.memory_space<vmem>>, vector<1x1x16xf32>,
      %get3A_2029 = vector.shape_cast %get3A_2028 : vector<1x1x16xf32> to vector<16xf32>
      %get3A_2030 = arith.index_cast %and3A_974 : i32 to index
      %get3A_2031 = arith.index_cast %add3A_1984 : i32 to index
      %get3A_2032 = arith.constant 32 : index
      %get3A_2033 = tpu.vector_load %arg13[%get3A_2030, %get3A_2031, %get3A_2032] {strides = array<i32>} : memref<2x128x64xf32, #tpu.memory_space<vmem>>, vector<1x1x16xf32>,
      %get3A_2034 = vector.shape_cast %get3A_2033 : vector<1x1x16xf32> to vector<16xf32>
      %add3A_2035 = arith.addf %get3A_2029, %get3A_2034 : vector<16xf32>
      %get3A_2036 = arith.index_cast %and3A_974 : i32 to index
      %get3A_2037 = arith.index_cast %add3A_1978 : i32 to index
      %get3A_2038 = arith.constant 32 : index
      %get3A_2039 = tpu.vector_load %arg12[%get3A_2036, %get3A_2037, %get3A_2038] {strides = array<i32>} : memref<2x128x64xf32, #tpu.memory_space<vmem>>, vector<1x1x16xf32>,
      %get3A_2040 = vector.shape_cast %get3A_2039 : vector<1x1x16xf32> to vector<16xf32>
      %sub3A_2041 = arith.subf %add3A_2035, %get3A_2040 : vector<16xf32>
      %mul3A_2042 = arith.mulf %sub3A_2041, %sub3A_2041 : vector<16xf32>
      %add3A_2043 = arith.addf %add3A_2024, %mul3A_2042 : vector<16xf32>
      %get3A_2044 = arith.index_cast %and3A_974 : i32 to index
      %get3A_2045 = arith.index_cast %add3A_1972 : i32 to index
      %get3A_2046 = arith.constant 48 : index
      %get3A_2047 = tpu.vector_load %arg11[%get3A_2044, %get3A_2045, %get3A_2046] {strides = array<i32>} : memref<2x128x64xf32, #tpu.memory_space<vmem>>, vector<1x1x16xf32>,
      %get3A_2048 = vector.shape_cast %get3A_2047 : vector<1x1x16xf32> to vector<16xf32>
      %get3A_2049 = arith.index_cast %and3A_974 : i32 to index
      %get3A_2050 = arith.index_cast %add3A_1984 : i32 to index
      %get3A_2051 = arith.constant 48 : index
      %get3A_2052 = tpu.vector_load %arg13[%get3A_2049, %get3A_2050, %get3A_2051] {strides = array<i32>} : memref<2x128x64xf32, #tpu.memory_space<vmem>>, vector<1x1x16xf32>,
      %get3A_2053 = vector.shape_cast %get3A_2052 : vector<1x1x16xf32> to vector<16xf32>
      %add3A_2054 = arith.addf %get3A_2048, %get3A_2053 : vector<16xf32>
      %get3A_2055 = arith.index_cast %and3A_974 : i32 to index
      %get3A_2056 = arith.index_cast %add3A_1978 : i32 to index
      %get3A_2057 = arith.constant 48 : index
      %get3A_2058 = tpu.vector_load %arg12[%get3A_2055, %get3A_2056, %get3A_2057] {strides = array<i32>} : memref<2x128x64xf32, #tpu.memory_space<vmem>>, vector<1x1x16xf32>,
      %get3A_2059 = vector.shape_cast %get3A_2058 : vector<1x1x16xf32> to vector<16xf32>
      %sub3A_2060 = arith.subf %add3A_2054, %get3A_2059 : vector<16xf32>
      %mul3A_2061 = arith.mulf %sub3A_2060, %sub3A_2060 : vector<16xf32>
      %add3A_2062 = arith.addf %add3A_2043, %mul3A_2061 : vector<16xf32>
      %xor3A_2063 = arith.constant 8 : i32
      %xor3A_2064 = vector.broadcast %xor3A_2063 : i32 to vector<16xi32>
      %xor3A_2065 = arith.xori %iota3A, %xor3A_2064 : vector<16xi32>
      %lt3A_2066 = arith.constant 0 : i32
      %lt3A_2067 = vector.broadcast %lt3A_2066 : i32 to vector<16xi32>
      %lt3A_2068 = arith.cmpi slt, %xor3A_2065, %lt3A_2067 : vector<16xi32>
      %add3A_2069 = arith.constant 16 : i32
      %add3A_2070 = vector.broadcast %add3A_2069 : i32 to vector<16xi32>
      %add3A_2071 = arith.addi %xor3A_2065, %add3A_2070 : vector<16xi32>
      %select_n3A_2072 = arith.select %lt3A_2068, %add3A_2071, %xor3A_2065 : vector<16xi1>, vector<16xi32>
      %broadcast_in_dim3A_2073 = vector.shape_cast %select_n3A_2072 : vector<16xi32> to vector<16x1xi32>
      %gather3A_2074 = vector.shape_cast %broadcast_in_dim3A_2073 : vector<16x1xi32> to vector<16xi32>
      %gather3A_2075 = tpu.dynamic_gather %add3A_2062[%gather3A_2074] in [0] : vector<16xf32>, vector<16xi32> -> vector<16xf32>
      %add3A_2076 = arith.addf %add3A_2062, %gather3A_2075 : vector<16xf32>
      %xor3A_2077 = arith.constant 4 : i32
      %xor3A_2078 = vector.broadcast %xor3A_2077 : i32 to vector<16xi32>
      %xor3A_2079 = arith.xori %iota3A, %xor3A_2078 : vector<16xi32>
      %lt3A_2080 = arith.constant 0 : i32
      %lt3A_2081 = vector.broadcast %lt3A_2080 : i32 to vector<16xi32>
      %lt3A_2082 = arith.cmpi slt, %xor3A_2079, %lt3A_2081 : vector<16xi32>
      %add3A_2083 = arith.constant 16 : i32
      %add3A_2084 = vector.broadcast %add3A_2083 : i32 to vector<16xi32>
      %add3A_2085 = arith.addi %xor3A_2079, %add3A_2084 : vector<16xi32>
      %select_n3A_2086 = arith.select %lt3A_2082, %add3A_2085, %xor3A_2079 : vector<16xi1>, vector<16xi32>
      %broadcast_in_dim3A_2087 = vector.shape_cast %select_n3A_2086 : vector<16xi32> to vector<16x1xi32>
      %gather3A_2088 = vector.shape_cast %broadcast_in_dim3A_2087 : vector<16x1xi32> to vector<16xi32>
      %gather3A_2089 = tpu.dynamic_gather %add3A_2076[%gather3A_2088] in [0] : vector<16xf32>, vector<16xi32> -> vector<16xf32>
      %add3A_2090 = arith.addf %add3A_2076, %gather3A_2089 : vector<16xf32>
      %xor3A_2091 = arith.constant 2 : i32
      %xor3A_2092 = vector.broadcast %xor3A_2091 : i32 to vector<16xi32>
      %xor3A_2093 = arith.xori %iota3A, %xor3A_2092 : vector<16xi32>
      %lt3A_2094 = arith.constant 0 : i32
      %lt3A_2095 = vector.broadcast %lt3A_2094 : i32 to vector<16xi32>
      %lt3A_2096 = arith.cmpi slt, %xor3A_2093, %lt3A_2095 : vector<16xi32>
      %add3A_2097 = arith.constant 16 : i32
      %add3A_2098 = vector.broadcast %add3A_2097 : i32 to vector<16xi32>
      %add3A_2099 = arith.addi %xor3A_2093, %add3A_2098 : vector<16xi32>
      %select_n3A_2100 = arith.select %lt3A_2096, %add3A_2099, %xor3A_2093 : vector<16xi1>, vector<16xi32>
      %broadcast_in_dim3A_2101 = vector.shape_cast %select_n3A_2100 : vector<16xi32> to vector<16x1xi32>
      %gather3A_2102 = vector.shape_cast %broadcast_in_dim3A_2101 : vector<16x1xi32> to vector<16xi32>
      %gather3A_2103 = tpu.dynamic_gather %add3A_2090[%gather3A_2102] in [0] : vector<16xf32>, vector<16xi32> -> vector<16xf32>
      %add3A_2104 = arith.addf %add3A_2090, %gather3A_2103 : vector<16xf32>
      %xor3A_2105 = arith.constant 1 : i32
      %xor3A_2106 = vector.broadcast %xor3A_2105 : i32 to vector<16xi32>
      %xor3A_2107 = arith.xori %iota3A, %xor3A_2106 : vector<16xi32>
      %lt3A_2108 = arith.constant 0 : i32
      %lt3A_2109 = vector.broadcast %lt3A_2108 : i32 to vector<16xi32>
      %lt3A_2110 = arith.cmpi slt, %xor3A_2107, %lt3A_2109 : vector<16xi32>
      %add3A_2111 = arith.constant 16 : i32
      %add3A_2112 = vector.broadcast %add3A_2111 : i32 to vector<16xi32>
      %add3A_2113 = arith.addi %xor3A_2107, %add3A_2112 : vector<16xi32>
      %select_n3A_2114 = arith.select %lt3A_2110, %add3A_2113, %xor3A_2107 : vector<16xi1>, vector<16xi32>
      %broadcast_in_dim3A_2115 = vector.shape_cast %select_n3A_2114 : vector<16xi32> to vector<16x1xi32>
      %gather3A_2116 = vector.shape_cast %broadcast_in_dim3A_2115 : vector<16x1xi32> to vector<16xi32>
      %gather3A_2117 = tpu.dynamic_gather %add3A_2104[%gather3A_2116] in [0] : vector<16xf32>, vector<16xi32> -> vector<16xf32>
      %add3A_2118 = arith.addf %add3A_2104, %gather3A_2117 : vector<16xf32>
      %eq3A_2119 = arith.constant 6 : i32
      %eq3A_2120 = vector.broadcast %eq3A_2119 : i32 to vector<16xi32>
      %eq3A_2121 = arith.cmpi eq, %iota3A, %eq3A_2120 : vector<16xi32>
      %select_n3A_2122 = arith.select %eq3A_2121, %add3A_2118, %select_n3A_1966 : vector<16xi1>, vector<16xf32>
      %slice3A_2123 = vector.extract_strided_slice %get3A_1024 {offsets = [7], sizes = [1], strides = [1]} : vector<16xi32> to vector<1xi32>
      %squeeze3A_2124 = vector.extract %slice3A_2123[0] : i32 from vector<1xi32>
      %and3A_2125 = arith.constant 7 : i32
      %and3A_2126 = arith.andi %squeeze3A_2124, %and3A_2125 : i32
      %add3A_2127 = arith.constant 56 : i32
      %add3A_2128 = arith.addi %add3A_2127, %and3A_2126 : i32
      %slice3A_2129 = vector.extract_strided_slice %get3A_1029 {offsets = [7], sizes = [1], strides = [1]} : vector<16xi32> to vector<1xi32>
      %squeeze3A_2130 = vector.extract %slice3A_2129[0] : i32 from vector<1xi32>
      %and3A_2131 = arith.constant 7 : i32
      %and3A_2132 = arith.andi %squeeze3A_2130, %and3A_2131 : i32
      %add3A_2133 = arith.constant 56 : i32
      %add3A_2134 = arith.addi %add3A_2133, %and3A_2132 : i32
      %slice3A_2135 = vector.extract_strided_slice %get3A_1034 {offsets = [7], sizes = [1], strides = [1]} : vector<16xi32> to vector<1xi32>
      %squeeze3A_2136 = vector.extract %slice3A_2135[0] : i32 from vector<1xi32>
      %and3A_2137 = arith.constant 7 : i32
      %and3A_2138 = arith.andi %squeeze3A_2136, %and3A_2137 : i32
      %add3A_2139 = arith.constant 56 : i32
      %add3A_2140 = arith.addi %add3A_2139, %and3A_2138 : i32
      %broadcast_in_dim3A_2141 = arith.constant 0.000000e+00 : f32
      %broadcast_in_dim3A_2142 = vector.broadcast %broadcast_in_dim3A_2141 : f32 to vector<16xf32>
      %get3A_2143 = arith.index_cast %and3A_974 : i32 to index
      %get3A_2144 = arith.index_cast %add3A_2128 : i32 to index
      %get3A_2145 = arith.constant 0 : index
      %get3A_2146 = tpu.vector_load %arg11[%get3A_2143, %get3A_2144, %get3A_2145] {strides = array<i32>} : memref<2x128x64xf32, #tpu.memory_space<vmem>>, vector<1x1x16xf32>,
      %get3A_2147 = vector.shape_cast %get3A_2146 : vector<1x1x16xf32> to vector<16xf32>
      %get3A_2148 = arith.index_cast %and3A_974 : i32 to index
      %get3A_2149 = arith.index_cast %add3A_2140 : i32 to index
      %get3A_2150 = arith.constant 0 : index
      %get3A_2151 = tpu.vector_load %arg13[%get3A_2148, %get3A_2149, %get3A_2150] {strides = array<i32>} : memref<2x128x64xf32, #tpu.memory_space<vmem>>, vector<1x1x16xf32>,
      %get3A_2152 = vector.shape_cast %get3A_2151 : vector<1x1x16xf32> to vector<16xf32>
      %add3A_2153 = arith.addf %get3A_2147, %get3A_2152 : vector<16xf32>
      %get3A_2154 = arith.index_cast %and3A_974 : i32 to index
      %get3A_2155 = arith.index_cast %add3A_2134 : i32 to index
      %get3A_2156 = arith.constant 0 : index
      %get3A_2157 = tpu.vector_load %arg12[%get3A_2154, %get3A_2155, %get3A_2156] {strides = array<i32>} : memref<2x128x64xf32, #tpu.memory_space<vmem>>, vector<1x1x16xf32>,
      %get3A_2158 = vector.shape_cast %get3A_2157 : vector<1x1x16xf32> to vector<16xf32>
      %sub3A_2159 = arith.subf %add3A_2153, %get3A_2158 : vector<16xf32>
      %mul3A_2160 = arith.mulf %sub3A_2159, %sub3A_2159 : vector<16xf32>
      %add3A_2161 = arith.addf %broadcast_in_dim3A_2142, %mul3A_2160 : vector<16xf32>
      %get3A_2162 = arith.index_cast %and3A_974 : i32 to index
      %get3A_2163 = arith.index_cast %add3A_2128 : i32 to index
      %get3A_2164 = arith.constant 16 : index
      %get3A_2165 = tpu.vector_load %arg11[%get3A_2162, %get3A_2163, %get3A_2164] {strides = array<i32>} : memref<2x128x64xf32, #tpu.memory_space<vmem>>, vector<1x1x16xf32>,
      %get3A_2166 = vector.shape_cast %get3A_2165 : vector<1x1x16xf32> to vector<16xf32>
      %get3A_2167 = arith.index_cast %and3A_974 : i32 to index
      %get3A_2168 = arith.index_cast %add3A_2140 : i32 to index
      %get3A_2169 = arith.constant 16 : index
      %get3A_2170 = tpu.vector_load %arg13[%get3A_2167, %get3A_2168, %get3A_2169] {strides = array<i32>} : memref<2x128x64xf32, #tpu.memory_space<vmem>>, vector<1x1x16xf32>,
      %get3A_2171 = vector.shape_cast %get3A_2170 : vector<1x1x16xf32> to vector<16xf32>
      %add3A_2172 = arith.addf %get3A_2166, %get3A_2171 : vector<16xf32>
      %get3A_2173 = arith.index_cast %and3A_974 : i32 to index
      %get3A_2174 = arith.index_cast %add3A_2134 : i32 to index
      %get3A_2175 = arith.constant 16 : index
      %get3A_2176 = tpu.vector_load %arg12[%get3A_2173, %get3A_2174, %get3A_2175] {strides = array<i32>} : memref<2x128x64xf32, #tpu.memory_space<vmem>>, vector<1x1x16xf32>,
      %get3A_2177 = vector.shape_cast %get3A_2176 : vector<1x1x16xf32> to vector<16xf32>
      %sub3A_2178 = arith.subf %add3A_2172, %get3A_2177 : vector<16xf32>
      %mul3A_2179 = arith.mulf %sub3A_2178, %sub3A_2178 : vector<16xf32>
      %add3A_2180 = arith.addf %add3A_2161, %mul3A_2179 : vector<16xf32>
      %get3A_2181 = arith.index_cast %and3A_974 : i32 to index
      %get3A_2182 = arith.index_cast %add3A_2128 : i32 to index
      %get3A_2183 = arith.constant 32 : index
      %get3A_2184 = tpu.vector_load %arg11[%get3A_2181, %get3A_2182, %get3A_2183] {strides = array<i32>} : memref<2x128x64xf32, #tpu.memory_space<vmem>>, vector<1x1x16xf32>,
      %get3A_2185 = vector.shape_cast %get3A_2184 : vector<1x1x16xf32> to vector<16xf32>
      %get3A_2186 = arith.index_cast %and3A_974 : i32 to index
      %get3A_2187 = arith.index_cast %add3A_2140 : i32 to index
      %get3A_2188 = arith.constant 32 : index
      %get3A_2189 = tpu.vector_load %arg13[%get3A_2186, %get3A_2187, %get3A_2188] {strides = array<i32>} : memref<2x128x64xf32, #tpu.memory_space<vmem>>, vector<1x1x16xf32>,
      %get3A_2190 = vector.shape_cast %get3A_2189 : vector<1x1x16xf32> to vector<16xf32>
      %add3A_2191 = arith.addf %get3A_2185, %get3A_2190 : vector<16xf32>
      %get3A_2192 = arith.index_cast %and3A_974 : i32 to index
      %get3A_2193 = arith.index_cast %add3A_2134 : i32 to index
      %get3A_2194 = arith.constant 32 : index
      %get3A_2195 = tpu.vector_load %arg12[%get3A_2192, %get3A_2193, %get3A_2194] {strides = array<i32>} : memref<2x128x64xf32, #tpu.memory_space<vmem>>, vector<1x1x16xf32>,
      %get3A_2196 = vector.shape_cast %get3A_2195 : vector<1x1x16xf32> to vector<16xf32>
      %sub3A_2197 = arith.subf %add3A_2191, %get3A_2196 : vector<16xf32>
      %mul3A_2198 = arith.mulf %sub3A_2197, %sub3A_2197 : vector<16xf32>
      %add3A_2199 = arith.addf %add3A_2180, %mul3A_2198 : vector<16xf32>
      %get3A_2200 = arith.index_cast %and3A_974 : i32 to index
      %get3A_2201 = arith.index_cast %add3A_2128 : i32 to index
      %get3A_2202 = arith.constant 48 : index
      %get3A_2203 = tpu.vector_load %arg11[%get3A_2200, %get3A_2201, %get3A_2202] {strides = array<i32>} : memref<2x128x64xf32, #tpu.memory_space<vmem>>, vector<1x1x16xf32>,
      %get3A_2204 = vector.shape_cast %get3A_2203 : vector<1x1x16xf32> to vector<16xf32>
      %get3A_2205 = arith.index_cast %and3A_974 : i32 to index
      %get3A_2206 = arith.index_cast %add3A_2140 : i32 to index
      %get3A_2207 = arith.constant 48 : index
      %get3A_2208 = tpu.vector_load %arg13[%get3A_2205, %get3A_2206, %get3A_2207] {strides = array<i32>} : memref<2x128x64xf32, #tpu.memory_space<vmem>>, vector<1x1x16xf32>,
      %get3A_2209 = vector.shape_cast %get3A_2208 : vector<1x1x16xf32> to vector<16xf32>
      %add3A_2210 = arith.addf %get3A_2204, %get3A_2209 : vector<16xf32>
      %get3A_2211 = arith.index_cast %and3A_974 : i32 to index
      %get3A_2212 = arith.index_cast %add3A_2134 : i32 to index
      %get3A_2213 = arith.constant 48 : index
      %get3A_2214 = tpu.vector_load %arg12[%get3A_2211, %get3A_2212, %get3A_2213] {strides = array<i32>} : memref<2x128x64xf32, #tpu.memory_space<vmem>>, vector<1x1x16xf32>,
      %get3A_2215 = vector.shape_cast %get3A_2214 : vector<1x1x16xf32> to vector<16xf32>
      %sub3A_2216 = arith.subf %add3A_2210, %get3A_2215 : vector<16xf32>
      %mul3A_2217 = arith.mulf %sub3A_2216, %sub3A_2216 : vector<16xf32>
      %add3A_2218 = arith.addf %add3A_2199, %mul3A_2217 : vector<16xf32>
      %xor3A_2219 = arith.constant 8 : i32
      %xor3A_2220 = vector.broadcast %xor3A_2219 : i32 to vector<16xi32>
      %xor3A_2221 = arith.xori %iota3A, %xor3A_2220 : vector<16xi32>
      %lt3A_2222 = arith.constant 0 : i32
      %lt3A_2223 = vector.broadcast %lt3A_2222 : i32 to vector<16xi32>
      %lt3A_2224 = arith.cmpi slt, %xor3A_2221, %lt3A_2223 : vector<16xi32>
      %add3A_2225 = arith.constant 16 : i32
      %add3A_2226 = vector.broadcast %add3A_2225 : i32 to vector<16xi32>
      %add3A_2227 = arith.addi %xor3A_2221, %add3A_2226 : vector<16xi32>
      %select_n3A_2228 = arith.select %lt3A_2224, %add3A_2227, %xor3A_2221 : vector<16xi1>, vector<16xi32>
      %broadcast_in_dim3A_2229 = vector.shape_cast %select_n3A_2228 : vector<16xi32> to vector<16x1xi32>
      %gather3A_2230 = vector.shape_cast %broadcast_in_dim3A_2229 : vector<16x1xi32> to vector<16xi32>
      %gather3A_2231 = tpu.dynamic_gather %add3A_2218[%gather3A_2230] in [0] : vector<16xf32>, vector<16xi32> -> vector<16xf32>
      %add3A_2232 = arith.addf %add3A_2218, %gather3A_2231 : vector<16xf32>
      %xor3A_2233 = arith.constant 4 : i32
      %xor3A_2234 = vector.broadcast %xor3A_2233 : i32 to vector<16xi32>
      %xor3A_2235 = arith.xori %iota3A, %xor3A_2234 : vector<16xi32>
      %lt3A_2236 = arith.constant 0 : i32
      %lt3A_2237 = vector.broadcast %lt3A_2236 : i32 to vector<16xi32>
      %lt3A_2238 = arith.cmpi slt, %xor3A_2235, %lt3A_2237 : vector<16xi32>
      %add3A_2239 = arith.constant 16 : i32
      %add3A_2240 = vector.broadcast %add3A_2239 : i32 to vector<16xi32>
      %add3A_2241 = arith.addi %xor3A_2235, %add3A_2240 : vector<16xi32>
      %select_n3A_2242 = arith.select %lt3A_2238, %add3A_2241, %xor3A_2235 : vector<16xi1>, vector<16xi32>
      %broadcast_in_dim3A_2243 = vector.shape_cast %select_n3A_2242 : vector<16xi32> to vector<16x1xi32>
      %gather3A_2244 = vector.shape_cast %broadcast_in_dim3A_2243 : vector<16x1xi32> to vector<16xi32>
      %gather3A_2245 = tpu.dynamic_gather %add3A_2232[%gather3A_2244] in [0] : vector<16xf32>, vector<16xi32> -> vector<16xf32>
      %add3A_2246 = arith.addf %add3A_2232, %gather3A_2245 : vector<16xf32>
      %xor3A_2247 = arith.constant 2 : i32
      %xor3A_2248 = vector.broadcast %xor3A_2247 : i32 to vector<16xi32>
      %xor3A_2249 = arith.xori %iota3A, %xor3A_2248 : vector<16xi32>
      %lt3A_2250 = arith.constant 0 : i32
      %lt3A_2251 = vector.broadcast %lt3A_2250 : i32 to vector<16xi32>
      %lt3A_2252 = arith.cmpi slt, %xor3A_2249, %lt3A_2251 : vector<16xi32>
      %add3A_2253 = arith.constant 16 : i32
      %add3A_2254 = vector.broadcast %add3A_2253 : i32 to vector<16xi32>
      %add3A_2255 = arith.addi %xor3A_2249, %add3A_2254 : vector<16xi32>
      %select_n3A_2256 = arith.select %lt3A_2252, %add3A_2255, %xor3A_2249 : vector<16xi1>, vector<16xi32>
      %broadcast_in_dim3A_2257 = vector.shape_cast %select_n3A_2256 : vector<16xi32> to vector<16x1xi32>
      %gather3A_2258 = vector.shape_cast %broadcast_in_dim3A_2257 : vector<16x1xi32> to vector<16xi32>
      %gather3A_2259 = tpu.dynamic_gather %add3A_2246[%gather3A_2258] in [0] : vector<16xf32>, vector<16xi32> -> vector<16xf32>
      %add3A_2260 = arith.addf %add3A_2246, %gather3A_2259 : vector<16xf32>
      %xor3A_2261 = arith.constant 1 : i32
      %xor3A_2262 = vector.broadcast %xor3A_2261 : i32 to vector<16xi32>
      %xor3A_2263 = arith.xori %iota3A, %xor3A_2262 : vector<16xi32>
      %lt3A_2264 = arith.constant 0 : i32
      %lt3A_2265 = vector.broadcast %lt3A_2264 : i32 to vector<16xi32>
      %lt3A_2266 = arith.cmpi slt, %xor3A_2263, %lt3A_2265 : vector<16xi32>
      %add3A_2267 = arith.constant 16 : i32
      %add3A_2268 = vector.broadcast %add3A_2267 : i32 to vector<16xi32>
      %add3A_2269 = arith.addi %xor3A_2263, %add3A_2268 : vector<16xi32>
      %select_n3A_2270 = arith.select %lt3A_2266, %add3A_2269, %xor3A_2263 : vector<16xi1>, vector<16xi32>
      %broadcast_in_dim3A_2271 = vector.shape_cast %select_n3A_2270 : vector<16xi32> to vector<16x1xi32>
      %gather3A_2272 = vector.shape_cast %broadcast_in_dim3A_2271 : vector<16x1xi32> to vector<16xi32>
      %gather3A_2273 = tpu.dynamic_gather %add3A_2260[%gather3A_2272] in [0] : vector<16xf32>, vector<16xi32> -> vector<16xf32>
      %add3A_2274 = arith.addf %add3A_2260, %gather3A_2273 : vector<16xf32>
      %eq3A_2275 = arith.constant 7 : i32
      %eq3A_2276 = vector.broadcast %eq3A_2275 : i32 to vector<16xi32>
      %eq3A_2277 = arith.cmpi eq, %iota3A, %eq3A_2276 : vector<16xi32>
      %select_n3A_2278 = arith.select %eq3A_2277, %add3A_2274, %select_n3A_2122 : vector<16xi1>, vector<16xf32>
      %slice3A_2279 = vector.extract_strided_slice %get3A_1024 {offsets = [8], sizes = [1], strides = [1]} : vector<16xi32> to vector<1xi32>
      %squeeze3A_2280 = vector.extract %slice3A_2279[0] : i32 from vector<1xi32>
      %and3A_2281 = arith.constant 7 : i32
      %and3A_2282 = arith.andi %squeeze3A_2280, %and3A_2281 : i32
      %add3A_2283 = arith.constant 64 : i32
      %add3A_2284 = arith.addi %add3A_2283, %and3A_2282 : i32
      %slice3A_2285 = vector.extract_strided_slice %get3A_1029 {offsets = [8], sizes = [1], strides = [1]} : vector<16xi32> to vector<1xi32>
      %squeeze3A_2286 = vector.extract %slice3A_2285[0] : i32 from vector<1xi32>
      %and3A_2287 = arith.constant 7 : i32
      %and3A_2288 = arith.andi %squeeze3A_2286, %and3A_2287 : i32
      %add3A_2289 = arith.constant 64 : i32
      %add3A_2290 = arith.addi %add3A_2289, %and3A_2288 : i32
      %slice3A_2291 = vector.extract_strided_slice %get3A_1034 {offsets = [8], sizes = [1], strides = [1]} : vector<16xi32> to vector<1xi32>
      %squeeze3A_2292 = vector.extract %slice3A_2291[0] : i32 from vector<1xi32>
      %and3A_2293 = arith.constant 7 : i32
      %and3A_2294 = arith.andi %squeeze3A_2292, %and3A_2293 : i32
      %add3A_2295 = arith.constant 64 : i32
      %add3A_2296 = arith.addi %add3A_2295, %and3A_2294 : i32
      %broadcast_in_dim3A_2297 = arith.constant 0.000000e+00 : f32
      %broadcast_in_dim3A_2298 = vector.broadcast %broadcast_in_dim3A_2297 : f32 to vector<16xf32>
      %get3A_2299 = arith.index_cast %and3A_974 : i32 to index
      %get3A_2300 = arith.index_cast %add3A_2284 : i32 to index
      %get3A_2301 = arith.constant 0 : index
      %get3A_2302 = tpu.vector_load %arg11[%get3A_2299, %get3A_2300, %get3A_2301] {strides = array<i32>} : memref<2x128x64xf32, #tpu.memory_space<vmem>>, vector<1x1x16xf32>,
      %get3A_2303 = vector.shape_cast %get3A_2302 : vector<1x1x16xf32> to vector<16xf32>
      %get3A_2304 = arith.index_cast %and3A_974 : i32 to index
      %get3A_2305 = arith.index_cast %add3A_2296 : i32 to index
      %get3A_2306 = arith.constant 0 : index
      %get3A_2307 = tpu.vector_load %arg13[%get3A_2304, %get3A_2305, %get3A_2306] {strides = array<i32>} : memref<2x128x64xf32, #tpu.memory_space<vmem>>, vector<1x1x16xf32>,
      %get3A_2308 = vector.shape_cast %get3A_2307 : vector<1x1x16xf32> to vector<16xf32>
      %add3A_2309 = arith.addf %get3A_2303, %get3A_2308 : vector<16xf32>
      %get3A_2310 = arith.index_cast %and3A_974 : i32 to index
      %get3A_2311 = arith.index_cast %add3A_2290 : i32 to index
      %get3A_2312 = arith.constant 0 : index
      %get3A_2313 = tpu.vector_load %arg12[%get3A_2310, %get3A_2311, %get3A_2312] {strides = array<i32>} : memref<2x128x64xf32, #tpu.memory_space<vmem>>, vector<1x1x16xf32>,
      %get3A_2314 = vector.shape_cast %get3A_2313 : vector<1x1x16xf32> to vector<16xf32>
      %sub3A_2315 = arith.subf %add3A_2309, %get3A_2314 : vector<16xf32>
      %mul3A_2316 = arith.mulf %sub3A_2315, %sub3A_2315 : vector<16xf32>
      %add3A_2317 = arith.addf %broadcast_in_dim3A_2298, %mul3A_2316 : vector<16xf32>
      %get3A_2318 = arith.index_cast %and3A_974 : i32 to index
      %get3A_2319 = arith.index_cast %add3A_2284 : i32 to index
      %get3A_2320 = arith.constant 16 : index
      %get3A_2321 = tpu.vector_load %arg11[%get3A_2318, %get3A_2319, %get3A_2320] {strides = array<i32>} : memref<2x128x64xf32, #tpu.memory_space<vmem>>, vector<1x1x16xf32>,
      %get3A_2322 = vector.shape_cast %get3A_2321 : vector<1x1x16xf32> to vector<16xf32>
      %get3A_2323 = arith.index_cast %and3A_974 : i32 to index
      %get3A_2324 = arith.index_cast %add3A_2296 : i32 to index
      %get3A_2325 = arith.constant 16 : index
      %get3A_2326 = tpu.vector_load %arg13[%get3A_2323, %get3A_2324, %get3A_2325] {strides = array<i32>} : memref<2x128x64xf32, #tpu.memory_space<vmem>>, vector<1x1x16xf32>,
      %get3A_2327 = vector.shape_cast %get3A_2326 : vector<1x1x16xf32> to vector<16xf32>
      %add3A_2328 = arith.addf %get3A_2322, %get3A_2327 : vector<16xf32>
      %get3A_2329 = arith.index_cast %and3A_974 : i32 to index
      %get3A_2330 = arith.index_cast %add3A_2290 : i32 to index
      %get3A_2331 = arith.constant 16 : index
      %get3A_2332 = tpu.vector_load %arg12[%get3A_2329, %get3A_2330, %get3A_2331] {strides = array<i32>} : memref<2x128x64xf32, #tpu.memory_space<vmem>>, vector<1x1x16xf32>,
      %get3A_2333 = vector.shape_cast %get3A_2332 : vector<1x1x16xf32> to vector<16xf32>
      %sub3A_2334 = arith.subf %add3A_2328, %get3A_2333 : vector<16xf32>
      %mul3A_2335 = arith.mulf %sub3A_2334, %sub3A_2334 : vector<16xf32>
      %add3A_2336 = arith.addf %add3A_2317, %mul3A_2335 : vector<16xf32>
      %get3A_2337 = arith.index_cast %and3A_974 : i32 to index
      %get3A_2338 = arith.index_cast %add3A_2284 : i32 to index
      %get3A_2339 = arith.constant 32 : index
      %get3A_2340 = tpu.vector_load %arg11[%get3A_2337, %get3A_2338, %get3A_2339] {strides = array<i32>} : memref<2x128x64xf32, #tpu.memory_space<vmem>>, vector<1x1x16xf32>,
      %get3A_2341 = vector.shape_cast %get3A_2340 : vector<1x1x16xf32> to vector<16xf32>
      %get3A_2342 = arith.index_cast %and3A_974 : i32 to index
      %get3A_2343 = arith.index_cast %add3A_2296 : i32 to index
      %get3A_2344 = arith.constant 32 : index
      %get3A_2345 = tpu.vector_load %arg13[%get3A_2342, %get3A_2343, %get3A_2344] {strides = array<i32>} : memref<2x128x64xf32, #tpu.memory_space<vmem>>, vector<1x1x16xf32>,
      %get3A_2346 = vector.shape_cast %get3A_2345 : vector<1x1x16xf32> to vector<16xf32>
      %add3A_2347 = arith.addf %get3A_2341, %get3A_2346 : vector<16xf32>
      %get3A_2348 = arith.index_cast %and3A_974 : i32 to index
      %get3A_2349 = arith.index_cast %add3A_2290 : i32 to index
      %get3A_2350 = arith.constant 32 : index
      %get3A_2351 = tpu.vector_load %arg12[%get3A_2348, %get3A_2349, %get3A_2350] {strides = array<i32>} : memref<2x128x64xf32, #tpu.memory_space<vmem>>, vector<1x1x16xf32>,
      %get3A_2352 = vector.shape_cast %get3A_2351 : vector<1x1x16xf32> to vector<16xf32>
      %sub3A_2353 = arith.subf %add3A_2347, %get3A_2352 : vector<16xf32>
      %mul3A_2354 = arith.mulf %sub3A_2353, %sub3A_2353 : vector<16xf32>
      %add3A_2355 = arith.addf %add3A_2336, %mul3A_2354 : vector<16xf32>
      %get3A_2356 = arith.index_cast %and3A_974 : i32 to index
      %get3A_2357 = arith.index_cast %add3A_2284 : i32 to index
      %get3A_2358 = arith.constant 48 : index
      %get3A_2359 = tpu.vector_load %arg11[%get3A_2356, %get3A_2357, %get3A_2358] {strides = array<i32>} : memref<2x128x64xf32, #tpu.memory_space<vmem>>, vector<1x1x16xf32>,
      %get3A_2360 = vector.shape_cast %get3A_2359 : vector<1x1x16xf32> to vector<16xf32>
      %get3A_2361 = arith.index_cast %and3A_974 : i32 to index
      %get3A_2362 = arith.index_cast %add3A_2296 : i32 to index
      %get3A_2363 = arith.constant 48 : index
      %get3A_2364 = tpu.vector_load %arg13[%get3A_2361, %get3A_2362, %get3A_2363] {strides = array<i32>} : memref<2x128x64xf32, #tpu.memory_space<vmem>>, vector<1x1x16xf32>,
      %get3A_2365 = vector.shape_cast %get3A_2364 : vector<1x1x16xf32> to vector<16xf32>
      %add3A_2366 = arith.addf %get3A_2360, %get3A_2365 : vector<16xf32>
      %get3A_2367 = arith.index_cast %and3A_974 : i32 to index
      %get3A_2368 = arith.index_cast %add3A_2290 : i32 to index
      %get3A_2369 = arith.constant 48 : index
      %get3A_2370 = tpu.vector_load %arg12[%get3A_2367, %get3A_2368, %get3A_2369] {strides = array<i32>} : memref<2x128x64xf32, #tpu.memory_space<vmem>>, vector<1x1x16xf32>,
      %get3A_2371 = vector.shape_cast %get3A_2370 : vector<1x1x16xf32> to vector<16xf32>
      %sub3A_2372 = arith.subf %add3A_2366, %get3A_2371 : vector<16xf32>
      %mul3A_2373 = arith.mulf %sub3A_2372, %sub3A_2372 : vector<16xf32>
      %add3A_2374 = arith.addf %add3A_2355, %mul3A_2373 : vector<16xf32>
      %xor3A_2375 = arith.constant 8 : i32
      %xor3A_2376 = vector.broadcast %xor3A_2375 : i32 to vector<16xi32>
      %xor3A_2377 = arith.xori %iota3A, %xor3A_2376 : vector<16xi32>
      %lt3A_2378 = arith.constant 0 : i32
      %lt3A_2379 = vector.broadcast %lt3A_2378 : i32 to vector<16xi32>
      %lt3A_2380 = arith.cmpi slt, %xor3A_2377, %lt3A_2379 : vector<16xi32>
      %add3A_2381 = arith.constant 16 : i32
      %add3A_2382 = vector.broadcast %add3A_2381 : i32 to vector<16xi32>
      %add3A_2383 = arith.addi %xor3A_2377, %add3A_2382 : vector<16xi32>
      %select_n3A_2384 = arith.select %lt3A_2380, %add3A_2383, %xor3A_2377 : vector<16xi1>, vector<16xi32>
      %broadcast_in_dim3A_2385 = vector.shape_cast %select_n3A_2384 : vector<16xi32> to vector<16x1xi32>
      %gather3A_2386 = vector.shape_cast %broadcast_in_dim3A_2385 : vector<16x1xi32> to vector<16xi32>
      %gather3A_2387 = tpu.dynamic_gather %add3A_2374[%gather3A_2386] in [0] : vector<16xf32>, vector<16xi32> -> vector<16xf32>
      %add3A_2388 = arith.addf %add3A_2374, %gather3A_2387 : vector<16xf32>
      %xor3A_2389 = arith.constant 4 : i32
      %xor3A_2390 = vector.broadcast %xor3A_2389 : i32 to vector<16xi32>
      %xor3A_2391 = arith.xori %iota3A, %xor3A_2390 : vector<16xi32>
      %lt3A_2392 = arith.constant 0 : i32
      %lt3A_2393 = vector.broadcast %lt3A_2392 : i32 to vector<16xi32>
      %lt3A_2394 = arith.cmpi slt, %xor3A_2391, %lt3A_2393 : vector<16xi32>
      %add3A_2395 = arith.constant 16 : i32
      %add3A_2396 = vector.broadcast %add3A_2395 : i32 to vector<16xi32>
      %add3A_2397 = arith.addi %xor3A_2391, %add3A_2396 : vector<16xi32>
      %select_n3A_2398 = arith.select %lt3A_2394, %add3A_2397, %xor3A_2391 : vector<16xi1>, vector<16xi32>
      %broadcast_in_dim3A_2399 = vector.shape_cast %select_n3A_2398 : vector<16xi32> to vector<16x1xi32>
      %gather3A_2400 = vector.shape_cast %broadcast_in_dim3A_2399 : vector<16x1xi32> to vector<16xi32>
      %gather3A_2401 = tpu.dynamic_gather %add3A_2388[%gather3A_2400] in [0] : vector<16xf32>, vector<16xi32> -> vector<16xf32>
      %add3A_2402 = arith.addf %add3A_2388, %gather3A_2401 : vector<16xf32>
      %xor3A_2403 = arith.constant 2 : i32
      %xor3A_2404 = vector.broadcast %xor3A_2403 : i32 to vector<16xi32>
      %xor3A_2405 = arith.xori %iota3A, %xor3A_2404 : vector<16xi32>
      %lt3A_2406 = arith.constant 0 : i32
      %lt3A_2407 = vector.broadcast %lt3A_2406 : i32 to vector<16xi32>
      %lt3A_2408 = arith.cmpi slt, %xor3A_2405, %lt3A_2407 : vector<16xi32>
      %add3A_2409 = arith.constant 16 : i32
      %add3A_2410 = vector.broadcast %add3A_2409 : i32 to vector<16xi32>
      %add3A_2411 = arith.addi %xor3A_2405, %add3A_2410 : vector<16xi32>
      %select_n3A_2412 = arith.select %lt3A_2408, %add3A_2411, %xor3A_2405 : vector<16xi1>, vector<16xi32>
      %broadcast_in_dim3A_2413 = vector.shape_cast %select_n3A_2412 : vector<16xi32> to vector<16x1xi32>
      %gather3A_2414 = vector.shape_cast %broadcast_in_dim3A_2413 : vector<16x1xi32> to vector<16xi32>
      %gather3A_2415 = tpu.dynamic_gather %add3A_2402[%gather3A_2414] in [0] : vector<16xf32>, vector<16xi32> -> vector<16xf32>
      %add3A_2416 = arith.addf %add3A_2402, %gather3A_2415 : vector<16xf32>
      %xor3A_2417 = arith.constant 1 : i32
      %xor3A_2418 = vector.broadcast %xor3A_2417 : i32 to vector<16xi32>
      %xor3A_2419 = arith.xori %iota3A, %xor3A_2418 : vector<16xi32>
      %lt3A_2420 = arith.constant 0 : i32
      %lt3A_2421 = vector.broadcast %lt3A_2420 : i32 to vector<16xi32>
      %lt3A_2422 = arith.cmpi slt, %xor3A_2419, %lt3A_2421 : vector<16xi32>
      %add3A_2423 = arith.constant 16 : i32
      %add3A_2424 = vector.broadcast %add3A_2423 : i32 to vector<16xi32>
      %add3A_2425 = arith.addi %xor3A_2419, %add3A_2424 : vector<16xi32>
      %select_n3A_2426 = arith.select %lt3A_2422, %add3A_2425, %xor3A_2419 : vector<16xi1>, vector<16xi32>
      %broadcast_in_dim3A_2427 = vector.shape_cast %select_n3A_2426 : vector<16xi32> to vector<16x1xi32>
      %gather3A_2428 = vector.shape_cast %broadcast_in_dim3A_2427 : vector<16x1xi32> to vector<16xi32>
      %gather3A_2429 = tpu.dynamic_gather %add3A_2416[%gather3A_2428] in [0] : vector<16xf32>, vector<16xi32> -> vector<16xf32>
      %add3A_2430 = arith.addf %add3A_2416, %gather3A_2429 : vector<16xf32>
      %eq3A_2431 = arith.constant 8 : i32
      %eq3A_2432 = vector.broadcast %eq3A_2431 : i32 to vector<16xi32>
      %eq3A_2433 = arith.cmpi eq, %iota3A, %eq3A_2432 : vector<16xi32>
      %select_n3A_2434 = arith.select %eq3A_2433, %add3A_2430, %select_n3A_2278 : vector<16xi1>, vector<16xf32>
      %slice3A_2435 = vector.extract_strided_slice %get3A_1024 {offsets = [9], sizes = [1], strides = [1]} : vector<16xi32> to vector<1xi32>
      %squeeze3A_2436 = vector.extract %slice3A_2435[0] : i32 from vector<1xi32>
      %and3A_2437 = arith.constant 7 : i32
      %and3A_2438 = arith.andi %squeeze3A_2436, %and3A_2437 : i32
      %add3A_2439 = arith.constant 72 : i32
      %add3A_2440 = arith.addi %add3A_2439, %and3A_2438 : i32
      %slice3A_2441 = vector.extract_strided_slice %get3A_1029 {offsets = [9], sizes = [1], strides = [1]} : vector<16xi32> to vector<1xi32>
      %squeeze3A_2442 = vector.extract %slice3A_2441[0] : i32 from vector<1xi32>
      %and3A_2443 = arith.constant 7 : i32
      %and3A_2444 = arith.andi %squeeze3A_2442, %and3A_2443 : i32
      %add3A_2445 = arith.constant 72 : i32
      %add3A_2446 = arith.addi %add3A_2445, %and3A_2444 : i32
      %slice3A_2447 = vector.extract_strided_slice %get3A_1034 {offsets = [9], sizes = [1], strides = [1]} : vector<16xi32> to vector<1xi32>
      %squeeze3A_2448 = vector.extract %slice3A_2447[0] : i32 from vector<1xi32>
      %and3A_2449 = arith.constant 7 : i32
      %and3A_2450 = arith.andi %squeeze3A_2448, %and3A_2449 : i32
      %add3A_2451 = arith.constant 72 : i32
      %add3A_2452 = arith.addi %add3A_2451, %and3A_2450 : i32
      %broadcast_in_dim3A_2453 = arith.constant 0.000000e+00 : f32
      %broadcast_in_dim3A_2454 = vector.broadcast %broadcast_in_dim3A_2453 : f32 to vector<16xf32>
      %get3A_2455 = arith.index_cast %and3A_974 : i32 to index
      %get3A_2456 = arith.index_cast %add3A_2440 : i32 to index
      %get3A_2457 = arith.constant 0 : index
      %get3A_2458 = tpu.vector_load %arg11[%get3A_2455, %get3A_2456, %get3A_2457] {strides = array<i32>} : memref<2x128x64xf32, #tpu.memory_space<vmem>>, vector<1x1x16xf32>,
      %get3A_2459 = vector.shape_cast %get3A_2458 : vector<1x1x16xf32> to vector<16xf32>
      %get3A_2460 = arith.index_cast %and3A_974 : i32 to index
      %get3A_2461 = arith.index_cast %add3A_2452 : i32 to index
      %get3A_2462 = arith.constant 0 : index
      %get3A_2463 = tpu.vector_load %arg13[%get3A_2460, %get3A_2461, %get3A_2462] {strides = array<i32>} : memref<2x128x64xf32, #tpu.memory_space<vmem>>, vector<1x1x16xf32>,
      %get3A_2464 = vector.shape_cast %get3A_2463 : vector<1x1x16xf32> to vector<16xf32>
      %add3A_2465 = arith.addf %get3A_2459, %get3A_2464 : vector<16xf32>
      %get3A_2466 = arith.index_cast %and3A_974 : i32 to index
      %get3A_2467 = arith.index_cast %add3A_2446 : i32 to index
      %get3A_2468 = arith.constant 0 : index
      %get3A_2469 = tpu.vector_load %arg12[%get3A_2466, %get3A_2467, %get3A_2468] {strides = array<i32>} : memref<2x128x64xf32, #tpu.memory_space<vmem>>, vector<1x1x16xf32>,
      %get3A_2470 = vector.shape_cast %get3A_2469 : vector<1x1x16xf32> to vector<16xf32>
      %sub3A_2471 = arith.subf %add3A_2465, %get3A_2470 : vector<16xf32>
      %mul3A_2472 = arith.mulf %sub3A_2471, %sub3A_2471 : vector<16xf32>
      %add3A_2473 = arith.addf %broadcast_in_dim3A_2454, %mul3A_2472 : vector<16xf32>
      %get3A_2474 = arith.index_cast %and3A_974 : i32 to index
      %get3A_2475 = arith.index_cast %add3A_2440 : i32 to index
      %get3A_2476 = arith.constant 16 : index
      %get3A_2477 = tpu.vector_load %arg11[%get3A_2474, %get3A_2475, %get3A_2476] {strides = array<i32>} : memref<2x128x64xf32, #tpu.memory_space<vmem>>, vector<1x1x16xf32>,
      %get3A_2478 = vector.shape_cast %get3A_2477 : vector<1x1x16xf32> to vector<16xf32>
      %get3A_2479 = arith.index_cast %and3A_974 : i32 to index
      %get3A_2480 = arith.index_cast %add3A_2452 : i32 to index
      %get3A_2481 = arith.constant 16 : index
      %get3A_2482 = tpu.vector_load %arg13[%get3A_2479, %get3A_2480, %get3A_2481] {strides = array<i32>} : memref<2x128x64xf32, #tpu.memory_space<vmem>>, vector<1x1x16xf32>,
      %get3A_2483 = vector.shape_cast %get3A_2482 : vector<1x1x16xf32> to vector<16xf32>
      %add3A_2484 = arith.addf %get3A_2478, %get3A_2483 : vector<16xf32>
      %get3A_2485 = arith.index_cast %and3A_974 : i32 to index
      %get3A_2486 = arith.index_cast %add3A_2446 : i32 to index
      %get3A_2487 = arith.constant 16 : index
      %get3A_2488 = tpu.vector_load %arg12[%get3A_2485, %get3A_2486, %get3A_2487] {strides = array<i32>} : memref<2x128x64xf32, #tpu.memory_space<vmem>>, vector<1x1x16xf32>,
      %get3A_2489 = vector.shape_cast %get3A_2488 : vector<1x1x16xf32> to vector<16xf32>
      %sub3A_2490 = arith.subf %add3A_2484, %get3A_2489 : vector<16xf32>
      %mul3A_2491 = arith.mulf %sub3A_2490, %sub3A_2490 : vector<16xf32>
      %add3A_2492 = arith.addf %add3A_2473, %mul3A_2491 : vector<16xf32>
      %get3A_2493 = arith.index_cast %and3A_974 : i32 to index
      %get3A_2494 = arith.index_cast %add3A_2440 : i32 to index
      %get3A_2495 = arith.constant 32 : index
      %get3A_2496 = tpu.vector_load %arg11[%get3A_2493, %get3A_2494, %get3A_2495] {strides = array<i32>} : memref<2x128x64xf32, #tpu.memory_space<vmem>>, vector<1x1x16xf32>,
      %get3A_2497 = vector.shape_cast %get3A_2496 : vector<1x1x16xf32> to vector<16xf32>
      %get3A_2498 = arith.index_cast %and3A_974 : i32 to index
      %get3A_2499 = arith.index_cast %add3A_2452 : i32 to index
      %get3A_2500 = arith.constant 32 : index
      %get3A_2501 = tpu.vector_load %arg13[%get3A_2498, %get3A_2499, %get3A_2500] {strides = array<i32>} : memref<2x128x64xf32, #tpu.memory_space<vmem>>, vector<1x1x16xf32>,
      %get3A_2502 = vector.shape_cast %get3A_2501 : vector<1x1x16xf32> to vector<16xf32>
      %add3A_2503 = arith.addf %get3A_2497, %get3A_2502 : vector<16xf32>
      %get3A_2504 = arith.index_cast %and3A_974 : i32 to index
      %get3A_2505 = arith.index_cast %add3A_2446 : i32 to index
      %get3A_2506 = arith.constant 32 : index
      %get3A_2507 = tpu.vector_load %arg12[%get3A_2504, %get3A_2505, %get3A_2506] {strides = array<i32>} : memref<2x128x64xf32, #tpu.memory_space<vmem>>, vector<1x1x16xf32>,
      %get3A_2508 = vector.shape_cast %get3A_2507 : vector<1x1x16xf32> to vector<16xf32>
      %sub3A_2509 = arith.subf %add3A_2503, %get3A_2508 : vector<16xf32>
      %mul3A_2510 = arith.mulf %sub3A_2509, %sub3A_2509 : vector<16xf32>
      %add3A_2511 = arith.addf %add3A_2492, %mul3A_2510 : vector<16xf32>
      %get3A_2512 = arith.index_cast %and3A_974 : i32 to index
      %get3A_2513 = arith.index_cast %add3A_2440 : i32 to index
      %get3A_2514 = arith.constant 48 : index
      %get3A_2515 = tpu.vector_load %arg11[%get3A_2512, %get3A_2513, %get3A_2514] {strides = array<i32>} : memref<2x128x64xf32, #tpu.memory_space<vmem>>, vector<1x1x16xf32>,
      %get3A_2516 = vector.shape_cast %get3A_2515 : vector<1x1x16xf32> to vector<16xf32>
      %get3A_2517 = arith.index_cast %and3A_974 : i32 to index
      %get3A_2518 = arith.index_cast %add3A_2452 : i32 to index
      %get3A_2519 = arith.constant 48 : index
      %get3A_2520 = tpu.vector_load %arg13[%get3A_2517, %get3A_2518, %get3A_2519] {strides = array<i32>} : memref<2x128x64xf32, #tpu.memory_space<vmem>>, vector<1x1x16xf32>,
      %get3A_2521 = vector.shape_cast %get3A_2520 : vector<1x1x16xf32> to vector<16xf32>
      %add3A_2522 = arith.addf %get3A_2516, %get3A_2521 : vector<16xf32>
      %get3A_2523 = arith.index_cast %and3A_974 : i32 to index
      %get3A_2524 = arith.index_cast %add3A_2446 : i32 to index
      %get3A_2525 = arith.constant 48 : index
      %get3A_2526 = tpu.vector_load %arg12[%get3A_2523, %get3A_2524, %get3A_2525] {strides = array<i32>} : memref<2x128x64xf32, #tpu.memory_space<vmem>>, vector<1x1x16xf32>,
      %get3A_2527 = vector.shape_cast %get3A_2526 : vector<1x1x16xf32> to vector<16xf32>
      %sub3A_2528 = arith.subf %add3A_2522, %get3A_2527 : vector<16xf32>
      %mul3A_2529 = arith.mulf %sub3A_2528, %sub3A_2528 : vector<16xf32>
      %add3A_2530 = arith.addf %add3A_2511, %mul3A_2529 : vector<16xf32>
      %xor3A_2531 = arith.constant 8 : i32
      %xor3A_2532 = vector.broadcast %xor3A_2531 : i32 to vector<16xi32>
      %xor3A_2533 = arith.xori %iota3A, %xor3A_2532 : vector<16xi32>
      %lt3A_2534 = arith.constant 0 : i32
      %lt3A_2535 = vector.broadcast %lt3A_2534 : i32 to vector<16xi32>
      %lt3A_2536 = arith.cmpi slt, %xor3A_2533, %lt3A_2535 : vector<16xi32>
      %add3A_2537 = arith.constant 16 : i32
      %add3A_2538 = vector.broadcast %add3A_2537 : i32 to vector<16xi32>
      %add3A_2539 = arith.addi %xor3A_2533, %add3A_2538 : vector<16xi32>
      %select_n3A_2540 = arith.select %lt3A_2536, %add3A_2539, %xor3A_2533 : vector<16xi1>, vector<16xi32>
      %broadcast_in_dim3A_2541 = vector.shape_cast %select_n3A_2540 : vector<16xi32> to vector<16x1xi32>
      %gather3A_2542 = vector.shape_cast %broadcast_in_dim3A_2541 : vector<16x1xi32> to vector<16xi32>
      %gather3A_2543 = tpu.dynamic_gather %add3A_2530[%gather3A_2542] in [0] : vector<16xf32>, vector<16xi32> -> vector<16xf32>
      %add3A_2544 = arith.addf %add3A_2530, %gather3A_2543 : vector<16xf32>
      %xor3A_2545 = arith.constant 4 : i32
      %xor3A_2546 = vector.broadcast %xor3A_2545 : i32 to vector<16xi32>
      %xor3A_2547 = arith.xori %iota3A, %xor3A_2546 : vector<16xi32>
      %lt3A_2548 = arith.constant 0 : i32
      %lt3A_2549 = vector.broadcast %lt3A_2548 : i32 to vector<16xi32>
      %lt3A_2550 = arith.cmpi slt, %xor3A_2547, %lt3A_2549 : vector<16xi32>
      %add3A_2551 = arith.constant 16 : i32
      %add3A_2552 = vector.broadcast %add3A_2551 : i32 to vector<16xi32>
      %add3A_2553 = arith.addi %xor3A_2547, %add3A_2552 : vector<16xi32>
      %select_n3A_2554 = arith.select %lt3A_2550, %add3A_2553, %xor3A_2547 : vector<16xi1>, vector<16xi32>
      %broadcast_in_dim3A_2555 = vector.shape_cast %select_n3A_2554 : vector<16xi32> to vector<16x1xi32>
      %gather3A_2556 = vector.shape_cast %broadcast_in_dim3A_2555 : vector<16x1xi32> to vector<16xi32>
      %gather3A_2557 = tpu.dynamic_gather %add3A_2544[%gather3A_2556] in [0] : vector<16xf32>, vector<16xi32> -> vector<16xf32>
      %add3A_2558 = arith.addf %add3A_2544, %gather3A_2557 : vector<16xf32>
      %xor3A_2559 = arith.constant 2 : i32
      %xor3A_2560 = vector.broadcast %xor3A_2559 : i32 to vector<16xi32>
      %xor3A_2561 = arith.xori %iota3A, %xor3A_2560 : vector<16xi32>
      %lt3A_2562 = arith.constant 0 : i32
      %lt3A_2563 = vector.broadcast %lt3A_2562 : i32 to vector<16xi32>
      %lt3A_2564 = arith.cmpi slt, %xor3A_2561, %lt3A_2563 : vector<16xi32>
      %add3A_2565 = arith.constant 16 : i32
      %add3A_2566 = vector.broadcast %add3A_2565 : i32 to vector<16xi32>
      %add3A_2567 = arith.addi %xor3A_2561, %add3A_2566 : vector<16xi32>
      %select_n3A_2568 = arith.select %lt3A_2564, %add3A_2567, %xor3A_2561 : vector<16xi1>, vector<16xi32>
      %broadcast_in_dim3A_2569 = vector.shape_cast %select_n3A_2568 : vector<16xi32> to vector<16x1xi32>
      %gather3A_2570 = vector.shape_cast %broadcast_in_dim3A_2569 : vector<16x1xi32> to vector<16xi32>
      %gather3A_2571 = tpu.dynamic_gather %add3A_2558[%gather3A_2570] in [0] : vector<16xf32>, vector<16xi32> -> vector<16xf32>
      %add3A_2572 = arith.addf %add3A_2558, %gather3A_2571 : vector<16xf32>
      %xor3A_2573 = arith.constant 1 : i32
      %xor3A_2574 = vector.broadcast %xor3A_2573 : i32 to vector<16xi32>
      %xor3A_2575 = arith.xori %iota3A, %xor3A_2574 : vector<16xi32>
      %lt3A_2576 = arith.constant 0 : i32
      %lt3A_2577 = vector.broadcast %lt3A_2576 : i32 to vector<16xi32>
      %lt3A_2578 = arith.cmpi slt, %xor3A_2575, %lt3A_2577 : vector<16xi32>
      %add3A_2579 = arith.constant 16 : i32
      %add3A_2580 = vector.broadcast %add3A_2579 : i32 to vector<16xi32>
      %add3A_2581 = arith.addi %xor3A_2575, %add3A_2580 : vector<16xi32>
      %select_n3A_2582 = arith.select %lt3A_2578, %add3A_2581, %xor3A_2575 : vector<16xi1>, vector<16xi32>
      %broadcast_in_dim3A_2583 = vector.shape_cast %select_n3A_2582 : vector<16xi32> to vector<16x1xi32>
      %gather3A_2584 = vector.shape_cast %broadcast_in_dim3A_2583 : vector<16x1xi32> to vector<16xi32>
      %gather3A_2585 = tpu.dynamic_gather %add3A_2572[%gather3A_2584] in [0] : vector<16xf32>, vector<16xi32> -> vector<16xf32>
      %add3A_2586 = arith.addf %add3A_2572, %gather3A_2585 : vector<16xf32>
      %eq3A_2587 = arith.constant 9 : i32
      %eq3A_2588 = vector.broadcast %eq3A_2587 : i32 to vector<16xi32>
      %eq3A_2589 = arith.cmpi eq, %iota3A, %eq3A_2588 : vector<16xi32>
      %select_n3A_2590 = arith.select %eq3A_2589, %add3A_2586, %select_n3A_2434 : vector<16xi1>, vector<16xf32>
      %slice3A_2591 = vector.extract_strided_slice %get3A_1024 {offsets = [10], sizes = [1], strides = [1]} : vector<16xi32> to vector<1xi32>
      %squeeze3A_2592 = vector.extract %slice3A_2591[0] : i32 from vector<1xi32>
      %and3A_2593 = arith.constant 7 : i32
      %and3A_2594 = arith.andi %squeeze3A_2592, %and3A_2593 : i32
      %add3A_2595 = arith.constant 80 : i32
      %add3A_2596 = arith.addi %add3A_2595, %and3A_2594 : i32
      %slice3A_2597 = vector.extract_strided_slice %get3A_1029 {offsets = [10], sizes = [1], strides = [1]} : vector<16xi32> to vector<1xi32>
      %squeeze3A_2598 = vector.extract %slice3A_2597[0] : i32 from vector<1xi32>
      %and3A_2599 = arith.constant 7 : i32
      %and3A_2600 = arith.andi %squeeze3A_2598, %and3A_2599 : i32
      %add3A_2601 = arith.constant 80 : i32
      %add3A_2602 = arith.addi %add3A_2601, %and3A_2600 : i32
      %slice3A_2603 = vector.extract_strided_slice %get3A_1034 {offsets = [10], sizes = [1], strides = [1]} : vector<16xi32> to vector<1xi32>
      %squeeze3A_2604 = vector.extract %slice3A_2603[0] : i32 from vector<1xi32>
      %and3A_2605 = arith.constant 7 : i32
      %and3A_2606 = arith.andi %squeeze3A_2604, %and3A_2605 : i32
      %add3A_2607 = arith.constant 80 : i32
      %add3A_2608 = arith.addi %add3A_2607, %and3A_2606 : i32
      %broadcast_in_dim3A_2609 = arith.constant 0.000000e+00 : f32
      %broadcast_in_dim3A_2610 = vector.broadcast %broadcast_in_dim3A_2609 : f32 to vector<16xf32>
      %get3A_2611 = arith.index_cast %and3A_974 : i32 to index
      %get3A_2612 = arith.index_cast %add3A_2596 : i32 to index
      %get3A_2613 = arith.constant 0 : index
      %get3A_2614 = tpu.vector_load %arg11[%get3A_2611, %get3A_2612, %get3A_2613] {strides = array<i32>} : memref<2x128x64xf32, #tpu.memory_space<vmem>>, vector<1x1x16xf32>,
      %get3A_2615 = vector.shape_cast %get3A_2614 : vector<1x1x16xf32> to vector<16xf32>
      %get3A_2616 = arith.index_cast %and3A_974 : i32 to index
      %get3A_2617 = arith.index_cast %add3A_2608 : i32 to index
      %get3A_2618 = arith.constant 0 : index
      %get3A_2619 = tpu.vector_load %arg13[%get3A_2616, %get3A_2617, %get3A_2618] {strides = array<i32>} : memref<2x128x64xf32, #tpu.memory_space<vmem>>, vector<1x1x16xf32>,
      %get3A_2620 = vector.shape_cast %get3A_2619 : vector<1x1x16xf32> to vector<16xf32>
      %add3A_2621 = arith.addf %get3A_2615, %get3A_2620 : vector<16xf32>
      %get3A_2622 = arith.index_cast %and3A_974 : i32 to index
      %get3A_2623 = arith.index_cast %add3A_2602 : i32 to index
      %get3A_2624 = arith.constant 0 : index
      %get3A_2625 = tpu.vector_load %arg12[%get3A_2622, %get3A_2623, %get3A_2624] {strides = array<i32>} : memref<2x128x64xf32, #tpu.memory_space<vmem>>, vector<1x1x16xf32>,
      %get3A_2626 = vector.shape_cast %get3A_2625 : vector<1x1x16xf32> to vector<16xf32>
      %sub3A_2627 = arith.subf %add3A_2621, %get3A_2626 : vector<16xf32>
      %mul3A_2628 = arith.mulf %sub3A_2627, %sub3A_2627 : vector<16xf32>
      %add3A_2629 = arith.addf %broadcast_in_dim3A_2610, %mul3A_2628 : vector<16xf32>
      %get3A_2630 = arith.index_cast %and3A_974 : i32 to index
      %get3A_2631 = arith.index_cast %add3A_2596 : i32 to index
      %get3A_2632 = arith.constant 16 : index
      %get3A_2633 = tpu.vector_load %arg11[%get3A_2630, %get3A_2631, %get3A_2632] {strides = array<i32>} : memref<2x128x64xf32, #tpu.memory_space<vmem>>, vector<1x1x16xf32>,
      %get3A_2634 = vector.shape_cast %get3A_2633 : vector<1x1x16xf32> to vector<16xf32>
      %get3A_2635 = arith.index_cast %and3A_974 : i32 to index
      %get3A_2636 = arith.index_cast %add3A_2608 : i32 to index
      %get3A_2637 = arith.constant 16 : index
      %get3A_2638 = tpu.vector_load %arg13[%get3A_2635, %get3A_2636, %get3A_2637] {strides = array<i32>} : memref<2x128x64xf32, #tpu.memory_space<vmem>>, vector<1x1x16xf32>,
      %get3A_2639 = vector.shape_cast %get3A_2638 : vector<1x1x16xf32> to vector<16xf32>
      %add3A_2640 = arith.addf %get3A_2634, %get3A_2639 : vector<16xf32>
      %get3A_2641 = arith.index_cast %and3A_974 : i32 to index
      %get3A_2642 = arith.index_cast %add3A_2602 : i32 to index
      %get3A_2643 = arith.constant 16 : index
      %get3A_2644 = tpu.vector_load %arg12[%get3A_2641, %get3A_2642, %get3A_2643] {strides = array<i32>} : memref<2x128x64xf32, #tpu.memory_space<vmem>>, vector<1x1x16xf32>,
      %get3A_2645 = vector.shape_cast %get3A_2644 : vector<1x1x16xf32> to vector<16xf32>
      %sub3A_2646 = arith.subf %add3A_2640, %get3A_2645 : vector<16xf32>
      %mul3A_2647 = arith.mulf %sub3A_2646, %sub3A_2646 : vector<16xf32>
      %add3A_2648 = arith.addf %add3A_2629, %mul3A_2647 : vector<16xf32>
      %get3A_2649 = arith.index_cast %and3A_974 : i32 to index
      %get3A_2650 = arith.index_cast %add3A_2596 : i32 to index
      %get3A_2651 = arith.constant 32 : index
      %get3A_2652 = tpu.vector_load %arg11[%get3A_2649, %get3A_2650, %get3A_2651] {strides = array<i32>} : memref<2x128x64xf32, #tpu.memory_space<vmem>>, vector<1x1x16xf32>,
      %get3A_2653 = vector.shape_cast %get3A_2652 : vector<1x1x16xf32> to vector<16xf32>
      %get3A_2654 = arith.index_cast %and3A_974 : i32 to index
      %get3A_2655 = arith.index_cast %add3A_2608 : i32 to index
      %get3A_2656 = arith.constant 32 : index
      %get3A_2657 = tpu.vector_load %arg13[%get3A_2654, %get3A_2655, %get3A_2656] {strides = array<i32>} : memref<2x128x64xf32, #tpu.memory_space<vmem>>, vector<1x1x16xf32>,
      %get3A_2658 = vector.shape_cast %get3A_2657 : vector<1x1x16xf32> to vector<16xf32>
      %add3A_2659 = arith.addf %get3A_2653, %get3A_2658 : vector<16xf32>
      %get3A_2660 = arith.index_cast %and3A_974 : i32 to index
      %get3A_2661 = arith.index_cast %add3A_2602 : i32 to index
      %get3A_2662 = arith.constant 32 : index
      %get3A_2663 = tpu.vector_load %arg12[%get3A_2660, %get3A_2661, %get3A_2662] {strides = array<i32>} : memref<2x128x64xf32, #tpu.memory_space<vmem>>, vector<1x1x16xf32>,
      %get3A_2664 = vector.shape_cast %get3A_2663 : vector<1x1x16xf32> to vector<16xf32>
      %sub3A_2665 = arith.subf %add3A_2659, %get3A_2664 : vector<16xf32>
      %mul3A_2666 = arith.mulf %sub3A_2665, %sub3A_2665 : vector<16xf32>
      %add3A_2667 = arith.addf %add3A_2648, %mul3A_2666 : vector<16xf32>
      %get3A_2668 = arith.index_cast %and3A_974 : i32 to index
      %get3A_2669 = arith.index_cast %add3A_2596 : i32 to index
      %get3A_2670 = arith.constant 48 : index
      %get3A_2671 = tpu.vector_load %arg11[%get3A_2668, %get3A_2669, %get3A_2670] {strides = array<i32>} : memref<2x128x64xf32, #tpu.memory_space<vmem>>, vector<1x1x16xf32>,
      %get3A_2672 = vector.shape_cast %get3A_2671 : vector<1x1x16xf32> to vector<16xf32>
      %get3A_2673 = arith.index_cast %and3A_974 : i32 to index
      %get3A_2674 = arith.index_cast %add3A_2608 : i32 to index
      %get3A_2675 = arith.constant 48 : index
      %get3A_2676 = tpu.vector_load %arg13[%get3A_2673, %get3A_2674, %get3A_2675] {strides = array<i32>} : memref<2x128x64xf32, #tpu.memory_space<vmem>>, vector<1x1x16xf32>,
      %get3A_2677 = vector.shape_cast %get3A_2676 : vector<1x1x16xf32> to vector<16xf32>
      %add3A_2678 = arith.addf %get3A_2672, %get3A_2677 : vector<16xf32>
      %get3A_2679 = arith.index_cast %and3A_974 : i32 to index
      %get3A_2680 = arith.index_cast %add3A_2602 : i32 to index
      %get3A_2681 = arith.constant 48 : index
      %get3A_2682 = tpu.vector_load %arg12[%get3A_2679, %get3A_2680, %get3A_2681] {strides = array<i32>} : memref<2x128x64xf32, #tpu.memory_space<vmem>>, vector<1x1x16xf32>,
      %get3A_2683 = vector.shape_cast %get3A_2682 : vector<1x1x16xf32> to vector<16xf32>
      %sub3A_2684 = arith.subf %add3A_2678, %get3A_2683 : vector<16xf32>
      %mul3A_2685 = arith.mulf %sub3A_2684, %sub3A_2684 : vector<16xf32>
      %add3A_2686 = arith.addf %add3A_2667, %mul3A_2685 : vector<16xf32>
      %xor3A_2687 = arith.constant 8 : i32
      %xor3A_2688 = vector.broadcast %xor3A_2687 : i32 to vector<16xi32>
      %xor3A_2689 = arith.xori %iota3A, %xor3A_2688 : vector<16xi32>
      %lt3A_2690 = arith.constant 0 : i32
      %lt3A_2691 = vector.broadcast %lt3A_2690 : i32 to vector<16xi32>
      %lt3A_2692 = arith.cmpi slt, %xor3A_2689, %lt3A_2691 : vector<16xi32>
      %add3A_2693 = arith.constant 16 : i32
      %add3A_2694 = vector.broadcast %add3A_2693 : i32 to vector<16xi32>
      %add3A_2695 = arith.addi %xor3A_2689, %add3A_2694 : vector<16xi32>
      %select_n3A_2696 = arith.select %lt3A_2692, %add3A_2695, %xor3A_2689 : vector<16xi1>, vector<16xi32>
      %broadcast_in_dim3A_2697 = vector.shape_cast %select_n3A_2696 : vector<16xi32> to vector<16x1xi32>
      %gather3A_2698 = vector.shape_cast %broadcast_in_dim3A_2697 : vector<16x1xi32> to vector<16xi32>
      %gather3A_2699 = tpu.dynamic_gather %add3A_2686[%gather3A_2698] in [0] : vector<16xf32>, vector<16xi32> -> vector<16xf32>
      %add3A_2700 = arith.addf %add3A_2686, %gather3A_2699 : vector<16xf32>
      %xor3A_2701 = arith.constant 4 : i32
      %xor3A_2702 = vector.broadcast %xor3A_2701 : i32 to vector<16xi32>
      %xor3A_2703 = arith.xori %iota3A, %xor3A_2702 : vector<16xi32>
      %lt3A_2704 = arith.constant 0 : i32
      %lt3A_2705 = vector.broadcast %lt3A_2704 : i32 to vector<16xi32>
      %lt3A_2706 = arith.cmpi slt, %xor3A_2703, %lt3A_2705 : vector<16xi32>
      %add3A_2707 = arith.constant 16 : i32
      %add3A_2708 = vector.broadcast %add3A_2707 : i32 to vector<16xi32>
      %add3A_2709 = arith.addi %xor3A_2703, %add3A_2708 : vector<16xi32>
      %select_n3A_2710 = arith.select %lt3A_2706, %add3A_2709, %xor3A_2703 : vector<16xi1>, vector<16xi32>
      %broadcast_in_dim3A_2711 = vector.shape_cast %select_n3A_2710 : vector<16xi32> to vector<16x1xi32>
      %gather3A_2712 = vector.shape_cast %broadcast_in_dim3A_2711 : vector<16x1xi32> to vector<16xi32>
      %gather3A_2713 = tpu.dynamic_gather %add3A_2700[%gather3A_2712] in [0] : vector<16xf32>, vector<16xi32> -> vector<16xf32>
      %add3A_2714 = arith.addf %add3A_2700, %gather3A_2713 : vector<16xf32>
      %xor3A_2715 = arith.constant 2 : i32
      %xor3A_2716 = vector.broadcast %xor3A_2715 : i32 to vector<16xi32>
      %xor3A_2717 = arith.xori %iota3A, %xor3A_2716 : vector<16xi32>
      %lt3A_2718 = arith.constant 0 : i32
      %lt3A_2719 = vector.broadcast %lt3A_2718 : i32 to vector<16xi32>
      %lt3A_2720 = arith.cmpi slt, %xor3A_2717, %lt3A_2719 : vector<16xi32>
      %add3A_2721 = arith.constant 16 : i32
      %add3A_2722 = vector.broadcast %add3A_2721 : i32 to vector<16xi32>
      %add3A_2723 = arith.addi %xor3A_2717, %add3A_2722 : vector<16xi32>
      %select_n3A_2724 = arith.select %lt3A_2720, %add3A_2723, %xor3A_2717 : vector<16xi1>, vector<16xi32>
      %broadcast_in_dim3A_2725 = vector.shape_cast %select_n3A_2724 : vector<16xi32> to vector<16x1xi32>
      %gather3A_2726 = vector.shape_cast %broadcast_in_dim3A_2725 : vector<16x1xi32> to vector<16xi32>
      %gather3A_2727 = tpu.dynamic_gather %add3A_2714[%gather3A_2726] in [0] : vector<16xf32>, vector<16xi32> -> vector<16xf32>
      %add3A_2728 = arith.addf %add3A_2714, %gather3A_2727 : vector<16xf32>
      %xor3A_2729 = arith.constant 1 : i32
      %xor3A_2730 = vector.broadcast %xor3A_2729 : i32 to vector<16xi32>
      %xor3A_2731 = arith.xori %iota3A, %xor3A_2730 : vector<16xi32>
      %lt3A_2732 = arith.constant 0 : i32
      %lt3A_2733 = vector.broadcast %lt3A_2732 : i32 to vector<16xi32>
      %lt3A_2734 = arith.cmpi slt, %xor3A_2731, %lt3A_2733 : vector<16xi32>
      %add3A_2735 = arith.constant 16 : i32
      %add3A_2736 = vector.broadcast %add3A_2735 : i32 to vector<16xi32>
      %add3A_2737 = arith.addi %xor3A_2731, %add3A_2736 : vector<16xi32>
      %select_n3A_2738 = arith.select %lt3A_2734, %add3A_2737, %xor3A_2731 : vector<16xi1>, vector<16xi32>
      %broadcast_in_dim3A_2739 = vector.shape_cast %select_n3A_2738 : vector<16xi32> to vector<16x1xi32>
      %gather3A_2740 = vector.shape_cast %broadcast_in_dim3A_2739 : vector<16x1xi32> to vector<16xi32>
      %gather3A_2741 = tpu.dynamic_gather %add3A_2728[%gather3A_2740] in [0] : vector<16xf32>, vector<16xi32> -> vector<16xf32>
      %add3A_2742 = arith.addf %add3A_2728, %gather3A_2741 : vector<16xf32>
      %eq3A_2743 = arith.constant 10 : i32
      %eq3A_2744 = vector.broadcast %eq3A_2743 : i32 to vector<16xi32>
      %eq3A_2745 = arith.cmpi eq, %iota3A, %eq3A_2744 : vector<16xi32>
      %select_n3A_2746 = arith.select %eq3A_2745, %add3A_2742, %select_n3A_2590 : vector<16xi1>, vector<16xf32>
      %slice3A_2747 = vector.extract_strided_slice %get3A_1024 {offsets = [11], sizes = [1], strides = [1]} : vector<16xi32> to vector<1xi32>
      %squeeze3A_2748 = vector.extract %slice3A_2747[0] : i32 from vector<1xi32>
      %and3A_2749 = arith.constant 7 : i32
      %and3A_2750 = arith.andi %squeeze3A_2748, %and3A_2749 : i32
      %add3A_2751 = arith.constant 88 : i32
      %add3A_2752 = arith.addi %add3A_2751, %and3A_2750 : i32
      %slice3A_2753 = vector.extract_strided_slice %get3A_1029 {offsets = [11], sizes = [1], strides = [1]} : vector<16xi32> to vector<1xi32>
      %squeeze3A_2754 = vector.extract %slice3A_2753[0] : i32 from vector<1xi32>
      %and3A_2755 = arith.constant 7 : i32
      %and3A_2756 = arith.andi %squeeze3A_2754, %and3A_2755 : i32
      %add3A_2757 = arith.constant 88 : i32
      %add3A_2758 = arith.addi %add3A_2757, %and3A_2756 : i32
      %slice3A_2759 = vector.extract_strided_slice %get3A_1034 {offsets = [11], sizes = [1], strides = [1]} : vector<16xi32> to vector<1xi32>
      %squeeze3A_2760 = vector.extract %slice3A_2759[0] : i32 from vector<1xi32>
      %and3A_2761 = arith.constant 7 : i32
      %and3A_2762 = arith.andi %squeeze3A_2760, %and3A_2761 : i32
      %add3A_2763 = arith.constant 88 : i32
      %add3A_2764 = arith.addi %add3A_2763, %and3A_2762 : i32
      %broadcast_in_dim3A_2765 = arith.constant 0.000000e+00 : f32
      %broadcast_in_dim3A_2766 = vector.broadcast %broadcast_in_dim3A_2765 : f32 to vector<16xf32>
      %get3A_2767 = arith.index_cast %and3A_974 : i32 to index
      %get3A_2768 = arith.index_cast %add3A_2752 : i32 to index
      %get3A_2769 = arith.constant 0 : index
      %get3A_2770 = tpu.vector_load %arg11[%get3A_2767, %get3A_2768, %get3A_2769] {strides = array<i32>} : memref<2x128x64xf32, #tpu.memory_space<vmem>>, vector<1x1x16xf32>,
      %get3A_2771 = vector.shape_cast %get3A_2770 : vector<1x1x16xf32> to vector<16xf32>
      %get3A_2772 = arith.index_cast %and3A_974 : i32 to index
      %get3A_2773 = arith.index_cast %add3A_2764 : i32 to index
      %get3A_2774 = arith.constant 0 : index
      %get3A_2775 = tpu.vector_load %arg13[%get3A_2772, %get3A_2773, %get3A_2774] {strides = array<i32>} : memref<2x128x64xf32, #tpu.memory_space<vmem>>, vector<1x1x16xf32>,
      %get3A_2776 = vector.shape_cast %get3A_2775 : vector<1x1x16xf32> to vector<16xf32>
      %add3A_2777 = arith.addf %get3A_2771, %get3A_2776 : vector<16xf32>
      %get3A_2778 = arith.index_cast %and3A_974 : i32 to index
      %get3A_2779 = arith.index_cast %add3A_2758 : i32 to index
      %get3A_2780 = arith.constant 0 : index
      %get3A_2781 = tpu.vector_load %arg12[%get3A_2778, %get3A_2779, %get3A_2780] {strides = array<i32>} : memref<2x128x64xf32, #tpu.memory_space<vmem>>, vector<1x1x16xf32>,
      %get3A_2782 = vector.shape_cast %get3A_2781 : vector<1x1x16xf32> to vector<16xf32>
      %sub3A_2783 = arith.subf %add3A_2777, %get3A_2782 : vector<16xf32>
      %mul3A_2784 = arith.mulf %sub3A_2783, %sub3A_2783 : vector<16xf32>
      %add3A_2785 = arith.addf %broadcast_in_dim3A_2766, %mul3A_2784 : vector<16xf32>
      %get3A_2786 = arith.index_cast %and3A_974 : i32 to index
      %get3A_2787 = arith.index_cast %add3A_2752 : i32 to index
      %get3A_2788 = arith.constant 16 : index
      %get3A_2789 = tpu.vector_load %arg11[%get3A_2786, %get3A_2787, %get3A_2788] {strides = array<i32>} : memref<2x128x64xf32, #tpu.memory_space<vmem>>, vector<1x1x16xf32>,
      %get3A_2790 = vector.shape_cast %get3A_2789 : vector<1x1x16xf32> to vector<16xf32>
      %get3A_2791 = arith.index_cast %and3A_974 : i32 to index
      %get3A_2792 = arith.index_cast %add3A_2764 : i32 to index
      %get3A_2793 = arith.constant 16 : index
      %get3A_2794 = tpu.vector_load %arg13[%get3A_2791, %get3A_2792, %get3A_2793] {strides = array<i32>} : memref<2x128x64xf32, #tpu.memory_space<vmem>>, vector<1x1x16xf32>,
      %get3A_2795 = vector.shape_cast %get3A_2794 : vector<1x1x16xf32> to vector<16xf32>
      %add3A_2796 = arith.addf %get3A_2790, %get3A_2795 : vector<16xf32>
      %get3A_2797 = arith.index_cast %and3A_974 : i32 to index
      %get3A_2798 = arith.index_cast %add3A_2758 : i32 to index
      %get3A_2799 = arith.constant 16 : index
      %get3A_2800 = tpu.vector_load %arg12[%get3A_2797, %get3A_2798, %get3A_2799] {strides = array<i32>} : memref<2x128x64xf32, #tpu.memory_space<vmem>>, vector<1x1x16xf32>,
      %get3A_2801 = vector.shape_cast %get3A_2800 : vector<1x1x16xf32> to vector<16xf32>
      %sub3A_2802 = arith.subf %add3A_2796, %get3A_2801 : vector<16xf32>
      %mul3A_2803 = arith.mulf %sub3A_2802, %sub3A_2802 : vector<16xf32>
      %add3A_2804 = arith.addf %add3A_2785, %mul3A_2803 : vector<16xf32>
      %get3A_2805 = arith.index_cast %and3A_974 : i32 to index
      %get3A_2806 = arith.index_cast %add3A_2752 : i32 to index
      %get3A_2807 = arith.constant 32 : index
      %get3A_2808 = tpu.vector_load %arg11[%get3A_2805, %get3A_2806, %get3A_2807] {strides = array<i32>} : memref<2x128x64xf32, #tpu.memory_space<vmem>>, vector<1x1x16xf32>,
      %get3A_2809 = vector.shape_cast %get3A_2808 : vector<1x1x16xf32> to vector<16xf32>
      %get3A_2810 = arith.index_cast %and3A_974 : i32 to index
      %get3A_2811 = arith.index_cast %add3A_2764 : i32 to index
      %get3A_2812 = arith.constant 32 : index
      %get3A_2813 = tpu.vector_load %arg13[%get3A_2810, %get3A_2811, %get3A_2812] {strides = array<i32>} : memref<2x128x64xf32, #tpu.memory_space<vmem>>, vector<1x1x16xf32>,
      %get3A_2814 = vector.shape_cast %get3A_2813 : vector<1x1x16xf32> to vector<16xf32>
      %add3A_2815 = arith.addf %get3A_2809, %get3A_2814 : vector<16xf32>
      %get3A_2816 = arith.index_cast %and3A_974 : i32 to index
      %get3A_2817 = arith.index_cast %add3A_2758 : i32 to index
      %get3A_2818 = arith.constant 32 : index
      %get3A_2819 = tpu.vector_load %arg12[%get3A_2816, %get3A_2817, %get3A_2818] {strides = array<i32>} : memref<2x128x64xf32, #tpu.memory_space<vmem>>, vector<1x1x16xf32>,
      %get3A_2820 = vector.shape_cast %get3A_2819 : vector<1x1x16xf32> to vector<16xf32>
      %sub3A_2821 = arith.subf %add3A_2815, %get3A_2820 : vector<16xf32>
      %mul3A_2822 = arith.mulf %sub3A_2821, %sub3A_2821 : vector<16xf32>
      %add3A_2823 = arith.addf %add3A_2804, %mul3A_2822 : vector<16xf32>
      %get3A_2824 = arith.index_cast %and3A_974 : i32 to index
      %get3A_2825 = arith.index_cast %add3A_2752 : i32 to index
      %get3A_2826 = arith.constant 48 : index
      %get3A_2827 = tpu.vector_load %arg11[%get3A_2824, %get3A_2825, %get3A_2826] {strides = array<i32>} : memref<2x128x64xf32, #tpu.memory_space<vmem>>, vector<1x1x16xf32>,
      %get3A_2828 = vector.shape_cast %get3A_2827 : vector<1x1x16xf32> to vector<16xf32>
      %get3A_2829 = arith.index_cast %and3A_974 : i32 to index
      %get3A_2830 = arith.index_cast %add3A_2764 : i32 to index
      %get3A_2831 = arith.constant 48 : index
      %get3A_2832 = tpu.vector_load %arg13[%get3A_2829, %get3A_2830, %get3A_2831] {strides = array<i32>} : memref<2x128x64xf32, #tpu.memory_space<vmem>>, vector<1x1x16xf32>,
      %get3A_2833 = vector.shape_cast %get3A_2832 : vector<1x1x16xf32> to vector<16xf32>
      %add3A_2834 = arith.addf %get3A_2828, %get3A_2833 : vector<16xf32>
      %get3A_2835 = arith.index_cast %and3A_974 : i32 to index
      %get3A_2836 = arith.index_cast %add3A_2758 : i32 to index
      %get3A_2837 = arith.constant 48 : index
      %get3A_2838 = tpu.vector_load %arg12[%get3A_2835, %get3A_2836, %get3A_2837] {strides = array<i32>} : memref<2x128x64xf32, #tpu.memory_space<vmem>>, vector<1x1x16xf32>,
      %get3A_2839 = vector.shape_cast %get3A_2838 : vector<1x1x16xf32> to vector<16xf32>
      %sub3A_2840 = arith.subf %add3A_2834, %get3A_2839 : vector<16xf32>
      %mul3A_2841 = arith.mulf %sub3A_2840, %sub3A_2840 : vector<16xf32>
      %add3A_2842 = arith.addf %add3A_2823, %mul3A_2841 : vector<16xf32>
      %xor3A_2843 = arith.constant 8 : i32
      %xor3A_2844 = vector.broadcast %xor3A_2843 : i32 to vector<16xi32>
      %xor3A_2845 = arith.xori %iota3A, %xor3A_2844 : vector<16xi32>
      %lt3A_2846 = arith.constant 0 : i32
      %lt3A_2847 = vector.broadcast %lt3A_2846 : i32 to vector<16xi32>
      %lt3A_2848 = arith.cmpi slt, %xor3A_2845, %lt3A_2847 : vector<16xi32>
      %add3A_2849 = arith.constant 16 : i32
      %add3A_2850 = vector.broadcast %add3A_2849 : i32 to vector<16xi32>
      %add3A_2851 = arith.addi %xor3A_2845, %add3A_2850 : vector<16xi32>
      %select_n3A_2852 = arith.select %lt3A_2848, %add3A_2851, %xor3A_2845 : vector<16xi1>, vector<16xi32>
      %broadcast_in_dim3A_2853 = vector.shape_cast %select_n3A_2852 : vector<16xi32> to vector<16x1xi32>
      %gather3A_2854 = vector.shape_cast %broadcast_in_dim3A_2853 : vector<16x1xi32> to vector<16xi32>
      %gather3A_2855 = tpu.dynamic_gather %add3A_2842[%gather3A_2854] in [0] : vector<16xf32>, vector<16xi32> -> vector<16xf32>
      %add3A_2856 = arith.addf %add3A_2842, %gather3A_2855 : vector<16xf32>
      %xor3A_2857 = arith.constant 4 : i32
      %xor3A_2858 = vector.broadcast %xor3A_2857 : i32 to vector<16xi32>
      %xor3A_2859 = arith.xori %iota3A, %xor3A_2858 : vector<16xi32>
      %lt3A_2860 = arith.constant 0 : i32
      %lt3A_2861 = vector.broadcast %lt3A_2860 : i32 to vector<16xi32>
      %lt3A_2862 = arith.cmpi slt, %xor3A_2859, %lt3A_2861 : vector<16xi32>
      %add3A_2863 = arith.constant 16 : i32
      %add3A_2864 = vector.broadcast %add3A_2863 : i32 to vector<16xi32>
      %add3A_2865 = arith.addi %xor3A_2859, %add3A_2864 : vector<16xi32>
      %select_n3A_2866 = arith.select %lt3A_2862, %add3A_2865, %xor3A_2859 : vector<16xi1>, vector<16xi32>
      %broadcast_in_dim3A_2867 = vector.shape_cast %select_n3A_2866 : vector<16xi32> to vector<16x1xi32>
      %gather3A_2868 = vector.shape_cast %broadcast_in_dim3A_2867 : vector<16x1xi32> to vector<16xi32>
      %gather3A_2869 = tpu.dynamic_gather %add3A_2856[%gather3A_2868] in [0] : vector<16xf32>, vector<16xi32> -> vector<16xf32>
      %add3A_2870 = arith.addf %add3A_2856, %gather3A_2869 : vector<16xf32>
      %xor3A_2871 = arith.constant 2 : i32
      %xor3A_2872 = vector.broadcast %xor3A_2871 : i32 to vector<16xi32>
      %xor3A_2873 = arith.xori %iota3A, %xor3A_2872 : vector<16xi32>
      %lt3A_2874 = arith.constant 0 : i32
      %lt3A_2875 = vector.broadcast %lt3A_2874 : i32 to vector<16xi32>
      %lt3A_2876 = arith.cmpi slt, %xor3A_2873, %lt3A_2875 : vector<16xi32>
      %add3A_2877 = arith.constant 16 : i32
      %add3A_2878 = vector.broadcast %add3A_2877 : i32 to vector<16xi32>
      %add3A_2879 = arith.addi %xor3A_2873, %add3A_2878 : vector<16xi32>
      %select_n3A_2880 = arith.select %lt3A_2876, %add3A_2879, %xor3A_2873 : vector<16xi1>, vector<16xi32>
      %broadcast_in_dim3A_2881 = vector.shape_cast %select_n3A_2880 : vector<16xi32> to vector<16x1xi32>
      %gather3A_2882 = vector.shape_cast %broadcast_in_dim3A_2881 : vector<16x1xi32> to vector<16xi32>
      %gather3A_2883 = tpu.dynamic_gather %add3A_2870[%gather3A_2882] in [0] : vector<16xf32>, vector<16xi32> -> vector<16xf32>
      %add3A_2884 = arith.addf %add3A_2870, %gather3A_2883 : vector<16xf32>
      %xor3A_2885 = arith.constant 1 : i32
      %xor3A_2886 = vector.broadcast %xor3A_2885 : i32 to vector<16xi32>
      %xor3A_2887 = arith.xori %iota3A, %xor3A_2886 : vector<16xi32>
      %lt3A_2888 = arith.constant 0 : i32
      %lt3A_2889 = vector.broadcast %lt3A_2888 : i32 to vector<16xi32>
      %lt3A_2890 = arith.cmpi slt, %xor3A_2887, %lt3A_2889 : vector<16xi32>
      %add3A_2891 = arith.constant 16 : i32
      %add3A_2892 = vector.broadcast %add3A_2891 : i32 to vector<16xi32>
      %add3A_2893 = arith.addi %xor3A_2887, %add3A_2892 : vector<16xi32>
      %select_n3A_2894 = arith.select %lt3A_2890, %add3A_2893, %xor3A_2887 : vector<16xi1>, vector<16xi32>
      %broadcast_in_dim3A_2895 = vector.shape_cast %select_n3A_2894 : vector<16xi32> to vector<16x1xi32>
      %gather3A_2896 = vector.shape_cast %broadcast_in_dim3A_2895 : vector<16x1xi32> to vector<16xi32>
      %gather3A_2897 = tpu.dynamic_gather %add3A_2884[%gather3A_2896] in [0] : vector<16xf32>, vector<16xi32> -> vector<16xf32>
      %add3A_2898 = arith.addf %add3A_2884, %gather3A_2897 : vector<16xf32>
      %eq3A_2899 = arith.constant 11 : i32
      %eq3A_2900 = vector.broadcast %eq3A_2899 : i32 to vector<16xi32>
      %eq3A_2901 = arith.cmpi eq, %iota3A, %eq3A_2900 : vector<16xi32>
      %select_n3A_2902 = arith.select %eq3A_2901, %add3A_2898, %select_n3A_2746 : vector<16xi1>, vector<16xf32>
      %slice3A_2903 = vector.extract_strided_slice %get3A_1024 {offsets = [12], sizes = [1], strides = [1]} : vector<16xi32> to vector<1xi32>
      %squeeze3A_2904 = vector.extract %slice3A_2903[0] : i32 from vector<1xi32>
      %and3A_2905 = arith.constant 7 : i32
      %and3A_2906 = arith.andi %squeeze3A_2904, %and3A_2905 : i32
      %add3A_2907 = arith.constant 96 : i32
      %add3A_2908 = arith.addi %add3A_2907, %and3A_2906 : i32
      %slice3A_2909 = vector.extract_strided_slice %get3A_1029 {offsets = [12], sizes = [1], strides = [1]} : vector<16xi32> to vector<1xi32>
      %squeeze3A_2910 = vector.extract %slice3A_2909[0] : i32 from vector<1xi32>
      %and3A_2911 = arith.constant 7 : i32
      %and3A_2912 = arith.andi %squeeze3A_2910, %and3A_2911 : i32
      %add3A_2913 = arith.constant 96 : i32
      %add3A_2914 = arith.addi %add3A_2913, %and3A_2912 : i32
      %slice3A_2915 = vector.extract_strided_slice %get3A_1034 {offsets = [12], sizes = [1], strides = [1]} : vector<16xi32> to vector<1xi32>
      %squeeze3A_2916 = vector.extract %slice3A_2915[0] : i32 from vector<1xi32>
      %and3A_2917 = arith.constant 7 : i32
      %and3A_2918 = arith.andi %squeeze3A_2916, %and3A_2917 : i32
      %add3A_2919 = arith.constant 96 : i32
      %add3A_2920 = arith.addi %add3A_2919, %and3A_2918 : i32
      %broadcast_in_dim3A_2921 = arith.constant 0.000000e+00 : f32
      %broadcast_in_dim3A_2922 = vector.broadcast %broadcast_in_dim3A_2921 : f32 to vector<16xf32>
      %get3A_2923 = arith.index_cast %and3A_974 : i32 to index
      %get3A_2924 = arith.index_cast %add3A_2908 : i32 to index
      %get3A_2925 = arith.constant 0 : index
      %get3A_2926 = tpu.vector_load %arg11[%get3A_2923, %get3A_2924, %get3A_2925] {strides = array<i32>} : memref<2x128x64xf32, #tpu.memory_space<vmem>>, vector<1x1x16xf32>,
      %get3A_2927 = vector.shape_cast %get3A_2926 : vector<1x1x16xf32> to vector<16xf32>
      %get3A_2928 = arith.index_cast %and3A_974 : i32 to index
      %get3A_2929 = arith.index_cast %add3A_2920 : i32 to index
      %get3A_2930 = arith.constant 0 : index
      %get3A_2931 = tpu.vector_load %arg13[%get3A_2928, %get3A_2929, %get3A_2930] {strides = array<i32>} : memref<2x128x64xf32, #tpu.memory_space<vmem>>, vector<1x1x16xf32>,
      %get3A_2932 = vector.shape_cast %get3A_2931 : vector<1x1x16xf32> to vector<16xf32>
      %add3A_2933 = arith.addf %get3A_2927, %get3A_2932 : vector<16xf32>
      %get3A_2934 = arith.index_cast %and3A_974 : i32 to index
      %get3A_2935 = arith.index_cast %add3A_2914 : i32 to index
      %get3A_2936 = arith.constant 0 : index
      %get3A_2937 = tpu.vector_load %arg12[%get3A_2934, %get3A_2935, %get3A_2936] {strides = array<i32>} : memref<2x128x64xf32, #tpu.memory_space<vmem>>, vector<1x1x16xf32>,
      %get3A_2938 = vector.shape_cast %get3A_2937 : vector<1x1x16xf32> to vector<16xf32>
      %sub3A_2939 = arith.subf %add3A_2933, %get3A_2938 : vector<16xf32>
      %mul3A_2940 = arith.mulf %sub3A_2939, %sub3A_2939 : vector<16xf32>
      %add3A_2941 = arith.addf %broadcast_in_dim3A_2922, %mul3A_2940 : vector<16xf32>
      %get3A_2942 = arith.index_cast %and3A_974 : i32 to index
      %get3A_2943 = arith.index_cast %add3A_2908 : i32 to index
      %get3A_2944 = arith.constant 16 : index
      %get3A_2945 = tpu.vector_load %arg11[%get3A_2942, %get3A_2943, %get3A_2944] {strides = array<i32>} : memref<2x128x64xf32, #tpu.memory_space<vmem>>, vector<1x1x16xf32>,
      %get3A_2946 = vector.shape_cast %get3A_2945 : vector<1x1x16xf32> to vector<16xf32>
      %get3A_2947 = arith.index_cast %and3A_974 : i32 to index
      %get3A_2948 = arith.index_cast %add3A_2920 : i32 to index
      %get3A_2949 = arith.constant 16 : index
      %get3A_2950 = tpu.vector_load %arg13[%get3A_2947, %get3A_2948, %get3A_2949] {strides = array<i32>} : memref<2x128x64xf32, #tpu.memory_space<vmem>>, vector<1x1x16xf32>,
      %get3A_2951 = vector.shape_cast %get3A_2950 : vector<1x1x16xf32> to vector<16xf32>
      %add3A_2952 = arith.addf %get3A_2946, %get3A_2951 : vector<16xf32>
      %get3A_2953 = arith.index_cast %and3A_974 : i32 to index
      %get3A_2954 = arith.index_cast %add3A_2914 : i32 to index
      %get3A_2955 = arith.constant 16 : index
      %get3A_2956 = tpu.vector_load %arg12[%get3A_2953, %get3A_2954, %get3A_2955] {strides = array<i32>} : memref<2x128x64xf32, #tpu.memory_space<vmem>>, vector<1x1x16xf32>,
      %get3A_2957 = vector.shape_cast %get3A_2956 : vector<1x1x16xf32> to vector<16xf32>
      %sub3A_2958 = arith.subf %add3A_2952, %get3A_2957 : vector<16xf32>
      %mul3A_2959 = arith.mulf %sub3A_2958, %sub3A_2958 : vector<16xf32>
      %add3A_2960 = arith.addf %add3A_2941, %mul3A_2959 : vector<16xf32>
      %get3A_2961 = arith.index_cast %and3A_974 : i32 to index
      %get3A_2962 = arith.index_cast %add3A_2908 : i32 to index
      %get3A_2963 = arith.constant 32 : index
      %get3A_2964 = tpu.vector_load %arg11[%get3A_2961, %get3A_2962, %get3A_2963] {strides = array<i32>} : memref<2x128x64xf32, #tpu.memory_space<vmem>>, vector<1x1x16xf32>,
      %get3A_2965 = vector.shape_cast %get3A_2964 : vector<1x1x16xf32> to vector<16xf32>
      %get3A_2966 = arith.index_cast %and3A_974 : i32 to index
      %get3A_2967 = arith.index_cast %add3A_2920 : i32 to index
      %get3A_2968 = arith.constant 32 : index
      %get3A_2969 = tpu.vector_load %arg13[%get3A_2966, %get3A_2967, %get3A_2968] {strides = array<i32>} : memref<2x128x64xf32, #tpu.memory_space<vmem>>, vector<1x1x16xf32>,
      %get3A_2970 = vector.shape_cast %get3A_2969 : vector<1x1x16xf32> to vector<16xf32>
      %add3A_2971 = arith.addf %get3A_2965, %get3A_2970 : vector<16xf32>
      %get3A_2972 = arith.index_cast %and3A_974 : i32 to index
      %get3A_2973 = arith.index_cast %add3A_2914 : i32 to index
      %get3A_2974 = arith.constant 32 : index
      %get3A_2975 = tpu.vector_load %arg12[%get3A_2972, %get3A_2973, %get3A_2974] {strides = array<i32>} : memref<2x128x64xf32, #tpu.memory_space<vmem>>, vector<1x1x16xf32>,
      %get3A_2976 = vector.shape_cast %get3A_2975 : vector<1x1x16xf32> to vector<16xf32>
      %sub3A_2977 = arith.subf %add3A_2971, %get3A_2976 : vector<16xf32>
      %mul3A_2978 = arith.mulf %sub3A_2977, %sub3A_2977 : vector<16xf32>
      %add3A_2979 = arith.addf %add3A_2960, %mul3A_2978 : vector<16xf32>
      %get3A_2980 = arith.index_cast %and3A_974 : i32 to index
      %get3A_2981 = arith.index_cast %add3A_2908 : i32 to index
      %get3A_2982 = arith.constant 48 : index
      %get3A_2983 = tpu.vector_load %arg11[%get3A_2980, %get3A_2981, %get3A_2982] {strides = array<i32>} : memref<2x128x64xf32, #tpu.memory_space<vmem>>, vector<1x1x16xf32>,
      %get3A_2984 = vector.shape_cast %get3A_2983 : vector<1x1x16xf32> to vector<16xf32>
      %get3A_2985 = arith.index_cast %and3A_974 : i32 to index
      %get3A_2986 = arith.index_cast %add3A_2920 : i32 to index
      %get3A_2987 = arith.constant 48 : index
      %get3A_2988 = tpu.vector_load %arg13[%get3A_2985, %get3A_2986, %get3A_2987] {strides = array<i32>} : memref<2x128x64xf32, #tpu.memory_space<vmem>>, vector<1x1x16xf32>,
      %get3A_2989 = vector.shape_cast %get3A_2988 : vector<1x1x16xf32> to vector<16xf32>
      %add3A_2990 = arith.addf %get3A_2984, %get3A_2989 : vector<16xf32>
      %get3A_2991 = arith.index_cast %and3A_974 : i32 to index
      %get3A_2992 = arith.index_cast %add3A_2914 : i32 to index
      %get3A_2993 = arith.constant 48 : index
      %get3A_2994 = tpu.vector_load %arg12[%get3A_2991, %get3A_2992, %get3A_2993] {strides = array<i32>} : memref<2x128x64xf32, #tpu.memory_space<vmem>>, vector<1x1x16xf32>,
      %get3A_2995 = vector.shape_cast %get3A_2994 : vector<1x1x16xf32> to vector<16xf32>
      %sub3A_2996 = arith.subf %add3A_2990, %get3A_2995 : vector<16xf32>
      %mul3A_2997 = arith.mulf %sub3A_2996, %sub3A_2996 : vector<16xf32>
      %add3A_2998 = arith.addf %add3A_2979, %mul3A_2997 : vector<16xf32>
      %xor3A_2999 = arith.constant 8 : i32
      %xor3A_3000 = vector.broadcast %xor3A_2999 : i32 to vector<16xi32>
      %xor3A_3001 = arith.xori %iota3A, %xor3A_3000 : vector<16xi32>
      %lt3A_3002 = arith.constant 0 : i32
      %lt3A_3003 = vector.broadcast %lt3A_3002 : i32 to vector<16xi32>
      %lt3A_3004 = arith.cmpi slt, %xor3A_3001, %lt3A_3003 : vector<16xi32>
      %add3A_3005 = arith.constant 16 : i32
      %add3A_3006 = vector.broadcast %add3A_3005 : i32 to vector<16xi32>
      %add3A_3007 = arith.addi %xor3A_3001, %add3A_3006 : vector<16xi32>
      %select_n3A_3008 = arith.select %lt3A_3004, %add3A_3007, %xor3A_3001 : vector<16xi1>, vector<16xi32>
      %broadcast_in_dim3A_3009 = vector.shape_cast %select_n3A_3008 : vector<16xi32> to vector<16x1xi32>
      %gather3A_3010 = vector.shape_cast %broadcast_in_dim3A_3009 : vector<16x1xi32> to vector<16xi32>
      %gather3A_3011 = tpu.dynamic_gather %add3A_2998[%gather3A_3010] in [0] : vector<16xf32>, vector<16xi32> -> vector<16xf32>
      %add3A_3012 = arith.addf %add3A_2998, %gather3A_3011 : vector<16xf32>
      %xor3A_3013 = arith.constant 4 : i32
      %xor3A_3014 = vector.broadcast %xor3A_3013 : i32 to vector<16xi32>
      %xor3A_3015 = arith.xori %iota3A, %xor3A_3014 : vector<16xi32>
      %lt3A_3016 = arith.constant 0 : i32
      %lt3A_3017 = vector.broadcast %lt3A_3016 : i32 to vector<16xi32>
      %lt3A_3018 = arith.cmpi slt, %xor3A_3015, %lt3A_3017 : vector<16xi32>
      %add3A_3019 = arith.constant 16 : i32
      %add3A_3020 = vector.broadcast %add3A_3019 : i32 to vector<16xi32>
      %add3A_3021 = arith.addi %xor3A_3015, %add3A_3020 : vector<16xi32>
      %select_n3A_3022 = arith.select %lt3A_3018, %add3A_3021, %xor3A_3015 : vector<16xi1>, vector<16xi32>
      %broadcast_in_dim3A_3023 = vector.shape_cast %select_n3A_3022 : vector<16xi32> to vector<16x1xi32>
      %gather3A_3024 = vector.shape_cast %broadcast_in_dim3A_3023 : vector<16x1xi32> to vector<16xi32>
      %gather3A_3025 = tpu.dynamic_gather %add3A_3012[%gather3A_3024] in [0] : vector<16xf32>, vector<16xi32> -> vector<16xf32>
      %add3A_3026 = arith.addf %add3A_3012, %gather3A_3025 : vector<16xf32>
      %xor3A_3027 = arith.constant 2 : i32
      %xor3A_3028 = vector.broadcast %xor3A_3027 : i32 to vector<16xi32>
      %xor3A_3029 = arith.xori %iota3A, %xor3A_3028 : vector<16xi32>
      %lt3A_3030 = arith.constant 0 : i32
      %lt3A_3031 = vector.broadcast %lt3A_3030 : i32 to vector<16xi32>
      %lt3A_3032 = arith.cmpi slt, %xor3A_3029, %lt3A_3031 : vector<16xi32>
      %add3A_3033 = arith.constant 16 : i32
      %add3A_3034 = vector.broadcast %add3A_3033 : i32 to vector<16xi32>
      %add3A_3035 = arith.addi %xor3A_3029, %add3A_3034 : vector<16xi32>
      %select_n3A_3036 = arith.select %lt3A_3032, %add3A_3035, %xor3A_3029 : vector<16xi1>, vector<16xi32>
      %broadcast_in_dim3A_3037 = vector.shape_cast %select_n3A_3036 : vector<16xi32> to vector<16x1xi32>
      %gather3A_3038 = vector.shape_cast %broadcast_in_dim3A_3037 : vector<16x1xi32> to vector<16xi32>
      %gather3A_3039 = tpu.dynamic_gather %add3A_3026[%gather3A_3038] in [0] : vector<16xf32>, vector<16xi32> -> vector<16xf32>
      %add3A_3040 = arith.addf %add3A_3026, %gather3A_3039 : vector<16xf32>
      %xor3A_3041 = arith.constant 1 : i32
      %xor3A_3042 = vector.broadcast %xor3A_3041 : i32 to vector<16xi32>
      %xor3A_3043 = arith.xori %iota3A, %xor3A_3042 : vector<16xi32>
      %lt3A_3044 = arith.constant 0 : i32
      %lt3A_3045 = vector.broadcast %lt3A_3044 : i32 to vector<16xi32>
      %lt3A_3046 = arith.cmpi slt, %xor3A_3043, %lt3A_3045 : vector<16xi32>
      %add3A_3047 = arith.constant 16 : i32
      %add3A_3048 = vector.broadcast %add3A_3047 : i32 to vector<16xi32>
      %add3A_3049 = arith.addi %xor3A_3043, %add3A_3048 : vector<16xi32>
      %select_n3A_3050 = arith.select %lt3A_3046, %add3A_3049, %xor3A_3043 : vector<16xi1>, vector<16xi32>
      %broadcast_in_dim3A_3051 = vector.shape_cast %select_n3A_3050 : vector<16xi32> to vector<16x1xi32>
      %gather3A_3052 = vector.shape_cast %broadcast_in_dim3A_3051 : vector<16x1xi32> to vector<16xi32>
      %gather3A_3053 = tpu.dynamic_gather %add3A_3040[%gather3A_3052] in [0] : vector<16xf32>, vector<16xi32> -> vector<16xf32>
      %add3A_3054 = arith.addf %add3A_3040, %gather3A_3053 : vector<16xf32>
      %eq3A_3055 = arith.constant 12 : i32
      %eq3A_3056 = vector.broadcast %eq3A_3055 : i32 to vector<16xi32>
      %eq3A_3057 = arith.cmpi eq, %iota3A, %eq3A_3056 : vector<16xi32>
      %select_n3A_3058 = arith.select %eq3A_3057, %add3A_3054, %select_n3A_2902 : vector<16xi1>, vector<16xf32>
      %slice3A_3059 = vector.extract_strided_slice %get3A_1024 {offsets = [13], sizes = [1], strides = [1]} : vector<16xi32> to vector<1xi32>
      %squeeze3A_3060 = vector.extract %slice3A_3059[0] : i32 from vector<1xi32>
      %and3A_3061 = arith.constant 7 : i32
      %and3A_3062 = arith.andi %squeeze3A_3060, %and3A_3061 : i32
      %add3A_3063 = arith.constant 104 : i32
      %add3A_3064 = arith.addi %add3A_3063, %and3A_3062 : i32
      %slice3A_3065 = vector.extract_strided_slice %get3A_1029 {offsets = [13], sizes = [1], strides = [1]} : vector<16xi32> to vector<1xi32>
      %squeeze3A_3066 = vector.extract %slice3A_3065[0] : i32 from vector<1xi32>
      %and3A_3067 = arith.constant 7 : i32
      %and3A_3068 = arith.andi %squeeze3A_3066, %and3A_3067 : i32
      %add3A_3069 = arith.constant 104 : i32
      %add3A_3070 = arith.addi %add3A_3069, %and3A_3068 : i32
      %slice3A_3071 = vector.extract_strided_slice %get3A_1034 {offsets = [13], sizes = [1], strides = [1]} : vector<16xi32> to vector<1xi32>
      %squeeze3A_3072 = vector.extract %slice3A_3071[0] : i32 from vector<1xi32>
      %and3A_3073 = arith.constant 7 : i32
      %and3A_3074 = arith.andi %squeeze3A_3072, %and3A_3073 : i32
      %add3A_3075 = arith.constant 104 : i32
      %add3A_3076 = arith.addi %add3A_3075, %and3A_3074 : i32
      %broadcast_in_dim3A_3077 = arith.constant 0.000000e+00 : f32
      %broadcast_in_dim3A_3078 = vector.broadcast %broadcast_in_dim3A_3077 : f32 to vector<16xf32>
      %get3A_3079 = arith.index_cast %and3A_974 : i32 to index
      %get3A_3080 = arith.index_cast %add3A_3064 : i32 to index
      %get3A_3081 = arith.constant 0 : index
      %get3A_3082 = tpu.vector_load %arg11[%get3A_3079, %get3A_3080, %get3A_3081] {strides = array<i32>} : memref<2x128x64xf32, #tpu.memory_space<vmem>>, vector<1x1x16xf32>,
      %get3A_3083 = vector.shape_cast %get3A_3082 : vector<1x1x16xf32> to vector<16xf32>
      %get3A_3084 = arith.index_cast %and3A_974 : i32 to index
      %get3A_3085 = arith.index_cast %add3A_3076 : i32 to index
      %get3A_3086 = arith.constant 0 : index
      %get3A_3087 = tpu.vector_load %arg13[%get3A_3084, %get3A_3085, %get3A_3086] {strides = array<i32>} : memref<2x128x64xf32, #tpu.memory_space<vmem>>, vector<1x1x16xf32>,
      %get3A_3088 = vector.shape_cast %get3A_3087 : vector<1x1x16xf32> to vector<16xf32>
      %add3A_3089 = arith.addf %get3A_3083, %get3A_3088 : vector<16xf32>
      %get3A_3090 = arith.index_cast %and3A_974 : i32 to index
      %get3A_3091 = arith.index_cast %add3A_3070 : i32 to index
      %get3A_3092 = arith.constant 0 : index
      %get3A_3093 = tpu.vector_load %arg12[%get3A_3090, %get3A_3091, %get3A_3092] {strides = array<i32>} : memref<2x128x64xf32, #tpu.memory_space<vmem>>, vector<1x1x16xf32>,
      %get3A_3094 = vector.shape_cast %get3A_3093 : vector<1x1x16xf32> to vector<16xf32>
      %sub3A_3095 = arith.subf %add3A_3089, %get3A_3094 : vector<16xf32>
      %mul3A_3096 = arith.mulf %sub3A_3095, %sub3A_3095 : vector<16xf32>
      %add3A_3097 = arith.addf %broadcast_in_dim3A_3078, %mul3A_3096 : vector<16xf32>
      %get3A_3098 = arith.index_cast %and3A_974 : i32 to index
      %get3A_3099 = arith.index_cast %add3A_3064 : i32 to index
      %get3A_3100 = arith.constant 16 : index
      %get3A_3101 = tpu.vector_load %arg11[%get3A_3098, %get3A_3099, %get3A_3100] {strides = array<i32>} : memref<2x128x64xf32, #tpu.memory_space<vmem>>, vector<1x1x16xf32>,
      %get3A_3102 = vector.shape_cast %get3A_3101 : vector<1x1x16xf32> to vector<16xf32>
      %get3A_3103 = arith.index_cast %and3A_974 : i32 to index
      %get3A_3104 = arith.index_cast %add3A_3076 : i32 to index
      %get3A_3105 = arith.constant 16 : index
      %get3A_3106 = tpu.vector_load %arg13[%get3A_3103, %get3A_3104, %get3A_3105] {strides = array<i32>} : memref<2x128x64xf32, #tpu.memory_space<vmem>>, vector<1x1x16xf32>,
      %get3A_3107 = vector.shape_cast %get3A_3106 : vector<1x1x16xf32> to vector<16xf32>
      %add3A_3108 = arith.addf %get3A_3102, %get3A_3107 : vector<16xf32>
      %get3A_3109 = arith.index_cast %and3A_974 : i32 to index
      %get3A_3110 = arith.index_cast %add3A_3070 : i32 to index
      %get3A_3111 = arith.constant 16 : index
      %get3A_3112 = tpu.vector_load %arg12[%get3A_3109, %get3A_3110, %get3A_3111] {strides = array<i32>} : memref<2x128x64xf32, #tpu.memory_space<vmem>>, vector<1x1x16xf32>,
      %get3A_3113 = vector.shape_cast %get3A_3112 : vector<1x1x16xf32> to vector<16xf32>
      %sub3A_3114 = arith.subf %add3A_3108, %get3A_3113 : vector<16xf32>
      %mul3A_3115 = arith.mulf %sub3A_3114, %sub3A_3114 : vector<16xf32>
      %add3A_3116 = arith.addf %add3A_3097, %mul3A_3115 : vector<16xf32>
      %get3A_3117 = arith.index_cast %and3A_974 : i32 to index
      %get3A_3118 = arith.index_cast %add3A_3064 : i32 to index
      %get3A_3119 = arith.constant 32 : index
      %get3A_3120 = tpu.vector_load %arg11[%get3A_3117, %get3A_3118, %get3A_3119] {strides = array<i32>} : memref<2x128x64xf32, #tpu.memory_space<vmem>>, vector<1x1x16xf32>,
      %get3A_3121 = vector.shape_cast %get3A_3120 : vector<1x1x16xf32> to vector<16xf32>
      %get3A_3122 = arith.index_cast %and3A_974 : i32 to index
      %get3A_3123 = arith.index_cast %add3A_3076 : i32 to index
      %get3A_3124 = arith.constant 32 : index
      %get3A_3125 = tpu.vector_load %arg13[%get3A_3122, %get3A_3123, %get3A_3124] {strides = array<i32>} : memref<2x128x64xf32, #tpu.memory_space<vmem>>, vector<1x1x16xf32>,
      %get3A_3126 = vector.shape_cast %get3A_3125 : vector<1x1x16xf32> to vector<16xf32>
      %add3A_3127 = arith.addf %get3A_3121, %get3A_3126 : vector<16xf32>
      %get3A_3128 = arith.index_cast %and3A_974 : i32 to index
      %get3A_3129 = arith.index_cast %add3A_3070 : i32 to index
      %get3A_3130 = arith.constant 32 : index
      %get3A_3131 = tpu.vector_load %arg12[%get3A_3128, %get3A_3129, %get3A_3130] {strides = array<i32>} : memref<2x128x64xf32, #tpu.memory_space<vmem>>, vector<1x1x16xf32>,
      %get3A_3132 = vector.shape_cast %get3A_3131 : vector<1x1x16xf32> to vector<16xf32>
      %sub3A_3133 = arith.subf %add3A_3127, %get3A_3132 : vector<16xf32>
      %mul3A_3134 = arith.mulf %sub3A_3133, %sub3A_3133 : vector<16xf32>
      %add3A_3135 = arith.addf %add3A_3116, %mul3A_3134 : vector<16xf32>
      %get3A_3136 = arith.index_cast %and3A_974 : i32 to index
      %get3A_3137 = arith.index_cast %add3A_3064 : i32 to index
      %get3A_3138 = arith.constant 48 : index
      %get3A_3139 = tpu.vector_load %arg11[%get3A_3136, %get3A_3137, %get3A_3138] {strides = array<i32>} : memref<2x128x64xf32, #tpu.memory_space<vmem>>, vector<1x1x16xf32>,
      %get3A_3140 = vector.shape_cast %get3A_3139 : vector<1x1x16xf32> to vector<16xf32>
      %get3A_3141 = arith.index_cast %and3A_974 : i32 to index
      %get3A_3142 = arith.index_cast %add3A_3076 : i32 to index
      %get3A_3143 = arith.constant 48 : index
      %get3A_3144 = tpu.vector_load %arg13[%get3A_3141, %get3A_3142, %get3A_3143] {strides = array<i32>} : memref<2x128x64xf32, #tpu.memory_space<vmem>>, vector<1x1x16xf32>,
      %get3A_3145 = vector.shape_cast %get3A_3144 : vector<1x1x16xf32> to vector<16xf32>
      %add3A_3146 = arith.addf %get3A_3140, %get3A_3145 : vector<16xf32>
      %get3A_3147 = arith.index_cast %and3A_974 : i32 to index
      %get3A_3148 = arith.index_cast %add3A_3070 : i32 to index
      %get3A_3149 = arith.constant 48 : index
      %get3A_3150 = tpu.vector_load %arg12[%get3A_3147, %get3A_3148, %get3A_3149] {strides = array<i32>} : memref<2x128x64xf32, #tpu.memory_space<vmem>>, vector<1x1x16xf32>,
      %get3A_3151 = vector.shape_cast %get3A_3150 : vector<1x1x16xf32> to vector<16xf32>
      %sub3A_3152 = arith.subf %add3A_3146, %get3A_3151 : vector<16xf32>
      %mul3A_3153 = arith.mulf %sub3A_3152, %sub3A_3152 : vector<16xf32>
      %add3A_3154 = arith.addf %add3A_3135, %mul3A_3153 : vector<16xf32>
      %xor3A_3155 = arith.constant 8 : i32
      %xor3A_3156 = vector.broadcast %xor3A_3155 : i32 to vector<16xi32>
      %xor3A_3157 = arith.xori %iota3A, %xor3A_3156 : vector<16xi32>
      %lt3A_3158 = arith.constant 0 : i32
      %lt3A_3159 = vector.broadcast %lt3A_3158 : i32 to vector<16xi32>
      %lt3A_3160 = arith.cmpi slt, %xor3A_3157, %lt3A_3159 : vector<16xi32>
      %add3A_3161 = arith.constant 16 : i32
      %add3A_3162 = vector.broadcast %add3A_3161 : i32 to vector<16xi32>
      %add3A_3163 = arith.addi %xor3A_3157, %add3A_3162 : vector<16xi32>
      %select_n3A_3164 = arith.select %lt3A_3160, %add3A_3163, %xor3A_3157 : vector<16xi1>, vector<16xi32>
      %broadcast_in_dim3A_3165 = vector.shape_cast %select_n3A_3164 : vector<16xi32> to vector<16x1xi32>
      %gather3A_3166 = vector.shape_cast %broadcast_in_dim3A_3165 : vector<16x1xi32> to vector<16xi32>
      %gather3A_3167 = tpu.dynamic_gather %add3A_3154[%gather3A_3166] in [0] : vector<16xf32>, vector<16xi32> -> vector<16xf32>
      %add3A_3168 = arith.addf %add3A_3154, %gather3A_3167 : vector<16xf32>
      %xor3A_3169 = arith.constant 4 : i32
      %xor3A_3170 = vector.broadcast %xor3A_3169 : i32 to vector<16xi32>
      %xor3A_3171 = arith.xori %iota3A, %xor3A_3170 : vector<16xi32>
      %lt3A_3172 = arith.constant 0 : i32
      %lt3A_3173 = vector.broadcast %lt3A_3172 : i32 to vector<16xi32>
      %lt3A_3174 = arith.cmpi slt, %xor3A_3171, %lt3A_3173 : vector<16xi32>
      %add3A_3175 = arith.constant 16 : i32
      %add3A_3176 = vector.broadcast %add3A_3175 : i32 to vector<16xi32>
      %add3A_3177 = arith.addi %xor3A_3171, %add3A_3176 : vector<16xi32>
      %select_n3A_3178 = arith.select %lt3A_3174, %add3A_3177, %xor3A_3171 : vector<16xi1>, vector<16xi32>
      %broadcast_in_dim3A_3179 = vector.shape_cast %select_n3A_3178 : vector<16xi32> to vector<16x1xi32>
      %gather3A_3180 = vector.shape_cast %broadcast_in_dim3A_3179 : vector<16x1xi32> to vector<16xi32>
      %gather3A_3181 = tpu.dynamic_gather %add3A_3168[%gather3A_3180] in [0] : vector<16xf32>, vector<16xi32> -> vector<16xf32>
      %add3A_3182 = arith.addf %add3A_3168, %gather3A_3181 : vector<16xf32>
      %xor3A_3183 = arith.constant 2 : i32
      %xor3A_3184 = vector.broadcast %xor3A_3183 : i32 to vector<16xi32>
      %xor3A_3185 = arith.xori %iota3A, %xor3A_3184 : vector<16xi32>
      %lt3A_3186 = arith.constant 0 : i32
      %lt3A_3187 = vector.broadcast %lt3A_3186 : i32 to vector<16xi32>
      %lt3A_3188 = arith.cmpi slt, %xor3A_3185, %lt3A_3187 : vector<16xi32>
      %add3A_3189 = arith.constant 16 : i32
      %add3A_3190 = vector.broadcast %add3A_3189 : i32 to vector<16xi32>
      %add3A_3191 = arith.addi %xor3A_3185, %add3A_3190 : vector<16xi32>
      %select_n3A_3192 = arith.select %lt3A_3188, %add3A_3191, %xor3A_3185 : vector<16xi1>, vector<16xi32>
      %broadcast_in_dim3A_3193 = vector.shape_cast %select_n3A_3192 : vector<16xi32> to vector<16x1xi32>
      %gather3A_3194 = vector.shape_cast %broadcast_in_dim3A_3193 : vector<16x1xi32> to vector<16xi32>
      %gather3A_3195 = tpu.dynamic_gather %add3A_3182[%gather3A_3194] in [0] : vector<16xf32>, vector<16xi32> -> vector<16xf32>
      %add3A_3196 = arith.addf %add3A_3182, %gather3A_3195 : vector<16xf32>
      %xor3A_3197 = arith.constant 1 : i32
      %xor3A_3198 = vector.broadcast %xor3A_3197 : i32 to vector<16xi32>
      %xor3A_3199 = arith.xori %iota3A, %xor3A_3198 : vector<16xi32>
      %lt3A_3200 = arith.constant 0 : i32
      %lt3A_3201 = vector.broadcast %lt3A_3200 : i32 to vector<16xi32>
      %lt3A_3202 = arith.cmpi slt, %xor3A_3199, %lt3A_3201 : vector<16xi32>
      %add3A_3203 = arith.constant 16 : i32
      %add3A_3204 = vector.broadcast %add3A_3203 : i32 to vector<16xi32>
      %add3A_3205 = arith.addi %xor3A_3199, %add3A_3204 : vector<16xi32>
      %select_n3A_3206 = arith.select %lt3A_3202, %add3A_3205, %xor3A_3199 : vector<16xi1>, vector<16xi32>
      %broadcast_in_dim3A_3207 = vector.shape_cast %select_n3A_3206 : vector<16xi32> to vector<16x1xi32>
      %gather3A_3208 = vector.shape_cast %broadcast_in_dim3A_3207 : vector<16x1xi32> to vector<16xi32>
      %gather3A_3209 = tpu.dynamic_gather %add3A_3196[%gather3A_3208] in [0] : vector<16xf32>, vector<16xi32> -> vector<16xf32>
      %add3A_3210 = arith.addf %add3A_3196, %gather3A_3209 : vector<16xf32>
      %eq3A_3211 = arith.constant 13 : i32
      %eq3A_3212 = vector.broadcast %eq3A_3211 : i32 to vector<16xi32>
      %eq3A_3213 = arith.cmpi eq, %iota3A, %eq3A_3212 : vector<16xi32>
      %select_n3A_3214 = arith.select %eq3A_3213, %add3A_3210, %select_n3A_3058 : vector<16xi1>, vector<16xf32>
      %slice3A_3215 = vector.extract_strided_slice %get3A_1024 {offsets = [14], sizes = [1], strides = [1]} : vector<16xi32> to vector<1xi32>
      %squeeze3A_3216 = vector.extract %slice3A_3215[0] : i32 from vector<1xi32>
      %and3A_3217 = arith.constant 7 : i32
      %and3A_3218 = arith.andi %squeeze3A_3216, %and3A_3217 : i32
      %add3A_3219 = arith.constant 112 : i32
      %add3A_3220 = arith.addi %add3A_3219, %and3A_3218 : i32
      %slice3A_3221 = vector.extract_strided_slice %get3A_1029 {offsets = [14], sizes = [1], strides = [1]} : vector<16xi32> to vector<1xi32>
      %squeeze3A_3222 = vector.extract %slice3A_3221[0] : i32 from vector<1xi32>
      %and3A_3223 = arith.constant 7 : i32
      %and3A_3224 = arith.andi %squeeze3A_3222, %and3A_3223 : i32
      %add3A_3225 = arith.constant 112 : i32
      %add3A_3226 = arith.addi %add3A_3225, %and3A_3224 : i32
      %slice3A_3227 = vector.extract_strided_slice %get3A_1034 {offsets = [14], sizes = [1], strides = [1]} : vector<16xi32> to vector<1xi32>
      %squeeze3A_3228 = vector.extract %slice3A_3227[0] : i32 from vector<1xi32>
      %and3A_3229 = arith.constant 7 : i32
      %and3A_3230 = arith.andi %squeeze3A_3228, %and3A_3229 : i32
      %add3A_3231 = arith.constant 112 : i32
      %add3A_3232 = arith.addi %add3A_3231, %and3A_3230 : i32
      %broadcast_in_dim3A_3233 = arith.constant 0.000000e+00 : f32
      %broadcast_in_dim3A_3234 = vector.broadcast %broadcast_in_dim3A_3233 : f32 to vector<16xf32>
      %get3A_3235 = arith.index_cast %and3A_974 : i32 to index
      %get3A_3236 = arith.index_cast %add3A_3220 : i32 to index
      %get3A_3237 = arith.constant 0 : index
      %get3A_3238 = tpu.vector_load %arg11[%get3A_3235, %get3A_3236, %get3A_3237] {strides = array<i32>} : memref<2x128x64xf32, #tpu.memory_space<vmem>>, vector<1x1x16xf32>,
      %get3A_3239 = vector.shape_cast %get3A_3238 : vector<1x1x16xf32> to vector<16xf32>
      %get3A_3240 = arith.index_cast %and3A_974 : i32 to index
      %get3A_3241 = arith.index_cast %add3A_3232 : i32 to index
      %get3A_3242 = arith.constant 0 : index
      %get3A_3243 = tpu.vector_load %arg13[%get3A_3240, %get3A_3241, %get3A_3242] {strides = array<i32>} : memref<2x128x64xf32, #tpu.memory_space<vmem>>, vector<1x1x16xf32>,
      %get3A_3244 = vector.shape_cast %get3A_3243 : vector<1x1x16xf32> to vector<16xf32>
      %add3A_3245 = arith.addf %get3A_3239, %get3A_3244 : vector<16xf32>
      %get3A_3246 = arith.index_cast %and3A_974 : i32 to index
      %get3A_3247 = arith.index_cast %add3A_3226 : i32 to index
      %get3A_3248 = arith.constant 0 : index
      %get3A_3249 = tpu.vector_load %arg12[%get3A_3246, %get3A_3247, %get3A_3248] {strides = array<i32>} : memref<2x128x64xf32, #tpu.memory_space<vmem>>, vector<1x1x16xf32>,
      %get3A_3250 = vector.shape_cast %get3A_3249 : vector<1x1x16xf32> to vector<16xf32>
      %sub3A_3251 = arith.subf %add3A_3245, %get3A_3250 : vector<16xf32>
      %mul3A_3252 = arith.mulf %sub3A_3251, %sub3A_3251 : vector<16xf32>
      %add3A_3253 = arith.addf %broadcast_in_dim3A_3234, %mul3A_3252 : vector<16xf32>
      %get3A_3254 = arith.index_cast %and3A_974 : i32 to index
      %get3A_3255 = arith.index_cast %add3A_3220 : i32 to index
      %get3A_3256 = arith.constant 16 : index
      %get3A_3257 = tpu.vector_load %arg11[%get3A_3254, %get3A_3255, %get3A_3256] {strides = array<i32>} : memref<2x128x64xf32, #tpu.memory_space<vmem>>, vector<1x1x16xf32>,
      %get3A_3258 = vector.shape_cast %get3A_3257 : vector<1x1x16xf32> to vector<16xf32>
      %get3A_3259 = arith.index_cast %and3A_974 : i32 to index
      %get3A_3260 = arith.index_cast %add3A_3232 : i32 to index
      %get3A_3261 = arith.constant 16 : index
      %get3A_3262 = tpu.vector_load %arg13[%get3A_3259, %get3A_3260, %get3A_3261] {strides = array<i32>} : memref<2x128x64xf32, #tpu.memory_space<vmem>>, vector<1x1x16xf32>,
      %get3A_3263 = vector.shape_cast %get3A_3262 : vector<1x1x16xf32> to vector<16xf32>
      %add3A_3264 = arith.addf %get3A_3258, %get3A_3263 : vector<16xf32>
      %get3A_3265 = arith.index_cast %and3A_974 : i32 to index
      %get3A_3266 = arith.index_cast %add3A_3226 : i32 to index
      %get3A_3267 = arith.constant 16 : index
      %get3A_3268 = tpu.vector_load %arg12[%get3A_3265, %get3A_3266, %get3A_3267] {strides = array<i32>} : memref<2x128x64xf32, #tpu.memory_space<vmem>>, vector<1x1x16xf32>,
      %get3A_3269 = vector.shape_cast %get3A_3268 : vector<1x1x16xf32> to vector<16xf32>
      %sub3A_3270 = arith.subf %add3A_3264, %get3A_3269 : vector<16xf32>
      %mul3A_3271 = arith.mulf %sub3A_3270, %sub3A_3270 : vector<16xf32>
      %add3A_3272 = arith.addf %add3A_3253, %mul3A_3271 : vector<16xf32>
      %get3A_3273 = arith.index_cast %and3A_974 : i32 to index
      %get3A_3274 = arith.index_cast %add3A_3220 : i32 to index
      %get3A_3275 = arith.constant 32 : index
      %get3A_3276 = tpu.vector_load %arg11[%get3A_3273, %get3A_3274, %get3A_3275] {strides = array<i32>} : memref<2x128x64xf32, #tpu.memory_space<vmem>>, vector<1x1x16xf32>,
      %get3A_3277 = vector.shape_cast %get3A_3276 : vector<1x1x16xf32> to vector<16xf32>
      %get3A_3278 = arith.index_cast %and3A_974 : i32 to index
      %get3A_3279 = arith.index_cast %add3A_3232 : i32 to index
      %get3A_3280 = arith.constant 32 : index
      %get3A_3281 = tpu.vector_load %arg13[%get3A_3278, %get3A_3279, %get3A_3280] {strides = array<i32>} : memref<2x128x64xf32, #tpu.memory_space<vmem>>, vector<1x1x16xf32>,
      %get3A_3282 = vector.shape_cast %get3A_3281 : vector<1x1x16xf32> to vector<16xf32>
      %add3A_3283 = arith.addf %get3A_3277, %get3A_3282 : vector<16xf32>
      %get3A_3284 = arith.index_cast %and3A_974 : i32 to index
      %get3A_3285 = arith.index_cast %add3A_3226 : i32 to index
      %get3A_3286 = arith.constant 32 : index
      %get3A_3287 = tpu.vector_load %arg12[%get3A_3284, %get3A_3285, %get3A_3286] {strides = array<i32>} : memref<2x128x64xf32, #tpu.memory_space<vmem>>, vector<1x1x16xf32>,
      %get3A_3288 = vector.shape_cast %get3A_3287 : vector<1x1x16xf32> to vector<16xf32>
      %sub3A_3289 = arith.subf %add3A_3283, %get3A_3288 : vector<16xf32>
      %mul3A_3290 = arith.mulf %sub3A_3289, %sub3A_3289 : vector<16xf32>
      %add3A_3291 = arith.addf %add3A_3272, %mul3A_3290 : vector<16xf32>
      %get3A_3292 = arith.index_cast %and3A_974 : i32 to index
      %get3A_3293 = arith.index_cast %add3A_3220 : i32 to index
      %get3A_3294 = arith.constant 48 : index
      %get3A_3295 = tpu.vector_load %arg11[%get3A_3292, %get3A_3293, %get3A_3294] {strides = array<i32>} : memref<2x128x64xf32, #tpu.memory_space<vmem>>, vector<1x1x16xf32>,
      %get3A_3296 = vector.shape_cast %get3A_3295 : vector<1x1x16xf32> to vector<16xf32>
      %get3A_3297 = arith.index_cast %and3A_974 : i32 to index
      %get3A_3298 = arith.index_cast %add3A_3232 : i32 to index
      %get3A_3299 = arith.constant 48 : index
      %get3A_3300 = tpu.vector_load %arg13[%get3A_3297, %get3A_3298, %get3A_3299] {strides = array<i32>} : memref<2x128x64xf32, #tpu.memory_space<vmem>>, vector<1x1x16xf32>,
      %get3A_3301 = vector.shape_cast %get3A_3300 : vector<1x1x16xf32> to vector<16xf32>
      %add3A_3302 = arith.addf %get3A_3296, %get3A_3301 : vector<16xf32>
      %get3A_3303 = arith.index_cast %and3A_974 : i32 to index
      %get3A_3304 = arith.index_cast %add3A_3226 : i32 to index
      %get3A_3305 = arith.constant 48 : index
      %get3A_3306 = tpu.vector_load %arg12[%get3A_3303, %get3A_3304, %get3A_3305] {strides = array<i32>} : memref<2x128x64xf32, #tpu.memory_space<vmem>>, vector<1x1x16xf32>,
      %get3A_3307 = vector.shape_cast %get3A_3306 : vector<1x1x16xf32> to vector<16xf32>
      %sub3A_3308 = arith.subf %add3A_3302, %get3A_3307 : vector<16xf32>
      %mul3A_3309 = arith.mulf %sub3A_3308, %sub3A_3308 : vector<16xf32>
      %add3A_3310 = arith.addf %add3A_3291, %mul3A_3309 : vector<16xf32>
      %xor3A_3311 = arith.constant 8 : i32
      %xor3A_3312 = vector.broadcast %xor3A_3311 : i32 to vector<16xi32>
      %xor3A_3313 = arith.xori %iota3A, %xor3A_3312 : vector<16xi32>
      %lt3A_3314 = arith.constant 0 : i32
      %lt3A_3315 = vector.broadcast %lt3A_3314 : i32 to vector<16xi32>
      %lt3A_3316 = arith.cmpi slt, %xor3A_3313, %lt3A_3315 : vector<16xi32>
      %add3A_3317 = arith.constant 16 : i32
      %add3A_3318 = vector.broadcast %add3A_3317 : i32 to vector<16xi32>
      %add3A_3319 = arith.addi %xor3A_3313, %add3A_3318 : vector<16xi32>
      %select_n3A_3320 = arith.select %lt3A_3316, %add3A_3319, %xor3A_3313 : vector<16xi1>, vector<16xi32>
      %broadcast_in_dim3A_3321 = vector.shape_cast %select_n3A_3320 : vector<16xi32> to vector<16x1xi32>
      %gather3A_3322 = vector.shape_cast %broadcast_in_dim3A_3321 : vector<16x1xi32> to vector<16xi32>
      %gather3A_3323 = tpu.dynamic_gather %add3A_3310[%gather3A_3322] in [0] : vector<16xf32>, vector<16xi32> -> vector<16xf32>
      %add3A_3324 = arith.addf %add3A_3310, %gather3A_3323 : vector<16xf32>
      %xor3A_3325 = arith.constant 4 : i32
      %xor3A_3326 = vector.broadcast %xor3A_3325 : i32 to vector<16xi32>
      %xor3A_3327 = arith.xori %iota3A, %xor3A_3326 : vector<16xi32>
      %lt3A_3328 = arith.constant 0 : i32
      %lt3A_3329 = vector.broadcast %lt3A_3328 : i32 to vector<16xi32>
      %lt3A_3330 = arith.cmpi slt, %xor3A_3327, %lt3A_3329 : vector<16xi32>
      %add3A_3331 = arith.constant 16 : i32
      %add3A_3332 = vector.broadcast %add3A_3331 : i32 to vector<16xi32>
      %add3A_3333 = arith.addi %xor3A_3327, %add3A_3332 : vector<16xi32>
      %select_n3A_3334 = arith.select %lt3A_3330, %add3A_3333, %xor3A_3327 : vector<16xi1>, vector<16xi32>
      %broadcast_in_dim3A_3335 = vector.shape_cast %select_n3A_3334 : vector<16xi32> to vector<16x1xi32>
      %gather3A_3336 = vector.shape_cast %broadcast_in_dim3A_3335 : vector<16x1xi32> to vector<16xi32>
      %gather3A_3337 = tpu.dynamic_gather %add3A_3324[%gather3A_3336] in [0] : vector<16xf32>, vector<16xi32> -> vector<16xf32>
      %add3A_3338 = arith.addf %add3A_3324, %gather3A_3337 : vector<16xf32>
      %xor3A_3339 = arith.constant 2 : i32
      %xor3A_3340 = vector.broadcast %xor3A_3339 : i32 to vector<16xi32>
      %xor3A_3341 = arith.xori %iota3A, %xor3A_3340 : vector<16xi32>
      %lt3A_3342 = arith.constant 0 : i32
      %lt3A_3343 = vector.broadcast %lt3A_3342 : i32 to vector<16xi32>
      %lt3A_3344 = arith.cmpi slt, %xor3A_3341, %lt3A_3343 : vector<16xi32>
      %add3A_3345 = arith.constant 16 : i32
      %add3A_3346 = vector.broadcast %add3A_3345 : i32 to vector<16xi32>
      %add3A_3347 = arith.addi %xor3A_3341, %add3A_3346 : vector<16xi32>
      %select_n3A_3348 = arith.select %lt3A_3344, %add3A_3347, %xor3A_3341 : vector<16xi1>, vector<16xi32>
      %broadcast_in_dim3A_3349 = vector.shape_cast %select_n3A_3348 : vector<16xi32> to vector<16x1xi32>
      %gather3A_3350 = vector.shape_cast %broadcast_in_dim3A_3349 : vector<16x1xi32> to vector<16xi32>
      %gather3A_3351 = tpu.dynamic_gather %add3A_3338[%gather3A_3350] in [0] : vector<16xf32>, vector<16xi32> -> vector<16xf32>
      %add3A_3352 = arith.addf %add3A_3338, %gather3A_3351 : vector<16xf32>
      %xor3A_3353 = arith.constant 1 : i32
      %xor3A_3354 = vector.broadcast %xor3A_3353 : i32 to vector<16xi32>
      %xor3A_3355 = arith.xori %iota3A, %xor3A_3354 : vector<16xi32>
      %lt3A_3356 = arith.constant 0 : i32
      %lt3A_3357 = vector.broadcast %lt3A_3356 : i32 to vector<16xi32>
      %lt3A_3358 = arith.cmpi slt, %xor3A_3355, %lt3A_3357 : vector<16xi32>
      %add3A_3359 = arith.constant 16 : i32
      %add3A_3360 = vector.broadcast %add3A_3359 : i32 to vector<16xi32>
      %add3A_3361 = arith.addi %xor3A_3355, %add3A_3360 : vector<16xi32>
      %select_n3A_3362 = arith.select %lt3A_3358, %add3A_3361, %xor3A_3355 : vector<16xi1>, vector<16xi32>
      %broadcast_in_dim3A_3363 = vector.shape_cast %select_n3A_3362 : vector<16xi32> to vector<16x1xi32>
      %gather3A_3364 = vector.shape_cast %broadcast_in_dim3A_3363 : vector<16x1xi32> to vector<16xi32>
      %gather3A_3365 = tpu.dynamic_gather %add3A_3352[%gather3A_3364] in [0] : vector<16xf32>, vector<16xi32> -> vector<16xf32>
      %add3A_3366 = arith.addf %add3A_3352, %gather3A_3365 : vector<16xf32>
      %eq3A_3367 = arith.constant 14 : i32
      %eq3A_3368 = vector.broadcast %eq3A_3367 : i32 to vector<16xi32>
      %eq3A_3369 = arith.cmpi eq, %iota3A, %eq3A_3368 : vector<16xi32>
      %select_n3A_3370 = arith.select %eq3A_3369, %add3A_3366, %select_n3A_3214 : vector<16xi1>, vector<16xf32>
      %slice3A_3371 = vector.extract_strided_slice %get3A_1024 {offsets = [15], sizes = [1], strides = [1]} : vector<16xi32> to vector<1xi32>
      %squeeze3A_3372 = vector.extract %slice3A_3371[0] : i32 from vector<1xi32>
      %and3A_3373 = arith.constant 7 : i32
      %and3A_3374 = arith.andi %squeeze3A_3372, %and3A_3373 : i32
      %add3A_3375 = arith.constant 120 : i32
      %add3A_3376 = arith.addi %add3A_3375, %and3A_3374 : i32
      %slice3A_3377 = vector.extract_strided_slice %get3A_1029 {offsets = [15], sizes = [1], strides = [1]} : vector<16xi32> to vector<1xi32>
      %squeeze3A_3378 = vector.extract %slice3A_3377[0] : i32 from vector<1xi32>
      %and3A_3379 = arith.constant 7 : i32
      %and3A_3380 = arith.andi %squeeze3A_3378, %and3A_3379 : i32
      %add3A_3381 = arith.constant 120 : i32
      %add3A_3382 = arith.addi %add3A_3381, %and3A_3380 : i32
      %slice3A_3383 = vector.extract_strided_slice %get3A_1034 {offsets = [15], sizes = [1], strides = [1]} : vector<16xi32> to vector<1xi32>
      %squeeze3A_3384 = vector.extract %slice3A_3383[0] : i32 from vector<1xi32>
      %and3A_3385 = arith.constant 7 : i32
      %and3A_3386 = arith.andi %squeeze3A_3384, %and3A_3385 : i32
      %add3A_3387 = arith.constant 120 : i32
      %add3A_3388 = arith.addi %add3A_3387, %and3A_3386 : i32
      %broadcast_in_dim3A_3389 = arith.constant 0.000000e+00 : f32
      %broadcast_in_dim3A_3390 = vector.broadcast %broadcast_in_dim3A_3389 : f32 to vector<16xf32>
      %get3A_3391 = arith.index_cast %and3A_974 : i32 to index
      %get3A_3392 = arith.index_cast %add3A_3376 : i32 to index
      %get3A_3393 = arith.constant 0 : index
      %get3A_3394 = tpu.vector_load %arg11[%get3A_3391, %get3A_3392, %get3A_3393] {strides = array<i32>} : memref<2x128x64xf32, #tpu.memory_space<vmem>>, vector<1x1x16xf32>,
      %get3A_3395 = vector.shape_cast %get3A_3394 : vector<1x1x16xf32> to vector<16xf32>
      %get3A_3396 = arith.index_cast %and3A_974 : i32 to index
      %get3A_3397 = arith.index_cast %add3A_3388 : i32 to index
      %get3A_3398 = arith.constant 0 : index
      %get3A_3399 = tpu.vector_load %arg13[%get3A_3396, %get3A_3397, %get3A_3398] {strides = array<i32>} : memref<2x128x64xf32, #tpu.memory_space<vmem>>, vector<1x1x16xf32>,
      %get3A_3400 = vector.shape_cast %get3A_3399 : vector<1x1x16xf32> to vector<16xf32>
      %add3A_3401 = arith.addf %get3A_3395, %get3A_3400 : vector<16xf32>
      %get3A_3402 = arith.index_cast %and3A_974 : i32 to index
      %get3A_3403 = arith.index_cast %add3A_3382 : i32 to index
      %get3A_3404 = arith.constant 0 : index
      %get3A_3405 = tpu.vector_load %arg12[%get3A_3402, %get3A_3403, %get3A_3404] {strides = array<i32>} : memref<2x128x64xf32, #tpu.memory_space<vmem>>, vector<1x1x16xf32>,
      %get3A_3406 = vector.shape_cast %get3A_3405 : vector<1x1x16xf32> to vector<16xf32>
      %sub3A_3407 = arith.subf %add3A_3401, %get3A_3406 : vector<16xf32>
      %mul3A_3408 = arith.mulf %sub3A_3407, %sub3A_3407 : vector<16xf32>
      %add3A_3409 = arith.addf %broadcast_in_dim3A_3390, %mul3A_3408 : vector<16xf32>
      %get3A_3410 = arith.index_cast %and3A_974 : i32 to index
      %get3A_3411 = arith.index_cast %add3A_3376 : i32 to index
      %get3A_3412 = arith.constant 16 : index
      %get3A_3413 = tpu.vector_load %arg11[%get3A_3410, %get3A_3411, %get3A_3412] {strides = array<i32>} : memref<2x128x64xf32, #tpu.memory_space<vmem>>, vector<1x1x16xf32>,
      %get3A_3414 = vector.shape_cast %get3A_3413 : vector<1x1x16xf32> to vector<16xf32>
      %get3A_3415 = arith.index_cast %and3A_974 : i32 to index
      %get3A_3416 = arith.index_cast %add3A_3388 : i32 to index
      %get3A_3417 = arith.constant 16 : index
      %get3A_3418 = tpu.vector_load %arg13[%get3A_3415, %get3A_3416, %get3A_3417] {strides = array<i32>} : memref<2x128x64xf32, #tpu.memory_space<vmem>>, vector<1x1x16xf32>,
      %get3A_3419 = vector.shape_cast %get3A_3418 : vector<1x1x16xf32> to vector<16xf32>
      %add3A_3420 = arith.addf %get3A_3414, %get3A_3419 : vector<16xf32>
      %get3A_3421 = arith.index_cast %and3A_974 : i32 to index
      %get3A_3422 = arith.index_cast %add3A_3382 : i32 to index
      %get3A_3423 = arith.constant 16 : index
      %get3A_3424 = tpu.vector_load %arg12[%get3A_3421, %get3A_3422, %get3A_3423] {strides = array<i32>} : memref<2x128x64xf32, #tpu.memory_space<vmem>>, vector<1x1x16xf32>,
      %get3A_3425 = vector.shape_cast %get3A_3424 : vector<1x1x16xf32> to vector<16xf32>
      %sub3A_3426 = arith.subf %add3A_3420, %get3A_3425 : vector<16xf32>
      %mul3A_3427 = arith.mulf %sub3A_3426, %sub3A_3426 : vector<16xf32>
      %add3A_3428 = arith.addf %add3A_3409, %mul3A_3427 : vector<16xf32>
      %get3A_3429 = arith.index_cast %and3A_974 : i32 to index
      %get3A_3430 = arith.index_cast %add3A_3376 : i32 to index
      %get3A_3431 = arith.constant 32 : index
      %get3A_3432 = tpu.vector_load %arg11[%get3A_3429, %get3A_3430, %get3A_3431] {strides = array<i32>} : memref<2x128x64xf32, #tpu.memory_space<vmem>>, vector<1x1x16xf32>,
      %get3A_3433 = vector.shape_cast %get3A_3432 : vector<1x1x16xf32> to vector<16xf32>
      %get3A_3434 = arith.index_cast %and3A_974 : i32 to index
      %get3A_3435 = arith.index_cast %add3A_3388 : i32 to index
      %get3A_3436 = arith.constant 32 : index
      %get3A_3437 = tpu.vector_load %arg13[%get3A_3434, %get3A_3435, %get3A_3436] {strides = array<i32>} : memref<2x128x64xf32, #tpu.memory_space<vmem>>, vector<1x1x16xf32>,
      %get3A_3438 = vector.shape_cast %get3A_3437 : vector<1x1x16xf32> to vector<16xf32>
      %add3A_3439 = arith.addf %get3A_3433, %get3A_3438 : vector<16xf32>
      %get3A_3440 = arith.index_cast %and3A_974 : i32 to index
      %get3A_3441 = arith.index_cast %add3A_3382 : i32 to index
      %get3A_3442 = arith.constant 32 : index
      %get3A_3443 = tpu.vector_load %arg12[%get3A_3440, %get3A_3441, %get3A_3442] {strides = array<i32>} : memref<2x128x64xf32, #tpu.memory_space<vmem>>, vector<1x1x16xf32>,
      %get3A_3444 = vector.shape_cast %get3A_3443 : vector<1x1x16xf32> to vector<16xf32>
      %sub3A_3445 = arith.subf %add3A_3439, %get3A_3444 : vector<16xf32>
      %mul3A_3446 = arith.mulf %sub3A_3445, %sub3A_3445 : vector<16xf32>
      %add3A_3447 = arith.addf %add3A_3428, %mul3A_3446 : vector<16xf32>
      %get3A_3448 = arith.index_cast %and3A_974 : i32 to index
      %get3A_3449 = arith.index_cast %add3A_3376 : i32 to index
      %get3A_3450 = arith.constant 48 : index
      %get3A_3451 = tpu.vector_load %arg11[%get3A_3448, %get3A_3449, %get3A_3450] {strides = array<i32>} : memref<2x128x64xf32, #tpu.memory_space<vmem>>, vector<1x1x16xf32>,
      %get3A_3452 = vector.shape_cast %get3A_3451 : vector<1x1x16xf32> to vector<16xf32>
      %get3A_3453 = arith.index_cast %and3A_974 : i32 to index
      %get3A_3454 = arith.index_cast %add3A_3388 : i32 to index
      %get3A_3455 = arith.constant 48 : index
      %get3A_3456 = tpu.vector_load %arg13[%get3A_3453, %get3A_3454, %get3A_3455] {strides = array<i32>} : memref<2x128x64xf32, #tpu.memory_space<vmem>>, vector<1x1x16xf32>,
      %get3A_3457 = vector.shape_cast %get3A_3456 : vector<1x1x16xf32> to vector<16xf32>
      %add3A_3458 = arith.addf %get3A_3452, %get3A_3457 : vector<16xf32>
      %get3A_3459 = arith.index_cast %and3A_974 : i32 to index
      %get3A_3460 = arith.index_cast %add3A_3382 : i32 to index
      %get3A_3461 = arith.constant 48 : index
      %get3A_3462 = tpu.vector_load %arg12[%get3A_3459, %get3A_3460, %get3A_3461] {strides = array<i32>} : memref<2x128x64xf32, #tpu.memory_space<vmem>>, vector<1x1x16xf32>,
      %get3A_3463 = vector.shape_cast %get3A_3462 : vector<1x1x16xf32> to vector<16xf32>
      %sub3A_3464 = arith.subf %add3A_3458, %get3A_3463 : vector<16xf32>
      %mul3A_3465 = arith.mulf %sub3A_3464, %sub3A_3464 : vector<16xf32>
      %add3A_3466 = arith.addf %add3A_3447, %mul3A_3465 : vector<16xf32>
      %xor3A_3467 = arith.constant 8 : i32
      %xor3A_3468 = vector.broadcast %xor3A_3467 : i32 to vector<16xi32>
      %xor3A_3469 = arith.xori %iota3A, %xor3A_3468 : vector<16xi32>
      %lt3A_3470 = arith.constant 0 : i32
      %lt3A_3471 = vector.broadcast %lt3A_3470 : i32 to vector<16xi32>
      %lt3A_3472 = arith.cmpi slt, %xor3A_3469, %lt3A_3471 : vector<16xi32>
      %add3A_3473 = arith.constant 16 : i32
      %add3A_3474 = vector.broadcast %add3A_3473 : i32 to vector<16xi32>
      %add3A_3475 = arith.addi %xor3A_3469, %add3A_3474 : vector<16xi32>
      %select_n3A_3476 = arith.select %lt3A_3472, %add3A_3475, %xor3A_3469 : vector<16xi1>, vector<16xi32>
      %broadcast_in_dim3A_3477 = vector.shape_cast %select_n3A_3476 : vector<16xi32> to vector<16x1xi32>
      %gather3A_3478 = vector.shape_cast %broadcast_in_dim3A_3477 : vector<16x1xi32> to vector<16xi32>
      %gather3A_3479 = tpu.dynamic_gather %add3A_3466[%gather3A_3478] in [0] : vector<16xf32>, vector<16xi32> -> vector<16xf32>
      %add3A_3480 = arith.addf %add3A_3466, %gather3A_3479 : vector<16xf32>
      %xor3A_3481 = arith.constant 4 : i32
      %xor3A_3482 = vector.broadcast %xor3A_3481 : i32 to vector<16xi32>
      %xor3A_3483 = arith.xori %iota3A, %xor3A_3482 : vector<16xi32>
      %lt3A_3484 = arith.constant 0 : i32
      %lt3A_3485 = vector.broadcast %lt3A_3484 : i32 to vector<16xi32>
      %lt3A_3486 = arith.cmpi slt, %xor3A_3483, %lt3A_3485 : vector<16xi32>
      %add3A_3487 = arith.constant 16 : i32
      %add3A_3488 = vector.broadcast %add3A_3487 : i32 to vector<16xi32>
      %add3A_3489 = arith.addi %xor3A_3483, %add3A_3488 : vector<16xi32>
      %select_n3A_3490 = arith.select %lt3A_3486, %add3A_3489, %xor3A_3483 : vector<16xi1>, vector<16xi32>
      %broadcast_in_dim3A_3491 = vector.shape_cast %select_n3A_3490 : vector<16xi32> to vector<16x1xi32>
      %gather3A_3492 = vector.shape_cast %broadcast_in_dim3A_3491 : vector<16x1xi32> to vector<16xi32>
      %gather3A_3493 = tpu.dynamic_gather %add3A_3480[%gather3A_3492] in [0] : vector<16xf32>, vector<16xi32> -> vector<16xf32>
      %add3A_3494 = arith.addf %add3A_3480, %gather3A_3493 : vector<16xf32>
      %xor3A_3495 = arith.constant 2 : i32
      %xor3A_3496 = vector.broadcast %xor3A_3495 : i32 to vector<16xi32>
      %xor3A_3497 = arith.xori %iota3A, %xor3A_3496 : vector<16xi32>
      %lt3A_3498 = arith.constant 0 : i32
      %lt3A_3499 = vector.broadcast %lt3A_3498 : i32 to vector<16xi32>
      %lt3A_3500 = arith.cmpi slt, %xor3A_3497, %lt3A_3499 : vector<16xi32>
      %add3A_3501 = arith.constant 16 : i32
      %add3A_3502 = vector.broadcast %add3A_3501 : i32 to vector<16xi32>
      %add3A_3503 = arith.addi %xor3A_3497, %add3A_3502 : vector<16xi32>
      %select_n3A_3504 = arith.select %lt3A_3500, %add3A_3503, %xor3A_3497 : vector<16xi1>, vector<16xi32>
      %broadcast_in_dim3A_3505 = vector.shape_cast %select_n3A_3504 : vector<16xi32> to vector<16x1xi32>
      %gather3A_3506 = vector.shape_cast %broadcast_in_dim3A_3505 : vector<16x1xi32> to vector<16xi32>
      %gather3A_3507 = tpu.dynamic_gather %add3A_3494[%gather3A_3506] in [0] : vector<16xf32>, vector<16xi32> -> vector<16xf32>
      %add3A_3508 = arith.addf %add3A_3494, %gather3A_3507 : vector<16xf32>
      %xor3A_3509 = arith.constant 1 : i32
      %xor3A_3510 = vector.broadcast %xor3A_3509 : i32 to vector<16xi32>
      %xor3A_3511 = arith.xori %iota3A, %xor3A_3510 : vector<16xi32>
      %lt3A_3512 = arith.constant 0 : i32
      %lt3A_3513 = vector.broadcast %lt3A_3512 : i32 to vector<16xi32>
      %lt3A_3514 = arith.cmpi slt, %xor3A_3511, %lt3A_3513 : vector<16xi32>
      %add3A_3515 = arith.constant 16 : i32
      %add3A_3516 = vector.broadcast %add3A_3515 : i32 to vector<16xi32>
      %add3A_3517 = arith.addi %xor3A_3511, %add3A_3516 : vector<16xi32>
      %select_n3A_3518 = arith.select %lt3A_3514, %add3A_3517, %xor3A_3511 : vector<16xi1>, vector<16xi32>
      %broadcast_in_dim3A_3519 = vector.shape_cast %select_n3A_3518 : vector<16xi32> to vector<16x1xi32>
      %gather3A_3520 = vector.shape_cast %broadcast_in_dim3A_3519 : vector<16x1xi32> to vector<16xi32>
      %gather3A_3521 = tpu.dynamic_gather %add3A_3508[%gather3A_3520] in [0] : vector<16xf32>, vector<16xi32> -> vector<16xf32>
      %add3A_3522 = arith.addf %add3A_3508, %gather3A_3521 : vector<16xf32>
      %eq3A_3523 = arith.constant 15 : i32
      %eq3A_3524 = vector.broadcast %eq3A_3523 : i32 to vector<16xi32>
      %eq3A_3525 = arith.cmpi eq, %iota3A, %eq3A_3524 : vector<16xi32>
      %select_n3A_3526 = arith.select %eq3A_3525, %add3A_3522, %select_n3A_3370 : vector<16xi1>, vector<16xf32>
      %bitcast_convert_type3A = tpu.bitcast %select_n3A_3526 : vector<16xf32> -> vector<16xi32>
      %shift_right_logical3A_3527 = arith.constant 1 : i32
      %shift_right_logical3A_3528 = vector.broadcast %shift_right_logical3A_3527 : i32 to vector<16xi32>
      %shift_right_logical3A_3529 = arith.shrui %bitcast_convert_type3A, %shift_right_logical3A_3528 : vector<16xi32>
      %sub3A_3530 = arith.constant 1597463007 : i32
      %sub3A_3531 = vector.broadcast %sub3A_3530 : i32 to vector<16xi32>
      %sub3A_3532 = arith.subi %sub3A_3531, %shift_right_logical3A_3529 : vector<16xi32>
      %bitcast_convert_type3A_3533 = tpu.bitcast %sub3A_3532 : vector<16xi32> -> vector<16xf32>
      %mul3A_3534 = arith.constant 5.000000e-01 : f32
      %mul3A_3535 = vector.broadcast %mul3A_3534 : f32 to vector<16xf32>
      %mul3A_3536 = arith.mulf %mul3A_3535, %select_n3A_3526 : vector<16xf32>
      %mul3A_3537 = arith.mulf %mul3A_3536, %bitcast_convert_type3A_3533 : vector<16xf32>
      %mul3A_3538 = arith.mulf %mul3A_3537, %bitcast_convert_type3A_3533 : vector<16xf32>
      %sub3A_3539 = arith.constant 1.500000e+00 : f32
      %sub3A_3540 = vector.broadcast %sub3A_3539 : f32 to vector<16xf32>
      %sub3A_3541 = arith.subf %sub3A_3540, %mul3A_3538 : vector<16xf32>
      %mul3A_3542 = arith.mulf %bitcast_convert_type3A_3533, %sub3A_3541 : vector<16xf32>
      %mul3A_3543 = arith.constant 5.000000e-01 : f32
      %mul3A_3544 = vector.broadcast %mul3A_3543 : f32 to vector<16xf32>
      %mul3A_3545 = arith.mulf %mul3A_3544, %select_n3A_3526 : vector<16xf32>
      %mul3A_3546 = arith.mulf %mul3A_3545, %mul3A_3542 : vector<16xf32>
      %mul3A_3547 = arith.mulf %mul3A_3546, %mul3A_3542 : vector<16xf32>
      %sub3A_3548 = arith.constant 1.500000e+00 : f32
      %sub3A_3549 = vector.broadcast %sub3A_3548 : f32 to vector<16xf32>
      %sub3A_3550 = arith.subf %sub3A_3549, %mul3A_3547 : vector<16xf32>
      %mul3A_3551 = arith.mulf %mul3A_3542, %sub3A_3550 : vector<16xf32>
      %mul3A_3552 = arith.constant 5.000000e-01 : f32
      %mul3A_3553 = vector.broadcast %mul3A_3552 : f32 to vector<16xf32>
      %mul3A_3554 = arith.mulf %mul3A_3553, %select_n3A_3526 : vector<16xf32>
      %mul3A_3555 = arith.mulf %mul3A_3554, %mul3A_3551 : vector<16xf32>
      %mul3A_3556 = arith.mulf %mul3A_3555, %mul3A_3551 : vector<16xf32>
      %sub3A_3557 = arith.constant 1.500000e+00 : f32
      %sub3A_3558 = vector.broadcast %sub3A_3557 : f32 to vector<16xf32>
      %sub3A_3559 = arith.subf %sub3A_3558, %mul3A_3556 : vector<16xf32>
      %mul3A_3560 = arith.mulf %mul3A_3551, %sub3A_3559 : vector<16xf32>
      %gt3A = arith.constant 0.000000e+00 : f32
      %gt3A_3561 = vector.broadcast %gt3A : f32 to vector<16xf32>
      %gt3A_3562 = arith.cmpf ogt, %select_n3A_3526, %gt3A_3561 : vector<16xf32>
      %mul3A_3563 = arith.mulf %select_n3A_3526, %mul3A_3560 : vector<16xf32>
      %jit3A = arith.constant 0.000000e+00 : f32
      %broadcast_in_dim3A_3564 = vector.broadcast %jit3A : f32 to vector<16xf32>
      %select_n3A_3565 = arith.select %gt3A_3562, %mul3A_3563, %broadcast_in_dim3A_3564 : vector<16xi1>, vector<16xf32>
      %shift_right_logical3A_3566 = arith.constant 2 : i32
      %shift_right_logical3A_3567 = arith.shrui %scan3A_973, %shift_right_logical3A_3566 : i32
      %and3A_3568 = arith.constant 3 : i32
      %and3A_3569 = arith.andi %scan3A_973, %and3A_3568 : i32
      %mul3A_3570 = arith.constant 16 : i32
      %mul3A_3571 = arith.muli %and3A_3569, %mul3A_3570 : i32
      %swap3A = arith.index_cast %shift_right_logical3A_3567 : i32 to index
      %swap3A_3572 = arith.index_cast %mul3A_3571 : i32 to index
      %swap3A_3573 = tpu.vector_load %arg14[%swap3A, %swap3A_3572] {strides = array<i32>} : memref<8x64xf32, #tpu.memory_space<vmem>>, vector<1x16xf32>,
      %swap3A_3574 = vector.shape_cast %swap3A_3573 : vector<1x16xf32> to vector<16xf32>
      %swap3A_3575 = vector.shape_cast %select_n3A_3565 : vector<16xf32> to vector<1x16xf32>
      tpu.vector_store %arg14[%swap3A, %swap3A_3572], %swap3A_3575 {strides = array<i32>} : memref<8x64xf32, #tpu.memory_space<vmem>>, vector<1x16xf32>,
    }
    %scan3A_970 = arith.constant 32 : i32
    %mul3A_971 = arith.constant 8 : i32
    %mul3A_972 = arith.muli %add3A, %mul3A_971 : i32
    "tpu.region"() ({
      %run_scoped3A = tpu.sem_alloc : memref<!tpu.dma_semaphore, #tpu.memory_space<semaphore_mem>>
      %dma_start3A_973 = arith.constant 0 : i32
      %dma_start3A_974 = tpu.memref_slice %arg7[%mul3A_972, %dma_start3A_973] : memref<256x64xf32, #tpu.memory_space<hbm>> -> memref<8x64xf32, #tpu.memory_space<hbm>>
      %dma_start3A_975 = arith.constant 0 : i32
      %dma_start3A_976 = tpu.memref_slice %arg7[%mul3A_972, %dma_start3A_975] : memref<256x64xf32, #tpu.memory_space<hbm>> -> memref<8x64xf32, #tpu.memory_space<hbm>>
      tpu.enqueue_dma source(%arg14 : memref<8x64xf32, #tpu.memory_space<vmem>>) target(%dma_start3A_976 : memref<8x64xf32, #tpu.memory_space<hbm>>) target_semaphore(%run_scoped3A : memref<!tpu.dma_semaphore, #tpu.memory_space<semaphore_mem>>)
      %dma_wait3A = arith.constant 0 : i32
      %dma_wait3A_977 = tpu.memref_slice %arg7[%mul3A_972, %dma_wait3A] : memref<256x64xf32, #tpu.memory_space<hbm>> -> memref<8x64xf32, #tpu.memory_space<hbm>>
      %dma_wait3A_978 = arith.constant 0 : i32
      %dma_wait3A_979 = tpu.memref_slice %arg7[%mul3A_972, %dma_wait3A_978] : memref<256x64xf32, #tpu.memory_space<hbm>> -> memref<8x64xf32, #tpu.memory_space<hbm>>
      tpu.wait_dma2 semaphore(%run_scoped3A : memref<!tpu.dma_semaphore, #tpu.memory_space<semaphore_mem>>) src(%arg14 : memref<8x64xf32, #tpu.memory_space<vmem>>) dst(%dma_wait3A_979 : memref<8x64xf32, #tpu.memory_space<hbm>>)
      tpu.yield
    }) : () -> ()
    return
  }
}

</mosaic_0001>

<sc_bundles>
// kernel: kernel.3.cloned.1.call-start
scs
__scs_entry_jumppad:
0x0: {  	(pc) =	sbr.rel $0x88, $3  }
0x1: {  	(tag) =	ssettag $0x0;
	lr =	simm.s32 $0x1  }
0x2: {  	[smem:$0x3F9C] =	sst lr;
	_ =	strace $0xD0000000  }
0x3: {  	_ = 	snop  }
0x4: {  	_ = 	snop  }
0x5: {  	_ = 	snop  }
0x6: {  	_ = 	snop  }
0x7: {  	_ = 	snop  }
__scs_overlays_trampoline_lowered:
0x8: {  	[smem:$0x3FAB] =	sst s0  }
0x9: {  	[smem:$0x3FAC] =	sst s1  }
0xa: {  	[smem:$0x3FAD] =	sst s2  }
0xb: {  	[smem:$0x3FAE] =	sst s3  }
0xc: {  	[smem:$0x3FAF] =	sst s4  }
0xd: {  	[smem:$0x3FB0] =	sst s5  }
0xe: {  	[smem:$0x3FB1] =	sst s6  }
0xf: {  	[smem:$0x3FB2] =	sst s7  }
0x10: {  	[smem:$0x3FB3] =	sst s8  }
0x11: {  	[smem:$0x3FB4] =	sst s9;
	s0 =	simm.s32 @!p0 $0x0  }
0x12: {  	s1 =	sld [smem:$0x3F9A];
	s0 =	simm.s32 @p0 $0x1  }
0x13: {  	[smem:$0x3FB5] =	sst s0;
	s0 =	simm.s32 @!p1 $0x0  }
0x14: {  	s2 =	sld [smem:$0x3F99];
	s0 =	simm.s32 @p1 $0x1  }
0x15: {  	[smem:$0x3FB6] =	sst s0;
	s0 =	simm.s32 @!p2 $0x0  }
0x16: {  	s3 =	sld [smem:$0x3FDB];
	s0 =	simm.s32 @p2 $0x1  }
0x17: {  	s4 =	simm.s32 $0x1BF5;
	[smem:$0x3FB8] =	sst s0  }
0x18: {  	s0 =	sld [smem:$0x3F9B];
	_ =	swait.ge [sflag:s4], $0x0  }
0x19: {  	s7 =	sld [smem:$0x3F9C]  }
0x1a: {  	s8 =	sadd.s32 $0xFFFFE003, lr  }
0x1b: {  	s9 =	sadd.s32 $0xFFFFFEF7, lr;
	s5 =	simm.s32 $0xFFFFFFFF;
	p2 =	slt.u32 s8, $0xFFFFF086  }
0x1c: {  	p1 =	slt.u32 s9, $0xF7A;
	s5 =	simm.s32 @!p2 $0x0  }
0x1d: {  	s5 =	simm.s32 @p1 $0x1;
	p0 =	seq.s32 s7, s2  }
0x1e: {  	s7 =	smul.u32 @!p0 $0xF7A, s2;
	p2 =	seq.s32 @!p0 s5, $0x0  }
0x1f: {  	s9 =	smul.u32 $0xF7A, s1;
	s8 =	simm.s32 @!p0 $0x1BF5;
	p2 =	por !p2, p0  }
0x20: {  	[sflag:s8] =	ssyncset.s32 @!p0 $0xFFFFF086;
	s6 =	sadd.s32 @!p0 s3, s7;
	s7 =	simm.s32 @!p0 $0x108  }
0x21: {  	s3 =	sadd.s32 s3, s9;
	s6 =	sadd.s32 @!p0 $0x88, s6;
	s7 =	simm.s32 @p2 $0x1082  }
0x22: {  	[simem:s7], [sflag:s8] =	dma.local @!p0 [hbm:s6], $0xF7A  }
0x23: {  	s9 =	sor.u32 $0xD0000000, s2;
	s6 =	simm.s32 $0x108;
	_ =	swait.ge @!p0 [sflag:s8], $0x0  }
0x24: {  	s3 =	sadd.s32 $0x88, s3;
	s6 =	simm.s32 @!p1 $0x1082;
	[sflag:s4] =	ssyncset.s32 $0xFFFFF086  }
0x25: {  	[simem:s6], [sflag:s4] =	dma.local [hbm:s3], $0xF7A  }
0x26: {  	[smem:$0x3F9C] =	sst s1;
	(tag) =	ssettag s2;
	_ =	strace s9  }
0x27: {  	s1 =	sld [smem:$0x3FAC]  }
0x28: {  	s2 =	sld [smem:$0x3FAD]  }
0x29: {  	s4 =	sld [smem:$0x3FAF]  }
0x2a: {  	p0 =	seq.s32 s5, $0x0;
	s5 =	sld [smem:$0x3FB0]  }
0x2b: {  	s6 =	sld [smem:$0x3FB1]  }
0x2c: {  	s7 =	sld [smem:$0x3FB2]  }
0x2d: {  	s3 =	simm.s32 $0x108;
	s8 =	sld [smem:$0x3FB3]  }
0x2e: {  	s3 =	simm.s32 @!p0 $0x1082;
	s9 =	sld [smem:$0x3FB4]  }
0x2f: {  	lr =	sadd.s32 s0, s3;
	s0 =	sld [smem:$0x3FAB]  }
0x30: {  	s3 =	sld [smem:$0x3FAE]  }
0x31: {  	[smem:$0x3FB7] =	sst s10  }
0x32: {  	s10 =	sld [smem:$0x3FB5];
	_ =	sdelay $0x3  }
0x33: {  	p0 =	seq.s32 s10, $0x1;
	s10 =	sld [smem:$0x3FB7];
	_ =	sdelay $0x3  }
0x34: {  	[smem:$0x3FB7] =	sst s10  }
0x35: {  	s10 =	sld [smem:$0x3FB6];
	_ =	sdelay $0x3  }
0x36: {  	p1 =	seq.s32 s10, $0x1;
	s10 =	sld [smem:$0x3FB7];
	_ =	sdelay $0x3  }
0x37: {  	[smem:$0x3FB7] =	sst s10  }
0x38: {  	s10 =	sld [smem:$0x3FB8]  }
0x39: {  	_ = 	snop;
	(pc) =	sbr.ind lr, $3  }
0x3a: {  	_ = 	snop  }
0x3b: {  	_ = 	snop  }
0x3c: {  	p2 =	seq.s32 s10, $0x1;
	s10 =	sld [smem:$0x3FB7]  }
0x3d: {  	_ =	shalt  }
0x3e: {  	_ =	shalt  }
0x3f: {  	_ =	shalt  }
0x40: {  	_ =	shalt  }
0x41: {  	_ =	shalt  }
0x42: {  	_ =	shalt  }
0x43: {  	_ =	shalt  }
0x44: {  	_ =	shalt  }
0x45: {  	_ =	shalt  }
0x46: {  	_ =	shalt  }
0x47: {  	_ =	shalt  }
0x48: {  	_ =	shalt  }
0x49: {  	_ =	shalt  }
0x4a: {  	_ =	shalt  }
0x4b: {  	_ =	shalt  }
0x4c: {  	_ =	shalt  }
0x4d: {  	_ =	shalt  }
0x4e: {  	_ =	shalt  }
0x4f: {  	_ =	shalt  }
0x50: {  	_ =	shalt  }
0x51: {  	_ =	shalt  }
0x52: {  	_ =	shalt  }
0x53: {  	_ =	shalt  }
0x54: {  	_ =	shalt  }
0x55: {  	_ =	shalt  }
0x56: {  	_ =	shalt  }
0x57: {  	_ =	shalt  }
0x58: {  	_ =	shalt  }
0x59: {  	_ =	shalt  }
0x5a: {  	_ =	shalt  }
0x5b: {  	_ =	shalt  }
0x5c: {  	_ =	shalt  }
0x5d: {  	_ =	shalt  }
0x5e: {  	_ =	shalt  }
0x5f: {  	_ =	shalt  }
0x60: {  	_ =	shalt  }
0x61: {  	_ =	shalt  }
0x62: {  	_ =	shalt  }
0x63: {  	_ =	shalt  }
0x64: {  	_ =	shalt  }
0x65: {  	_ =	shalt  }
0x66: {  	_ =	shalt  }
0x67: {  	_ =	shalt  }
0x68: {  	_ =	shalt  }
0x69: {  	_ =	shalt  }
0x6a: {  	_ =	shalt  }
0x6b: {  	_ =	shalt  }
0x6c: {  	_ =	shalt  }
0x6d: {  	_ =	shalt  }
0x6e: {  	_ =	shalt  }
0x6f: {  	_ =	shalt  }
0x70: {  	_ =	shalt  }
0x71: {  	_ =	shalt  }
0x72: {  	_ =	shalt  }
0x73: {  	_ =	shalt  }
0x74: {  	_ =	shalt  }
0x75: {  	_ =	shalt  }
0x76: {  	_ =	shalt  }
0x77: {  	_ =	shalt  }
0x78: {  	_ =	shalt  }
0x79: {  	_ =	shalt  }
0x7a: {  	_ =	shalt  }
0x7b: {  	_ =	shalt  }
0x7c: {  	_ =	shalt  }
0x7d: {  	_ =	shalt  }
0x7e: {  	_ =	shalt  }
0x7f: {  	_ =	shalt  }
0x80: {  	_ =	shalt  }
0x81: {  	_ =	shalt  }
0x82: {  	_ =	shalt  }
0x83: {  	_ =	shalt  }
0x84: {  	_ =	shalt  }
0x85: {  	_ =	shalt  }
0x86: {  	_ =	shalt  }
0x87: {  	_ =	shalt  }
.Lfunc_end0:
.L_simem_size_0:
called_computation_lowered:
.L_overlay_start_0:
0x88: {  	s2 =	sld [smem:$0x3FD9]  }
0x89: {  	s3 =	sld [smem:$0x3FFE];
	_ =	sdelay $0x1  }
0x8a: {  	s1 =	srdreg.scid  }
0x8b: {  	s0 =	sand.u32 $0x1, s1  }
0x8c: {  	s17 =	sshll.u32 s0, $0xA;
	s2 =	sadd.s32 s3, s2  }
0x8d: {  	s2 =	sadd.s32 s2, s17  }
0x8e: {  	[smem:$0x3FC3] =	sst s2  }
0x8f: {  	_ = 	snop  }
0x90: {  	s2 =	sld [smem:$0x3FC9]  }
0x91: {  	s18 =	sld [smem:$0x3FC8]  }
0x92: {  	s4 =	sld [smem:$0x3FC7];
	(tm) =	ssettm $0x1  }
0x93: {  	s5 =	sld [smem:$0x3FFB];
	_ =	sdelay $0x3  }
0x94: {  	_ =	strace s5  }
0x95: {  	s5 =	sld [smem:$0x3FFC];
	_ =	sdelay $0x3  }
0x96: {  	_ =	strace s5  }
0x97: {  	s5 =	sld [smem:$0x3FFD];
	_ =	sdelay $0x3  }
0x98: {  	_ =	strace s5  }
0x99: {  	_ =	strace $0x8FFFFFFF  }
0x9a: {  	s19 =	sld [smem:$0x3FDB];
	_ =	sdelay $0x1  }
0x9b: {  	s6 =	simm.s32 $_scs_section_size  }
0x9c: {  	s7 =	simm.s32 $_size__tile_overlayer_lowered;
	s8 =	simm.s32 $_tile_overlayer_lowered  }
0x9d: {  	s22 =	simm.s32 $0x1BFF;
	s21 =	sshll.u32 s8, $0x1;
	s5 =	sadd.s32 s6, s19  }
0x9e: {  	s9 =	simm.s32 $0x0;
	s20 =	sshll.u32 s7, $0x1;
	s7 =	sadd.s32 s21, s5  }
0x9f: {  	[timem:s9], [sflag:s22] =	dma.local [hbm:s7], s20  }
0xa0: {  	_ =	swait.ge [sflag:s22], s20  }
0xa1: {  	s6 =	ssub.s32 $0x0, s20;
	[sflag:s22] =	ssyncset.done $0x0  }
0xa2: {  	[sflag:s22] =	ssyncadd.s32 s6;
	_ =	sdelay $0x1  }
0xa3: {  	s23 =	simm.s32 $0x1B8B  }
0xa4: {  	_ =	swait.ge [sflag:s23], $0x1  }
0xa5: {  	[sflag:s23] =	ssyncset.done $0x0  }
0xa6: {  	s25 =	simm.s32 $0x1B8E;
	s24 =	sld [smem:$0x3FFE];
	[sflag:s23] =	ssyncadd.s32 $0xFFFFFFFF  }
0xa7: {  	s26 =	simm.s32 $execute0_lowered;
	[smem:$0x3FD2] =	sst s25  }
0xa8: {  	s7 =	sshll.u32 s26, $0x1;
	_ =	strace $0x80000046;
	[dreg:$0x1] =	wrdreg $0xFFFFFFFF  }
0xa9: {  	s28 =	simm.s32 $_size_execute0_lowered;
	s5 =	sadd.s32 s5, s7;
	[dreg:$0x0] =	wrdreg $0x0  }
0xaa: {  	s7 =	sshll.u32 s28, $0x1;
	[dreg:$0x2] =	wrdreg s5  }
0xab: {  	[dreg:$0x3] =	wrdreg s7  }
0xac: {  	[dreg:$0x4] =	wrdreg $0xC0  }
0xad: {  	_ =	task [dreg:s9], $0x5FFFF  }
0xae: {  	[dreg:$0x1] =	wrdreg $0xFFFFFFFF  }
0xaf: {  	[dreg:$0x0] =	wrdreg $0x60  }
0xb0: {  	[dreg:$0x2] =	wrdreg s2  }
0xb1: {  	[dreg:$0x3] =	wrdreg s18  }
0xb2: {  	[dreg:$0x4] =	wrdreg s4  }
0xb3: {  	[dreg:$0x5] =	wrdreg s24  }
0xb4: {  	[dreg:$0x6] =	wrdreg $0x9  }
0xb5: {  	_ =	task.clear_ibuf [dreg:s9], $0x7FFFF;
	_ =	strace $0x90000046  }
0xb6: {  	s29 =	simm.s32 $0x9;
	_ =	strace $0x80000048  }
0xb7: {  	_ =	swait.ge [sflag:s29], $0x1  }
0xb8: {  	[sflag:s29] =	ssyncadd.s32 $0xFFFFFFFF  }
0xb9: {  	_ =	strace $0x90000048  }
0xba: {  	_ =	sfence  }
0xbb: {  	s30 =	sld [smem:$0x0];
	_ =	sdelay $0x2  }
0xbc: {  	s31 =	sshll.u32 s1, $0xD;
	s1 =	sshrl.u32 s1, $0x2  }
0xbd: {  	s3 =	sand.u32 $0x4000, s31;
	s1 =	sadd.s32 s1, s30  }
0xbe: {  	s0 =	sor.u32 s3, s0;
	s1 =	sshll.u32 s1, $0x11  }
0xbf: {  	s0 =	sor.u32 s1, s0  }
0xc0: {  	s0 =	sadd.s32 $0x8F2B, s0  }
0xc1: {  	[sflag:s0] =	ssyncadd.remote.s32 $0x1  }
0xc2: {  	_ =	sfence.sel $0xFFFF  }
0xc3: {  	[dreg:$0x0] =	wrdreg $0xFFFFFFFF;
	(pc) =	sbr.abs _section_cstart, $3  }
0xc4: {  	[dreg:$0x1] =	wrdreg $0xFFFFFFFF  }
0xc5: {  	_ =	task.clear_ibuf [dreg:s9], $0x2FFFF;
	_ =	strace $0x9FFFFFFF  }
0xc6: {  	(tm) =	ssettm $0x7FFFFFFF  }
0xc7: {  	_ =	shalt  }
tec
execute0_lowered:
.L_overlay_start_1:
0x0: {  	(tag) =	ssettag $0x1  }
0x1: {  	v0 =	vimm.s32 $0xFEDCBA98;
	v1 =	vimm.s32 $0x76543210  }
0x2: {  	s0 =	rddreg [dreg:$0x0];
	v2 =	vimm.s32 $0xBA98FEDC;
	v3 =	vimm.s32 $0x32107654;
	v4 =	vimm.s32 $0xDCFE98BA  }
0x3: {  	s1 =	rddreg [dreg:$0x1];
	v5 =	vimm.s32 $0x54761032;
	v6 =	vimm.s32 $0xEFCDAB89;
	v7 =	vimm.s32 $0x67452301  }
0x4: {  	s7 =	rddreg [dreg:$0x2];
	vm0 =	vmmov $0x1;
	vm1 =	vmmov $0x3;
	vm2 =	vmmov $0x7  }
0x5: {  	s5 =	rddreg [dreg:$0x3];
	s2 =	simm.s32 $0x0;
	vm3 =	vmmov $0xf;
	vm4 =	vmmov $0x1f;
	vm5 =	vmmov $0x3f  }
0x6: {  	s3 =	srdreg.scid;
	s4 =	stileid.u32;
	s25 =	simm.s32 $0x2;
	vm6 =	vmmov $0x7f;
	vm7 =	vmmov $0xff;
	vm8 =	vmmov $0x1ff  }
0x7: {  	s11 =	simm.s32 $0x13E00;
	vm9 =	vmmov $0x3ff;
	vm10 =	vmmov $0x7ff;
	vm11 =	vmmov $0xfff;
	s12 =	simm.s32 $0x4200;
	s13 =	simm.s32 $0xC200  }
0x8: {  	s14 =	simm.s32 $0x14200;
	s15 =	simm.s32 $0x1;
	s16 =	simm.s32 $0x18600;
	v0 =	vunpack.c.l.s4.s8 v0;
	v1 =	vunpack.c.l.s4.s8 v1;
	v2 =	vunpack.c.l.s4.s8 v2  }
0x9: {  	s17 =	simm.s32 $0x0;
	[smem:$0x7FF] =	sst s2;
	s6 =	sand.u32 $0x1, s3;
	v3 =	vunpack.c.l.s4.s8 v3;
	v4 =	vunpack.c.l.s4.s8 v4;
	v5 =	vunpack.c.l.s4.s8 v5  }
0xa: {  	s4 =	sshll.u32 s4, $0x1;
	s3 =	sadd.s32 $0x4400, s5;
	v6 =	vunpack.c.l.s4.s8 v6;
	v7 =	vunpack.c.l.s4.s8 v7;
	_ =	strace $0x80000047;
	v0 =	vunpack.c.0.s8.s32 v0  }
0xb: {  	s8 =	sor.u32 s6, s4;
	s4 =	sadd.s32 $0x400, s5;
	s6 =	ssub.s32 $0x2, s6;
	v2 =	vunpack.c.0.s8.s32 v2;
	v3 =	vunpack.c.0.s8.s32 v3;
	v4 =	vunpack.c.0.s8.s32 v4  }
.Ltmp0:
0xc: {  	s9 =	sshll.u32 s8, $0x7;
	s31 =	sshrl.u32 s6, $0x1;
	v5 =	vunpack.c.0.s8.s32 v5;
	v6 =	vunpack.c.0.s8.s32 v6;
	v7 =	vunpack.c.0.s8.s32 v7;
	(pc) =	sbr.rel .LBB2_1-.Ltmp0, $4  }
0xd: {  	vm12 =	vmmov $0x1fff;
	s8 =	sshll.u32 s8, $0x6;
	v1 =	vunpack.c.0.s8.s32 v1;
	s9 =	sadd.s32 s9, s5;
	s10 =	ssub.s32 s6, s31;
	v2 =	vcombine.low v3, v2  }
0xe: {  	s5 =	sadd.s32 s0, s8;
	s6 =	sadd.s32 s1, s8;
	s7 =	sadd.s32 s7, s8;
	v3 =	vcombine.low v5, v4;
	v4 =	vcombine.low v7, v6;
	v0 =	vand.u32 $0xF, v0  }
0xf: {  	vm13 =	vmmov $0x3fff;
	vm14 =	vmmov $0x7fff;
	s0 =	simm.s32 $0xBA00;
	s1 =	simm.s32 $0x13A00;
	s8 =	sadd.s32 $0xF46800, s9;
	v51 =	vcombine.low v0, v1  }
0x10: {  	s22 =	smax.u32 s10, $0x1;
	s9 =	simm.s32 $0x3E00;
	s10 =	simm.s32 $0xBE00;
	v1 =	vand.u32 $0xF, v2;
	v2 =	vand.u32 $0xF, v3;
	v3 =	vand.u32 $0xF, v4  }
.LBB2_5:
0x11: {  	s17 =	sadd.s32 $0x1, s17  }
0x12: {  	p0 =	sne.s32 s17, s22  }
.Ltmp1:
0x13: {  	_ = 	snop;
	(pc) =	sbr.rel @!p0 .LBB2_6-.Ltmp1, $4  }
0x14: {  	[hbm4b:s8+s2] =	stream.linear.scatter [tilespmem:s16], [sflag:$0x2], $0x400, $0x38;
	[tilespmem:$0x18A00] =	vst v63  }
0x15: {  	_ =	swait.ge [sflag:s25], $0x400  }
0x16: {  	[sflag:s25] =	ssyncset.done $0x0  }
0x17: {  	[sflag:s25] =	ssyncadd.s32 $0xFFFFFC00  }
.LBB2_1:
0x18: {  	[tilespmem:s2], [sflag:$0x2] =	stream.linear.gather [hbm4b:s5+s2], $0x200, $0x38;
	[tilespmem:$0x18A00] =	vst v63  }
0x19: {  	_ =	swait.ge [sflag:s25], $0x200  }
0x1a: {  	[sflag:s25] =	ssyncset.done $0x0  }
0x1b: {  	s18 =	simm.s32 $0x200;
	[sflag:s25] =	ssyncadd.s32 $0xFFFFFE00  }
0x1c: {  	[tilespmem:s18], [sflag:$0x2] =	stream.linear.gather [hbm4b:s6+s2], $0x200, $0x38;
	[tilespmem:$0x18A00] =	vst v63  }
0x1d: {  	_ =	swait.ge [sflag:s25], $0x200  }
0x1e: {  	[sflag:s25] =	ssyncset.done $0x0  }
0x1f: {  	s30 =	simm.s32 $0x400;
	[sflag:s25] =	ssyncadd.s32 $0xFFFFFE00  }
0x20: {  	[tilespmem:s30], [sflag:$0x2] =	stream.linear.gather [hbm4b:s7+s2], $0x200, $0x38;
	[tilespmem:$0x18A00] =	vst v63  }
0x21: {  	_ =	swait.ge [sflag:s25], $0x200  }
0x22: {  	[sflag:s25] =	ssyncset.done $0x0  }
0x23: {  	[sflag:s25] =	ssyncadd.s32 $0xFFFFFE00  }
0x24: {  	v4 =	vld [tilespmem:$0x0];
	_ =	sdelay $0x3  }
0x25: {  	v5 =	vld [tilespmem:$0x400]  }
0x26: {  	v6 =	vshll.u32 v4, $0x4  }
0x27: {  	(v2sf) =	vpush v6, $0x0;
	_ =	sdelay $0x2  }
0x28: {  	v5 =	vshll.u32 v5, $0x4  }
0x29: {  	v4 =	vld [tilespmem:$0x200];
	(v2sf) =	vpush v5, $0x0;
	_ =	sdelay $0x4  }
0x2a: {  	v4 =	vshll.u32 v4, $0x4  }
0x2b: {  	(v2sf) =	vpush v4, $0x0  }
0x2c: {  	(v2sf) =	vpush v6, $0x1;
	_ =	sdelay $0x3  }
0x2d: {  	s31 =	spop (v2sf)  }
0x2e: {  	s18 =	sand.u32 $0xFFFFF80, s31  }
0x2f: {  	s19 =	simm.s32 $0x600;
	(v2sf) =	vpush v5, $0x1;
	s18 =	sadd.s32 s3, s18  }
0x30: {  	[tilespmem:s19], [sflag:$0x1] =	stream.linear.gather [hbm4b:s18+s2], $0x400, $0x38;
	[tilespmem:$0x18A00] =	vst v63  }
0x31: {  	s19 =	spop (v2sf);
	(v2sf) =	vpush v4, $0x1;
	_ =	sdelay $0x5  }
0x32: {  	(v2sf) =	vpush v6, $0x2;
	s21 =	spop (v2sf)  }
0x33: {  	s24 =	spop (v2sf);
	(v2sf) =	vpush v5, $0x2;
	_ =	sdelay $0x5  }
0x34: {  	s28 =	spop (v2sf);
	(v2sf) =	vpush v4, $0x2;
	_ =	sdelay $0x1  }
0x35: {  	s30 =	spop (v2sf);
	(v2sf) =	vpush v6, $0x3;
	_ =	sdelay $0x2  }
0x36: {  	s18 =	sand.u32 $0xFFFFF80, s19  }
0x37: {  	s20 =	simm.s32 $0x8600;
	s18 =	sadd.s32 s3, s18  }
0x38: {  	[tilespmem:s20], [sflag:$0x1] =	stream.linear.gather [hbm4b:s18+s2], $0x400, $0x38;
	[tilespmem:$0x18A00] =	vst v63  }
0x39: {  	s19 =	spop (v2sf);
	(v2sf) =	vpush v5, $0x3  }
0x3a: {  	s18 =	sand.u32 $0xFFFFF80, s21;
	s21 =	spop (v2sf);
	(v2sf) =	vpush v4, $0x3;
	_ =	sdelay $0x2  }
0x3b: {  	s23 =	simm.s32 $0x10600;
	s18 =	sadd.s32 s4, s18  }
0x3c: {  	[tilespmem:s23], [sflag:$0x1] =	stream.linear.gather [hbm4b:s18+s2], $0x400, $0x38;
	[tilespmem:$0x18A00] =	vst v63  }
0x3d: {  	s18 =	sand.u32 $0xFFFFF80, s24  }
0x3e: {  	s26 =	simm.s32 $0xA00;
	s18 =	sadd.s32 s3, s18;
	s24 =	spop (v2sf);
	(v2sf) =	vpush v6, $0x4  }
0x3f: {  	[tilespmem:s26], [sflag:$0x1] =	stream.linear.gather [hbm4b:s18+s2], $0x400, $0x38;
	[tilespmem:$0x18A00] =	vst v63  }
0x40: {  	s18 =	sand.u32 $0xFFFFF80, s28;
	s28 =	spop (v2sf);
	(v2sf) =	vpush v5, $0x4  }
0x41: {  	s29 =	simm.s32 $0x8A00;
	s18 =	sadd.s32 s3, s18  }
0x42: {  	[tilespmem:s29], [sflag:$0x1] =	stream.linear.gather [hbm4b:s18+s2], $0x400, $0x38;
	[tilespmem:$0x18A00] =	vst v63  }
0x43: {  	s18 =	sand.u32 $0xFFFFF80, s30  }
0x44: {  	s31 =	simm.s32 $0x10A00;
	s18 =	sadd.s32 s4, s18  }
0x45: {  	[tilespmem:s31], [sflag:$0x1] =	stream.linear.gather [hbm4b:s18+s2], $0x400, $0x38;
	[tilespmem:$0x18A00] =	vst v63  }
0x46: {  	s30 =	spop (v2sf);
	(v2sf) =	vpush v4, $0x4  }
0x47: {  	s18 =	sand.u32 $0xFFFFF80, s19;
	s19 =	spop (v2sf);
	(v2sf) =	vpush v6, $0x5;
	_ =	sdelay $0x2  }
0x48: {  	s20 =	simm.s32 $0xE00;
	s18 =	sadd.s32 s3, s18  }
0x49: {  	[tilespmem:s20], [sflag:$0x1] =	stream.linear.gather [hbm4b:s18+s2], $0x400, $0x38;
	[tilespmem:$0x18A00] =	vst v63  }
0x4a: {  	s18 =	sand.u32 $0xFFFFF80, s21  }
0x4b: {  	s23 =	simm.s32 $0x8E00;
	s18 =	sadd.s32 s3, s18;
	s21 =	spop (v2sf);
	(v2sf) =	vpush v5, $0x5  }
0x4c: {  	[tilespmem:s23], [sflag:$0x1] =	stream.linear.gather [hbm4b:s18+s2], $0x400, $0x38;
	[tilespmem:$0x18A00] =	vst v63  }
0x4d: {  	s18 =	sand.u32 $0xFFFFF80, s24;
	s24 =	spop (v2sf);
	(v2sf) =	vpush v4, $0x5  }
0x4e: {  	s26 =	simm.s32 $0x10E00;
	s18 =	sadd.s32 s4, s18  }
0x4f: {  	[tilespmem:s26], [sflag:$0x1] =	stream.linear.gather [hbm4b:s18+s2], $0x400, $0x38;
	[tilespmem:$0x18A00] =	vst v63  }
0x50: {  	s18 =	sand.u32 $0xFFFFF80, s28  }
0x51: {  	s29 =	simm.s32 $0x1200;
	s18 =	sadd.s32 s3, s18  }
0x52: {  	[tilespmem:s29], [sflag:$0x1] =	stream.linear.gather [hbm4b:s18+s2], $0x400, $0x38;
	[tilespmem:$0x18A00] =	vst v63  }
0x53: {  	s28 =	spop (v2sf);
	(v2sf) =	vpush v6, $0x6  }
0x54: {  	s18 =	sand.u32 $0xFFFFF80, s30;
	s30 =	spop (v2sf);
	(v2sf) =	vpush v5, $0x6;
	_ =	sdelay $0x2  }
0x55: {  	s31 =	simm.s32 $0x9200;
	s18 =	sadd.s32 s3, s18  }
0x56: {  	[tilespmem:s31], [sflag:$0x1] =	stream.linear.gather [hbm4b:s18+s2], $0x400, $0x38;
	[tilespmem:$0x18A00] =	vst v63  }
0x57: {  	s18 =	sand.u32 $0xFFFFF80, s19  }
0x58: {  	s20 =	simm.s32 $0x11200;
	s18 =	sadd.s32 s4, s18;
	s19 =	spop (v2sf);
	(v2sf) =	vpush v4, $0x6  }
0x59: {  	[tilespmem:s20], [sflag:$0x1] =	stream.linear.gather [hbm4b:s18+s2], $0x400, $0x38;
	[tilespmem:$0x18A00] =	vst v63  }
0x5a: {  	s18 =	sand.u32 $0xFFFFF80, s21;
	s21 =	spop (v2sf);
	(v2sf) =	vpush v6, $0x7  }
0x5b: {  	s23 =	simm.s32 $0x1600;
	s18 =	sadd.s32 s3, s18  }
0x5c: {  	[tilespmem:s23], [sflag:$0x1] =	stream.linear.gather [hbm4b:s18+s2], $0x400, $0x38;
	[tilespmem:$0x18A00] =	vst v63  }
0x5d: {  	s18 =	sand.u32 $0xFFFFF80, s24  }
0x5e: {  	s26 =	simm.s32 $0x9600;
	s18 =	sadd.s32 s3, s18  }
0x5f: {  	[tilespmem:s26], [sflag:$0x1] =	stream.linear.gather [hbm4b:s18+s2], $0x400, $0x38;
	[tilespmem:$0x18A00] =	vst v63  }
0x60: {  	s24 =	spop (v2sf);
	(v2sf) =	vpush v5, $0x7  }
0x61: {  	s18 =	sand.u32 $0xFFFFF80, s28;
	s28 =	spop (v2sf);
	(v2sf) =	vpush v4, $0x7;
	_ =	sdelay $0x2  }
0x62: {  	s29 =	simm.s32 $0x11600;
	s18 =	sadd.s32 s4, s18  }
0x63: {  	[tilespmem:s29], [sflag:$0x1] =	stream.linear.gather [hbm4b:s18+s2], $0x400, $0x38;
	[tilespmem:$0x18A00] =	vst v63  }
0x64: {  	s18 =	sand.u32 $0xFFFFF80, s30  }
0x65: {  	s31 =	simm.s32 $0x1A00;
	s18 =	sadd.s32 s3, s18;
	s30 =	spop (v2sf);
	(v2sf) =	vpush v6, $0x8  }
0x66: {  	[tilespmem:s31], [sflag:$0x1] =	stream.linear.gather [hbm4b:s18+s2], $0x400, $0x38;
	[tilespmem:$0x18A00] =	vst v63  }
0x67: {  	s18 =	sand.u32 $0xFFFFF80, s19;
	s19 =	spop (v2sf);
	(v2sf) =	vpush v5, $0x8  }
0x68: {  	s20 =	simm.s32 $0x9A00;
	s18 =	sadd.s32 s3, s18  }
0x69: {  	[tilespmem:s20], [sflag:$0x1] =	stream.linear.gather [hbm4b:s18+s2], $0x400, $0x38;
	[tilespmem:$0x18A00] =	vst v63  }
0x6a: {  	s18 =	sand.u32 $0xFFFFF80, s21  }
0x6b: {  	s23 =	simm.s32 $0x11A00;
	s18 =	sadd.s32 s4, s18  }
0x6c: {  	[tilespmem:s23], [sflag:$0x1] =	stream.linear.gather [hbm4b:s18+s2], $0x400, $0x38;
	[tilespmem:$0x18A00] =	vst v63  }
0x6d: {  	s21 =	spop (v2sf);
	(v2sf) =	vpush v4, $0x8  }
0x6e: {  	s18 =	sand.u32 $0xFFFFF80, s24;
	s24 =	spop (v2sf);
	(v2sf) =	vpush v6, $0x9;
	_ =	sdelay $0x2  }
0x6f: {  	s26 =	simm.s32 $0x1E00;
	s18 =	sadd.s32 s3, s18  }
0x70: {  	[tilespmem:s26], [sflag:$0x1] =	stream.linear.gather [hbm4b:s18+s2], $0x400, $0x38;
	[tilespmem:$0x18A00] =	vst v63  }
0x71: {  	s18 =	sand.u32 $0xFFFFF80, s28  }
0x72: {  	s29 =	simm.s32 $0x9E00;
	s18 =	sadd.s32 s3, s18;
	s28 =	spop (v2sf);
	(v2sf) =	vpush v5, $0x9  }
0x73: {  	[tilespmem:s29], [sflag:$0x1] =	stream.linear.gather [hbm4b:s18+s2], $0x400, $0x38;
	[tilespmem:$0x18A00] =	vst v63  }
0x74: {  	s18 =	sand.u32 $0xFFFFF80, s30;
	s30 =	spop (v2sf);
	(v2sf) =	vpush v4, $0x9  }
0x75: {  	s31 =	simm.s32 $0x11E00;
	s18 =	sadd.s32 s4, s18  }
0x76: {  	[tilespmem:s31], [sflag:$0x1] =	stream.linear.gather [hbm4b:s18+s2], $0x400, $0x38;
	[tilespmem:$0x18A00] =	vst v63  }
0x77: {  	s18 =	sand.u32 $0xFFFFF80, s19  }
0x78: {  	s20 =	simm.s32 $0x2200;
	s18 =	sadd.s32 s3, s18  }
0x79: {  	[tilespmem:s20], [sflag:$0x1] =	stream.linear.gather [hbm4b:s18+s2], $0x400, $0x38;
	[tilespmem:$0x18A00] =	vst v63  }
0x7a: {  	s18 =	sand.u32 $0xFFFFF80, s21;
	s19 =	spop (v2sf);
	(v2sf) =	vpush v6, $0xA  }
0x7b: {  	s23 =	simm.s32 $0xA200;
	s18 =	sadd.s32 s3, s18;
	s21 =	spop (v2sf);
	(v2sf) =	vpush v5, $0xA  }
0x7c: {  	[tilespmem:s23], [sflag:$0x1] =	stream.linear.gather [hbm4b:s18+s2], $0x400, $0x38;
	[tilespmem:$0x18A00] =	vst v63  }
0x7d: {  	s18 =	sand.u32 $0xFFFFF80, s24  }
0x7e: {  	s26 =	simm.s32 $0x12200;
	s18 =	sadd.s32 s4, s18  }
0x7f: {  	[tilespmem:s26], [sflag:$0x1] =	stream.linear.gather [hbm4b:s18+s2], $0x400, $0x38;
	[tilespmem:$0x18A00] =	vst v63  }
0x80: {  	s18 =	sand.u32 $0xFFFFF80, s28  }
0x81: {  	s29 =	simm.s32 $0x2600;
	s18 =	sadd.s32 s3, s18;
	s24 =	spop (v2sf);
	(v2sf) =	vpush v4, $0xA  }
0x82: {  	[tilespmem:s29], [sflag:$0x1] =	stream.linear.gather [hbm4b:s18+s2], $0x400, $0x38;
	[tilespmem:$0x18A00] =	vst v63  }
0x83: {  	s18 =	sand.u32 $0xFFFFF80, s30;
	s28 =	spop (v2sf);
	(v2sf) =	vpush v6, $0xB  }
0x84: {  	s31 =	simm.s32 $0xA600;
	s18 =	sadd.s32 s3, s18  }
0x85: {  	[tilespmem:s31], [sflag:$0x1] =	stream.linear.gather [hbm4b:s18+s2], $0x400, $0x38;
	[tilespmem:$0x18A00] =	vst v63  }
0x86: {  	s18 =	sand.u32 $0xFFFFF80, s19  }
0x87: {  	s20 =	simm.s32 $0x12600;
	s18 =	sadd.s32 s4, s18  }
0x88: {  	[tilespmem:s20], [sflag:$0x1] =	stream.linear.gather [hbm4b:s18+s2], $0x400, $0x38;
	[tilespmem:$0x18A00] =	vst v63  }
0x89: {  	s18 =	sand.u32 $0xFFFFF80, s21;
	s30 =	spop (v2sf);
	(v2sf) =	vpush v5, $0xB  }
0x8a: {  	s23 =	simm.s32 $0x2A00;
	s18 =	sadd.s32 s3, s18;
	s19 =	spop (v2sf);
	(v2sf) =	vpush v4, $0xB  }
0x8b: {  	[tilespmem:s23], [sflag:$0x1] =	stream.linear.gather [hbm4b:s18+s2], $0x400, $0x38;
	[tilespmem:$0x18A00] =	vst v63  }
0x8c: {  	s18 =	sand.u32 $0xFFFFF80, s24  }
0x8d: {  	s26 =	simm.s32 $0xAA00;
	s18 =	sadd.s32 s3, s18  }
0x8e: {  	[tilespmem:s26], [sflag:$0x1] =	stream.linear.gather [hbm4b:s18+s2], $0x400, $0x38;
	[tilespmem:$0x18A00] =	vst v63  }
0x8f: {  	s18 =	sand.u32 $0xFFFFF80, s28  }
0x90: {  	s29 =	simm.s32 $0x12A00;
	s18 =	sadd.s32 s4, s18;
	s21 =	spop (v2sf);
	(v2sf) =	vpush v6, $0xC  }
0x91: {  	[tilespmem:s29], [sflag:$0x1] =	stream.linear.gather [hbm4b:s18+s2], $0x400, $0x38;
	[tilespmem:$0x18A00] =	vst v63  }
0x92: {  	s18 =	sand.u32 $0xFFFFF80, s30;
	s24 =	spop (v2sf);
	(v2sf) =	vpush v5, $0xC  }
0x93: {  	s31 =	simm.s32 $0x2E00;
	s18 =	sadd.s32 s3, s18  }
0x94: {  	[tilespmem:s31], [sflag:$0x1] =	stream.linear.gather [hbm4b:s18+s2], $0x400, $0x38;
	[tilespmem:$0x18A00] =	vst v63  }
0x95: {  	s18 =	sand.u32 $0xFFFFF80, s19  }
0x96: {  	s20 =	simm.s32 $0xAE00;
	s18 =	sadd.s32 s3, s18  }
0x97: {  	[tilespmem:s20], [sflag:$0x1] =	stream.linear.gather [hbm4b:s18+s2], $0x400, $0x38;
	[tilespmem:$0x18A00] =	vst v63  }
0x98: {  	s18 =	sand.u32 $0xFFFFF80, s21;
	s28 =	spop (v2sf);
	(v2sf) =	vpush v4, $0xC  }
0x99: {  	s23 =	simm.s32 $0x12E00;
	s18 =	sadd.s32 s4, s18;
	s30 =	spop (v2sf);
	(v2sf) =	vpush v6, $0xD  }
0x9a: {  	[tilespmem:s23], [sflag:$0x1] =	stream.linear.gather [hbm4b:s18+s2], $0x400, $0x38;
	[tilespmem:$0x18A00] =	vst v63  }
0x9b: {  	s18 =	sand.u32 $0xFFFFF80, s24  }
0x9c: {  	s26 =	simm.s32 $0x3200;
	s18 =	sadd.s32 s3, s18  }
0x9d: {  	[tilespmem:s26], [sflag:$0x1] =	stream.linear.gather [hbm4b:s18+s2], $0x400, $0x38;
	[tilespmem:$0x18A00] =	vst v63  }
0x9e: {  	s18 =	sand.u32 $0xFFFFF80, s28  }
0x9f: {  	s29 =	simm.s32 $0xB200;
	s18 =	sadd.s32 s3, s18;
	s19 =	spop (v2sf);
	(v2sf) =	vpush v5, $0xD  }
0xa0: {  	[tilespmem:s29], [sflag:$0x1] =	stream.linear.gather [hbm4b:s18+s2], $0x400, $0x38;
	[tilespmem:$0x18A00] =	vst v63  }
0xa1: {  	s18 =	sand.u32 $0xFFFFF80, s30;
	s21 =	spop (v2sf);
	(v2sf) =	vpush v4, $0xD  }
0xa2: {  	s31 =	simm.s32 $0x13200;
	s18 =	sadd.s32 s4, s18  }
0xa3: {  	[tilespmem:s31], [sflag:$0x1] =	stream.linear.gather [hbm4b:s18+s2], $0x400, $0x38;
	[tilespmem:$0x18A00] =	vst v63  }
0xa4: {  	s18 =	sand.u32 $0xFFFFF80, s19  }
0xa5: {  	s20 =	simm.s32 $0x3600;
	s18 =	sadd.s32 s3, s18;
	(v2sf) =	vpush v6, $0xE  }
0xa6: {  	[tilespmem:s20], [sflag:$0x1] =	stream.linear.gather [hbm4b:s18+s2], $0x400, $0x38;
	[tilespmem:$0x18A00] =	vst v63  }
0xa7: {  	s18 =	sand.u32 $0xFFFFF80, s21;
	s24 =	spop (v2sf);
	(v2sf) =	vpush v5, $0xE  }
0xa8: {  	s23 =	simm.s32 $0xB600;
	s18 =	sadd.s32 s3, s18;
	s28 =	spop (v2sf);
	(v2sf) =	vpush v4, $0xE  }
0xa9: {  	[tilespmem:s23], [sflag:$0x1] =	stream.linear.gather [hbm4b:s18+s2], $0x400, $0x38;
	[tilespmem:$0x18A00] =	vst v63  }
0xaa: {  	s18 =	sand.u32 $0xFFFFF80, s24  }
0xab: {  	s26 =	simm.s32 $0x13600;
	s18 =	sadd.s32 s4, s18  }
0xac: {  	[tilespmem:s26], [sflag:$0x1] =	stream.linear.gather [hbm4b:s18+s2], $0x400, $0x38;
	[tilespmem:$0x18A00] =	vst v63  }
0xad: {  	s18 =	sand.u32 $0xFFFFF80, s28  }
0xae: {  	s29 =	simm.s32 $0x3A00;
	s18 =	sadd.s32 s3, s18;
	s30 =	spop (v2sf);
	(v2sf) =	vpush v6, $0xF  }
0xaf: {  	[tilespmem:s29], [sflag:$0x1] =	stream.linear.gather [hbm4b:s18+s2], $0x400, $0x38;
	[tilespmem:$0x18A00] =	vst v63  }
0xb0: {  	s18 =	sand.u32 $0xFFFFF80, s30;
	s31 =	spop (v2sf);
	(v2sf) =	vpush v5, $0xF  }
0xb1: {  	s18 =	sadd.s32 s3, s18  }
0xb2: {  	[tilespmem:s0], [sflag:$0x1] =	stream.linear.gather [hbm4b:s18+s2], $0x400, $0x38;
	[tilespmem:$0x18A00] =	vst v63  }
0xb3: {  	s18 =	sand.u32 $0xFFFFF80, s31  }
0xb4: {  	s19 =	spop (v2sf);
	s18 =	sadd.s32 s4, s18  }
0xb5: {  	(v2sf) =	vpush v4, $0xF;
	[tilespmem:s1], [sflag:$0x1] =	stream.linear.gather [hbm4b:s18+s2], $0x400, $0x38;
	[tilespmem:$0x18A00] =	vst v63  }
0xb6: {  	s20 =	spop (v2sf);
	s18 =	sand.u32 $0xFFFFF80, s19  }
0xb7: {  	s21 =	sand.u32 $0xFFFFF80, s20;
	s23 =	spop (v2sf);
	s18 =	sadd.s32 s3, s18  }
0xb8: {  	[tilespmem:s9], [sflag:$0x1] =	stream.linear.gather [hbm4b:s18+s2], $0x400, $0x38;
	[tilespmem:$0x18A00] =	vst v63  }
0xb9: {  	s24 =	sand.u32 $0xFFFFF80, s23;
	s18 =	sadd.s32 s3, s21  }
0xba: {  	[tilespmem:s10], [sflag:$0x1] =	stream.linear.gather [hbm4b:s18+s2], $0x400, $0x38;
	[tilespmem:$0x18A00] =	vst v63  }
0xbb: {  	s18 =	sadd.s32 s4, s24  }
0xbc: {  	[tilespmem:s11], [sflag:$0x1] =	stream.linear.gather [hbm4b:s18+s2], $0x400, $0x38;
	[tilespmem:$0x18A00] =	vst v63  }
0xbd: {  	s26 =	spop (v2sf)  }
0xbe: {  	s28 =	sand.u32 $0xFFFFF80, s26  }
0xbf: {  	s18 =	sadd.s32 s3, s28;
	s29 =	spop (v2sf)  }
0xc0: {  	[tilespmem:s12], [sflag:$0x1] =	stream.linear.gather [hbm4b:s18+s2], $0x400, $0x38;
	[tilespmem:$0x18A00] =	vst v63  }
0xc1: {  	s30 =	sand.u32 $0xFFFFF80, s29  }
0xc2: {  	s18 =	sadd.s32 s3, s30  }
0xc3: {  	[tilespmem:s13], [sflag:$0x1] =	stream.linear.gather [hbm4b:s18+s2], $0x400, $0x38;
	[tilespmem:$0x18A00] =	vst v63  }
.Ltmp2:
0xc4: {  	s31 =	spop (v2sf);
	(pc) =	sbr.rel .LBB2_2-.Ltmp2, $4  }
0xc5: {  	s18 =	sand.u32 $0xFFFFF80, s31  }
0xc6: {  	s19 =	simm.s32 $0x0;
	s18 =	sadd.s32 s4, s18  }
0xc7: {  	[tilespmem:s14], [sflag:$0x1] =	stream.linear.gather [hbm4b:s18+s2], $0x400, $0x38;
	[tilespmem:$0x18A00] =	vst v63  }
0xc8: {  	s20 =	simm.s32 $0x0;
	s21 =	simm.s32 $0x0;
	s18 =	simm.s32 $0x0  }
.LBB2_4:
0xc9: {  	_ =	swait.ge [sflag:s15], $0x4000  }
0xca: {  	[sflag:s15] =	ssyncset.done $0x0  }
0xcb: {  	[sflag:s15] =	ssyncadd.s32 $0xFFFFC000  }
0xcc: {  	_ =	swait.ge [sflag:s15], $0x4000  }
0xcd: {  	[sflag:s15] =	ssyncset.done $0x0  }
0xce: {  	[sflag:s15] =	ssyncadd.s32 $0xFFFFC000  }
0xcf: {  	_ =	swait.ge [sflag:s15], $0x4000  }
0xd0: {  	[sflag:s15] =	ssyncset.done $0x0  }
0xd1: {  	s24 =	sshra.s32 s18, $0x2;
	[sflag:s15] =	ssyncadd.s32 $0xFFFFC000  }
0xd2: {  	v4 =	vld [tilespmem:s24+$0x0];
	_ =	sdelay $0x3  }
0xd3: {  	v5 =	vld [tilespmem:s24+$0x200]  }
0xd4: {  	v6 =	vshll.u32 v4, $0x7  }
0xd5: {  	(v2sf) =	vpush v6, $0x0;
	_ =	sdelay $0x1  }
0xd6: {  	v7 =	vld [tilespmem:s24+$0x400]  }
0xd7: {  	v5 =	vshll.u32 v5, $0x7  }
0xd8: {  	(v2sf) =	vpush v5, $0x0;
	_ =	sdelay $0x2  }
0xd9: {  	v4 =	vshll.u32 v7, $0x7  }
0xda: {  	(v2sf) =	vpush v4, $0x0;
	_ =	sdelay $0x3  }
0xdb: {  	(v2sf) =	vpush v6, $0x1;
	_ =	sdelay $0x2  }
0xdc: {  	s29 =	spop (v2sf)  }
0xdd: {  	s26 =	sadd.s32 $0x600, s23;
	(v2sf) =	vpush v5, $0x1;
	s24 =	sand.u32 $0x380, s29  }
0xde: {  	s28 =	sadd.s32 s24, s26  }
0xdf: {  	v9 =	vld [tilespmem:s28+$0x0]  }
0xe0: {  	s30 =	spop (v2sf);
	v15 =	vld [tilespmem:s28+$0x10]  }
0xe1: {  	(v2sf) =	vpush v4, $0x1;
	s29 =	sand.u32 $0x380, s30;
	s24 =	sadd.s32 $0x10600, s23;
	v20 =	vld [tilespmem:s28+$0x20]  }
0xe2: {  	s29 =	sadd.s32 s29, s24;
	v31 =	vld [tilespmem:s28+$0x30]  }
0xe3: {  	v12 =	vld [tilespmem:s29+$0x0]  }
0xe4: {  	s30 =	spop (v2sf);
	v17 =	vld [tilespmem:s29+$0x10]  }
0xe5: {  	(v2sf) =	vpush v6, $0x2;
	s23 =	sadd.s32 $0x8600, s23;
	s30 =	sand.u32 $0x380, s30;
	v23 =	vld [tilespmem:s29+$0x20]  }
0xe6: {  	s30 =	sadd.s32 s30, s23;
	v33 =	vld [tilespmem:s29+$0x30]  }
0xe7: {  	v14 =	vld [tilespmem:s30+$0x0]  }
0xe8: {  	s31 =	spop (v2sf);
	v18 =	vld [tilespmem:s30+$0x10]  }
0xe9: {  	(v2sf) =	vpush v5, $0x2;
	s28 =	sand.u32 $0x380, s31;
	v30 =	vld [tilespmem:s30+$0x20]  }
0xea: {  	v37 =	vld [tilespmem:s30+$0x30];
	s28 =	sadd.s32 s28, s26  }
0xeb: {  	v42 =	vld [tilespmem:s28+$0x400]  }
0xec: {  	s31 =	spop (v2sf);
	v61 =	vld [tilespmem:s28+$0x410]  }
0xed: {  	(v2sf) =	vpush v4, $0x2;
	s29 =	sand.u32 $0x380, s31;
	v0 =	vld [tilespmem:s28+$0x420]  }
0xee: {  	s29 =	sadd.s32 s29, s24;
	v11 =	vld [tilespmem:s28+$0x430]  }
0xef: {  	v44 =	vld [tilespmem:s29+$0x400]  }
0xf0: {  	v62 =	vld [tilespmem:s29+$0x410];
	s31 =	spop (v2sf)  }
0xf1: {  	v10 =	vld [tilespmem:s29+$0x420];
	(v2sf) =	vpush v6, $0x3;
	s30 =	sand.u32 $0x380, s31  }
0xf2: {  	v48 =	vld [tilespmem:s29+$0x430];
	s30 =	sadd.s32 s30, s23  }
0xf3: {  	v46 =	vld [tilespmem:s30+$0x400]  }
0xf4: {  	s31 =	spop (v2sf);
	v63 =	vld [tilespmem:s30+$0x410]  }
0xf5: {  	(v2sf) =	vpush v5, $0x3;
	s28 =	sand.u32 $0x380, s31;
	v8 =	vld [tilespmem:s30+$0x420]  }
0xf6: {  	v29 =	vld [tilespmem:s30+$0x430];
	s28 =	sadd.s32 s28, s26  }
0xf7: {  	v25 =	vld [tilespmem:s28+$0x800]  }
0xf8: {  	s31 =	spop (v2sf);
	v43 =	vld [tilespmem:s28+$0x810]  }
0xf9: {  	(v2sf) =	vpush v4, $0x3;
	s29 =	sand.u32 $0x380, s31;
	v49 =	vld [tilespmem:s28+$0x820]  }
0xfa: {  	s29 =	sadd.s32 s29, s24;
	v35 =	vld [tilespmem:s28+$0x830]  }
0xfb: {  	v39 =	vld [tilespmem:s29+$0x800]  }
0xfc: {  	s31 =	spop (v2sf);
	v60 =	vld [tilespmem:s29+$0x810]  }
0xfd: {  	(v2sf) =	vpush v6, $0x4;
	s30 =	sand.u32 $0x380, s31;
	v59 =	vld [tilespmem:s29+$0x820]  }
0xfe: {  	s30 =	sadd.s32 s30, s23;
	v45 =	vld [tilespmem:s29+$0x830]  }
0xff: {  	v19 =	vld [tilespmem:s30+$0x800]  }
0x100: {  	v26 =	vld [tilespmem:s30+$0x810];
	s31 =	spop (v2sf)  }
0x101: {  	(v2sf) =	vpush v5, $0x4;
	v27 =	vld [tilespmem:s30+$0x820];
	s28 =	sand.u32 $0x380, s31  }
0x102: {  	v34 =	vld [tilespmem:s30+$0x830];
	s28 =	sadd.s32 s28, s26  }
0x103: {  	(v2sf) =	vpush v4, $0x4;
	v47 =	vld [tilespmem:s28+$0xC00]  }
0x104: {  	s31 =	spop (v2sf);
	v57 =	vld [tilespmem:s28+$0xC10]  }
0x105: {  	s29 =	sand.u32 $0x380, s31;
	v13 =	vld [tilespmem:s28+$0xC20]  }
0x106: {  	s29 =	sadd.s32 s29, s24;
	v52 =	vld [tilespmem:s28+$0xC30]  }
0x107: {  	v53 =	vld [tilespmem:s29+$0xC00]  }
0x108: {  	s31 =	spop (v2sf);
	v58 =	vld [tilespmem:s29+$0xC10]  }
0x109: {  	(v2sf) =	vpush v6, $0x5;
	s30 =	sand.u32 $0x380, s31;
	v56 =	vld [tilespmem:s29+$0xC20]  }
0x10a: {  	(v2sf) =	vpush v5, $0x5;
	s30 =	sadd.s32 s30, s23;
	v16 =	vld [tilespmem:s29+$0xC30]  }
0x10b: {  	(v2sf) =	vpush v4, $0x5;
	v55 =	vld [tilespmem:s30+$0xC00]  }
0x10c: {  	s31 =	spop (v2sf);
	v7 =	vld [tilespmem:s30+$0xC10]  }
0x10d: {  	s28 =	sand.u32 $0x380, s31;
	v21 =	vld [tilespmem:s30+$0xC20]  }
0x10e: {  	v22 =	vld [tilespmem:s30+$0xC30];
	s28 =	sadd.s32 s28, s26  }
0x10f: {  	v54 =	vld [tilespmem:s28+$0x1000]  }
0x110: {  	s31 =	spop (v2sf);
	v36 =	vld [tilespmem:s28+$0x1010]  }
0x111: {  	s29 =	sand.u32 $0x380, s31;
	v28 =	vld [tilespmem:s28+$0x1020]  }
0x112: {  	s31 =	spop (v2sf);
	s29 =	sadd.s32 s29, s24;
	v50 =	vld [tilespmem:s28+$0x1030]  }
0x113: {  	(v2sf) =	vpush v6, $0x6;
	s30 =	sand.u32 $0x380, s31;
	v32 =	vld [tilespmem:s29+$0x1000]  }
0x114: {  	s30 =	sadd.s32 s30, s23;
	v40 =	vld [tilespmem:s29+$0x1020]  }
0x115: {  	v24 =	vld [tilespmem:s30+$0x1000]  }
0x116: {  	v38 =	vld [tilespmem:s29+$0x1010]  }
0x117: {  	v41 =	vld [tilespmem:s30+$0x1020]  }
0x118: {  	v15 =	vadd.f32 v17, v15;
	v17 =	vld [tilespmem:s29+$0x1030];
	s31 =	spop (v2sf)  }
0x119: {  	(v2sf) =	vpush v5, $0x6;
	v52 =	vadd.f32 v16, v52;
	[tilespmem:$0x1FF90] =	vst v40;
	v40 =	vld [tilespmem:s30+$0x1030];
	s28 =	sand.u32 $0x380, s31;
	s31 =	spop (v2sf)  }
0x11a: {  	(v2sf) =	vpush v4, $0x6;
	[tilespmem:$0x1FF70] =	vst v24;
	v24 =	vld [tilespmem:s30+$0x1010];
	s29 =	sand.u32 $0x380, s31;
	s31 =	spop (v2sf)  }
0x11b: {  	v16 =	vsub.f32 v52, v22;
	v22 =	vld [tilespmem:$0x1FF90];
	s28 =	sadd.s32 s28, s26;
	s30 =	sand.u32 $0x380, s31  }
0x11c: {  	v12 =	vadd.f32 v12, v9;
	[tilespmem:$0x1FFA0] =	vst v41;
	v41 =	vsub.f32 v15, v18;
	v18 =	vld [tilespmem:s28+$0x1400];
	s30 =	sadd.s32 s30, s23  }
0x11d: {  	v9 =	vadd.f32 v23, v20;
	[tilespmem:$0x1FFB0] =	vst v50;
	v50 =	vld [tilespmem:s30+$0x1400]  }
0x11e: {  	v12 =	vsub.f32 v12, v14;
	[tilespmem:$0x1FFC0] =	vst v40;
	s29 =	sadd.s32 s29, s24;
	v40 =	vld [tilespmem:s28+$0x1410]  }
0x11f: {  	v9 =	vsub.f32 v9, v30;
	v61 =	vadd.f32 v62, v61;
	[tilespmem:$0x1FF80] =	vst v28;
	v28 =	vld [tilespmem:s29+$0x1400]  }
0x120: {  	v12 =	vmul.f32 v12, v12;
	v14 =	vmul.f32 v41, v41;
	(v2sf) =	vpush v6, $0x7;
	v41 =	vld [tilespmem:s29+$0x1410]  }
0x121: {  	v0 =	vadd.f32 v10, v0;
	(v2sf) =	vpush v5, $0x7;
	v15 =	vld [tilespmem:s29+$0x1420]  }
0x122: {  	s31 =	spop (v2sf);
	[tilespmem:$0x1FFD0] =	vst v50;
	v50 =	vadd.f32 v33, v31;
	v31 =	vadd.f32 v14, v12;
	v12 =	vld [tilespmem:s28+$0x1420]  }
0x123: {  	v0 =	vsub.f32 v0, v8;
	(v2sf) =	vpush v4, $0x7;
	v14 =	vld [tilespmem:s28+$0x1430];
	s28 =	sand.u32 $0x380, s31  }
0x124: {  	v23 =	vld [tilespmem:s30+$0x1410];
	v33 =	vsub.f32 v61, v63;
	v63 =	vadd.f32 v48, v11;
	s28 =	sadd.s32 s28, s26  }
0x125: {  	v30 =	vsub.f32 v50, v37;
	v50 =	vadd.f32 v44, v42;
	v44 =	vld [tilespmem:s28+$0x1810]  }
0x126: {  	v8 =	vsub.f32 v63, v29;
	v29 =	vadd.f32 v39, v25;
	v39 =	vld [tilespmem:s28+$0x1820]  }
0x127: {  	v62 =	vmul.f32 v9, v9;
	v42 =	vsub.f32 v50, v46;
	v46 =	vld [tilespmem:s30+$0x1420]  }
0x128: {  	s31 =	spop (v2sf);
	v61 =	vmul.f32 v30, v30;
	v30 =	vld [tilespmem:s29+$0x1430]  }
0x129: {  	v50 =	vadd.f32 v62, v31;
	v31 =	vld [tilespmem:s30+$0x1430];
	s29 =	sand.u32 $0x380, s31;
	s31 =	spop (v2sf)  }
0x12a: {  	v62 =	vmul.f32 v33, v33;
	v33 =	vld [tilespmem:s28+$0x1800];
	s29 =	sadd.s32 s29, s24;
	s30 =	sand.u32 $0x380, s31  }
0x12b: {  	v10 =	vadd.f32 v61, v50;
	s30 =	sadd.s32 s30, s23;
	v61 =	vadd.f32 v60, v43;
	v43 =	vld [tilespmem:s29+$0x1820]  }
0x12c: {  	v49 =	vadd.f32 v59, v49;
	(v2sf) =	vpush v6, $0x8;
	v42 =	vmul.f32 v42, v42;
	v50 =	vld [tilespmem:s30+$0x1800]  }
0x12d: {  	v25 =	vld [tilespmem:s30+$0x1820]  }
0x12e: {  	v0 =	vmul.f32 v0, v0;
	v49 =	vsub.f32 v49, v27;
	v27 =	vld [tilespmem:s30+$0x1830];
	v20 =	vadd.f32 v62, v42  }
0x12f: {  	(v2sf) =	vpush v5, $0x8;
	v42 =	vld [tilespmem:s29+$0x1800]  }
0x130: {  	v8 =	vmul.f32 v8, v8;
	v11 =	vsub.f32 v61, v26;
	v26 =	vld [tilespmem:s29+$0x1830];
	v0 =	vadd.f32 v0, v20  }
0x131: {  	s31 =	spop (v2sf);
	v37 =	vperm.xlane v10, v51;
	[tilespmem:$0x1FFE0] =	vst v46;
	v46 =	vld [tilespmem:s29+$0x1810]  }
0x132: {  	v0 =	vadd.f32 v8, v0;
	v8 =	vsub.f32 v29, v19;
	v19 =	vld [tilespmem:s28+$0x1830];
	s28 =	sand.u32 $0x380, s31;
	s31 =	spop (v2sf)  }
0x133: {  	v45 =	vadd.f32 v45, v35;
	v10 =	vadd.f32 v10, v37;
	v37 =	vld [tilespmem:s30+$0x1810];
	s28 =	sadd.s32 s28, s26;
	s29 =	sand.u32 $0x380, s31  }
0x134: {  	s31 =	spop (v2sf);
	v35 =	vld [tilespmem:s28+$0x1C00];
	s29 =	sadd.s32 s29, s24  }
0x135: {  	(v2sf) =	vpush v4, $0x8;
	v20 =	vsub.f32 v45, v34;
	s30 =	sand.u32 $0x380, s31;
	v45 =	vld [tilespmem:s29+$0x1C00]  }
0x136: {  	v11 =	vmul.f32 v11, v11;
	v8 =	vmul.f32 v8, v8;
	s30 =	sadd.s32 s30, s23;
	v9 =	vld [tilespmem:s29+$0x1C30]  }
0x137: {  	v63 =	vperm.xlane v0, v51;
	v34 =	vld [tilespmem:s30+$0x1C00]  }
0x138: {  	v8 =	vadd.f32 v11, v8;
	v11 =	vmul.f32 v49, v49;
	v49 =	vld [tilespmem:s28+$0x1C10]  }
0x139: {  	v0 =	vadd.f32 v0, v63;
	v63 =	vmul.f32 v20, v20;
	v20 =	vadd.f32 v53, v47;
	v53 =	vld [tilespmem:s29+$0x1C10]  }
0x13a: {  	v47 =	vld [tilespmem:s30+$0x1C10]  }
0x13b: {  	s31 =	spop (v2sf);
	v29 =	vperm.xlane v0, v1;
	v48 =	vsub.f32 v20, v55;
	v55 =	vld [tilespmem:s28+$0x1C20]  }
0x13c: {  	v38 =	vadd.f32 v38, v36;
	(v2sf) =	vpush v6, $0x9;
	v20 =	vld [tilespmem:s28+$0x1C30];
	s28 =	sand.u32 $0x380, s31  }
0x13d: {  	v62 =	vperm.xlane v10, v1;
	s28 =	sadd.s32 s28, s26;
	v0 =	vadd.f32 v0, v29;
	v29 =	vadd.f32 v58, v57;
	v58 =	vld [tilespmem:s29+$0x1C20]  }
0x13e: {  	v56 =	vadd.f32 v56, v13;
	v24 =	vsub.f32 v38, v24;
	s31 =	spop (v2sf);
	v52 =	vld [tilespmem:s28+$0x2000]  }
0x13f: {  	v10 =	vadd.f32 v10, v62;
	v8 =	vadd.f32 v11, v8;
	s29 =	sand.u32 $0x380, s31;
	v38 =	vld [tilespmem:s28+$0x2020]  }
0x140: {  	(v2sf) =	vpush v5, $0x9;
	s29 =	sadd.s32 s29, s24;
	v11 =	vsub.f32 v29, v7;
	v29 =	vld [tilespmem:s30+$0x1C20]  }
0x141: {  	v59 =	vperm.xlane v10, v2;
	v8 =	vadd.f32 v63, v8;
	v63 =	vsub.f32 v56, v21;
	v57 =	vld [tilespmem:s29+$0x2000]  }
0x142: {  	v36 =	vld [tilespmem:s29+$0x2010]  }
0x143: {  	v10 =	vadd.f32 v10, v59;
	v60 =	vperm.xlane v8, v51;
	v21 =	vmul.f32 v63, v63;
	v63 =	vld [tilespmem:$0x1FF80]  }
0x144: {  	s31 =	spop (v2sf);
	v61 =	vperm.xlane v0, v2;
	v62 =	vmul.f32 v11, v11;
	v11 =	vld [tilespmem:s30+$0x1C30]  }
0x145: {  	v56 =	vperm.xlane v10, v3;
	v8 =	vadd.f32 v8, v60;
	s30 =	sand.u32 $0x380, s31;
	v60 =	vadd.f32 v32, v54;
	v32 =	vld [tilespmem:s28+$0x2010]  }
0x146: {  	(v2sf) =	vpush v4, $0x9;
	v48 =	vmul.f32 v48, v48;
	v0 =	vadd.f32 v0, v61;
	v61 =	vld [tilespmem:$0x1FF70];
	s30 =	sadd.s32 s30, s23  }
0x147: {  	v10 =	vadd.f32 v10, v56;
	v13 =	vperm.xlane v8, v1;
	v56 =	vld [tilespmem:s30+$0x2000]  }
0x148: {  	v48 =	vadd.f32 v62, v48;
	v59 =	vld [tilespmem:s30+$0x2020]  }
0x149: {  	v54 =	vadd.f32 v22, v63;
	v63 =	vld [tilespmem:$0x1FFA0];
	v8 =	vadd.f32 v8, v13;
	v13 =	vperm.xlane v0, v3  }
0x14a: {  	v16 =	vmul.f32 v16, v16;
	v48 =	vadd.f32 v21, v48;
	v21 =	vld [tilespmem:s30+$0x2010]  }
0x14b: {  	[tilespmem:$0x1FFF0] =	vst v10;
	v62 =	vsub.f32 v60, v61;
	v61 =	vld [tilespmem:s29+$0x2020];
	v10 =	vadd.f32 v0, v13;
	v0 =	vperm.xlane v8, v2  }
0x14c: {  	v24 =	vmul.f32 v24, v24;
	s31 =	spop (v2sf);
	v60 =	vld [tilespmem:s28+$0x2030];
	v16 =	vadd.f32 v16, v48  }
0x14d: {  	(v2sf) =	vpush v6, $0xA;
	s28 =	sand.u32 $0x380, s31;
	v48 =	vmul.f32 v62, v62;
	v62 =	vld [tilespmem:s29+$0x2030];
	v0 =	vadd.f32 v8, v0  }
0x14e: {  	s28 =	sadd.s32 s28, s26;
	v8 =	vperm.xlane v16, v51;
	v13 =	vsub.f32 v54, v63;
	v54 =	vadd.f32 v28, v18;
	v18 =	vld [tilespmem:$0x1FFD0]  }
0x14f: {  	(v2sf) =	vpush v5, $0xA;
	v22 =	vadd.f32 v30, v14;
	v14 =	vld [tilespmem:s28+$0x2420]  }
0x150: {  	s31 =	spop (v2sf);
	v8 =	vadd.f32 v16, v8;
	v16 =	vadd.f32 v24, v48;
	v24 =	vld [tilespmem:$0x1FFB0]  }
0x151: {  	s29 =	sand.u32 $0x380, s31;
	v63 =	vadd.f32 v41, v40;
	v40 =	vld [tilespmem:s28+$0x2400]  }
0x152: {  	v12 =	vadd.f32 v15, v12;
	(v2sf) =	vpush v4, $0xA;
	s29 =	sadd.s32 s29, s24;
	v48 =	vmul.f32 v13, v13;
	v13 =	vld [tilespmem:$0x1FFC0]  }
0x153: {  	v15 =	vld [tilespmem:s29+$0x2410];
	v23 =	vsub.f32 v63, v23;
	v18 =	vsub.f32 v54, v18;
	v54 =	vperm.xlane v8, v1  }
0x154: {  	v43 =	vadd.f32 v43, v39;
	v41 =	vperm.xlane v0, v3;
	v63 =	vld [tilespmem:s29+$0x2400]  }
0x155: {  	s31 =	spop (v2sf);
	v17 =	vadd.f32 v17, v24;
	v8 =	vadd.f32 v8, v54;
	v54 =	vmul.f32 v23, v23;
	v23 =	vld [tilespmem:$0x1FFE0]  }
0x156: {  	v19 =	vadd.f32 v26, v19;
	v7 =	vadd.f32 v0, v41;
	v24 =	vld [tilespmem:s30+$0x2030];
	s30 =	sand.u32 $0x380, s31;
	v28 =	vmul.f32 v18, v18  }
0x157: {  	v0 =	vadd.f32 v48, v16;
	v48 =	vld [tilespmem:s28+$0x2410];
	s30 =	sadd.s32 s30, s23;
	v17 =	vsub.f32 v17, v13  }
0x158: {  	(v2sf) =	vpush v6, $0xB;
	v41 =	vld [tilespmem:s30+$0x2400];
	v16 =	vadd.f32 v54, v28;
	v28 =	vperm.xlane v8, v2  }
0x159: {  	v30 =	vadd.f32 v42, v33;
	v54 =	vld [tilespmem:s29+$0x2420];
	v13 =	vmul.f32 v17, v17;
	v17 =	vsub.f32 v22, v31  }
0x15a: {  	v42 =	vld [tilespmem:s30+$0x2420];
	v18 =	vadd.f32 v8, v28;
	v12 =	vsub.f32 v12, v23  }
0x15b: {  	v31 =	vadd.f32 v46, v44;
	v46 =	vld [tilespmem:s28+$0x2430];
	v0 =	vadd.f32 v13, v0  }
0x15c: {  	v45 =	vadd.f32 v45, v35;
	(v2sf) =	vpush v5, $0xB;
	s31 =	spop (v2sf);
	v13 =	vld [tilespmem:s30+$0x2410];
	v12 =	vmul.f32 v12, v12  }
0x15d: {  	s28 =	sand.u32 $0x380, s31;
	v33 =	vsub.f32 v31, v37;
	v37 =	vld [tilespmem:s30+$0x2430];
	v44 =	vperm.xlane v18, v3;
	v8 =	vperm.xlane v0, v51  }
0x15e: {  	s28 =	sadd.s32 s28, s26;
	v12 =	vadd.f32 v12, v16;
	v16 =	vmul.f32 v17, v17;
	v17 =	vsub.f32 v30, v50;
	v50 =	vld [tilespmem:s29+$0x2430]  }
0x15f: {  	(v2sf) =	vpush v4, $0xB;
	s31 =	spop (v2sf);
	v30 =	vadd.f32 v0, v8;
	v8 =	vld [tilespmem:s28+$0x2800]  }
0x160: {  	v19 =	vsub.f32 v19, v27;
	s29 =	sand.u32 $0x380, s31;
	v0 =	vadd.f32 v18, v44;
	v44 =	vld [tilespmem:s28+$0x2810]  }
0x161: {  	v53 =	vadd.f32 v53, v49;
	v45 =	vsub.f32 v45, v34;
	s31 =	spop (v2sf);
	s29 =	sadd.s32 s29, s24;
	v18 =	vld [tilespmem:s28+$0x2820]  }
0x162: {  	v58 =	vadd.f32 v58, v55;
	s30 =	sand.u32 $0x380, s31;
	v16 =	vadd.f32 v16, v12;
	v12 =	vld [tilespmem:s29+$0x2800]  }
0x163: {  	v27 =	vmul.f32 v19, v19;
	v9 =	vadd.f32 v9, v20;
	v23 =	vsub.f32 v43, v25;
	s30 =	sadd.s32 s30, s23;
	v25 =	vld [tilespmem:s29+$0x2820]  }
0x164: {  	v55 =	vmul.f32 v45, v45;
	v29 =	vsub.f32 v58, v29;
	(v2sf) =	vpush v6, $0xC;
	v39 =	vld [tilespmem:s30+$0x2800]  }
0x165: {  	v22 =	vmul.f32 v33, v33;
	v33 =	vmul.f32 v23, v23;
	v23 =	vsub.f32 v53, v47;
	v43 =	vld [tilespmem:s30+$0x2810]  }
0x166: {  	v9 =	vsub.f32 v9, v11;
	v17 =	vmul.f32 v17, v17;
	v28 =	vperm.xlane v30, v1;
	v19 =	vld [tilespmem:s30+$0x2820]  }
0x167: {  	(v2sf) =	vpush v5, $0xC;
	s31 =	spop (v2sf);
	v58 =	vmul.f32 v23, v23;
	v23 =	vld [tilespmem:s30+$0x2830];
	v31 =	vperm.xlane v16, v51  }
0x168: {  	v17 =	vadd.f32 v22, v17;
	v22 =	vld [tilespmem:s28+$0x2830];
	s28 =	sand.u32 $0x380, s31;
	v26 =	vadd.f32 v30, v28  }
0x169: {  	v29 =	vmul.f32 v29, v29;
	s28 =	sadd.s32 s28, s26;
	v30 =	vadd.f32 v58, v55;
	v28 =	vadd.f32 v16, v31;
	v16 =	vld [tilespmem:s29+$0x2810]  }
0x16a: {  	v17 =	vadd.f32 v33, v17;
	v20 =	vld [tilespmem:s28+$0x2C00]  }
0x16b: {  	v9 =	vmul.f32 v9, v9;
	v40 =	vadd.f32 v63, v40;
	s31 =	spop (v2sf);
	v30 =	vadd.f32 v29, v30;
	v29 =	vld [tilespmem:s28+$0x2C10]  }
0x16c: {  	v49 =	vperm.xlane v26, v2;
	v17 =	vadd.f32 v27, v17;
	v53 =	vperm.xlane v28, v1;
	v27 =	vld [tilespmem:s29+$0x2830];
	s29 =	sand.u32 $0x380, s31  }
0x16d: {  	(v2sf) =	vpush v4, $0xC;
	s29 =	sadd.s32 s29, s24;
	v9 =	vadd.f32 v9, v30;
	v30 =	vld [tilespmem:s28+$0x2C20]  }
0x16e: {  	s31 =	spop (v2sf);
	v35 =	vadd.f32 v26, v49;
	v45 =	vadd.f32 v28, v53;
	v28 =	vld [tilespmem:s29+$0x2C00]  }
0x16f: {  	s30 =	sand.u32 $0x380, s31;
	v49 =	vadd.f32 v57, v52;
	v52 =	vadd.f32 v36, v32;
	v33 =	vld [tilespmem:s29+$0x2C10]  }
0x170: {  	(v2sf) =	vpush v6, $0xD;
	v57 =	vadd.f32 v62, v60;
	s30 =	sadd.s32 s30, s23;
	v34 =	vld [tilespmem:s29+$0x2C20]  }
0x171: {  	v53 =	vsub.f32 v49, v56;
	v21 =	vsub.f32 v52, v21;
	v26 =	vld [tilespmem:s30+$0x2C10]  }
0x172: {  	v15 =	vadd.f32 v15, v48;
	v55 =	vadd.f32 v61, v38;
	v47 =	vperm.xlane v17, v51;
	v31 =	vld [tilespmem:s30+$0x2C20]  }
0x173: {  	v38 =	vsub.f32 v57, v24;
	v24 =	vld [tilespmem:s30+$0x2C30];
	v32 =	vmul.f32 v53, v53;
	v21 =	vmul.f32 v21, v21  }
0x174: {  	v40 =	vsub.f32 v40, v41;
	s31 =	spop (v2sf);
	v11 =	vadd.f32 v17, v47;
	v17 =	vld [tilespmem:s30+$0x2C00]  }
0x175: {  	(v2sf) =	vpush v5, $0xD;
	v58 =	vadd.f32 v21, v32;
	v21 =	vld [tilespmem:s28+$0x2C30];
	s28 =	sand.u32 $0x380, s31  }
0x176: {  	v13 =	vsub.f32 v15, v13;
	v32 =	vld [tilespmem:s29+$0x2C30];
	s28 =	sadd.s32 s28, s26  }
0x177: {  	v14 =	vadd.f32 v54, v14;
	v61 =	vmul.f32 v40, v40;
	v40 =	vld [tilespmem:s28+$0x3000]  }
0x178: {  	v13 =	vmul.f32 v13, v13;
	(v2sf) =	vpush v4, $0xD;
	v60 =	vmul.f32 v38, v38;
	s31 =	spop (v2sf);
	v38 =	vld [tilespmem:s28+$0x3010]  }
0x179: {  	v14 =	vsub.f32 v14, v42;
	s29 =	sand.u32 $0x380, s31;
	v41 =	vld [tilespmem:s28+$0x3020]  }
0x17a: {  	v13 =	vadd.f32 v13, v61;
	v8 =	vadd.f32 v12, v8;
	s29 =	sadd.s32 s29, s24;
	v49 =	vld [tilespmem:s28+$0x3030]  }
0x17b: {  	v14 =	vmul.f32 v14, v14;
	v18 =	vadd.f32 v25, v18;
	(v2sf) =	vpush v6, $0xE;
	v42 =	vld [tilespmem:s29+$0x3000]  }
0x17c: {  	v62 =	vadd.f32 v50, v46;
	v54 =	vperm.xlane v45, v2;
	v63 =	vperm.xlane v11, v1;
	s31 =	spop (v2sf);
	v46 =	vld [tilespmem:s29+$0x3010]  }
0x17d: {  	v13 =	vadd.f32 v14, v13;
	v56 =	vsub.f32 v55, v59;
	s30 =	sand.u32 $0x380, s31;
	v14 =	vld [tilespmem:s29+$0x3020]  }
0x17e: {  	v45 =	vadd.f32 v45, v54;
	v11 =	vadd.f32 v11, v63;
	s30 =	sadd.s32 s30, s23;
	v54 =	vld [tilespmem:s29+$0x3030]  }
0x17f: {  	v8 =	vsub.f32 v8, v39;
	v52 =	vperm.xlane v9, v51;
	v36 =	vmul.f32 v56, v56;
	v48 =	vld [tilespmem:s30+$0x3000]  }
0x180: {  	v53 =	vsub.f32 v62, v37;
	(v2sf) =	vpush v5, $0xE;
	s31 =	spop (v2sf);
	v57 =	vperm.xlane v11, v2;
	v47 =	vld [tilespmem:s30+$0x3010]  }
0x181: {  	v9 =	vadd.f32 v9, v52;
	v59 =	vadd.f32 v36, v58;
	s28 =	sand.u32 $0x380, s31;
	v50 =	vld [tilespmem:s30+$0x3020]  }
0x182: {  	v18 =	vsub.f32 v18, v19;
	v56 =	vmul.f32 v53, v53;
	s28 =	sadd.s32 s28, s26;
	v11 =	vadd.f32 v11, v57;
	v57 =	vld [tilespmem:s30+$0x3030]  }
0x183: {  	(v2sf) =	vpush v4, $0xE;
	v58 =	vperm.xlane v9, v1;
	v15 =	vadd.f32 v60, v59;
	v52 =	vld [tilespmem:s28+$0x3400]  }
0x184: {  	v61 =	vperm.xlane v45, v3;
	v13 =	vadd.f32 v56, v13;
	v60 =	vperm.xlane v35, v3;
	s31 =	spop (v2sf);
	v19 =	vld [tilespmem:s28+$0x3420]  }
0x185: {  	(v2sf) =	vpush v6, $0xF;
	v9 =	vadd.f32 v9, v58;
	s29 =	sand.u32 $0x380, s31;
	v39 =	vld [tilespmem:s28+$0x3430];
	v55 =	vperm.xlane v15, v51  }
0x186: {  	v36 =	vperm.xlane v13, v51;
	v37 =	vadd.f32 v35, v60;
	s29 =	sadd.s32 s29, s24;
	v60 =	vadd.f32 v16, v44;
	v16 =	vld [tilespmem:s28+$0x3410]  }
0x187: {  	v56 =	vadd.f32 v34, v30;
	v62 =	vperm.xlane v11, v3;
	v53 =	vld [tilespmem:s29+$0x3400];
	v15 =	vadd.f32 v15, v55;
	s31 =	spop (v2sf)  }
0x188: {  	(v2sf) =	vpush v5, $0xF;
	v63 =	vperm.xlane v9, v2;
	v13 =	vadd.f32 v13, v36;
	v25 =	vld [tilespmem:s29+$0x3410];
	s30 =	sand.u32 $0x380, s31  }
0x189: {  	v36 =	vadd.f32 v11, v62;
	v62 =	vadd.f32 v27, v22;
	v22 =	vld [tilespmem:s29+$0x3420];
	v59 =	vperm.xlane v15, v1;
	s30 =	sadd.s32 s30, s23  }
0x18a: {  	v35 =	vadd.f32 v45, v61;
	v45 =	vadd.f32 v28, v20;
	s31 =	spop (v2sf);
	v12 =	vld [tilespmem:s30+$0x3400]  }
0x18b: {  	v9 =	vadd.f32 v9, v63;
	s28 =	sand.u32 $0x380, s31;
	v6 =	vld [tilespmem:s30+$0x3410];
	v15 =	vadd.f32 v15, v59;
	v59 =	vperm.xlane v13, v1  }
0x18c: {  	(v2sf) =	vpush v4, $0xF;
	v14 =	vadd.f32 v14, v41;
	v20 =	vld [tilespmem:s30+$0x3430];
	s31 =	sadd.s32 s28, s26  }
0x18d: {  	v4 =	vperm.xlane v9, v3;
	v27 =	vld [tilespmem:s31+$0x3800];
	v11 =	vadd.f32 v13, v59;
	v13 =	vsub.f32 v60, v43  }
0x18e: {  	v8 =	vmul.f32 v8, v8;
	v55 =	vadd.f32 v33, v29;
	v14 =	vsub.f32 v14, v50;
	v30 =	vld [tilespmem:s31+$0x3810]  }
0x18f: {  	v4 =	vadd.f32 v9, v4;
	v43 =	vmul.f32 v18, v18;
	v18 =	vld [tilespmem:s29+$0x3430];
	s29 =	spop (v2sf);
	v5 =	vmul.f32 v13, v13  }
0x190: {  	v33 =	vld [tilespmem:s31+$0x3820];
	v16 =	vadd.f32 v25, v16;
	v59 =	vadd.f32 v46, v38;
	s29 =	sand.u32 $0x380, s29  }
0x191: {  	v58 =	vperm.xlane v15, v2;
	v13 =	vsub.f32 v62, v23;
	v23 =	vld [tilespmem:s30+$0x3420];
	s29 =	sadd.s32 s29, s24;
	v5 =	vadd.f32 v5, v8  }
0x192: {  	v61 =	vperm.xlane v11, v2;
	v8 =	vsub.f32 v45, v17;
	v17 =	vsub.f32 v56, v31;
	v31 =	vld [tilespmem:s29+$0x3810]  }
0x193: {  	v19 =	vadd.f32 v22, v19;
	v15 =	vadd.f32 v15, v58;
	s30 =	spop (v2sf);
	v62 =	vld [tilespmem:s29+$0x3820]  }
0x194: {  	s30 =	sand.u32 $0x380, s30;
	v11 =	vadd.f32 v11, v61;
	v61 =	vadd.f32 v32, v21;
	v32 =	vld [tilespmem:s31+$0x3830]  }
0x195: {  	v58 =	vadd.f32 v42, v40;
	v29 =	vsub.f32 v59, v47;
	v63 =	vperm.xlane v15, v3;
	s28 =	sadd.s32 s30, s23;
	v38 =	vld [tilespmem:s29+$0x3830]  }
0x196: {  	v42 =	vadd.f32 v53, v52;
	v6 =	vsub.f32 v16, v6;
	s30 =	spop (v2sf);
	v41 =	vld [tilespmem:s28+$0x3810]  }
0x197: {  	v14 =	vmul.f32 v14, v14;
	s30 =	sand.u32 $0x380, s30;
	v9 =	vadd.f32 v15, v63;
	v15 =	vsub.f32 v55, v26;
	v26 =	vld [tilespmem:s28+$0x3800]  }
0x198: {  	v13 =	vmul.f32 v13, v13;
	v28 =	vsub.f32 v58, v48;
	v5 =	vadd.f32 v43, v5;
	v43 =	vld [tilespmem:s28+$0x3820];
	s26 =	sadd.s32 s30, s26  }
0x199: {  	v29 =	vmul.f32 v29, v29;
	v45 =	vadd.f32 v54, v49;
	v47 =	vsub.f32 v42, v12;
	v46 =	vld [tilespmem:s26+$0x3C00]  }
0x19a: {  	v6 =	vmul.f32 v6, v6;
	v18 =	vadd.f32 v18, v39;
	v44 =	vperm.xlane v11, v3;
	v52 =	vld [tilespmem:s26+$0x3C10]  }
0x19b: {  	s31 =	spop (v2sf);
	v8 =	vmul.f32 v8, v8;
	v63 =	vsub.f32 v61, v24;
	v5 =	vadd.f32 v13, v5;
	v13 =	vld [tilespmem:s29+$0x3800]  }
0x19c: {  	v28 =	vmul.f32 v28, v28;
	v49 =	vsub.f32 v45, v57;
	v11 =	vadd.f32 v11, v44;
	s29 =	sand.u32 $0x380, s31;
	v44 =	vld [tilespmem:$0x1FFF0]  }
0x19d: {  	v60 =	vmul.f32 v17, v17;
	v19 =	vsub.f32 v19, v23;
	v18 =	vsub.f32 v18, v20;
	v58 =	vld [tilespmem:s26+$0x3C20];
	s24 =	sadd.s32 s29, s24  }
0x19e: {  	v15 =	vmul.f32 v15, v15;
	v40 =	vadd.f32 v29, v28;
	v16 =	vmul.f32 v49, v49;
	s31 =	spop (v2sf);
	v48 =	vld [tilespmem:s24+$0x3C00]  }
0x19f: {  	v54 =	vmul.f32 v19, v19;
	v61 =	vadd.f32 v31, v30;
	v62 =	vadd.f32 v62, v33;
	s31 =	sand.u32 $0x380, s31;
	v53 =	vld [tilespmem:s24+$0x3C10]  }
0x1a0: {  	v59 =	vmul.f32 v18, v18;
	v33 =	vadd.f32 v38, v32;
	v8 =	vadd.f32 v15, v8;
	v28 =	vld [tilespmem:s24+$0x3C30];
	s23 =	sadd.s32 s31, s23  }
0x1a1: {  	v15 =	vmul.f32 v63, v63;
	v14 =	vadd.f32 v14, v40;
	v50 =	vld [tilespmem:s23+$0x3C00];
	v10 =	vsel vm0, v44, v10  }
0x1a2: {  	v40 =	vperm.xlane v5, v51;
	v18 =	vsub.f32 v62, v43;
	v55 =	vld [tilespmem:s23+$0x3C10];
	v7 =	vsel vm1, v10, v7  }
0x1a3: {  	v8 =	vadd.f32 v60, v8;
	v57 =	vadd.f32 v16, v14;
	v60 =	vld [tilespmem:s24+$0x3C20];
	v0 =	vsel vm2, v7, v0  }
0x1a4: {  	v63 =	vld [tilespmem:s23+$0x3C20];
	v16 =	vsub.f32 v61, v41;
	v13 =	vadd.f32 v13, v27;
	v0 =	vsel vm3, v0, v37  }
0x1a5: {  	v27 =	vld [tilespmem:s26+$0x3C30];
	v10 =	vmul.f32 v47, v47;
	v56 =	vadd.f32 v15, v8;
	v0 =	vsel vm4, v0, v35  }
0x1a6: {  	v26 =	vsub.f32 v13, v26;
	v30 =	vadd.f32 v53, v52;
	v0 =	vsel vm5, v0, v36  }
0x1a7: {  	v31 =	vld [tilespmem:s28+$0x3830];
	v6 =	vadd.f32 v6, v10;
	v0 =	vsel vm6, v0, v4;
	v4 =	vadd.f32 v48, v46  }
0x1a8: {  	v34 =	vld [tilespmem:s23+$0x3C30];
	v37 =	vmul.f32 v16, v16;
	v14 =	vadd.f32 v60, v58;
	v35 =	vsub.f32 v30, v55  }
0x1a9: {  	v10 =	vmul.f32 v26, v26;
	v6 =	vadd.f32 v54, v6;
	v4 =	vsub.f32 v4, v50  }
0x1aa: {  	v13 =	vadd.f32 v28, v27;
	v36 =	vsub.f32 v14, v63;
	v0 =	vsel vm7, v0, v9  }
0x1ab: {  	v0 =	vsel vm8, v0, v11;
	v11 =	vmul.f32 v35, v35;
	v4 =	vmul.f32 v4, v4  }
0x1ac: {  	v38 =	vmul.f32 v18, v18;
	v10 =	vadd.f32 v37, v10;
	v9 =	vsub.f32 v33, v31  }
0x1ad: {  	v39 =	vsub.f32 v13, v34;
	v12 =	vmul.f32 v36, v36;
	v4 =	vadd.f32 v11, v4  }
0x1ae: {  	v41 =	vperm.xlane v56, v51;
	v10 =	vadd.f32 v38, v10;
	v9 =	vmul.f32 v9, v9  }
0x1af: {  	v6 =	vadd.f32 v59, v6;
	v11 =	vmul.f32 v39, v39;
	v4 =	vadd.f32 v12, v4  }
0x1b0: {  	v5 =	vadd.f32 v5, v40;
	v42 =	vperm.xlane v57, v51;
	v9 =	vadd.f32 v9, v10  }
0x1b1: {  	v7 =	vadd.f32 v56, v41;
	v43 =	vperm.xlane v6, v51;
	v4 =	vadd.f32 v11, v4  }
0x1b2: {  	v44 =	vperm.xlane v5, v1;
	v8 =	vadd.f32 v57, v42;
	v45 =	vperm.xlane v9, v51  }
0x1b3: {  	v46 =	vperm.xlane v7, v1;
	v6 =	vadd.f32 v6, v43;
	v47 =	vperm.xlane v4, v51  }
0x1b4: {  	v5 =	vadd.f32 v5, v44;
	v48 =	vperm.xlane v8, v1;
	v9 =	vadd.f32 v9, v45  }
0x1b5: {  	v7 =	vadd.f32 v7, v46;
	v49 =	vperm.xlane v6, v1;
	v4 =	vadd.f32 v4, v47  }
0x1b6: {  	v50 =	vperm.xlane v5, v2;
	v8 =	vadd.f32 v8, v48;
	v52 =	vperm.xlane v9, v1  }
0x1b7: {  	v13 =	vperm.xlane v7, v2;
	v6 =	vadd.f32 v6, v49;
	v53 =	vperm.xlane v4, v1  }
0x1b8: {  	v5 =	vadd.f32 v5, v50;
	v54 =	vperm.xlane v8, v2;
	v9 =	vadd.f32 v9, v52  }
0x1b9: {  	v7 =	vadd.f32 v7, v13;
	v55 =	vperm.xlane v6, v2;
	v4 =	vadd.f32 v4, v53  }
0x1ba: {  	v56 =	vperm.xlane v5, v3;
	v8 =	vadd.f32 v8, v54;
	v57 =	vperm.xlane v9, v2  }
0x1bb: {  	v13 =	vperm.xlane v7, v3;
	v6 =	vadd.f32 v6, v55;
	v58 =	vperm.xlane v4, v2  }
0x1bc: {  	v5 =	vadd.f32 v5, v56;
	v59 =	vperm.xlane v8, v3;
	v9 =	vadd.f32 v9, v57  }
0x1bd: {  	v7 =	vadd.f32 v7, v13;
	v60 =	vperm.xlane v6, v3;
	v4 =	vadd.f32 v4, v58  }
0x1be: {  	v0 =	vsel vm9, v0, v5;
	v5 =	vadd.f32 v8, v59;
	v61 =	vperm.xlane v9, v3  }
0x1bf: {  	v0 =	vsel vm10, v0, v7;
	v6 =	vadd.f32 v6, v60;
	v62 =	vperm.xlane v4, v3  }
0x1c0: {  	v0 =	vsel vm11, v0, v5;
	v5 =	vadd.f32 v9, v61  }
0x1c1: {  	v0 =	vsel vm12, v0, v6;
	v4 =	vadd.f32 v4, v62  }
0x1c2: {  	v0 =	vsel vm13, v0, v5  }
0x1c3: {  	v0 =	vsel vm14, v0, v4  }
0x1c4: {  	v4 =	vshrl.u32 v0, $0x1;
	v5 =	vmul.f32 $5.000000000e-01, v0  }
0x1c5: {  	v4 =	vsub.s32 $0x5F3759DF, v4  }
0x1c6: {  	v63 =	vmul.f32 v4, v5;
	_ =	sdelay $0x1  }
0x1c7: {  	v6 =	vmul.f32 v4, v63;
	_ =	sdelay $0x1  }
0x1c8: {  	v6 =	vsub.f32 $1.500000000e+00, v6;
	_ =	sdelay $0x1  }
0x1c9: {  	v4 =	vmul.f32 v4, v6;
	_ =	sdelay $0x1  }
0x1ca: {  	v6 =	vmul.f32 v4, v5;
	_ =	sdelay $0x1  }
0x1cb: {  	v6 =	vmul.f32 v6, v4;
	_ =	sdelay $0x1  }
0x1cc: {  	v6 =	vsub.f32 $1.500000000e+00, v6;
	_ =	sdelay $0x1  }
0x1cd: {  	v4 =	vmul.f32 v6, v4;
	_ =	sdelay $0x1  }
0x1ce: {  	v5 =	vmul.f32 v4, v5;
	_ =	sdelay $0x1  }
0x1cf: {  	v5 =	vmul.f32 v5, v4;
	_ =	sdelay $0x1  }
0x1d0: {  	v5 =	vsub.f32 $1.500000000e+00, v5  }
0x1d1: {  	s18 =	sadd.s32 $0x40, s18  }
0x1d2: {  	p0 =	sne.s32 s18, $0x800;
	v4 =	vmul.f32 v5, v4  }
.Ltmp3:
0x1d3: {  	_ = 	snop;
	(pc) =	sbr.rel @!p0 .LBB2_5-.Ltmp3, $4  }
0x1d4: {  	v4 =	vmul.f32 v4, v0  }
0x1d5: {  	s30 =	sand.u32 $0x30, s19;
	s31 =	sand.u32 $0x380, s20;
	vm15 =	vgt.f32 v0, $0.0e+00  }
0x1d6: {  	s23 =	sor.u32 s30, s31;
	v0 =	vnsel vm15, $0x0, v4  }
0x1d7: {  	s21 =	sadd.s32 $0x4000, s21;
	s19 =	sadd.s32 $0x10, s19;
	s20 =	sadd.s32 $0x20, s20;
	[tilespmem:s23+$0x18600] =	vst v0  }
.LBB2_2:
0x1d8: {  	p0 =	seq.s32 s18, $0x7C0  }
.Ltmp4:
0x1d9: {  	_ = 	snop;
	(pc) =	sbr.rel @p0 .LBB2_4-.Ltmp4, $2  }
0x1da: {  	_ =	sdelay $0x2  }
0x1db: {  	s23 =	simm.s32 $0x4000  }
0x1dc: {  	s23 =	sshra.s32 s18, $0x2  }
0x1dd: {  	v4 =	vld [tilespmem:s23+$0x10]  }
0x1de: {  	v5 =	vld [tilespmem:s23+$0x410];
	_ =	sdelay $0x3  }
0x1df: {  	v6 =	vshll.u32 v4, $0x4  }
0x1e0: {  	v5 =	vshll.u32 v5, $0x4;
	(v2sf) =	vpush v6, $0x0  }
0x1e1: {  	(v2sf) =	vpush v5, $0x0  }
0x1e2: {  	v4 =	vld [tilespmem:s23+$0x210];
	_ =	sdelay $0x4  }
0x1e3: {  	v4 =	vshll.u32 v4, $0x4  }
0x1e4: {  	(v2sf) =	vpush v4, $0x0  }
0x1e5: {  	(v2sf) =	vpush v6, $0x1;
	_ =	sdelay $0x5  }
0x1e6: {  	s24 =	spop (v2sf);
	(v2sf) =	vpush v5, $0x1  }
0x1e7: {  	s29 =	spop (v2sf);
	(v2sf) =	vpush v4, $0x1;
	_ =	sdelay $0x2  }
0x1e8: {  	s23 =	sand.u32 $0x4000, s21  }
0x1e9: {  	s26 =	sxor.u32 $0x4000, s23;
	s24 =	sand.u32 $0xFFFFF80, s24  }
0x1ea: {  	s28 =	sor.u32 $0x600, s26;
	s24 =	sadd.s32 s3, s24  }
0x1eb: {  	(v2sf) =	vpush v6, $0x2;
	[tilespmem:s28], [sflag:$0x1] =	stream.linear.gather [hbm4b:s24+s2], $0x400, $0x38;
	[tilespmem:$0x18A00] =	vst v63  }
0x1ec: {  	s31 =	spop (v2sf)  }
0x1ed: {  	s24 =	sand.u32 $0xFFFFF80, s29;
	s28 =	spop (v2sf);
	(v2sf) =	vpush v5, $0x2  }
0x1ee: {  	s30 =	sor.u32 $0x8600, s26;
	s24 =	sadd.s32 s3, s24  }
0x1ef: {  	[tilespmem:s30], [sflag:$0x1] =	stream.linear.gather [hbm4b:s24+s2], $0x400, $0x38;
	[tilespmem:$0x18A00] =	vst v63  }
0x1f0: {  	s24 =	sand.u32 $0xFFFFF80, s31  }
0x1f1: {  	s26 =	sor.u32 $0x10600, s26;
	s24 =	sadd.s32 s4, s24  }
0x1f2: {  	[tilespmem:s26], [sflag:$0x1] =	stream.linear.gather [hbm4b:s24+s2], $0x400, $0x38;
	[tilespmem:$0x18A00] =	vst v63  }
0x1f3: {  	s30 =	spop (v2sf);
	(v2sf) =	vpush v4, $0x2  }
0x1f4: {  	s24 =	sand.u32 $0xFFFFF80, s28;
	s28 =	spop (v2sf);
	(v2sf) =	vpush v6, $0x3;
	_ =	sdelay $0x2  }
0x1f5: {  	s29 =	sxor.u32 $0x4A00, s23;
	s24 =	sadd.s32 s3, s24  }
0x1f6: {  	[tilespmem:s29], [sflag:$0x1] =	stream.linear.gather [hbm4b:s24+s2], $0x400, $0x38;
	[tilespmem:$0x18A00] =	vst v63  }
0x1f7: {  	s24 =	sand.u32 $0xFFFFF80, s30  }
0x1f8: {  	s31 =	sxor.u32 $0xCA00, s23;
	s24 =	sadd.s32 s3, s24;
	s30 =	spop (v2sf);
	(v2sf) =	vpush v5, $0x3  }
0x1f9: {  	[tilespmem:s31], [sflag:$0x1] =	stream.linear.gather [hbm4b:s24+s2], $0x400, $0x38;
	[tilespmem:$0x18A00] =	vst v63  }
0x1fa: {  	s24 =	sand.u32 $0xFFFFF80, s28;
	s28 =	spop (v2sf);
	(v2sf) =	vpush v4, $0x3  }
0x1fb: {  	s29 =	sxor.u32 $0x14A00, s23;
	s24 =	sadd.s32 s4, s24  }
0x1fc: {  	[tilespmem:s29], [sflag:$0x1] =	stream.linear.gather [hbm4b:s24+s2], $0x400, $0x38;
	[tilespmem:$0x18A00] =	vst v63  }
0x1fd: {  	s24 =	sand.u32 $0xFFFFF80, s30  }
0x1fe: {  	s31 =	sxor.u32 $0x4E00, s23;
	s24 =	sadd.s32 s3, s24  }
0x1ff: {  	[tilespmem:s31], [sflag:$0x1] =	stream.linear.gather [hbm4b:s24+s2], $0x400, $0x38;
	[tilespmem:$0x18A00] =	vst v63  }
0x200: {  	s30 =	spop (v2sf);
	(v2sf) =	vpush v6, $0x4  }
0x201: {  	s24 =	sand.u32 $0xFFFFF80, s28;
	s28 =	spop (v2sf);
	(v2sf) =	vpush v5, $0x4;
	_ =	sdelay $0x2  }
0x202: {  	s29 =	sxor.u32 $0xCE00, s23;
	s24 =	sadd.s32 s3, s24  }
0x203: {  	[tilespmem:s29], [sflag:$0x1] =	stream.linear.gather [hbm4b:s24+s2], $0x400, $0x38;
	[tilespmem:$0x18A00] =	vst v63  }
0x204: {  	s24 =	sand.u32 $0xFFFFF80, s30  }
0x205: {  	s31 =	sxor.u32 $0x14E00, s23;
	s24 =	sadd.s32 s4, s24;
	s30 =	spop (v2sf);
	(v2sf) =	vpush v4, $0x4  }
0x206: {  	[tilespmem:s31], [sflag:$0x1] =	stream.linear.gather [hbm4b:s24+s2], $0x400, $0x38;
	[tilespmem:$0x18A00] =	vst v63  }
0x207: {  	s24 =	sand.u32 $0xFFFFF80, s28;
	s28 =	spop (v2sf);
	(v2sf) =	vpush v6, $0x5  }
0x208: {  	s29 =	sxor.u32 $0x5200, s23;
	s24 =	sadd.s32 s3, s24  }
0x209: {  	[tilespmem:s29], [sflag:$0x1] =	stream.linear.gather [hbm4b:s24+s2], $0x400, $0x38;
	[tilespmem:$0x18A00] =	vst v63  }
0x20a: {  	s24 =	sand.u32 $0xFFFFF80, s30  }
0x20b: {  	s31 =	sxor.u32 $0xD200, s23;
	s24 =	sadd.s32 s3, s24  }
0x20c: {  	[tilespmem:s31], [sflag:$0x1] =	stream.linear.gather [hbm4b:s24+s2], $0x400, $0x38;
	[tilespmem:$0x18A00] =	vst v63  }
0x20d: {  	s30 =	spop (v2sf);
	(v2sf) =	vpush v5, $0x5  }
0x20e: {  	s24 =	sand.u32 $0xFFFFF80, s28;
	s28 =	spop (v2sf);
	(v2sf) =	vpush v4, $0x5;
	_ =	sdelay $0x2  }
0x20f: {  	s29 =	sxor.u32 $0x15200, s23;
	s24 =	sadd.s32 s4, s24  }
0x210: {  	[tilespmem:s29], [sflag:$0x1] =	stream.linear.gather [hbm4b:s24+s2], $0x400, $0x38;
	[tilespmem:$0x18A00] =	vst v63  }
0x211: {  	s24 =	sand.u32 $0xFFFFF80, s30  }
0x212: {  	s31 =	sxor.u32 $0x5600, s23;
	s24 =	sadd.s32 s3, s24;
	s30 =	spop (v2sf);
	(v2sf) =	vpush v6, $0x6  }
0x213: {  	[tilespmem:s31], [sflag:$0x1] =	stream.linear.gather [hbm4b:s24+s2], $0x400, $0x38;
	[tilespmem:$0x18A00] =	vst v63  }
0x214: {  	s24 =	sand.u32 $0xFFFFF80, s28;
	s28 =	spop (v2sf);
	(v2sf) =	vpush v5, $0x6  }
0x215: {  	s29 =	sxor.u32 $0xD600, s23;
	s24 =	sadd.s32 s3, s24  }
0x216: {  	[tilespmem:s29], [sflag:$0x1] =	stream.linear.gather [hbm4b:s24+s2], $0x400, $0x38;
	[tilespmem:$0x18A00] =	vst v63  }
0x217: {  	s24 =	sand.u32 $0xFFFFF80, s30  }
0x218: {  	s31 =	sxor.u32 $0x15600, s23;
	s24 =	sadd.s32 s4, s24  }
0x219: {  	[tilespmem:s31], [sflag:$0x1] =	stream.linear.gather [hbm4b:s24+s2], $0x400, $0x38;
	[tilespmem:$0x18A00] =	vst v63  }
0x21a: {  	s30 =	spop (v2sf);
	(v2sf) =	vpush v4, $0x6  }
0x21b: {  	s24 =	sand.u32 $0xFFFFF80, s28;
	s28 =	spop (v2sf);
	(v2sf) =	vpush v6, $0x7;
	_ =	sdelay $0x2  }
0x21c: {  	s29 =	sxor.u32 $0x5A00, s23;
	s24 =	sadd.s32 s3, s24  }
0x21d: {  	[tilespmem:s29], [sflag:$0x1] =	stream.linear.gather [hbm4b:s24+s2], $0x400, $0x38;
	[tilespmem:$0x18A00] =	vst v63  }
0x21e: {  	s24 =	sand.u32 $0xFFFFF80, s30  }
0x21f: {  	s31 =	sxor.u32 $0xDA00, s23;
	s24 =	sadd.s32 s3, s24;
	s30 =	spop (v2sf);
	(v2sf) =	vpush v5, $0x7  }
0x220: {  	[tilespmem:s31], [sflag:$0x1] =	stream.linear.gather [hbm4b:s24+s2], $0x400, $0x38;
	[tilespmem:$0x18A00] =	vst v63  }
0x221: {  	s24 =	sand.u32 $0xFFFFF80, s28;
	s28 =	spop (v2sf);
	(v2sf) =	vpush v4, $0x7  }
0x222: {  	s29 =	sxor.u32 $0x15A00, s23;
	s24 =	sadd.s32 s4, s24  }
0x223: {  	[tilespmem:s29], [sflag:$0x1] =	stream.linear.gather [hbm4b:s24+s2], $0x400, $0x38;
	[tilespmem:$0x18A00] =	vst v63  }
0x224: {  	s24 =	sand.u32 $0xFFFFF80, s30  }
0x225: {  	s31 =	sxor.u32 $0x5E00, s23;
	s24 =	sadd.s32 s3, s24  }
0x226: {  	[tilespmem:s31], [sflag:$0x1] =	stream.linear.gather [hbm4b:s24+s2], $0x400, $0x38;
	[tilespmem:$0x18A00] =	vst v63  }
0x227: {  	s30 =	spop (v2sf);
	(v2sf) =	vpush v6, $0x8  }
0x228: {  	s24 =	sand.u32 $0xFFFFF80, s28;
	s28 =	spop (v2sf);
	(v2sf) =	vpush v5, $0x8;
	_ =	sdelay $0x2  }
0x229: {  	s29 =	sxor.u32 $0xDE00, s23;
	s24 =	sadd.s32 s3, s24  }
0x22a: {  	[tilespmem:s29], [sflag:$0x1] =	stream.linear.gather [hbm4b:s24+s2], $0x400, $0x38;
	[tilespmem:$0x18A00] =	vst v63  }
0x22b: {  	s24 =	sand.u32 $0xFFFFF80, s30  }
0x22c: {  	s31 =	sxor.u32 $0x15E00, s23;
	s24 =	sadd.s32 s4, s24;
	s30 =	spop (v2sf);
	(v2sf) =	vpush v4, $0x8  }
0x22d: {  	[tilespmem:s31], [sflag:$0x1] =	stream.linear.gather [hbm4b:s24+s2], $0x400, $0x38;
	[tilespmem:$0x18A00] =	vst v63  }
0x22e: {  	s24 =	sand.u32 $0xFFFFF80, s28;
	s28 =	spop (v2sf);
	(v2sf) =	vpush v6, $0x9  }
0x22f: {  	s29 =	sxor.u32 $0x6200, s23;
	s24 =	sadd.s32 s3, s24  }
0x230: {  	[tilespmem:s29], [sflag:$0x1] =	stream.linear.gather [hbm4b:s24+s2], $0x400, $0x38;
	[tilespmem:$0x18A00] =	vst v63  }
0x231: {  	s24 =	sand.u32 $0xFFFFF80, s30  }
0x232: {  	s31 =	sxor.u32 $0xE200, s23;
	s24 =	sadd.s32 s3, s24  }
0x233: {  	[tilespmem:s31], [sflag:$0x1] =	stream.linear.gather [hbm4b:s24+s2], $0x400, $0x38;
	[tilespmem:$0x18A00] =	vst v63  }
0x234: {  	s30 =	spop (v2sf);
	(v2sf) =	vpush v5, $0x9  }
0x235: {  	s24 =	sand.u32 $0xFFFFF80, s28;
	s28 =	spop (v2sf);
	(v2sf) =	vpush v4, $0x9;
	_ =	sdelay $0x2  }
0x236: {  	s29 =	sxor.u32 $0x16200, s23;
	s24 =	sadd.s32 s4, s24  }
0x237: {  	[tilespmem:s29], [sflag:$0x1] =	stream.linear.gather [hbm4b:s24+s2], $0x400, $0x38;
	[tilespmem:$0x18A00] =	vst v63  }
0x238: {  	s24 =	sand.u32 $0xFFFFF80, s30  }
0x239: {  	s31 =	sxor.u32 $0x6600, s23;
	s24 =	sadd.s32 s3, s24;
	s30 =	spop (v2sf);
	(v2sf) =	vpush v6, $0xA  }
0x23a: {  	[tilespmem:s31], [sflag:$0x1] =	stream.linear.gather [hbm4b:s24+s2], $0x400, $0x38;
	[tilespmem:$0x18A00] =	vst v63  }
0x23b: {  	s24 =	sand.u32 $0xFFFFF80, s28;
	s28 =	spop (v2sf);
	(v2sf) =	vpush v5, $0xA  }
0x23c: {  	s29 =	sxor.u32 $0xE600, s23;
	s24 =	sadd.s32 s3, s24  }
0x23d: {  	[tilespmem:s29], [sflag:$0x1] =	stream.linear.gather [hbm4b:s24+s2], $0x400, $0x38;
	[tilespmem:$0x18A00] =	vst v63  }
0x23e: {  	s24 =	sand.u32 $0xFFFFF80, s30  }
0x23f: {  	s31 =	sxor.u32 $0x16600, s23;
	s24 =	sadd.s32 s4, s24  }
0x240: {  	[tilespmem:s31], [sflag:$0x1] =	stream.linear.gather [hbm4b:s24+s2], $0x400, $0x38;
	[tilespmem:$0x18A00] =	vst v63  }
0x241: {  	s30 =	spop (v2sf);
	(v2sf) =	vpush v4, $0xA  }
0x242: {  	s24 =	sand.u32 $0xFFFFF80, s28;
	s28 =	spop (v2sf);
	(v2sf) =	vpush v6, $0xB;
	_ =	sdelay $0x2  }
0x243: {  	s29 =	sxor.u32 $0x6A00, s23;
	s24 =	sadd.s32 s3, s24  }
0x244: {  	[tilespmem:s29], [sflag:$0x1] =	stream.linear.gather [hbm4b:s24+s2], $0x400, $0x38;
	[tilespmem:$0x18A00] =	vst v63  }
0x245: {  	s24 =	sand.u32 $0xFFFFF80, s30  }
0x246: {  	s31 =	sxor.u32 $0xEA00, s23;
	s24 =	sadd.s32 s3, s24;
	s30 =	spop (v2sf);
	(v2sf) =	vpush v5, $0xB  }
0x247: {  	[tilespmem:s31], [sflag:$0x1] =	stream.linear.gather [hbm4b:s24+s2], $0x400, $0x38;
	[tilespmem:$0x18A00] =	vst v63  }
0x248: {  	s24 =	sand.u32 $0xFFFFF80, s28;
	s28 =	spop (v2sf);
	(v2sf) =	vpush v4, $0xB  }
0x249: {  	s29 =	sxor.u32 $0x16A00, s23;
	s24 =	sadd.s32 s4, s24  }
0x24a: {  	[tilespmem:s29], [sflag:$0x1] =	stream.linear.gather [hbm4b:s24+s2], $0x400, $0x38;
	[tilespmem:$0x18A00] =	vst v63  }
0x24b: {  	s24 =	sand.u32 $0xFFFFF80, s30  }
0x24c: {  	s31 =	sxor.u32 $0x6E00, s23;
	s24 =	sadd.s32 s3, s24  }
0x24d: {  	[tilespmem:s31], [sflag:$0x1] =	stream.linear.gather [hbm4b:s24+s2], $0x400, $0x38;
	[tilespmem:$0x18A00] =	vst v63  }
0x24e: {  	s30 =	spop (v2sf);
	(v2sf) =	vpush v6, $0xC  }
0x24f: {  	s24 =	sand.u32 $0xFFFFF80, s28;
	s28 =	spop (v2sf);
	(v2sf) =	vpush v5, $0xC;
	_ =	sdelay $0x2  }
0x250: {  	s29 =	sxor.u32 $0xEE00, s23;
	s24 =	sadd.s32 s3, s24  }
0x251: {  	[tilespmem:s29], [sflag:$0x1] =	stream.linear.gather [hbm4b:s24+s2], $0x400, $0x38;
	[tilespmem:$0x18A00] =	vst v63  }
0x252: {  	s24 =	sand.u32 $0xFFFFF80, s30  }
0x253: {  	s31 =	sxor.u32 $0x16E00, s23;
	s24 =	sadd.s32 s4, s24;
	s30 =	spop (v2sf);
	(v2sf) =	vpush v4, $0xC  }
0x254: {  	[tilespmem:s31], [sflag:$0x1] =	stream.linear.gather [hbm4b:s24+s2], $0x400, $0x38;
	[tilespmem:$0x18A00] =	vst v63  }
0x255: {  	s24 =	sand.u32 $0xFFFFF80, s28;
	s28 =	spop (v2sf);
	(v2sf) =	vpush v6, $0xD  }
0x256: {  	s29 =	sxor.u32 $0x7200, s23;
	s24 =	sadd.s32 s3, s24  }
0x257: {  	[tilespmem:s29], [sflag:$0x1] =	stream.linear.gather [hbm4b:s24+s2], $0x400, $0x38;
	[tilespmem:$0x18A00] =	vst v63  }
0x258: {  	s24 =	sand.u32 $0xFFFFF80, s30  }
0x259: {  	s31 =	sxor.u32 $0xF200, s23;
	s24 =	sadd.s32 s3, s24  }
0x25a: {  	[tilespmem:s31], [sflag:$0x1] =	stream.linear.gather [hbm4b:s24+s2], $0x400, $0x38;
	[tilespmem:$0x18A00] =	vst v63  }
0x25b: {  	s24 =	sand.u32 $0xFFFFF80, s28;
	s30 =	spop (v2sf);
	(v2sf) =	vpush v5, $0xD  }
0x25c: {  	s29 =	sxor.u32 $0x17200, s23;
	s24 =	sadd.s32 s4, s24;
	s28 =	spop (v2sf);
	(v2sf) =	vpush v4, $0xD  }
0x25d: {  	[tilespmem:s29], [sflag:$0x1] =	stream.linear.gather [hbm4b:s24+s2], $0x400, $0x38;
	[tilespmem:$0x18A00] =	vst v63  }
0x25e: {  	s24 =	sand.u32 $0xFFFFF80, s30;
	(v2sf) =	vpush v6, $0xE  }
0x25f: {  	s31 =	sxor.u32 $0x7600, s23;
	s24 =	sadd.s32 s3, s24  }
0x260: {  	[tilespmem:s31], [sflag:$0x1] =	stream.linear.gather [hbm4b:s24+s2], $0x400, $0x38;
	[tilespmem:$0x18A00] =	vst v63  }
0x261: {  	s24 =	sand.u32 $0xFFFFF80, s28  }
0x262: {  	s29 =	sxor.u32 $0xF600, s23;
	s30 =	spop (v2sf);
	s24 =	sadd.s32 s3, s24  }
0x263: {  	(v2sf) =	vpush v5, $0xE;
	[tilespmem:s29], [sflag:$0x1] =	stream.linear.gather [hbm4b:s24+s2], $0x400, $0x38;
	[tilespmem:$0x18A00] =	vst v63  }
0x264: {  	s24 =	sand.u32 $0xFFFFF80, s30;
	s28 =	spop (v2sf);
	(v2sf) =	vpush v4, $0xE  }
0x265: {  	s31 =	sxor.u32 $0x17600, s23;
	s24 =	sadd.s32 s4, s24  }
0x266: {  	[tilespmem:s31], [sflag:$0x1] =	stream.linear.gather [hbm4b:s24+s2], $0x400, $0x38;
	[tilespmem:$0x18A00] =	vst v63  }
0x267: {  	s24 =	sand.u32 $0xFFFFF80, s28  }
0x268: {  	s29 =	sxor.u32 $0x7A00, s23;
	s24 =	sadd.s32 s3, s24  }
0x269: {  	[tilespmem:s29], [sflag:$0x1] =	stream.linear.gather [hbm4b:s24+s2], $0x400, $0x38;
	[tilespmem:$0x18A00] =	vst v63  }
0x26a: {  	s30 =	spop (v2sf);
	(v2sf) =	vpush v6, $0xF  }
0x26b: {  	s26 =	spop (v2sf);
	(v2sf) =	vpush v5, $0xF  }
0x26c: {  	s24 =	sand.u32 $0xFFFFF80, s30  }
0x26d: {  	s31 =	sxor.u32 $0xFA00, s23;
	s24 =	sadd.s32 s3, s24;
	s29 =	spop (v2sf)  }
0x26e: {  	(v2sf) =	vpush v4, $0xF;
	[tilespmem:s31], [sflag:$0x1] =	stream.linear.gather [hbm4b:s24+s2], $0x400, $0x38;
	[tilespmem:$0x18A00] =	vst v63  }
0x26f: {  	s24 =	sand.u32 $0xFFFFF80, s26  }
0x270: {  	s28 =	sxor.u32 $0x17A00, s23;
	s24 =	sadd.s32 s4, s24  }
0x271: {  	[tilespmem:s28], [sflag:$0x1] =	stream.linear.gather [hbm4b:s24+s2], $0x400, $0x38;
	[tilespmem:$0x18A00] =	vst v63  }
0x272: {  	s30 =	spop (v2sf);
	s31 =	sxor.u32 $0x7E00, s23;
	s24 =	sand.u32 $0xFFFFF80, s29  }
0x273: {  	s29 =	sand.u32 $0xFFFFF80, s30;
	s24 =	sadd.s32 s3, s24;
	s30 =	spop (v2sf)  }
0x274: {  	[tilespmem:s31], [sflag:$0x1] =	stream.linear.gather [hbm4b:s24+s2], $0x400, $0x38;
	[tilespmem:$0x18A00] =	vst v63  }
0x275: {  	s31 =	sxor.u32 $0xFE00, s23;
	s24 =	sadd.s32 s3, s29;
	s29 =	sand.u32 $0xFFFFF80, s30  }
0x276: {  	[tilespmem:s31], [sflag:$0x1] =	stream.linear.gather [hbm4b:s24+s2], $0x400, $0x38;
	[tilespmem:$0x18A00] =	vst v63  }
0x277: {  	s31 =	sxor.u32 $0x17E00, s23;
	s24 =	sadd.s32 s4, s29  }
0x278: {  	[tilespmem:s31], [sflag:$0x1] =	stream.linear.gather [hbm4b:s24+s2], $0x400, $0x38;
	[tilespmem:$0x18A00] =	vst v63  }
0x279: {  	s30 =	spop (v2sf)  }
0x27a: {  	s31 =	ssub.s32 $0x8200, s23;
	s29 =	sand.u32 $0xFFFFF80, s30;
	s30 =	spop (v2sf)  }
0x27b: {  	s24 =	sadd.s32 s3, s29;
	s28 =	sand.u32 $0xFFFFF80, s30;
	s29 =	ssub.s32 $0x10200, s23  }
0x27c: {  	[tilespmem:s31], [sflag:$0x1] =	stream.linear.gather [hbm4b:s24+s2], $0x400, $0x38;
	[tilespmem:$0x18A00] =	vst v63  }
.Ltmp5:
0x27d: {  	s30 =	spop (v2sf);
	s24 =	sadd.s32 s3, s28;
	(pc) =	sbr.rel .LBB2_4-.Ltmp5, $4  }
0x27e: {  	[tilespmem:s29], [sflag:$0x1] =	stream.linear.gather [hbm4b:s24+s2], $0x400, $0x38;
	[tilespmem:$0x18A00] =	vst v63  }
0x27f: {  	s24 =	sand.u32 $0xFFFFF80, s30  }
0x280: {  	s31 =	ssub.s32 $0x18200, s23;
	s24 =	sadd.s32 s4, s24  }
0x281: {  	[tilespmem:s31], [sflag:$0x1] =	stream.linear.gather [hbm4b:s24+s2], $0x400, $0x38;
	[tilespmem:$0x18A00] =	vst v63  }
.LBB2_6:
0x282: {  	_ =	sfence.sel $0x180000  }
0x283: {  	[bflag:$0x0] =	sbarrier.arrive $0xFFFF  }
0x284: {  	_ =	strace $0x90000047  }
0x285: {  	s0 =	stileid.u32;
	[bflag:$0x2] =	sbarrier.arrive $0xFFFF  }
0x286: {  	p0 =	sne.s32 s0, $0x0;
	s0 =	rddreg [dreg:$0x4]  }
0x287: {  	s0 =	sadd.s32 @!p0 $0x100000, s0  }
0x288: {  	[sflag:s0] =	ssyncadd.tile.s32 @!p0 $0x1;
	_ =	shalt  }
.Lfunc_end2:
_tile_overlayer_lowered:
.L_overlay_start_2:
0x289: {  	(tag) =	ssettag $0x2  }
0x28a: {  	s0 =	rddreg [dreg:$0x0];
	s2 =	stileid.u32  }
0x28b: {  	s1 =	rddreg [dreg:$0x1];
	p0 =	sne.s32 s2, $0x0  }
0x28c: {  	s3 =	rddreg [dreg:$0x2];
	[bflag:$0x3] =	sbarrier.arrive $0xFFFF;
	s2 =	simm.s32 @!p0 $0x1C02  }
0x28d: {  	[timem:s3], [sflag:s2] =	dma.local @!p0 [hbm:s0], s1  }
0x28e: {  	s0 =	simm.s32 @!p0 $0x2  }
0x28f: {  	_ =	swait.ge @!p0 [sflag:s0], s1  }
0x290: {  	s1 =	ssub.s32 @!p0 $0x0, s1;
	[sflag:s0] =	ssyncset.done @!p0 $0x0  }
0x291: {  	[sflag:s0] =	ssyncadd.s32 @!p0 s1  }
0x292: {  	[bflag:$0x3] =	sbarrier.arrive $0xFFFF  }
0x293: {  	_ =	shalt  }

</sc_bundles>
